<compile_context>
chip_gen: v7x
topology: tpu7x:2x2x1
jax: 0.10.2.dev20260603
libtpu: 0.0.44.dev20260713+nightly
codegen_flags: <defaults>
</compile_context>

<pallas_src>
import jax
import jax.numpy as jnp
from jax import lax
from jax.experimental import pallas as pl
from jax.experimental.pallas import tpu as pltpu
from jax.experimental.pallas import tpu_sc as plsc

_NUM_EMB = 28
_EMBED_DIM = 128
_N_NODES = 100000

_NC = 2
_NS = 16
_NW = _NC * _NS

_CHUNK = 128
_K = 25
_ROWS_PER_W = _K * _CHUNK
_REM = _N_NODES - (_NW - 1) * _ROWS_PER_W
_TAIL = _N_NODES % _CHUNK
_NBUF = 7


def _gather_body(idx_hbm, table_hbm, out_hbm, idx_v, table_sh, bufs,
                 gsems, ssems):
    wid = lax.axis_index("s") * _NC + lax.axis_index("c")
    base = wid * _ROWS_PER_W

    whole = base + _ROWS_PER_W <= _N_NODES

    @pl.when(whole)
    def _():
        pltpu.async_copy(
            idx_hbm.at[pl.ds(base, _ROWS_PER_W)], idx_v, gsems[0]
        )

    @pl.when(jnp.logical_not(whole))
    def _():
        pltpu.async_copy(
            idx_hbm.at[pl.ds(base, _REM)], idx_v.at[pl.ds(0, _REM)],
            gsems[0],
        )

    @pl.when(lax.axis_index("s") == 0)
    def _():
        pltpu.sync_copy(table_hbm, table_sh)

    @pl.when(whole)
    def _():
        pltpu.make_async_copy(
            idx_hbm.at[pl.ds(base, _ROWS_PER_W)], idx_v, gsems[0]
        ).wait()

    @pl.when(jnp.logical_not(whole))
    def _():
        pltpu.make_async_copy(
            idx_hbm.at[pl.ds(base, _REM)], idx_v.at[pl.ds(0, _REM)],
            gsems[0],
        ).wait()

    plsc.subcore_barrier()

    def row0(k):
        return base + k * _CHUNK

    def active(k):
        return row0(k) < _N_NODES

    def full(k):
        return row0(k) + _CHUNK <= _N_NODES

    def partial(k):
        return jnp.logical_and(active(k), jnp.logical_not(full(k)))

    def start_gather(k):
        b = k % _NBUF

        @pl.when(full(k))
        def _():
            pltpu.async_copy(
                table_sh.at[idx_v.at[pl.ds(k * _CHUNK, _CHUNK)]],
                bufs[b], gsems[b],
            )

        @pl.when(partial(k))
        def _():
            pltpu.async_copy(
                table_sh.at[idx_v.at[pl.ds(k * _CHUNK, _TAIL)]],
                bufs[b].at[pl.ds(0, _TAIL)], gsems[b],
            )

    def wait_gather(k):
        b = k % _NBUF

        @pl.when(full(k))
        def _():
            pltpu.make_async_copy(
                table_sh.at[idx_v.at[pl.ds(k * _CHUNK, _CHUNK)]],
                bufs[b], gsems[b],
            ).wait()

        @pl.when(partial(k))
        def _():
            pltpu.make_async_copy(
                table_sh.at[idx_v.at[pl.ds(k * _CHUNK, _TAIL)]],
                bufs[b].at[pl.ds(0, _TAIL)], gsems[b],
            ).wait()

    def start_store(k):
        b = k % _NBUF

        @pl.when(full(k))
        def _():
            pltpu.async_copy(
                bufs[b], out_hbm.at[pl.ds(row0(k), _CHUNK)], ssems[b]
            )

        @pl.when(partial(k))
        def _():
            pltpu.async_copy(
                bufs[b].at[pl.ds(0, _TAIL)],
                out_hbm.at[pl.ds(row0(k), _TAIL)],
                ssems[b],
            )

    def wait_store(k):
        b = k % _NBUF

        @pl.when(full(k))
        def _():
            pltpu.make_async_copy(
                bufs[b], out_hbm.at[pl.ds(row0(k), _CHUNK)], ssems[b]
            ).wait()

        @pl.when(partial(k))
        def _():
            pltpu.make_async_copy(
                bufs[b].at[pl.ds(0, _TAIL)],
                out_hbm.at[pl.ds(row0(k), _TAIL)],
                ssems[b],
            ).wait()

    for k in range(_K):
        if k >= _NBUF:
            wait_store(k - _NBUF)
        start_gather(k)
        if k >= 2:
            wait_gather(k - 2)
            start_store(k - 2)
    for k in range(_K - 2, _K):
        wait_gather(k)
        start_store(k)
    for k in range(_K - _NBUF, _K):
        wait_store(k)


_gather = pl.kernel(
    _gather_body,
    out_type=jax.ShapeDtypeStruct((_N_NODES, _EMBED_DIM), jnp.float32),
    mesh=plsc.VectorSubcoreMesh(core_axis_name="c", subcore_axis_name="s"),
    scratch_types=[
        pltpu.VMEM((_ROWS_PER_W,), jnp.int32),
        pltpu.MemorySpace.VMEM_SHARED((_NUM_EMB, _EMBED_DIM), jnp.float32),
        [pltpu.VMEM((_CHUNK, _EMBED_DIM), jnp.float32) for _ in range(_NBUF)],
        [pltpu.SemaphoreType.DMA for _ in range(_NBUF)],
        [pltpu.SemaphoreType.DMA for _ in range(_NBUF)],
    ],
)


def kernel(tensor, table):
    return _gather(tensor, table)

# --- scband reference (transcript-rebuilt; emitter-appended) ---
"""Pipeline reference for scband-node-encoder-24163486007680 (READ-ONLY COPY).

The authoritative reference and input builder live on the scoring server;
editing this copy changes nothing except your own understanding.
"""

import jax, jax.numpy as jnp
import numpy as np

NUM_EMB = 28
EMBED_DIM = 128
N_NODES = 100000

def setup_inputs(seed: int = 0) -> dict:
    key = jax.random.key(seed)
    k_idx, k_tab = jax.random.split(key)
    tensor = jax.random.randint(k_idx, (N_NODES,), 0, NUM_EMB, dtype=jnp.int64 if jax.config.read('jax_enable_x64') else jnp.int32)
    # embedding table ~ nn.Embedding(28, embed_dim) init N(0,1)
    table = jax.random.normal(k_tab, (NUM_EMB, EMBED_DIM), dtype=jnp.float32)
    return {"tensor": tensor, "table": table}

def reference(tensor, table):
    # NodeEncoder('zinc').forward: nn.Embedding lookup -> gather rows
    return jnp.take(table, tensor, axis=0)

if __name__ == "__main__":
    import jax
    _d = setup_inputs()
    print(jax.jit(kernel)(*tuple(_d.values())))

</pallas_src>

<mosaic_0001>
#map = affine_map<(d0, d1) -> (0)>
#map1 = affine_map<(d0, d1) -> (0, 0)>
module attributes {stable_mosaic.version = 14 : i64} {
  func.func @_gather_body(%arg0: i32, %arg1: i32, %arg2: memref<100000xi32, #tpu.memory_space<hbm>>, %arg3: memref<28x128xf32, #tpu.memory_space<hbm>>, %arg4: memref<100000x128xf32, #tpu.memory_space<hbm>>, %arg5: memref<3200xi32, #tpu.memory_space<vmem>>, %arg6: memref<28x128xf32, #tpu.memory_space<vmem_shared>>, %arg7: memref<128x128xf32, #tpu.memory_space<vmem>>, %arg8: memref<128x128xf32, #tpu.memory_space<vmem>>, %arg9: memref<128x128xf32, #tpu.memory_space<vmem>>, %arg10: memref<128x128xf32, #tpu.memory_space<vmem>>, %arg11: memref<128x128xf32, #tpu.memory_space<vmem>>, %arg12: memref<128x128xf32, #tpu.memory_space<vmem>>, %arg13: memref<128x128xf32, #tpu.memory_space<vmem>>, %arg14: memref<!tpu.dma_semaphore, #tpu.memory_space<semaphore_mem>>, %arg15: memref<!tpu.dma_semaphore, #tpu.memory_space<semaphore_mem>>, %arg16: memref<!tpu.dma_semaphore, #tpu.memory_space<semaphore_mem>>, %arg17: memref<!tpu.dma_semaphore, #tpu.memory_space<semaphore_mem>>, %arg18: memref<!tpu.dma_semaphore, #tpu.memory_space<semaphore_mem>>, %arg19: memref<!tpu.dma_semaphore, #tpu.memory_space<semaphore_mem>>, %arg20: memref<!tpu.dma_semaphore, #tpu.memory_space<semaphore_mem>>, %arg21: memref<!tpu.dma_semaphore, #tpu.memory_space<semaphore_mem>>, %arg22: memref<!tpu.dma_semaphore, #tpu.memory_space<semaphore_mem>>, %arg23: memref<!tpu.dma_semaphore, #tpu.memory_space<semaphore_mem>>, %arg24: memref<!tpu.dma_semaphore, #tpu.memory_space<semaphore_mem>>, %arg25: memref<!tpu.dma_semaphore, #tpu.memory_space<semaphore_mem>>, %arg26: memref<!tpu.dma_semaphore, #tpu.memory_space<semaphore_mem>>, %arg27: memref<!tpu.dma_semaphore, #tpu.memory_space<semaphore_mem>>) attributes {dimension_semantics = [#tpu.dimension_semantics<core_parallel>, #tpu.dimension_semantics<subcore_parallel>], iteration_bounds = array<i64: 2, 16>, scalar_prefetch = 0 : i64, scratch_operands = 23 : i64, tpu.core_type = #tpu.core_type<sc_vector_subcore>, window_params = [{transform_indices = #map}, {transform_indices = #map1}, {transform_indices = #map1}]} {
    %mul3A = arith.constant 2 : i32
    %mul3A_0 = arith.muli %arg1, %mul3A : i32
    %add3A = arith.addi %mul3A_0, %arg0 : i32
    %mul3A_1 = arith.constant 3200 : i32
    %mul3A_2 = arith.muli %add3A, %mul3A_1 : i32
    %add3A_3 = arith.constant 3200 : i32
    %add3A_4 = arith.addi %mul3A_2, %add3A_3 : i32
    %le3A = arith.constant 100000 : i32
    %le3A_5 = arith.cmpi sle, %add3A_4, %le3A : i32
    %convert_element_type3A = arith.extui %le3A_5 : i1 to i32
    %cond3A = arith.constant 0 : i32
    %cond3A_6 = arith.cmpi ne, %convert_element_type3A, %cond3A : i32
    scf.if %cond3A_6 {
      %dma_start3A = tpu.memref_slice %arg2[%mul3A_2] : memref<100000xi32, #tpu.memory_space<hbm>> -> memref<3200xi32, #tpu.memory_space<hbm>>
      %dma_start3A_2521 = tpu.memref_slice %arg2[%mul3A_2] : memref<100000xi32, #tpu.memory_space<hbm>> -> memref<3200xi32, #tpu.memory_space<hbm>>
      tpu.enqueue_dma source(%dma_start3A_2521 : memref<3200xi32, #tpu.memory_space<hbm>>) target(%arg5 : memref<3200xi32, #tpu.memory_space<vmem>>) target_semaphore(%arg14 : memref<!tpu.dma_semaphore, #tpu.memory_space<semaphore_mem>>)
    } else {
    }
    %not3A = arith.constant true
    %not3A_7 = arith.xori %le3A_5, %not3A : i1
    %convert_element_type3A_8 = arith.extui %not3A_7 : i1 to i32
    %cond3A_9 = arith.constant 0 : i32
    %cond3A_10 = arith.cmpi ne, %convert_element_type3A_8, %cond3A_9 : i32
    scf.if %cond3A_10 {
      %dma_start3A = arith.constant 0 : i32
      %dma_start3A_2521 = tpu.memref_slice %arg5[%dma_start3A] : memref<3200xi32, #tpu.memory_space<vmem>> -> memref<800xi32, #tpu.memory_space<vmem>>
      %dma_start3A_2522 = tpu.memref_slice %arg2[%mul3A_2] : memref<100000xi32, #tpu.memory_space<hbm>> -> memref<800xi32, #tpu.memory_space<hbm>>
      %dma_start3A_2523 = arith.constant 0 : i32
      %dma_start3A_2524 = tpu.memref_slice %arg5[%dma_start3A_2523] : memref<3200xi32, #tpu.memory_space<vmem>> -> memref<800xi32, #tpu.memory_space<vmem>>
      %dma_start3A_2525 = tpu.memref_slice %arg2[%mul3A_2] : memref<100000xi32, #tpu.memory_space<hbm>> -> memref<800xi32, #tpu.memory_space<hbm>>
      tpu.enqueue_dma source(%dma_start3A_2525 : memref<800xi32, #tpu.memory_space<hbm>>) target(%dma_start3A_2524 : memref<800xi32, #tpu.memory_space<vmem>>) target_semaphore(%arg14 : memref<!tpu.dma_semaphore, #tpu.memory_space<semaphore_mem>>)
    } else {
    }
    %eq3A = arith.constant 0 : i32
    %eq3A_11 = arith.cmpi eq, %arg1, %eq3A : i32
    %convert_element_type3A_12 = arith.extui %eq3A_11 : i1 to i32
    %cond3A_13 = arith.constant 0 : i32
    %cond3A_14 = arith.cmpi ne, %convert_element_type3A_12, %cond3A_13 : i32
    scf.if %cond3A_14 {
      "tpu.region"() ({
        %run_scoped3A = tpu.sem_alloc : memref<!tpu.dma_semaphore, #tpu.memory_space<semaphore_mem>>
        tpu.enqueue_dma source(%arg3 : memref<28x128xf32, #tpu.memory_space<hbm>>) target(%arg6 : memref<28x128xf32, #tpu.memory_space<vmem_shared>>) target_semaphore(%run_scoped3A : memref<!tpu.dma_semaphore, #tpu.memory_space<semaphore_mem>>)
        tpu.wait_dma2 semaphore(%run_scoped3A : memref<!tpu.dma_semaphore, #tpu.memory_space<semaphore_mem>>) src(%arg3 : memref<28x128xf32, #tpu.memory_space<hbm>>) dst(%arg6 : memref<28x128xf32, #tpu.memory_space<vmem_shared>>)
        tpu.yield
      }) : () -> ()
    } else {
    }
    %convert_element_type3A_15 = arith.extui %le3A_5 : i1 to i32
    %cond3A_16 = arith.constant 0 : i32
    %cond3A_17 = arith.cmpi ne, %convert_element_type3A_15, %cond3A_16 : i32
    scf.if %cond3A_17 {
      %dma_wait3A = tpu.memref_slice %arg2[%mul3A_2] : memref<100000xi32, #tpu.memory_space<hbm>> -> memref<3200xi32, #tpu.memory_space<hbm>>
      %dma_wait3A_2521 = tpu.memref_slice %arg2[%mul3A_2] : memref<100000xi32, #tpu.memory_space<hbm>> -> memref<3200xi32, #tpu.memory_space<hbm>>
      tpu.wait_dma2 semaphore(%arg14 : memref<!tpu.dma_semaphore, #tpu.memory_space<semaphore_mem>>) src(%dma_wait3A_2521 : memref<3200xi32, #tpu.memory_space<hbm>>) dst(%arg5 : memref<3200xi32, #tpu.memory_space<vmem>>)
    } else {
    }
    %not3A_18 = arith.constant true
    %not3A_19 = arith.xori %le3A_5, %not3A_18 : i1
    %convert_element_type3A_20 = arith.extui %not3A_19 : i1 to i32
    %cond3A_21 = arith.constant 0 : i32
    %cond3A_22 = arith.cmpi ne, %convert_element_type3A_20, %cond3A_21 : i32
    scf.if %cond3A_22 {
      %dma_wait3A = arith.constant 0 : i32
      %dma_wait3A_2521 = tpu.memref_slice %arg5[%dma_wait3A] : memref<3200xi32, #tpu.memory_space<vmem>> -> memref<800xi32, #tpu.memory_space<vmem>>
      %dma_wait3A_2522 = tpu.memref_slice %arg2[%mul3A_2] : memref<100000xi32, #tpu.memory_space<hbm>> -> memref<800xi32, #tpu.memory_space<hbm>>
      %dma_wait3A_2523 = arith.constant 0 : i32
      %dma_wait3A_2524 = tpu.memref_slice %arg5[%dma_wait3A_2523] : memref<3200xi32, #tpu.memory_space<vmem>> -> memref<800xi32, #tpu.memory_space<vmem>>
      %dma_wait3A_2525 = tpu.memref_slice %arg2[%mul3A_2] : memref<100000xi32, #tpu.memory_space<hbm>> -> memref<800xi32, #tpu.memory_space<hbm>>
      tpu.wait_dma2 semaphore(%arg14 : memref<!tpu.dma_semaphore, #tpu.memory_space<semaphore_mem>>) src(%dma_wait3A_2525 : memref<800xi32, #tpu.memory_space<hbm>>) dst(%dma_wait3A_2524 : memref<800xi32, #tpu.memory_space<vmem>>)
    } else {
    }
    %barrier3A = arith.constant 0 : index
    tpu.barrier barrier_id(%barrier3A)
    %add3A_23 = arith.constant 0 : i32
    %add3A_24 = arith.addi %mul3A_2, %add3A_23 : i32
    %add3A_25 = arith.constant 128 : i32
    %add3A_26 = arith.addi %add3A_24, %add3A_25 : i32
    %le3A_27 = arith.constant 100000 : i32
    %le3A_28 = arith.cmpi sle, %add3A_26, %le3A_27 : i32
    %convert_element_type3A_29 = arith.extui %le3A_28 : i1 to i32
    %cond3A_30 = arith.constant 0 : i32
    %cond3A_31 = arith.cmpi ne, %convert_element_type3A_29, %cond3A_30 : i32
    scf.if %cond3A_31 {
      %dma_start3A = arith.constant 0 : i32
      %dma_start3A_2521 = tpu.memref_slice %arg5[%dma_start3A] : memref<3200xi32, #tpu.memory_space<vmem>> -> memref<128xi32, #tpu.memory_space<vmem>>
      %dma_start3A_2522 = arith.constant 0 : i32
      %dma_start3A_2523 = arith.constant 0 : i32
      %dma_start3A_2524 = tpu.memref_slice %arg6[%dma_start3A_2522, %dma_start3A_2523] : memref<28x128xf32, #tpu.memory_space<vmem_shared>> -> memref<28x128xf32, #tpu.memory_space<vmem_shared>>
      tpu.enqueue_indirect_dma source(%dma_start3A_2524 : memref<28x128xf32, #tpu.memory_space<vmem_shared>>) target(%arg7 : memref<128x128xf32, #tpu.memory_space<vmem>>) offsets(%dma_start3A_2521 : memref<128xi32, #tpu.memory_space<vmem>>) semaphore(%arg14 : memref<!tpu.dma_semaphore, #tpu.memory_space<semaphore_mem>>)
    } else {
    }
    %add3A_32 = arith.constant 0 : i32
    %add3A_33 = arith.addi %mul3A_2, %add3A_32 : i32
    %lt3A = arith.constant 100000 : i32
    %lt3A_34 = arith.cmpi slt, %add3A_33, %lt3A : i32
    %add3A_35 = arith.constant 0 : i32
    %add3A_36 = arith.addi %mul3A_2, %add3A_35 : i32
    %add3A_37 = arith.constant 128 : i32
    %add3A_38 = arith.addi %add3A_36, %add3A_37 : i32
    %le3A_39 = arith.constant 100000 : i32
    %le3A_40 = arith.cmpi sle, %add3A_38, %le3A_39 : i32
    %not3A_41 = arith.constant true
    %not3A_42 = arith.xori %le3A_40, %not3A_41 : i1
    %and3A = arith.andi %lt3A_34, %not3A_42 : i1
    %convert_element_type3A_43 = arith.extui %and3A : i1 to i32
    %cond3A_44 = arith.constant 0 : i32
    %cond3A_45 = arith.cmpi ne, %convert_element_type3A_43, %cond3A_44 : i32
    scf.if %cond3A_45 {
      %dma_start3A = arith.constant 0 : i32
      %dma_start3A_2521 = arith.constant 0 : i32
      %dma_start3A_2522 = tpu.memref_slice %arg7[%dma_start3A, %dma_start3A_2521] : memref<128x128xf32, #tpu.memory_space<vmem>> -> memref<32x128xf32, #tpu.memory_space<vmem>>
      %dma_start3A_2523 = arith.constant 0 : i32
      %dma_start3A_2524 = tpu.memref_slice %arg5[%dma_start3A_2523] : memref<3200xi32, #tpu.memory_space<vmem>> -> memref<32xi32, #tpu.memory_space<vmem>>
      %dma_start3A_2525 = arith.constant 0 : i32
      %dma_start3A_2526 = arith.constant 0 : i32
      %dma_start3A_2527 = tpu.memref_slice %arg6[%dma_start3A_2525, %dma_start3A_2526] : memref<28x128xf32, #tpu.memory_space<vmem_shared>> -> memref<28x128xf32, #tpu.memory_space<vmem_shared>>
      tpu.enqueue_indirect_dma source(%dma_start3A_2527 : memref<28x128xf32, #tpu.memory_space<vmem_shared>>) target(%dma_start3A_2522 : memref<32x128xf32, #tpu.memory_space<vmem>>) offsets(%dma_start3A_2524 : memref<32xi32, #tpu.memory_space<vmem>>) semaphore(%arg14 : memref<!tpu.dma_semaphore, #tpu.memory_space<semaphore_mem>>)
    } else {
    }
    %add3A_46 = arith.constant 128 : i32
    %add3A_47 = arith.addi %mul3A_2, %add3A_46 : i32
    %add3A_48 = arith.constant 128 : i32
    %add3A_49 = arith.addi %add3A_47, %add3A_48 : i32
    %le3A_50 = arith.constant 100000 : i32
    %le3A_51 = arith.cmpi sle, %add3A_49, %le3A_50 : i32
    %convert_element_type3A_52 = arith.extui %le3A_51 : i1 to i32
    %cond3A_53 = arith.constant 0 : i32
    %cond3A_54 = arith.cmpi ne, %convert_element_type3A_52, %cond3A_53 : i32
    scf.if %cond3A_54 {
      %dma_start3A = arith.constant 128 : i32
      %dma_start3A_2521 = tpu.memref_slice %arg5[%dma_start3A] : memref<3200xi32, #tpu.memory_space<vmem>> -> memref<128xi32, #tpu.memory_space<vmem>>
      %dma_start3A_2522 = arith.constant 0 : i32
      %dma_start3A_2523 = arith.constant 0 : i32
      %dma_start3A_2524 = tpu.memref_slice %arg6[%dma_start3A_2522, %dma_start3A_2523] : memref<28x128xf32, #tpu.memory_space<vmem_shared>> -> memref<28x128xf32, #tpu.memory_space<vmem_shared>>
      tpu.enqueue_indirect_dma source(%dma_start3A_2524 : memref<28x128xf32, #tpu.memory_space<vmem_shared>>) target(%arg8 : memref<128x128xf32, #tpu.memory_space<vmem>>) offsets(%dma_start3A_2521 : memref<128xi32, #tpu.memory_space<vmem>>) semaphore(%arg15 : memref<!tpu.dma_semaphore, #tpu.memory_space<semaphore_mem>>)
    } else {
    }
    %add3A_55 = arith.constant 128 : i32
    %add3A_56 = arith.addi %mul3A_2, %add3A_55 : i32
    %lt3A_57 = arith.constant 100000 : i32
    %lt3A_58 = arith.cmpi slt, %add3A_56, %lt3A_57 : i32
    %add3A_59 = arith.constant 128 : i32
    %add3A_60 = arith.addi %mul3A_2, %add3A_59 : i32
    %add3A_61 = arith.constant 128 : i32
    %add3A_62 = arith.addi %add3A_60, %add3A_61 : i32
    %le3A_63 = arith.constant 100000 : i32
    %le3A_64 = arith.cmpi sle, %add3A_62, %le3A_63 : i32
    %not3A_65 = arith.constant true
    %not3A_66 = arith.xori %le3A_64, %not3A_65 : i1
    %and3A_67 = arith.andi %lt3A_58, %not3A_66 : i1
    %convert_element_type3A_68 = arith.extui %and3A_67 : i1 to i32
    %cond3A_69 = arith.constant 0 : i32
    %cond3A_70 = arith.cmpi ne, %convert_element_type3A_68, %cond3A_69 : i32
    scf.if %cond3A_70 {
      %dma_start3A = arith.constant 0 : i32
      %dma_start3A_2521 = arith.constant 0 : i32
      %dma_start3A_2522 = tpu.memref_slice %arg8[%dma_start3A, %dma_start3A_2521] : memref<128x128xf32, #tpu.memory_space<vmem>> -> memref<32x128xf32, #tpu.memory_space<vmem>>
      %dma_start3A_2523 = arith.constant 128 : i32
      %dma_start3A_2524 = tpu.memref_slice %arg5[%dma_start3A_2523] : memref<3200xi32, #tpu.memory_space<vmem>> -> memref<32xi32, #tpu.memory_space<vmem>>
      %dma_start3A_2525 = arith.constant 0 : i32
      %dma_start3A_2526 = arith.constant 0 : i32
      %dma_start3A_2527 = tpu.memref_slice %arg6[%dma_start3A_2525, %dma_start3A_2526] : memref<28x128xf32, #tpu.memory_space<vmem_shared>> -> memref<28x128xf32, #tpu.memory_space<vmem_shared>>
      tpu.enqueue_indirect_dma source(%dma_start3A_2527 : memref<28x128xf32, #tpu.memory_space<vmem_shared>>) target(%dma_start3A_2522 : memref<32x128xf32, #tpu.memory_space<vmem>>) offsets(%dma_start3A_2524 : memref<32xi32, #tpu.memory_space<vmem>>) semaphore(%arg15 : memref<!tpu.dma_semaphore, #tpu.memory_space<semaphore_mem>>)
    } else {
    }
    %add3A_71 = arith.constant 256 : i32
    %add3A_72 = arith.addi %mul3A_2, %add3A_71 : i32
    %add3A_73 = arith.constant 128 : i32
    %add3A_74 = arith.addi %add3A_72, %add3A_73 : i32
    %le3A_75 = arith.constant 100000 : i32
    %le3A_76 = arith.cmpi sle, %add3A_74, %le3A_75 : i32
    %convert_element_type3A_77 = arith.extui %le3A_76 : i1 to i32
    %cond3A_78 = arith.constant 0 : i32
    %cond3A_79 = arith.cmpi ne, %convert_element_type3A_77, %cond3A_78 : i32
    scf.if %cond3A_79 {
      %dma_start3A = arith.constant 256 : i32
      %dma_start3A_2521 = tpu.memref_slice %arg5[%dma_start3A] : memref<3200xi32, #tpu.memory_space<vmem>> -> memref<128xi32, #tpu.memory_space<vmem>>
      %dma_start3A_2522 = arith.constant 0 : i32
      %dma_start3A_2523 = arith.constant 0 : i32
      %dma_start3A_2524 = tpu.memref_slice %arg6[%dma_start3A_2522, %dma_start3A_2523] : memref<28x128xf32, #tpu.memory_space<vmem_shared>> -> memref<28x128xf32, #tpu.memory_space<vmem_shared>>
      tpu.enqueue_indirect_dma source(%dma_start3A_2524 : memref<28x128xf32, #tpu.memory_space<vmem_shared>>) target(%arg9 : memref<128x128xf32, #tpu.memory_space<vmem>>) offsets(%dma_start3A_2521 : memref<128xi32, #tpu.memory_space<vmem>>) semaphore(%arg16 : memref<!tpu.dma_semaphore, #tpu.memory_space<semaphore_mem>>)
    } else {
    }
    %add3A_80 = arith.constant 256 : i32
    %add3A_81 = arith.addi %mul3A_2, %add3A_80 : i32
    %lt3A_82 = arith.constant 100000 : i32
    %lt3A_83 = arith.cmpi slt, %add3A_81, %lt3A_82 : i32
    %add3A_84 = arith.constant 256 : i32
    %add3A_85 = arith.addi %mul3A_2, %add3A_84 : i32
    %add3A_86 = arith.constant 128 : i32
    %add3A_87 = arith.addi %add3A_85, %add3A_86 : i32
    %le3A_88 = arith.constant 100000 : i32
    %le3A_89 = arith.cmpi sle, %add3A_87, %le3A_88 : i32
    %not3A_90 = arith.constant true
    %not3A_91 = arith.xori %le3A_89, %not3A_90 : i1
    %and3A_92 = arith.andi %lt3A_83, %not3A_91 : i1
    %convert_element_type3A_93 = arith.extui %and3A_92 : i1 to i32
    %cond3A_94 = arith.constant 0 : i32
    %cond3A_95 = arith.cmpi ne, %convert_element_type3A_93, %cond3A_94 : i32
    scf.if %cond3A_95 {
      %dma_start3A = arith.constant 0 : i32
      %dma_start3A_2521 = arith.constant 0 : i32
      %dma_start3A_2522 = tpu.memref_slice %arg9[%dma_start3A, %dma_start3A_2521] : memref<128x128xf32, #tpu.memory_space<vmem>> -> memref<32x128xf32, #tpu.memory_space<vmem>>
      %dma_start3A_2523 = arith.constant 256 : i32
      %dma_start3A_2524 = tpu.memref_slice %arg5[%dma_start3A_2523] : memref<3200xi32, #tpu.memory_space<vmem>> -> memref<32xi32, #tpu.memory_space<vmem>>
      %dma_start3A_2525 = arith.constant 0 : i32
      %dma_start3A_2526 = arith.constant 0 : i32
      %dma_start3A_2527 = tpu.memref_slice %arg6[%dma_start3A_2525, %dma_start3A_2526] : memref<28x128xf32, #tpu.memory_space<vmem_shared>> -> memref<28x128xf32, #tpu.memory_space<vmem_shared>>
      tpu.enqueue_indirect_dma source(%dma_start3A_2527 : memref<28x128xf32, #tpu.memory_space<vmem_shared>>) target(%dma_start3A_2522 : memref<32x128xf32, #tpu.memory_space<vmem>>) offsets(%dma_start3A_2524 : memref<32xi32, #tpu.memory_space<vmem>>) semaphore(%arg16 : memref<!tpu.dma_semaphore, #tpu.memory_space<semaphore_mem>>)
    } else {
    }
    %add3A_96 = arith.constant 0 : i32
    %add3A_97 = arith.addi %mul3A_2, %add3A_96 : i32
    %add3A_98 = arith.constant 128 : i32
    %add3A_99 = arith.addi %add3A_97, %add3A_98 : i32
    %le3A_100 = arith.constant 100000 : i32
    %le3A_101 = arith.cmpi sle, %add3A_99, %le3A_100 : i32
    %convert_element_type3A_102 = arith.extui %le3A_101 : i1 to i32
    %cond3A_103 = arith.constant 0 : i32
    %cond3A_104 = arith.cmpi ne, %convert_element_type3A_102, %cond3A_103 : i32
    scf.if %cond3A_104 {
      %dma_wait3A = arith.constant 0 : i32
      %dma_wait3A_2521 = tpu.memref_slice %arg5[%dma_wait3A] : memref<3200xi32, #tpu.memory_space<vmem>> -> memref<128xi32, #tpu.memory_space<vmem>>
      %dma_wait3A_2522 = arith.constant 0 : i32
      %dma_wait3A_2523 = arith.constant 0 : i32
      %dma_wait3A_2524 = tpu.memref_slice %arg6[%dma_wait3A_2522, %dma_wait3A_2523] : memref<28x128xf32, #tpu.memory_space<vmem_shared>> -> memref<28x128xf32, #tpu.memory_space<vmem_shared>>
      tpu.wait_indirect_dma semaphore(%arg14 : memref<!tpu.dma_semaphore, #tpu.memory_space<semaphore_mem>>) src(%dma_wait3A_2524 : memref<28x128xf32, #tpu.memory_space<vmem_shared>>) dst(%arg7 : memref<128x128xf32, #tpu.memory_space<vmem>>)
    } else {
    }
    %add3A_105 = arith.constant 0 : i32
    %add3A_106 = arith.addi %mul3A_2, %add3A_105 : i32
    %lt3A_107 = arith.constant 100000 : i32
    %lt3A_108 = arith.cmpi slt, %add3A_106, %lt3A_107 : i32
    %add3A_109 = arith.constant 0 : i32
    %add3A_110 = arith.addi %mul3A_2, %add3A_109 : i32
    %add3A_111 = arith.constant 128 : i32
    %add3A_112 = arith.addi %add3A_110, %add3A_111 : i32
    %le3A_113 = arith.constant 100000 : i32
    %le3A_114 = arith.cmpi sle, %add3A_112, %le3A_113 : i32
    %not3A_115 = arith.constant true
    %not3A_116 = arith.xori %le3A_114, %not3A_115 : i1
    %and3A_117 = arith.andi %lt3A_108, %not3A_116 : i1
    %convert_element_type3A_118 = arith.extui %and3A_117 : i1 to i32
    %cond3A_119 = arith.constant 0 : i32
    %cond3A_120 = arith.cmpi ne, %convert_element_type3A_118, %cond3A_119 : i32
    scf.if %cond3A_120 {
      %dma_wait3A = arith.constant 0 : i32
      %dma_wait3A_2521 = arith.constant 0 : i32
      %dma_wait3A_2522 = tpu.memref_slice %arg7[%dma_wait3A, %dma_wait3A_2521] : memref<128x128xf32, #tpu.memory_space<vmem>> -> memref<32x128xf32, #tpu.memory_space<vmem>>
      %dma_wait3A_2523 = arith.constant 0 : i32
      %dma_wait3A_2524 = tpu.memref_slice %arg5[%dma_wait3A_2523] : memref<3200xi32, #tpu.memory_space<vmem>> -> memref<32xi32, #tpu.memory_space<vmem>>
      %dma_wait3A_2525 = arith.constant 0 : i32
      %dma_wait3A_2526 = arith.constant 0 : i32
      %dma_wait3A_2527 = tpu.memref_slice %arg6[%dma_wait3A_2525, %dma_wait3A_2526] : memref<28x128xf32, #tpu.memory_space<vmem_shared>> -> memref<28x128xf32, #tpu.memory_space<vmem_shared>>
      tpu.wait_indirect_dma semaphore(%arg14 : memref<!tpu.dma_semaphore, #tpu.memory_space<semaphore_mem>>) src(%dma_wait3A_2527 : memref<28x128xf32, #tpu.memory_space<vmem_shared>>) dst(%dma_wait3A_2522 : memref<32x128xf32, #tpu.memory_space<vmem>>)
    } else {
    }
    %add3A_121 = arith.constant 0 : i32
    %add3A_122 = arith.addi %mul3A_2, %add3A_121 : i32
    %add3A_123 = arith.constant 128 : i32
    %add3A_124 = arith.addi %add3A_122, %add3A_123 : i32
    %le3A_125 = arith.constant 100000 : i32
    %le3A_126 = arith.cmpi sle, %add3A_124, %le3A_125 : i32
    %convert_element_type3A_127 = arith.extui %le3A_126 : i1 to i32
    %cond3A_128 = arith.constant 0 : i32
    %cond3A_129 = arith.cmpi ne, %convert_element_type3A_127, %cond3A_128 : i32
    scf.if %cond3A_129 {
      %add3A_2521 = arith.constant 0 : i32
      %add3A_2522 = arith.addi %mul3A_2, %add3A_2521 : i32
      %dma_start3A = arith.constant 0 : i32
      %dma_start3A_2523 = tpu.memref_slice %arg4[%add3A_2522, %dma_start3A] : memref<100000x128xf32, #tpu.memory_space<hbm>> -> memref<128x128xf32, #tpu.memory_space<hbm>>
      %dma_start3A_2524 = arith.constant 0 : i32
      %dma_start3A_2525 = tpu.memref_slice %arg4[%add3A_2522, %dma_start3A_2524] : memref<100000x128xf32, #tpu.memory_space<hbm>> -> memref<128x128xf32, #tpu.memory_space<hbm>>
      tpu.enqueue_dma source(%arg7 : memref<128x128xf32, #tpu.memory_space<vmem>>) target(%dma_start3A_2525 : memref<128x128xf32, #tpu.memory_space<hbm>>) target_semaphore(%arg21 : memref<!tpu.dma_semaphore, #tpu.memory_space<semaphore_mem>>)
    } else {
    }
    %add3A_130 = arith.constant 0 : i32
    %add3A_131 = arith.addi %mul3A_2, %add3A_130 : i32
    %lt3A_132 = arith.constant 100000 : i32
    %lt3A_133 = arith.cmpi slt, %add3A_131, %lt3A_132 : i32
    %add3A_134 = arith.constant 0 : i32
    %add3A_135 = arith.addi %mul3A_2, %add3A_134 : i32
    %add3A_136 = arith.constant 128 : i32
    %add3A_137 = arith.addi %add3A_135, %add3A_136 : i32
    %le3A_138 = arith.constant 100000 : i32
    %le3A_139 = arith.cmpi sle, %add3A_137, %le3A_138 : i32
    %not3A_140 = arith.constant true
    %not3A_141 = arith.xori %le3A_139, %not3A_140 : i1
    %and3A_142 = arith.andi %lt3A_133, %not3A_141 : i1
    %convert_element_type3A_143 = arith.extui %and3A_142 : i1 to i32
    %cond3A_144 = arith.constant 0 : i32
    %cond3A_145 = arith.cmpi ne, %convert_element_type3A_143, %cond3A_144 : i32
    scf.if %cond3A_145 {
      %add3A_2521 = arith.constant 0 : i32
      %add3A_2522 = arith.addi %mul3A_2, %add3A_2521 : i32
      %dma_start3A = arith.constant 0 : i32
      %dma_start3A_2523 = arith.constant 0 : i32
      %dma_start3A_2524 = tpu.memref_slice %arg7[%dma_start3A, %dma_start3A_2523] : memref<128x128xf32, #tpu.memory_space<vmem>> -> memref<32x128xf32, #tpu.memory_space<vmem>>
      %dma_start3A_2525 = arith.constant 0 : i32
      %dma_start3A_2526 = tpu.memref_slice %arg4[%add3A_2522, %dma_start3A_2525] : memref<100000x128xf32, #tpu.memory_space<hbm>> -> memref<32x128xf32, #tpu.memory_space<hbm>>
      %dma_start3A_2527 = arith.constant 0 : i32
      %dma_start3A_2528 = tpu.memref_slice %arg4[%add3A_2522, %dma_start3A_2527] : memref<100000x128xf32, #tpu.memory_space<hbm>> -> memref<32x128xf32, #tpu.memory_space<hbm>>
      %dma_start3A_2529 = arith.constant 0 : i32
      %dma_start3A_2530 = arith.constant 0 : i32
      %dma_start3A_2531 = tpu.memref_slice %arg7[%dma_start3A_2529, %dma_start3A_2530] : memref<128x128xf32, #tpu.memory_space<vmem>> -> memref<32x128xf32, #tpu.memory_space<vmem>>
      tpu.enqueue_dma source(%dma_start3A_2531 : memref<32x128xf32, #tpu.memory_space<vmem>>) target(%dma_start3A_2528 : memref<32x128xf32, #tpu.memory_space<hbm>>) target_semaphore(%arg21 : memref<!tpu.dma_semaphore, #tpu.memory_space<semaphore_mem>>)
    } else {
    }
    %add3A_146 = arith.constant 384 : i32
    %add3A_147 = arith.addi %mul3A_2, %add3A_146 : i32
    %add3A_148 = arith.constant 128 : i32
    %add3A_149 = arith.addi %add3A_147, %add3A_148 : i32
    %le3A_150 = arith.constant 100000 : i32
    %le3A_151 = arith.cmpi sle, %add3A_149, %le3A_150 : i32
    %convert_element_type3A_152 = arith.extui %le3A_151 : i1 to i32
    %cond3A_153 = arith.constant 0 : i32
    %cond3A_154 = arith.cmpi ne, %convert_element_type3A_152, %cond3A_153 : i32
    scf.if %cond3A_154 {
      %dma_start3A = arith.constant 384 : i32
      %dma_start3A_2521 = tpu.memref_slice %arg5[%dma_start3A] : memref<3200xi32, #tpu.memory_space<vmem>> -> memref<128xi32, #tpu.memory_space<vmem>>
      %dma_start3A_2522 = arith.constant 0 : i32
      %dma_start3A_2523 = arith.constant 0 : i32
      %dma_start3A_2524 = tpu.memref_slice %arg6[%dma_start3A_2522, %dma_start3A_2523] : memref<28x128xf32, #tpu.memory_space<vmem_shared>> -> memref<28x128xf32, #tpu.memory_space<vmem_shared>>
      tpu.enqueue_indirect_dma source(%dma_start3A_2524 : memref<28x128xf32, #tpu.memory_space<vmem_shared>>) target(%arg10 : memref<128x128xf32, #tpu.memory_space<vmem>>) offsets(%dma_start3A_2521 : memref<128xi32, #tpu.memory_space<vmem>>) semaphore(%arg17 : memref<!tpu.dma_semaphore, #tpu.memory_space<semaphore_mem>>)
    } else {
    }
    %add3A_155 = arith.constant 384 : i32
    %add3A_156 = arith.addi %mul3A_2, %add3A_155 : i32
    %lt3A_157 = arith.constant 100000 : i32
    %lt3A_158 = arith.cmpi slt, %add3A_156, %lt3A_157 : i32
    %add3A_159 = arith.constant 384 : i32
    %add3A_160 = arith.addi %mul3A_2, %add3A_159 : i32
    %add3A_161 = arith.constant 128 : i32
    %add3A_162 = arith.addi %add3A_160, %add3A_161 : i32
    %le3A_163 = arith.constant 100000 : i32
    %le3A_164 = arith.cmpi sle, %add3A_162, %le3A_163 : i32
    %not3A_165 = arith.constant true
    %not3A_166 = arith.xori %le3A_164, %not3A_165 : i1
    %and3A_167 = arith.andi %lt3A_158, %not3A_166 : i1
    %convert_element_type3A_168 = arith.extui %and3A_167 : i1 to i32
    %cond3A_169 = arith.constant 0 : i32
    %cond3A_170 = arith.cmpi ne, %convert_element_type3A_168, %cond3A_169 : i32
    scf.if %cond3A_170 {
      %dma_start3A = arith.constant 0 : i32
      %dma_start3A_2521 = arith.constant 0 : i32
      %dma_start3A_2522 = tpu.memref_slice %arg10[%dma_start3A, %dma_start3A_2521] : memref<128x128xf32, #tpu.memory_space<vmem>> -> memref<32x128xf32, #tpu.memory_space<vmem>>
      %dma_start3A_2523 = arith.constant 384 : i32
      %dma_start3A_2524 = tpu.memref_slice %arg5[%dma_start3A_2523] : memref<3200xi32, #tpu.memory_space<vmem>> -> memref<32xi32, #tpu.memory_space<vmem>>
      %dma_start3A_2525 = arith.constant 0 : i32
      %dma_start3A_2526 = arith.constant 0 : i32
      %dma_start3A_2527 = tpu.memref_slice %arg6[%dma_start3A_2525, %dma_start3A_2526] : memref<28x128xf32, #tpu.memory_space<vmem_shared>> -> memref<28x128xf32, #tpu.memory_space<vmem_shared>>
      tpu.enqueue_indirect_dma source(%dma_start3A_2527 : memref<28x128xf32, #tpu.memory_space<vmem_shared>>) target(%dma_start3A_2522 : memref<32x128xf32, #tpu.memory_space<vmem>>) offsets(%dma_start3A_2524 : memref<32xi32, #tpu.memory_space<vmem>>) semaphore(%arg17 : memref<!tpu.dma_semaphore, #tpu.memory_space<semaphore_mem>>)
    } else {
    }
    %add3A_171 = arith.constant 128 : i32
    %add3A_172 = arith.addi %mul3A_2, %add3A_171 : i32
    %add3A_173 = arith.constant 128 : i32
    %add3A_174 = arith.addi %add3A_172, %add3A_173 : i32
    %le3A_175 = arith.constant 100000 : i32
    %le3A_176 = arith.cmpi sle, %add3A_174, %le3A_175 : i32
    %convert_element_type3A_177 = arith.extui %le3A_176 : i1 to i32
    %cond3A_178 = arith.constant 0 : i32
    %cond3A_179 = arith.cmpi ne, %convert_element_type3A_177, %cond3A_178 : i32
    scf.if %cond3A_179 {
      %dma_wait3A = arith.constant 128 : i32
      %dma_wait3A_2521 = tpu.memref_slice %arg5[%dma_wait3A] : memref<3200xi32, #tpu.memory_space<vmem>> -> memref<128xi32, #tpu.memory_space<vmem>>
      %dma_wait3A_2522 = arith.constant 0 : i32
      %dma_wait3A_2523 = arith.constant 0 : i32
      %dma_wait3A_2524 = tpu.memref_slice %arg6[%dma_wait3A_2522, %dma_wait3A_2523] : memref<28x128xf32, #tpu.memory_space<vmem_shared>> -> memref<28x128xf32, #tpu.memory_space<vmem_shared>>
      tpu.wait_indirect_dma semaphore(%arg15 : memref<!tpu.dma_semaphore, #tpu.memory_space<semaphore_mem>>) src(%dma_wait3A_2524 : memref<28x128xf32, #tpu.memory_space<vmem_shared>>) dst(%arg8 : memref<128x128xf32, #tpu.memory_space<vmem>>)
    } else {
    }
    %add3A_180 = arith.constant 128 : i32
    %add3A_181 = arith.addi %mul3A_2, %add3A_180 : i32
    %lt3A_182 = arith.constant 100000 : i32
    %lt3A_183 = arith.cmpi slt, %add3A_181, %lt3A_182 : i32
    %add3A_184 = arith.constant 128 : i32
    %add3A_185 = arith.addi %mul3A_2, %add3A_184 : i32
    %add3A_186 = arith.constant 128 : i32
    %add3A_187 = arith.addi %add3A_185, %add3A_186 : i32
    %le3A_188 = arith.constant 100000 : i32
    %le3A_189 = arith.cmpi sle, %add3A_187, %le3A_188 : i32
    %not3A_190 = arith.constant true
    %not3A_191 = arith.xori %le3A_189, %not3A_190 : i1
    %and3A_192 = arith.andi %lt3A_183, %not3A_191 : i1
    %convert_element_type3A_193 = arith.extui %and3A_192 : i1 to i32
    %cond3A_194 = arith.constant 0 : i32
    %cond3A_195 = arith.cmpi ne, %convert_element_type3A_193, %cond3A_194 : i32
    scf.if %cond3A_195 {
      %dma_wait3A = arith.constant 0 : i32
      %dma_wait3A_2521 = arith.constant 0 : i32
      %dma_wait3A_2522 = tpu.memref_slice %arg8[%dma_wait3A, %dma_wait3A_2521] : memref<128x128xf32, #tpu.memory_space<vmem>> -> memref<32x128xf32, #tpu.memory_space<vmem>>
      %dma_wait3A_2523 = arith.constant 128 : i32
      %dma_wait3A_2524 = tpu.memref_slice %arg5[%dma_wait3A_2523] : memref<3200xi32, #tpu.memory_space<vmem>> -> memref<32xi32, #tpu.memory_space<vmem>>
      %dma_wait3A_2525 = arith.constant 0 : i32
      %dma_wait3A_2526 = arith.constant 0 : i32
      %dma_wait3A_2527 = tpu.memref_slice %arg6[%dma_wait3A_2525, %dma_wait3A_2526] : memref<28x128xf32, #tpu.memory_space<vmem_shared>> -> memref<28x128xf32, #tpu.memory_space<vmem_shared>>
      tpu.wait_indirect_dma semaphore(%arg15 : memref<!tpu.dma_semaphore, #tpu.memory_space<semaphore_mem>>) src(%dma_wait3A_2527 : memref<28x128xf32, #tpu.memory_space<vmem_shared>>) dst(%dma_wait3A_2522 : memref<32x128xf32, #tpu.memory_space<vmem>>)
    } else {
    }
    %add3A_196 = arith.constant 128 : i32
    %add3A_197 = arith.addi %mul3A_2, %add3A_196 : i32
    %add3A_198 = arith.constant 128 : i32
    %add3A_199 = arith.addi %add3A_197, %add3A_198 : i32
    %le3A_200 = arith.constant 100000 : i32
    %le3A_201 = arith.cmpi sle, %add3A_199, %le3A_200 : i32
    %convert_element_type3A_202 = arith.extui %le3A_201 : i1 to i32
    %cond3A_203 = arith.constant 0 : i32
    %cond3A_204 = arith.cmpi ne, %convert_element_type3A_202, %cond3A_203 : i32
    scf.if %cond3A_204 {
      %add3A_2521 = arith.constant 128 : i32
      %add3A_2522 = arith.addi %mul3A_2, %add3A_2521 : i32
      %dma_start3A = arith.constant 0 : i32
      %dma_start3A_2523 = tpu.memref_slice %arg4[%add3A_2522, %dma_start3A] : memref<100000x128xf32, #tpu.memory_space<hbm>> -> memref<128x128xf32, #tpu.memory_space<hbm>>
      %dma_start3A_2524 = arith.constant 0 : i32
      %dma_start3A_2525 = tpu.memref_slice %arg4[%add3A_2522, %dma_start3A_2524] : memref<100000x128xf32, #tpu.memory_space<hbm>> -> memref<128x128xf32, #tpu.memory_space<hbm>>
      tpu.enqueue_dma source(%arg8 : memref<128x128xf32, #tpu.memory_space<vmem>>) target(%dma_start3A_2525 : memref<128x128xf32, #tpu.memory_space<hbm>>) target_semaphore(%arg22 : memref<!tpu.dma_semaphore, #tpu.memory_space<semaphore_mem>>)
    } else {
    }
    %add3A_205 = arith.constant 128 : i32
    %add3A_206 = arith.addi %mul3A_2, %add3A_205 : i32
    %lt3A_207 = arith.constant 100000 : i32
    %lt3A_208 = arith.cmpi slt, %add3A_206, %lt3A_207 : i32
    %add3A_209 = arith.constant 128 : i32
    %add3A_210 = arith.addi %mul3A_2, %add3A_209 : i32
    %add3A_211 = arith.constant 128 : i32
    %add3A_212 = arith.addi %add3A_210, %add3A_211 : i32
    %le3A_213 = arith.constant 100000 : i32
    %le3A_214 = arith.cmpi sle, %add3A_212, %le3A_213 : i32
    %not3A_215 = arith.constant true
    %not3A_216 = arith.xori %le3A_214, %not3A_215 : i1
    %and3A_217 = arith.andi %lt3A_208, %not3A_216 : i1
    %convert_element_type3A_218 = arith.extui %and3A_217 : i1 to i32
    %cond3A_219 = arith.constant 0 : i32
    %cond3A_220 = arith.cmpi ne, %convert_element_type3A_218, %cond3A_219 : i32
    scf.if %cond3A_220 {
      %add3A_2521 = arith.constant 128 : i32
      %add3A_2522 = arith.addi %mul3A_2, %add3A_2521 : i32
      %dma_start3A = arith.constant 0 : i32
      %dma_start3A_2523 = arith.constant 0 : i32
      %dma_start3A_2524 = tpu.memref_slice %arg8[%dma_start3A, %dma_start3A_2523] : memref<128x128xf32, #tpu.memory_space<vmem>> -> memref<32x128xf32, #tpu.memory_space<vmem>>
      %dma_start3A_2525 = arith.constant 0 : i32
      %dma_start3A_2526 = tpu.memref_slice %arg4[%add3A_2522, %dma_start3A_2525] : memref<100000x128xf32, #tpu.memory_space<hbm>> -> memref<32x128xf32, #tpu.memory_space<hbm>>
      %dma_start3A_2527 = arith.constant 0 : i32
      %dma_start3A_2528 = tpu.memref_slice %arg4[%add3A_2522, %dma_start3A_2527] : memref<100000x128xf32, #tpu.memory_space<hbm>> -> memref<32x128xf32, #tpu.memory_space<hbm>>
      %dma_start3A_2529 = arith.constant 0 : i32
      %dma_start3A_2530 = arith.constant 0 : i32
      %dma_start3A_2531 = tpu.memref_slice %arg8[%dma_start3A_2529, %dma_start3A_2530] : memref<128x128xf32, #tpu.memory_space<vmem>> -> memref<32x128xf32, #tpu.memory_space<vmem>>
      tpu.enqueue_dma source(%dma_start3A_2531 : memref<32x128xf32, #tpu.memory_space<vmem>>) target(%dma_start3A_2528 : memref<32x128xf32, #tpu.memory_space<hbm>>) target_semaphore(%arg22 : memref<!tpu.dma_semaphore, #tpu.memory_space<semaphore_mem>>)
    } else {
    }
    %add3A_221 = arith.constant 512 : i32
    %add3A_222 = arith.addi %mul3A_2, %add3A_221 : i32
    %add3A_223 = arith.constant 128 : i32
    %add3A_224 = arith.addi %add3A_222, %add3A_223 : i32
    %le3A_225 = arith.constant 100000 : i32
    %le3A_226 = arith.cmpi sle, %add3A_224, %le3A_225 : i32
    %convert_element_type3A_227 = arith.extui %le3A_226 : i1 to i32
    %cond3A_228 = arith.constant 0 : i32
    %cond3A_229 = arith.cmpi ne, %convert_element_type3A_227, %cond3A_228 : i32
    scf.if %cond3A_229 {
      %dma_start3A = arith.constant 512 : i32
      %dma_start3A_2521 = tpu.memref_slice %arg5[%dma_start3A] : memref<3200xi32, #tpu.memory_space<vmem>> -> memref<128xi32, #tpu.memory_space<vmem>>
      %dma_start3A_2522 = arith.constant 0 : i32
      %dma_start3A_2523 = arith.constant 0 : i32
      %dma_start3A_2524 = tpu.memref_slice %arg6[%dma_start3A_2522, %dma_start3A_2523] : memref<28x128xf32, #tpu.memory_space<vmem_shared>> -> memref<28x128xf32, #tpu.memory_space<vmem_shared>>
      tpu.enqueue_indirect_dma source(%dma_start3A_2524 : memref<28x128xf32, #tpu.memory_space<vmem_shared>>) target(%arg11 : memref<128x128xf32, #tpu.memory_space<vmem>>) offsets(%dma_start3A_2521 : memref<128xi32, #tpu.memory_space<vmem>>) semaphore(%arg18 : memref<!tpu.dma_semaphore, #tpu.memory_space<semaphore_mem>>)
    } else {
    }
    %add3A_230 = arith.constant 512 : i32
    %add3A_231 = arith.addi %mul3A_2, %add3A_230 : i32
    %lt3A_232 = arith.constant 100000 : i32
    %lt3A_233 = arith.cmpi slt, %add3A_231, %lt3A_232 : i32
    %add3A_234 = arith.constant 512 : i32
    %add3A_235 = arith.addi %mul3A_2, %add3A_234 : i32
    %add3A_236 = arith.constant 128 : i32
    %add3A_237 = arith.addi %add3A_235, %add3A_236 : i32
    %le3A_238 = arith.constant 100000 : i32
    %le3A_239 = arith.cmpi sle, %add3A_237, %le3A_238 : i32
    %not3A_240 = arith.constant true
    %not3A_241 = arith.xori %le3A_239, %not3A_240 : i1
    %and3A_242 = arith.andi %lt3A_233, %not3A_241 : i1
    %convert_element_type3A_243 = arith.extui %and3A_242 : i1 to i32
    %cond3A_244 = arith.constant 0 : i32
    %cond3A_245 = arith.cmpi ne, %convert_element_type3A_243, %cond3A_244 : i32
    scf.if %cond3A_245 {
      %dma_start3A = arith.constant 0 : i32
      %dma_start3A_2521 = arith.constant 0 : i32
      %dma_start3A_2522 = tpu.memref_slice %arg11[%dma_start3A, %dma_start3A_2521] : memref<128x128xf32, #tpu.memory_space<vmem>> -> memref<32x128xf32, #tpu.memory_space<vmem>>
      %dma_start3A_2523 = arith.constant 512 : i32
      %dma_start3A_2524 = tpu.memref_slice %arg5[%dma_start3A_2523] : memref<3200xi32, #tpu.memory_space<vmem>> -> memref<32xi32, #tpu.memory_space<vmem>>
      %dma_start3A_2525 = arith.constant 0 : i32
      %dma_start3A_2526 = arith.constant 0 : i32
      %dma_start3A_2527 = tpu.memref_slice %arg6[%dma_start3A_2525, %dma_start3A_2526] : memref<28x128xf32, #tpu.memory_space<vmem_shared>> -> memref<28x128xf32, #tpu.memory_space<vmem_shared>>
      tpu.enqueue_indirect_dma source(%dma_start3A_2527 : memref<28x128xf32, #tpu.memory_space<vmem_shared>>) target(%dma_start3A_2522 : memref<32x128xf32, #tpu.memory_space<vmem>>) offsets(%dma_start3A_2524 : memref<32xi32, #tpu.memory_space<vmem>>) semaphore(%arg18 : memref<!tpu.dma_semaphore, #tpu.memory_space<semaphore_mem>>)
    } else {
    }
    %add3A_246 = arith.constant 256 : i32
    %add3A_247 = arith.addi %mul3A_2, %add3A_246 : i32
    %add3A_248 = arith.constant 128 : i32
    %add3A_249 = arith.addi %add3A_247, %add3A_248 : i32
    %le3A_250 = arith.constant 100000 : i32
    %le3A_251 = arith.cmpi sle, %add3A_249, %le3A_250 : i32
    %convert_element_type3A_252 = arith.extui %le3A_251 : i1 to i32
    %cond3A_253 = arith.constant 0 : i32
    %cond3A_254 = arith.cmpi ne, %convert_element_type3A_252, %cond3A_253 : i32
    scf.if %cond3A_254 {
      %dma_wait3A = arith.constant 256 : i32
      %dma_wait3A_2521 = tpu.memref_slice %arg5[%dma_wait3A] : memref<3200xi32, #tpu.memory_space<vmem>> -> memref<128xi32, #tpu.memory_space<vmem>>
      %dma_wait3A_2522 = arith.constant 0 : i32
      %dma_wait3A_2523 = arith.constant 0 : i32
      %dma_wait3A_2524 = tpu.memref_slice %arg6[%dma_wait3A_2522, %dma_wait3A_2523] : memref<28x128xf32, #tpu.memory_space<vmem_shared>> -> memref<28x128xf32, #tpu.memory_space<vmem_shared>>
      tpu.wait_indirect_dma semaphore(%arg16 : memref<!tpu.dma_semaphore, #tpu.memory_space<semaphore_mem>>) src(%dma_wait3A_2524 : memref<28x128xf32, #tpu.memory_space<vmem_shared>>) dst(%arg9 : memref<128x128xf32, #tpu.memory_space<vmem>>)
    } else {
    }
    %add3A_255 = arith.constant 256 : i32
    %add3A_256 = arith.addi %mul3A_2, %add3A_255 : i32
    %lt3A_257 = arith.constant 100000 : i32
    %lt3A_258 = arith.cmpi slt, %add3A_256, %lt3A_257 : i32
    %add3A_259 = arith.constant 256 : i32
    %add3A_260 = arith.addi %mul3A_2, %add3A_259 : i32
    %add3A_261 = arith.constant 128 : i32
    %add3A_262 = arith.addi %add3A_260, %add3A_261 : i32
    %le3A_263 = arith.constant 100000 : i32
    %le3A_264 = arith.cmpi sle, %add3A_262, %le3A_263 : i32
    %not3A_265 = arith.constant true
    %not3A_266 = arith.xori %le3A_264, %not3A_265 : i1
    %and3A_267 = arith.andi %lt3A_258, %not3A_266 : i1
    %convert_element_type3A_268 = arith.extui %and3A_267 : i1 to i32
    %cond3A_269 = arith.constant 0 : i32
    %cond3A_270 = arith.cmpi ne, %convert_element_type3A_268, %cond3A_269 : i32
    scf.if %cond3A_270 {
      %dma_wait3A = arith.constant 0 : i32
      %dma_wait3A_2521 = arith.constant 0 : i32
      %dma_wait3A_2522 = tpu.memref_slice %arg9[%dma_wait3A, %dma_wait3A_2521] : memref<128x128xf32, #tpu.memory_space<vmem>> -> memref<32x128xf32, #tpu.memory_space<vmem>>
      %dma_wait3A_2523 = arith.constant 256 : i32
      %dma_wait3A_2524 = tpu.memref_slice %arg5[%dma_wait3A_2523] : memref<3200xi32, #tpu.memory_space<vmem>> -> memref<32xi32, #tpu.memory_space<vmem>>
      %dma_wait3A_2525 = arith.constant 0 : i32
      %dma_wait3A_2526 = arith.constant 0 : i32
      %dma_wait3A_2527 = tpu.memref_slice %arg6[%dma_wait3A_2525, %dma_wait3A_2526] : memref<28x128xf32, #tpu.memory_space<vmem_shared>> -> memref<28x128xf32, #tpu.memory_space<vmem_shared>>
      tpu.wait_indirect_dma semaphore(%arg16 : memref<!tpu.dma_semaphore, #tpu.memory_space<semaphore_mem>>) src(%dma_wait3A_2527 : memref<28x128xf32, #tpu.memory_space<vmem_shared>>) dst(%dma_wait3A_2522 : memref<32x128xf32, #tpu.memory_space<vmem>>)
    } else {
    }
    %add3A_271 = arith.constant 256 : i32
    %add3A_272 = arith.addi %mul3A_2, %add3A_271 : i32
    %add3A_273 = arith.constant 128 : i32
    %add3A_274 = arith.addi %add3A_272, %add3A_273 : i32
    %le3A_275 = arith.constant 100000 : i32
    %le3A_276 = arith.cmpi sle, %add3A_274, %le3A_275 : i32
    %convert_element_type3A_277 = arith.extui %le3A_276 : i1 to i32
    %cond3A_278 = arith.constant 0 : i32
    %cond3A_279 = arith.cmpi ne, %convert_element_type3A_277, %cond3A_278 : i32
    scf.if %cond3A_279 {
      %add3A_2521 = arith.constant 256 : i32
      %add3A_2522 = arith.addi %mul3A_2, %add3A_2521 : i32
      %dma_start3A = arith.constant 0 : i32
      %dma_start3A_2523 = tpu.memref_slice %arg4[%add3A_2522, %dma_start3A] : memref<100000x128xf32, #tpu.memory_space<hbm>> -> memref<128x128xf32, #tpu.memory_space<hbm>>
      %dma_start3A_2524 = arith.constant 0 : i32
      %dma_start3A_2525 = tpu.memref_slice %arg4[%add3A_2522, %dma_start3A_2524] : memref<100000x128xf32, #tpu.memory_space<hbm>> -> memref<128x128xf32, #tpu.memory_space<hbm>>
      tpu.enqueue_dma source(%arg9 : memref<128x128xf32, #tpu.memory_space<vmem>>) target(%dma_start3A_2525 : memref<128x128xf32, #tpu.memory_space<hbm>>) target_semaphore(%arg23 : memref<!tpu.dma_semaphore, #tpu.memory_space<semaphore_mem>>)
    } else {
    }
    %add3A_280 = arith.constant 256 : i32
    %add3A_281 = arith.addi %mul3A_2, %add3A_280 : i32
    %lt3A_282 = arith.constant 100000 : i32
    %lt3A_283 = arith.cmpi slt, %add3A_281, %lt3A_282 : i32
    %add3A_284 = arith.constant 256 : i32
    %add3A_285 = arith.addi %mul3A_2, %add3A_284 : i32
    %add3A_286 = arith.constant 128 : i32
    %add3A_287 = arith.addi %add3A_285, %add3A_286 : i32
    %le3A_288 = arith.constant 100000 : i32
    %le3A_289 = arith.cmpi sle, %add3A_287, %le3A_288 : i32
    %not3A_290 = arith.constant true
    %not3A_291 = arith.xori %le3A_289, %not3A_290 : i1
    %and3A_292 = arith.andi %lt3A_283, %not3A_291 : i1
    %convert_element_type3A_293 = arith.extui %and3A_292 : i1 to i32
    %cond3A_294 = arith.constant 0 : i32
    %cond3A_295 = arith.cmpi ne, %convert_element_type3A_293, %cond3A_294 : i32
    scf.if %cond3A_295 {
      %add3A_2521 = arith.constant 256 : i32
      %add3A_2522 = arith.addi %mul3A_2, %add3A_2521 : i32
      %dma_start3A = arith.constant 0 : i32
      %dma_start3A_2523 = arith.constant 0 : i32
      %dma_start3A_2524 = tpu.memref_slice %arg9[%dma_start3A, %dma_start3A_2523] : memref<128x128xf32, #tpu.memory_space<vmem>> -> memref<32x128xf32, #tpu.memory_space<vmem>>
      %dma_start3A_2525 = arith.constant 0 : i32
      %dma_start3A_2526 = tpu.memref_slice %arg4[%add3A_2522, %dma_start3A_2525] : memref<100000x128xf32, #tpu.memory_space<hbm>> -> memref<32x128xf32, #tpu.memory_space<hbm>>
      %dma_start3A_2527 = arith.constant 0 : i32
      %dma_start3A_2528 = tpu.memref_slice %arg4[%add3A_2522, %dma_start3A_2527] : memref<100000x128xf32, #tpu.memory_space<hbm>> -> memref<32x128xf32, #tpu.memory_space<hbm>>
      %dma_start3A_2529 = arith.constant 0 : i32
      %dma_start3A_2530 = arith.constant 0 : i32
      %dma_start3A_2531 = tpu.memref_slice %arg9[%dma_start3A_2529, %dma_start3A_2530] : memref<128x128xf32, #tpu.memory_space<vmem>> -> memref<32x128xf32, #tpu.memory_space<vmem>>
      tpu.enqueue_dma source(%dma_start3A_2531 : memref<32x128xf32, #tpu.memory_space<vmem>>) target(%dma_start3A_2528 : memref<32x128xf32, #tpu.memory_space<hbm>>) target_semaphore(%arg23 : memref<!tpu.dma_semaphore, #tpu.memory_space<semaphore_mem>>)
    } else {
    }
    %add3A_296 = arith.constant 640 : i32
    %add3A_297 = arith.addi %mul3A_2, %add3A_296 : i32
    %add3A_298 = arith.constant 128 : i32
    %add3A_299 = arith.addi %add3A_297, %add3A_298 : i32
    %le3A_300 = arith.constant 100000 : i32
    %le3A_301 = arith.cmpi sle, %add3A_299, %le3A_300 : i32
    %convert_element_type3A_302 = arith.extui %le3A_301 : i1 to i32
    %cond3A_303 = arith.constant 0 : i32
    %cond3A_304 = arith.cmpi ne, %convert_element_type3A_302, %cond3A_303 : i32
    scf.if %cond3A_304 {
      %dma_start3A = arith.constant 640 : i32
      %dma_start3A_2521 = tpu.memref_slice %arg5[%dma_start3A] : memref<3200xi32, #tpu.memory_space<vmem>> -> memref<128xi32, #tpu.memory_space<vmem>>
      %dma_start3A_2522 = arith.constant 0 : i32
      %dma_start3A_2523 = arith.constant 0 : i32
      %dma_start3A_2524 = tpu.memref_slice %arg6[%dma_start3A_2522, %dma_start3A_2523] : memref<28x128xf32, #tpu.memory_space<vmem_shared>> -> memref<28x128xf32, #tpu.memory_space<vmem_shared>>
      tpu.enqueue_indirect_dma source(%dma_start3A_2524 : memref<28x128xf32, #tpu.memory_space<vmem_shared>>) target(%arg12 : memref<128x128xf32, #tpu.memory_space<vmem>>) offsets(%dma_start3A_2521 : memref<128xi32, #tpu.memory_space<vmem>>) semaphore(%arg19 : memref<!tpu.dma_semaphore, #tpu.memory_space<semaphore_mem>>)
    } else {
    }
    %add3A_305 = arith.constant 640 : i32
    %add3A_306 = arith.addi %mul3A_2, %add3A_305 : i32
    %lt3A_307 = arith.constant 100000 : i32
    %lt3A_308 = arith.cmpi slt, %add3A_306, %lt3A_307 : i32
    %add3A_309 = arith.constant 640 : i32
    %add3A_310 = arith.addi %mul3A_2, %add3A_309 : i32
    %add3A_311 = arith.constant 128 : i32
    %add3A_312 = arith.addi %add3A_310, %add3A_311 : i32
    %le3A_313 = arith.constant 100000 : i32
    %le3A_314 = arith.cmpi sle, %add3A_312, %le3A_313 : i32
    %not3A_315 = arith.constant true
    %not3A_316 = arith.xori %le3A_314, %not3A_315 : i1
    %and3A_317 = arith.andi %lt3A_308, %not3A_316 : i1
    %convert_element_type3A_318 = arith.extui %and3A_317 : i1 to i32
    %cond3A_319 = arith.constant 0 : i32
    %cond3A_320 = arith.cmpi ne, %convert_element_type3A_318, %cond3A_319 : i32
    scf.if %cond3A_320 {
      %dma_start3A = arith.constant 0 : i32
      %dma_start3A_2521 = arith.constant 0 : i32
      %dma_start3A_2522 = tpu.memref_slice %arg12[%dma_start3A, %dma_start3A_2521] : memref<128x128xf32, #tpu.memory_space<vmem>> -> memref<32x128xf32, #tpu.memory_space<vmem>>
      %dma_start3A_2523 = arith.constant 640 : i32
      %dma_start3A_2524 = tpu.memref_slice %arg5[%dma_start3A_2523] : memref<3200xi32, #tpu.memory_space<vmem>> -> memref<32xi32, #tpu.memory_space<vmem>>
      %dma_start3A_2525 = arith.constant 0 : i32
      %dma_start3A_2526 = arith.constant 0 : i32
      %dma_start3A_2527 = tpu.memref_slice %arg6[%dma_start3A_2525, %dma_start3A_2526] : memref<28x128xf32, #tpu.memory_space<vmem_shared>> -> memref<28x128xf32, #tpu.memory_space<vmem_shared>>
      tpu.enqueue_indirect_dma source(%dma_start3A_2527 : memref<28x128xf32, #tpu.memory_space<vmem_shared>>) target(%dma_start3A_2522 : memref<32x128xf32, #tpu.memory_space<vmem>>) offsets(%dma_start3A_2524 : memref<32xi32, #tpu.memory_space<vmem>>) semaphore(%arg19 : memref<!tpu.dma_semaphore, #tpu.memory_space<semaphore_mem>>)
    } else {
    }
    %add3A_321 = arith.constant 384 : i32
    %add3A_322 = arith.addi %mul3A_2, %add3A_321 : i32
    %add3A_323 = arith.constant 128 : i32
    %add3A_324 = arith.addi %add3A_322, %add3A_323 : i32
    %le3A_325 = arith.constant 100000 : i32
    %le3A_326 = arith.cmpi sle, %add3A_324, %le3A_325 : i32
    %convert_element_type3A_327 = arith.extui %le3A_326 : i1 to i32
    %cond3A_328 = arith.constant 0 : i32
    %cond3A_329 = arith.cmpi ne, %convert_element_type3A_327, %cond3A_328 : i32
    scf.if %cond3A_329 {
      %dma_wait3A = arith.constant 384 : i32
      %dma_wait3A_2521 = tpu.memref_slice %arg5[%dma_wait3A] : memref<3200xi32, #tpu.memory_space<vmem>> -> memref<128xi32, #tpu.memory_space<vmem>>
      %dma_wait3A_2522 = arith.constant 0 : i32
      %dma_wait3A_2523 = arith.constant 0 : i32
      %dma_wait3A_2524 = tpu.memref_slice %arg6[%dma_wait3A_2522, %dma_wait3A_2523] : memref<28x128xf32, #tpu.memory_space<vmem_shared>> -> memref<28x128xf32, #tpu.memory_space<vmem_shared>>
      tpu.wait_indirect_dma semaphore(%arg17 : memref<!tpu.dma_semaphore, #tpu.memory_space<semaphore_mem>>) src(%dma_wait3A_2524 : memref<28x128xf32, #tpu.memory_space<vmem_shared>>) dst(%arg10 : memref<128x128xf32, #tpu.memory_space<vmem>>)
    } else {
    }
    %add3A_330 = arith.constant 384 : i32
    %add3A_331 = arith.addi %mul3A_2, %add3A_330 : i32
    %lt3A_332 = arith.constant 100000 : i32
    %lt3A_333 = arith.cmpi slt, %add3A_331, %lt3A_332 : i32
    %add3A_334 = arith.constant 384 : i32
    %add3A_335 = arith.addi %mul3A_2, %add3A_334 : i32
    %add3A_336 = arith.constant 128 : i32
    %add3A_337 = arith.addi %add3A_335, %add3A_336 : i32
    %le3A_338 = arith.constant 100000 : i32
    %le3A_339 = arith.cmpi sle, %add3A_337, %le3A_338 : i32
    %not3A_340 = arith.constant true
    %not3A_341 = arith.xori %le3A_339, %not3A_340 : i1
    %and3A_342 = arith.andi %lt3A_333, %not3A_341 : i1
    %convert_element_type3A_343 = arith.extui %and3A_342 : i1 to i32
    %cond3A_344 = arith.constant 0 : i32
    %cond3A_345 = arith.cmpi ne, %convert_element_type3A_343, %cond3A_344 : i32
    scf.if %cond3A_345 {
      %dma_wait3A = arith.constant 0 : i32
      %dma_wait3A_2521 = arith.constant 0 : i32
      %dma_wait3A_2522 = tpu.memref_slice %arg10[%dma_wait3A, %dma_wait3A_2521] : memref<128x128xf32, #tpu.memory_space<vmem>> -> memref<32x128xf32, #tpu.memory_space<vmem>>
      %dma_wait3A_2523 = arith.constant 384 : i32
      %dma_wait3A_2524 = tpu.memref_slice %arg5[%dma_wait3A_2523] : memref<3200xi32, #tpu.memory_space<vmem>> -> memref<32xi32, #tpu.memory_space<vmem>>
      %dma_wait3A_2525 = arith.constant 0 : i32
      %dma_wait3A_2526 = arith.constant 0 : i32
      %dma_wait3A_2527 = tpu.memref_slice %arg6[%dma_wait3A_2525, %dma_wait3A_2526] : memref<28x128xf32, #tpu.memory_space<vmem_shared>> -> memref<28x128xf32, #tpu.memory_space<vmem_shared>>
      tpu.wait_indirect_dma semaphore(%arg17 : memref<!tpu.dma_semaphore, #tpu.memory_space<semaphore_mem>>) src(%dma_wait3A_2527 : memref<28x128xf32, #tpu.memory_space<vmem_shared>>) dst(%dma_wait3A_2522 : memref<32x128xf32, #tpu.memory_space<vmem>>)
    } else {
    }
    %add3A_346 = arith.constant 384 : i32
    %add3A_347 = arith.addi %mul3A_2, %add3A_346 : i32
    %add3A_348 = arith.constant 128 : i32
    %add3A_349 = arith.addi %add3A_347, %add3A_348 : i32
    %le3A_350 = arith.constant 100000 : i32
    %le3A_351 = arith.cmpi sle, %add3A_349, %le3A_350 : i32
    %convert_element_type3A_352 = arith.extui %le3A_351 : i1 to i32
    %cond3A_353 = arith.constant 0 : i32
    %cond3A_354 = arith.cmpi ne, %convert_element_type3A_352, %cond3A_353 : i32
    scf.if %cond3A_354 {
      %add3A_2521 = arith.constant 384 : i32
      %add3A_2522 = arith.addi %mul3A_2, %add3A_2521 : i32
      %dma_start3A = arith.constant 0 : i32
      %dma_start3A_2523 = tpu.memref_slice %arg4[%add3A_2522, %dma_start3A] : memref<100000x128xf32, #tpu.memory_space<hbm>> -> memref<128x128xf32, #tpu.memory_space<hbm>>
      %dma_start3A_2524 = arith.constant 0 : i32
      %dma_start3A_2525 = tpu.memref_slice %arg4[%add3A_2522, %dma_start3A_2524] : memref<100000x128xf32, #tpu.memory_space<hbm>> -> memref<128x128xf32, #tpu.memory_space<hbm>>
      tpu.enqueue_dma source(%arg10 : memref<128x128xf32, #tpu.memory_space<vmem>>) target(%dma_start3A_2525 : memref<128x128xf32, #tpu.memory_space<hbm>>) target_semaphore(%arg24 : memref<!tpu.dma_semaphore, #tpu.memory_space<semaphore_mem>>)
    } else {
    }
    %add3A_355 = arith.constant 384 : i32
    %add3A_356 = arith.addi %mul3A_2, %add3A_355 : i32
    %lt3A_357 = arith.constant 100000 : i32
    %lt3A_358 = arith.cmpi slt, %add3A_356, %lt3A_357 : i32
    %add3A_359 = arith.constant 384 : i32
    %add3A_360 = arith.addi %mul3A_2, %add3A_359 : i32
    %add3A_361 = arith.constant 128 : i32
    %add3A_362 = arith.addi %add3A_360, %add3A_361 : i32
    %le3A_363 = arith.constant 100000 : i32
    %le3A_364 = arith.cmpi sle, %add3A_362, %le3A_363 : i32
    %not3A_365 = arith.constant true
    %not3A_366 = arith.xori %le3A_364, %not3A_365 : i1
    %and3A_367 = arith.andi %lt3A_358, %not3A_366 : i1
    %convert_element_type3A_368 = arith.extui %and3A_367 : i1 to i32
    %cond3A_369 = arith.constant 0 : i32
    %cond3A_370 = arith.cmpi ne, %convert_element_type3A_368, %cond3A_369 : i32
    scf.if %cond3A_370 {
      %add3A_2521 = arith.constant 384 : i32
      %add3A_2522 = arith.addi %mul3A_2, %add3A_2521 : i32
      %dma_start3A = arith.constant 0 : i32
      %dma_start3A_2523 = arith.constant 0 : i32
      %dma_start3A_2524 = tpu.memref_slice %arg10[%dma_start3A, %dma_start3A_2523] : memref<128x128xf32, #tpu.memory_space<vmem>> -> memref<32x128xf32, #tpu.memory_space<vmem>>
      %dma_start3A_2525 = arith.constant 0 : i32
      %dma_start3A_2526 = tpu.memref_slice %arg4[%add3A_2522, %dma_start3A_2525] : memref<100000x128xf32, #tpu.memory_space<hbm>> -> memref<32x128xf32, #tpu.memory_space<hbm>>
      %dma_start3A_2527 = arith.constant 0 : i32
      %dma_start3A_2528 = tpu.memref_slice %arg4[%add3A_2522, %dma_start3A_2527] : memref<100000x128xf32, #tpu.memory_space<hbm>> -> memref<32x128xf32, #tpu.memory_space<hbm>>
      %dma_start3A_2529 = arith.constant 0 : i32
      %dma_start3A_2530 = arith.constant 0 : i32
      %dma_start3A_2531 = tpu.memref_slice %arg10[%dma_start3A_2529, %dma_start3A_2530] : memref<128x128xf32, #tpu.memory_space<vmem>> -> memref<32x128xf32, #tpu.memory_space<vmem>>
      tpu.enqueue_dma source(%dma_start3A_2531 : memref<32x128xf32, #tpu.memory_space<vmem>>) target(%dma_start3A_2528 : memref<32x128xf32, #tpu.memory_space<hbm>>) target_semaphore(%arg24 : memref<!tpu.dma_semaphore, #tpu.memory_space<semaphore_mem>>)
    } else {
    }
    %add3A_371 = arith.constant 768 : i32
    %add3A_372 = arith.addi %mul3A_2, %add3A_371 : i32
    %add3A_373 = arith.constant 128 : i32
    %add3A_374 = arith.addi %add3A_372, %add3A_373 : i32
    %le3A_375 = arith.constant 100000 : i32
    %le3A_376 = arith.cmpi sle, %add3A_374, %le3A_375 : i32
    %convert_element_type3A_377 = arith.extui %le3A_376 : i1 to i32
    %cond3A_378 = arith.constant 0 : i32
    %cond3A_379 = arith.cmpi ne, %convert_element_type3A_377, %cond3A_378 : i32
    scf.if %cond3A_379 {
      %dma_start3A = arith.constant 768 : i32
      %dma_start3A_2521 = tpu.memref_slice %arg5[%dma_start3A] : memref<3200xi32, #tpu.memory_space<vmem>> -> memref<128xi32, #tpu.memory_space<vmem>>
      %dma_start3A_2522 = arith.constant 0 : i32
      %dma_start3A_2523 = arith.constant 0 : i32
      %dma_start3A_2524 = tpu.memref_slice %arg6[%dma_start3A_2522, %dma_start3A_2523] : memref<28x128xf32, #tpu.memory_space<vmem_shared>> -> memref<28x128xf32, #tpu.memory_space<vmem_shared>>
      tpu.enqueue_indirect_dma source(%dma_start3A_2524 : memref<28x128xf32, #tpu.memory_space<vmem_shared>>) target(%arg13 : memref<128x128xf32, #tpu.memory_space<vmem>>) offsets(%dma_start3A_2521 : memref<128xi32, #tpu.memory_space<vmem>>) semaphore(%arg20 : memref<!tpu.dma_semaphore, #tpu.memory_space<semaphore_mem>>)
    } else {
    }
    %add3A_380 = arith.constant 768 : i32
    %add3A_381 = arith.addi %mul3A_2, %add3A_380 : i32
    %lt3A_382 = arith.constant 100000 : i32
    %lt3A_383 = arith.cmpi slt, %add3A_381, %lt3A_382 : i32
    %add3A_384 = arith.constant 768 : i32
    %add3A_385 = arith.addi %mul3A_2, %add3A_384 : i32
    %add3A_386 = arith.constant 128 : i32
    %add3A_387 = arith.addi %add3A_385, %add3A_386 : i32
    %le3A_388 = arith.constant 100000 : i32
    %le3A_389 = arith.cmpi sle, %add3A_387, %le3A_388 : i32
    %not3A_390 = arith.constant true
    %not3A_391 = arith.xori %le3A_389, %not3A_390 : i1
    %and3A_392 = arith.andi %lt3A_383, %not3A_391 : i1
    %convert_element_type3A_393 = arith.extui %and3A_392 : i1 to i32
    %cond3A_394 = arith.constant 0 : i32
    %cond3A_395 = arith.cmpi ne, %convert_element_type3A_393, %cond3A_394 : i32
    scf.if %cond3A_395 {
      %dma_start3A = arith.constant 0 : i32
      %dma_start3A_2521 = arith.constant 0 : i32
      %dma_start3A_2522 = tpu.memref_slice %arg13[%dma_start3A, %dma_start3A_2521] : memref<128x128xf32, #tpu.memory_space<vmem>> -> memref<32x128xf32, #tpu.memory_space<vmem>>
      %dma_start3A_2523 = arith.constant 768 : i32
      %dma_start3A_2524 = tpu.memref_slice %arg5[%dma_start3A_2523] : memref<3200xi32, #tpu.memory_space<vmem>> -> memref<32xi32, #tpu.memory_space<vmem>>
      %dma_start3A_2525 = arith.constant 0 : i32
      %dma_start3A_2526 = arith.constant 0 : i32
      %dma_start3A_2527 = tpu.memref_slice %arg6[%dma_start3A_2525, %dma_start3A_2526] : memref<28x128xf32, #tpu.memory_space<vmem_shared>> -> memref<28x128xf32, #tpu.memory_space<vmem_shared>>
      tpu.enqueue_indirect_dma source(%dma_start3A_2527 : memref<28x128xf32, #tpu.memory_space<vmem_shared>>) target(%dma_start3A_2522 : memref<32x128xf32, #tpu.memory_space<vmem>>) offsets(%dma_start3A_2524 : memref<32xi32, #tpu.memory_space<vmem>>) semaphore(%arg20 : memref<!tpu.dma_semaphore, #tpu.memory_space<semaphore_mem>>)
    } else {
    }
    %add3A_396 = arith.constant 512 : i32
    %add3A_397 = arith.addi %mul3A_2, %add3A_396 : i32
    %add3A_398 = arith.constant 128 : i32
    %add3A_399 = arith.addi %add3A_397, %add3A_398 : i32
    %le3A_400 = arith.constant 100000 : i32
    %le3A_401 = arith.cmpi sle, %add3A_399, %le3A_400 : i32
    %convert_element_type3A_402 = arith.extui %le3A_401 : i1 to i32
    %cond3A_403 = arith.constant 0 : i32
    %cond3A_404 = arith.cmpi ne, %convert_element_type3A_402, %cond3A_403 : i32
    scf.if %cond3A_404 {
      %dma_wait3A = arith.constant 512 : i32
      %dma_wait3A_2521 = tpu.memref_slice %arg5[%dma_wait3A] : memref<3200xi32, #tpu.memory_space<vmem>> -> memref<128xi32, #tpu.memory_space<vmem>>
      %dma_wait3A_2522 = arith.constant 0 : i32
      %dma_wait3A_2523 = arith.constant 0 : i32
      %dma_wait3A_2524 = tpu.memref_slice %arg6[%dma_wait3A_2522, %dma_wait3A_2523] : memref<28x128xf32, #tpu.memory_space<vmem_shared>> -> memref<28x128xf32, #tpu.memory_space<vmem_shared>>
      tpu.wait_indirect_dma semaphore(%arg18 : memref<!tpu.dma_semaphore, #tpu.memory_space<semaphore_mem>>) src(%dma_wait3A_2524 : memref<28x128xf32, #tpu.memory_space<vmem_shared>>) dst(%arg11 : memref<128x128xf32, #tpu.memory_space<vmem>>)
    } else {
    }
    %add3A_405 = arith.constant 512 : i32
    %add3A_406 = arith.addi %mul3A_2, %add3A_405 : i32
    %lt3A_407 = arith.constant 100000 : i32
    %lt3A_408 = arith.cmpi slt, %add3A_406, %lt3A_407 : i32
    %add3A_409 = arith.constant 512 : i32
    %add3A_410 = arith.addi %mul3A_2, %add3A_409 : i32
    %add3A_411 = arith.constant 128 : i32
    %add3A_412 = arith.addi %add3A_410, %add3A_411 : i32
    %le3A_413 = arith.constant 100000 : i32
    %le3A_414 = arith.cmpi sle, %add3A_412, %le3A_413 : i32
    %not3A_415 = arith.constant true
    %not3A_416 = arith.xori %le3A_414, %not3A_415 : i1
    %and3A_417 = arith.andi %lt3A_408, %not3A_416 : i1
    %convert_element_type3A_418 = arith.extui %and3A_417 : i1 to i32
    %cond3A_419 = arith.constant 0 : i32
    %cond3A_420 = arith.cmpi ne, %convert_element_type3A_418, %cond3A_419 : i32
    scf.if %cond3A_420 {
      %dma_wait3A = arith.constant 0 : i32
      %dma_wait3A_2521 = arith.constant 0 : i32
      %dma_wait3A_2522 = tpu.memref_slice %arg11[%dma_wait3A, %dma_wait3A_2521] : memref<128x128xf32, #tpu.memory_space<vmem>> -> memref<32x128xf32, #tpu.memory_space<vmem>>
      %dma_wait3A_2523 = arith.constant 512 : i32
      %dma_wait3A_2524 = tpu.memref_slice %arg5[%dma_wait3A_2523] : memref<3200xi32, #tpu.memory_space<vmem>> -> memref<32xi32, #tpu.memory_space<vmem>>
      %dma_wait3A_2525 = arith.constant 0 : i32
      %dma_wait3A_2526 = arith.constant 0 : i32
      %dma_wait3A_2527 = tpu.memref_slice %arg6[%dma_wait3A_2525, %dma_wait3A_2526] : memref<28x128xf32, #tpu.memory_space<vmem_shared>> -> memref<28x128xf32, #tpu.memory_space<vmem_shared>>
      tpu.wait_indirect_dma semaphore(%arg18 : memref<!tpu.dma_semaphore, #tpu.memory_space<semaphore_mem>>) src(%dma_wait3A_2527 : memref<28x128xf32, #tpu.memory_space<vmem_shared>>) dst(%dma_wait3A_2522 : memref<32x128xf32, #tpu.memory_space<vmem>>)
    } else {
    }
    %add3A_421 = arith.constant 512 : i32
    %add3A_422 = arith.addi %mul3A_2, %add3A_421 : i32
    %add3A_423 = arith.constant 128 : i32
    %add3A_424 = arith.addi %add3A_422, %add3A_423 : i32
    %le3A_425 = arith.constant 100000 : i32
    %le3A_426 = arith.cmpi sle, %add3A_424, %le3A_425 : i32
    %convert_element_type3A_427 = arith.extui %le3A_426 : i1 to i32
    %cond3A_428 = arith.constant 0 : i32
    %cond3A_429 = arith.cmpi ne, %convert_element_type3A_427, %cond3A_428 : i32
    scf.if %cond3A_429 {
      %add3A_2521 = arith.constant 512 : i32
      %add3A_2522 = arith.addi %mul3A_2, %add3A_2521 : i32
      %dma_start3A = arith.constant 0 : i32
      %dma_start3A_2523 = tpu.memref_slice %arg4[%add3A_2522, %dma_start3A] : memref<100000x128xf32, #tpu.memory_space<hbm>> -> memref<128x128xf32, #tpu.memory_space<hbm>>
      %dma_start3A_2524 = arith.constant 0 : i32
      %dma_start3A_2525 = tpu.memref_slice %arg4[%add3A_2522, %dma_start3A_2524] : memref<100000x128xf32, #tpu.memory_space<hbm>> -> memref<128x128xf32, #tpu.memory_space<hbm>>
      tpu.enqueue_dma source(%arg11 : memref<128x128xf32, #tpu.memory_space<vmem>>) target(%dma_start3A_2525 : memref<128x128xf32, #tpu.memory_space<hbm>>) target_semaphore(%arg25 : memref<!tpu.dma_semaphore, #tpu.memory_space<semaphore_mem>>)
    } else {
    }
    %add3A_430 = arith.constant 512 : i32
    %add3A_431 = arith.addi %mul3A_2, %add3A_430 : i32
    %lt3A_432 = arith.constant 100000 : i32
    %lt3A_433 = arith.cmpi slt, %add3A_431, %lt3A_432 : i32
    %add3A_434 = arith.constant 512 : i32
    %add3A_435 = arith.addi %mul3A_2, %add3A_434 : i32
    %add3A_436 = arith.constant 128 : i32
    %add3A_437 = arith.addi %add3A_435, %add3A_436 : i32
    %le3A_438 = arith.constant 100000 : i32
    %le3A_439 = arith.cmpi sle, %add3A_437, %le3A_438 : i32
    %not3A_440 = arith.constant true
    %not3A_441 = arith.xori %le3A_439, %not3A_440 : i1
    %and3A_442 = arith.andi %lt3A_433, %not3A_441 : i1
    %convert_element_type3A_443 = arith.extui %and3A_442 : i1 to i32
    %cond3A_444 = arith.constant 0 : i32
    %cond3A_445 = arith.cmpi ne, %convert_element_type3A_443, %cond3A_444 : i32
    scf.if %cond3A_445 {
      %add3A_2521 = arith.constant 512 : i32
      %add3A_2522 = arith.addi %mul3A_2, %add3A_2521 : i32
      %dma_start3A = arith.constant 0 : i32
      %dma_start3A_2523 = arith.constant 0 : i32
      %dma_start3A_2524 = tpu.memref_slice %arg11[%dma_start3A, %dma_start3A_2523] : memref<128x128xf32, #tpu.memory_space<vmem>> -> memref<32x128xf32, #tpu.memory_space<vmem>>
      %dma_start3A_2525 = arith.constant 0 : i32
      %dma_start3A_2526 = tpu.memref_slice %arg4[%add3A_2522, %dma_start3A_2525] : memref<100000x128xf32, #tpu.memory_space<hbm>> -> memref<32x128xf32, #tpu.memory_space<hbm>>
      %dma_start3A_2527 = arith.constant 0 : i32
      %dma_start3A_2528 = tpu.memref_slice %arg4[%add3A_2522, %dma_start3A_2527] : memref<100000x128xf32, #tpu.memory_space<hbm>> -> memref<32x128xf32, #tpu.memory_space<hbm>>
      %dma_start3A_2529 = arith.constant 0 : i32
      %dma_start3A_2530 = arith.constant 0 : i32
      %dma_start3A_2531 = tpu.memref_slice %arg11[%dma_start3A_2529, %dma_start3A_2530] : memref<128x128xf32, #tpu.memory_space<vmem>> -> memref<32x128xf32, #tpu.memory_space<vmem>>
      tpu.enqueue_dma source(%dma_start3A_2531 : memref<32x128xf32, #tpu.memory_space<vmem>>) target(%dma_start3A_2528 : memref<32x128xf32, #tpu.memory_space<hbm>>) target_semaphore(%arg25 : memref<!tpu.dma_semaphore, #tpu.memory_space<semaphore_mem>>)
    } else {
    }
    %add3A_446 = arith.constant 0 : i32
    %add3A_447 = arith.addi %mul3A_2, %add3A_446 : i32
    %add3A_448 = arith.constant 128 : i32
    %add3A_449 = arith.addi %add3A_447, %add3A_448 : i32
    %le3A_450 = arith.constant 100000 : i32
    %le3A_451 = arith.cmpi sle, %add3A_449, %le3A_450 : i32
    %convert_element_type3A_452 = arith.extui %le3A_451 : i1 to i32
    %cond3A_453 = arith.constant 0 : i32
    %cond3A_454 = arith.cmpi ne, %convert_element_type3A_452, %cond3A_453 : i32
    scf.if %cond3A_454 {
      %add3A_2521 = arith.constant 0 : i32
      %add3A_2522 = arith.addi %mul3A_2, %add3A_2521 : i32
      %dma_wait3A = arith.constant 0 : i32
      %dma_wait3A_2523 = tpu.memref_slice %arg4[%add3A_2522, %dma_wait3A] : memref<100000x128xf32, #tpu.memory_space<hbm>> -> memref<128x128xf32, #tpu.memory_space<hbm>>
      %dma_wait3A_2524 = arith.constant 0 : i32
      %dma_wait3A_2525 = tpu.memref_slice %arg4[%add3A_2522, %dma_wait3A_2524] : memref<100000x128xf32, #tpu.memory_space<hbm>> -> memref<128x128xf32, #tpu.memory_space<hbm>>
      tpu.wait_dma2 semaphore(%arg21 : memref<!tpu.dma_semaphore, #tpu.memory_space<semaphore_mem>>) src(%arg7 : memref<128x128xf32, #tpu.memory_space<vmem>>) dst(%dma_wait3A_2525 : memref<128x128xf32, #tpu.memory_space<hbm>>)
    } else {
    }
    %add3A_455 = arith.constant 0 : i32
    %add3A_456 = arith.addi %mul3A_2, %add3A_455 : i32
    %lt3A_457 = arith.constant 100000 : i32
    %lt3A_458 = arith.cmpi slt, %add3A_456, %lt3A_457 : i32
    %add3A_459 = arith.constant 0 : i32
    %add3A_460 = arith.addi %mul3A_2, %add3A_459 : i32
    %add3A_461 = arith.constant 128 : i32
    %add3A_462 = arith.addi %add3A_460, %add3A_461 : i32
    %le3A_463 = arith.constant 100000 : i32
    %le3A_464 = arith.cmpi sle, %add3A_462, %le3A_463 : i32
    %not3A_465 = arith.constant true
    %not3A_466 = arith.xori %le3A_464, %not3A_465 : i1
    %and3A_467 = arith.andi %lt3A_458, %not3A_466 : i1
    %convert_element_type3A_468 = arith.extui %and3A_467 : i1 to i32
    %cond3A_469 = arith.constant 0 : i32
    %cond3A_470 = arith.cmpi ne, %convert_element_type3A_468, %cond3A_469 : i32
    scf.if %cond3A_470 {
      %add3A_2521 = arith.constant 0 : i32
      %add3A_2522 = arith.addi %mul3A_2, %add3A_2521 : i32
      %dma_wait3A = arith.constant 0 : i32
      %dma_wait3A_2523 = arith.constant 0 : i32
      %dma_wait3A_2524 = tpu.memref_slice %arg7[%dma_wait3A, %dma_wait3A_2523] : memref<128x128xf32, #tpu.memory_space<vmem>> -> memref<32x128xf32, #tpu.memory_space<vmem>>
      %dma_wait3A_2525 = arith.constant 0 : i32
      %dma_wait3A_2526 = tpu.memref_slice %arg4[%add3A_2522, %dma_wait3A_2525] : memref<100000x128xf32, #tpu.memory_space<hbm>> -> memref<32x128xf32, #tpu.memory_space<hbm>>
      %dma_wait3A_2527 = arith.constant 0 : i32
      %dma_wait3A_2528 = tpu.memref_slice %arg4[%add3A_2522, %dma_wait3A_2527] : memref<100000x128xf32, #tpu.memory_space<hbm>> -> memref<32x128xf32, #tpu.memory_space<hbm>>
      %dma_wait3A_2529 = arith.constant 0 : i32
      %dma_wait3A_2530 = arith.constant 0 : i32
      %dma_wait3A_2531 = tpu.memref_slice %arg7[%dma_wait3A_2529, %dma_wait3A_2530] : memref<128x128xf32, #tpu.memory_space<vmem>> -> memref<32x128xf32, #tpu.memory_space<vmem>>
      tpu.wait_dma2 semaphore(%arg21 : memref<!tpu.dma_semaphore, #tpu.memory_space<semaphore_mem>>) src(%dma_wait3A_2531 : memref<32x128xf32, #tpu.memory_space<vmem>>) dst(%dma_wait3A_2528 : memref<32x128xf32, #tpu.memory_space<hbm>>)
    } else {
    }
    %add3A_471 = arith.constant 896 : i32
    %add3A_472 = arith.addi %mul3A_2, %add3A_471 : i32
    %add3A_473 = arith.constant 128 : i32
    %add3A_474 = arith.addi %add3A_472, %add3A_473 : i32
    %le3A_475 = arith.constant 100000 : i32
    %le3A_476 = arith.cmpi sle, %add3A_474, %le3A_475 : i32
    %convert_element_type3A_477 = arith.extui %le3A_476 : i1 to i32
    %cond3A_478 = arith.constant 0 : i32
    %cond3A_479 = arith.cmpi ne, %convert_element_type3A_477, %cond3A_478 : i32
    scf.if %cond3A_479 {
      %dma_start3A = arith.constant 896 : i32
      %dma_start3A_2521 = tpu.memref_slice %arg5[%dma_start3A] : memref<3200xi32, #tpu.memory_space<vmem>> -> memref<128xi32, #tpu.memory_space<vmem>>
      %dma_start3A_2522 = arith.constant 0 : i32
      %dma_start3A_2523 = arith.constant 0 : i32
      %dma_start3A_2524 = tpu.memref_slice %arg6[%dma_start3A_2522, %dma_start3A_2523] : memref<28x128xf32, #tpu.memory_space<vmem_shared>> -> memref<28x128xf32, #tpu.memory_space<vmem_shared>>
      tpu.enqueue_indirect_dma source(%dma_start3A_2524 : memref<28x128xf32, #tpu.memory_space<vmem_shared>>) target(%arg7 : memref<128x128xf32, #tpu.memory_space<vmem>>) offsets(%dma_start3A_2521 : memref<128xi32, #tpu.memory_space<vmem>>) semaphore(%arg14 : memref<!tpu.dma_semaphore, #tpu.memory_space<semaphore_mem>>)
    } else {
    }
    %add3A_480 = arith.constant 896 : i32
    %add3A_481 = arith.addi %mul3A_2, %add3A_480 : i32
    %lt3A_482 = arith.constant 100000 : i32
    %lt3A_483 = arith.cmpi slt, %add3A_481, %lt3A_482 : i32
    %add3A_484 = arith.constant 896 : i32
    %add3A_485 = arith.addi %mul3A_2, %add3A_484 : i32
    %add3A_486 = arith.constant 128 : i32
    %add3A_487 = arith.addi %add3A_485, %add3A_486 : i32
    %le3A_488 = arith.constant 100000 : i32
    %le3A_489 = arith.cmpi sle, %add3A_487, %le3A_488 : i32
    %not3A_490 = arith.constant true
    %not3A_491 = arith.xori %le3A_489, %not3A_490 : i1
    %and3A_492 = arith.andi %lt3A_483, %not3A_491 : i1
    %convert_element_type3A_493 = arith.extui %and3A_492 : i1 to i32
    %cond3A_494 = arith.constant 0 : i32
    %cond3A_495 = arith.cmpi ne, %convert_element_type3A_493, %cond3A_494 : i32
    scf.if %cond3A_495 {
      %dma_start3A = arith.constant 0 : i32
      %dma_start3A_2521 = arith.constant 0 : i32
      %dma_start3A_2522 = tpu.memref_slice %arg7[%dma_start3A, %dma_start3A_2521] : memref<128x128xf32, #tpu.memory_space<vmem>> -> memref<32x128xf32, #tpu.memory_space<vmem>>
      %dma_start3A_2523 = arith.constant 896 : i32
      %dma_start3A_2524 = tpu.memref_slice %arg5[%dma_start3A_2523] : memref<3200xi32, #tpu.memory_space<vmem>> -> memref<32xi32, #tpu.memory_space<vmem>>
      %dma_start3A_2525 = arith.constant 0 : i32
      %dma_start3A_2526 = arith.constant 0 : i32
      %dma_start3A_2527 = tpu.memref_slice %arg6[%dma_start3A_2525, %dma_start3A_2526] : memref<28x128xf32, #tpu.memory_space<vmem_shared>> -> memref<28x128xf32, #tpu.memory_space<vmem_shared>>
      tpu.enqueue_indirect_dma source(%dma_start3A_2527 : memref<28x128xf32, #tpu.memory_space<vmem_shared>>) target(%dma_start3A_2522 : memref<32x128xf32, #tpu.memory_space<vmem>>) offsets(%dma_start3A_2524 : memref<32xi32, #tpu.memory_space<vmem>>) semaphore(%arg14 : memref<!tpu.dma_semaphore, #tpu.memory_space<semaphore_mem>>)
    } else {
    }
    %add3A_496 = arith.constant 640 : i32
    %add3A_497 = arith.addi %mul3A_2, %add3A_496 : i32
    %add3A_498 = arith.constant 128 : i32
    %add3A_499 = arith.addi %add3A_497, %add3A_498 : i32
    %le3A_500 = arith.constant 100000 : i32
    %le3A_501 = arith.cmpi sle, %add3A_499, %le3A_500 : i32
    %convert_element_type3A_502 = arith.extui %le3A_501 : i1 to i32
    %cond3A_503 = arith.constant 0 : i32
    %cond3A_504 = arith.cmpi ne, %convert_element_type3A_502, %cond3A_503 : i32
    scf.if %cond3A_504 {
      %dma_wait3A = arith.constant 640 : i32
      %dma_wait3A_2521 = tpu.memref_slice %arg5[%dma_wait3A] : memref<3200xi32, #tpu.memory_space<vmem>> -> memref<128xi32, #tpu.memory_space<vmem>>
      %dma_wait3A_2522 = arith.constant 0 : i32
      %dma_wait3A_2523 = arith.constant 0 : i32
      %dma_wait3A_2524 = tpu.memref_slice %arg6[%dma_wait3A_2522, %dma_wait3A_2523] : memref<28x128xf32, #tpu.memory_space<vmem_shared>> -> memref<28x128xf32, #tpu.memory_space<vmem_shared>>
      tpu.wait_indirect_dma semaphore(%arg19 : memref<!tpu.dma_semaphore, #tpu.memory_space<semaphore_mem>>) src(%dma_wait3A_2524 : memref<28x128xf32, #tpu.memory_space<vmem_shared>>) dst(%arg12 : memref<128x128xf32, #tpu.memory_space<vmem>>)
    } else {
    }
    %add3A_505 = arith.constant 640 : i32
    %add3A_506 = arith.addi %mul3A_2, %add3A_505 : i32
    %lt3A_507 = arith.constant 100000 : i32
    %lt3A_508 = arith.cmpi slt, %add3A_506, %lt3A_507 : i32
    %add3A_509 = arith.constant 640 : i32
    %add3A_510 = arith.addi %mul3A_2, %add3A_509 : i32
    %add3A_511 = arith.constant 128 : i32
    %add3A_512 = arith.addi %add3A_510, %add3A_511 : i32
    %le3A_513 = arith.constant 100000 : i32
    %le3A_514 = arith.cmpi sle, %add3A_512, %le3A_513 : i32
    %not3A_515 = arith.constant true
    %not3A_516 = arith.xori %le3A_514, %not3A_515 : i1
    %and3A_517 = arith.andi %lt3A_508, %not3A_516 : i1
    %convert_element_type3A_518 = arith.extui %and3A_517 : i1 to i32
    %cond3A_519 = arith.constant 0 : i32
    %cond3A_520 = arith.cmpi ne, %convert_element_type3A_518, %cond3A_519 : i32
    scf.if %cond3A_520 {
      %dma_wait3A = arith.constant 0 : i32
      %dma_wait3A_2521 = arith.constant 0 : i32
      %dma_wait3A_2522 = tpu.memref_slice %arg12[%dma_wait3A, %dma_wait3A_2521] : memref<128x128xf32, #tpu.memory_space<vmem>> -> memref<32x128xf32, #tpu.memory_space<vmem>>
      %dma_wait3A_2523 = arith.constant 640 : i32
      %dma_wait3A_2524 = tpu.memref_slice %arg5[%dma_wait3A_2523] : memref<3200xi32, #tpu.memory_space<vmem>> -> memref<32xi32, #tpu.memory_space<vmem>>
      %dma_wait3A_2525 = arith.constant 0 : i32
      %dma_wait3A_2526 = arith.constant 0 : i32
      %dma_wait3A_2527 = tpu.memref_slice %arg6[%dma_wait3A_2525, %dma_wait3A_2526] : memref<28x128xf32, #tpu.memory_space<vmem_shared>> -> memref<28x128xf32, #tpu.memory_space<vmem_shared>>
      tpu.wait_indirect_dma semaphore(%arg19 : memref<!tpu.dma_semaphore, #tpu.memory_space<semaphore_mem>>) src(%dma_wait3A_2527 : memref<28x128xf32, #tpu.memory_space<vmem_shared>>) dst(%dma_wait3A_2522 : memref<32x128xf32, #tpu.memory_space<vmem>>)
    } else {
    }
    %add3A_521 = arith.constant 640 : i32
    %add3A_522 = arith.addi %mul3A_2, %add3A_521 : i32
    %add3A_523 = arith.constant 128 : i32
    %add3A_524 = arith.addi %add3A_522, %add3A_523 : i32
    %le3A_525 = arith.constant 100000 : i32
    %le3A_526 = arith.cmpi sle, %add3A_524, %le3A_525 : i32
    %convert_element_type3A_527 = arith.extui %le3A_526 : i1 to i32
    %cond3A_528 = arith.constant 0 : i32
    %cond3A_529 = arith.cmpi ne, %convert_element_type3A_527, %cond3A_528 : i32
    scf.if %cond3A_529 {
      %add3A_2521 = arith.constant 640 : i32
      %add3A_2522 = arith.addi %mul3A_2, %add3A_2521 : i32
      %dma_start3A = arith.constant 0 : i32
      %dma_start3A_2523 = tpu.memref_slice %arg4[%add3A_2522, %dma_start3A] : memref<100000x128xf32, #tpu.memory_space<hbm>> -> memref<128x128xf32, #tpu.memory_space<hbm>>
      %dma_start3A_2524 = arith.constant 0 : i32
      %dma_start3A_2525 = tpu.memref_slice %arg4[%add3A_2522, %dma_start3A_2524] : memref<100000x128xf32, #tpu.memory_space<hbm>> -> memref<128x128xf32, #tpu.memory_space<hbm>>
      tpu.enqueue_dma source(%arg12 : memref<128x128xf32, #tpu.memory_space<vmem>>) target(%dma_start3A_2525 : memref<128x128xf32, #tpu.memory_space<hbm>>) target_semaphore(%arg26 : memref<!tpu.dma_semaphore, #tpu.memory_space<semaphore_mem>>)
    } else {
    }
    %add3A_530 = arith.constant 640 : i32
    %add3A_531 = arith.addi %mul3A_2, %add3A_530 : i32
    %lt3A_532 = arith.constant 100000 : i32
    %lt3A_533 = arith.cmpi slt, %add3A_531, %lt3A_532 : i32
    %add3A_534 = arith.constant 640 : i32
    %add3A_535 = arith.addi %mul3A_2, %add3A_534 : i32
    %add3A_536 = arith.constant 128 : i32
    %add3A_537 = arith.addi %add3A_535, %add3A_536 : i32
    %le3A_538 = arith.constant 100000 : i32
    %le3A_539 = arith.cmpi sle, %add3A_537, %le3A_538 : i32
    %not3A_540 = arith.constant true
    %not3A_541 = arith.xori %le3A_539, %not3A_540 : i1
    %and3A_542 = arith.andi %lt3A_533, %not3A_541 : i1
    %convert_element_type3A_543 = arith.extui %and3A_542 : i1 to i32
    %cond3A_544 = arith.constant 0 : i32
    %cond3A_545 = arith.cmpi ne, %convert_element_type3A_543, %cond3A_544 : i32
    scf.if %cond3A_545 {
      %add3A_2521 = arith.constant 640 : i32
      %add3A_2522 = arith.addi %mul3A_2, %add3A_2521 : i32
      %dma_start3A = arith.constant 0 : i32
      %dma_start3A_2523 = arith.constant 0 : i32
      %dma_start3A_2524 = tpu.memref_slice %arg12[%dma_start3A, %dma_start3A_2523] : memref<128x128xf32, #tpu.memory_space<vmem>> -> memref<32x128xf32, #tpu.memory_space<vmem>>
      %dma_start3A_2525 = arith.constant 0 : i32
      %dma_start3A_2526 = tpu.memref_slice %arg4[%add3A_2522, %dma_start3A_2525] : memref<100000x128xf32, #tpu.memory_space<hbm>> -> memref<32x128xf32, #tpu.memory_space<hbm>>
      %dma_start3A_2527 = arith.constant 0 : i32
      %dma_start3A_2528 = tpu.memref_slice %arg4[%add3A_2522, %dma_start3A_2527] : memref<100000x128xf32, #tpu.memory_space<hbm>> -> memref<32x128xf32, #tpu.memory_space<hbm>>
      %dma_start3A_2529 = arith.constant 0 : i32
      %dma_start3A_2530 = arith.constant 0 : i32
      %dma_start3A_2531 = tpu.memref_slice %arg12[%dma_start3A_2529, %dma_start3A_2530] : memref<128x128xf32, #tpu.memory_space<vmem>> -> memref<32x128xf32, #tpu.memory_space<vmem>>
      tpu.enqueue_dma source(%dma_start3A_2531 : memref<32x128xf32, #tpu.memory_space<vmem>>) target(%dma_start3A_2528 : memref<32x128xf32, #tpu.memory_space<hbm>>) target_semaphore(%arg26 : memref<!tpu.dma_semaphore, #tpu.memory_space<semaphore_mem>>)
    } else {
    }
    %add3A_546 = arith.constant 128 : i32
    %add3A_547 = arith.addi %mul3A_2, %add3A_546 : i32
    %add3A_548 = arith.constant 128 : i32
    %add3A_549 = arith.addi %add3A_547, %add3A_548 : i32
    %le3A_550 = arith.constant 100000 : i32
    %le3A_551 = arith.cmpi sle, %add3A_549, %le3A_550 : i32
    %convert_element_type3A_552 = arith.extui %le3A_551 : i1 to i32
    %cond3A_553 = arith.constant 0 : i32
    %cond3A_554 = arith.cmpi ne, %convert_element_type3A_552, %cond3A_553 : i32
    scf.if %cond3A_554 {
      %add3A_2521 = arith.constant 128 : i32
      %add3A_2522 = arith.addi %mul3A_2, %add3A_2521 : i32
      %dma_wait3A = arith.constant 0 : i32
      %dma_wait3A_2523 = tpu.memref_slice %arg4[%add3A_2522, %dma_wait3A] : memref<100000x128xf32, #tpu.memory_space<hbm>> -> memref<128x128xf32, #tpu.memory_space<hbm>>
      %dma_wait3A_2524 = arith.constant 0 : i32
      %dma_wait3A_2525 = tpu.memref_slice %arg4[%add3A_2522, %dma_wait3A_2524] : memref<100000x128xf32, #tpu.memory_space<hbm>> -> memref<128x128xf32, #tpu.memory_space<hbm>>
      tpu.wait_dma2 semaphore(%arg22 : memref<!tpu.dma_semaphore, #tpu.memory_space<semaphore_mem>>) src(%arg8 : memref<128x128xf32, #tpu.memory_space<vmem>>) dst(%dma_wait3A_2525 : memref<128x128xf32, #tpu.memory_space<hbm>>)
    } else {
    }
    %add3A_555 = arith.constant 128 : i32
    %add3A_556 = arith.addi %mul3A_2, %add3A_555 : i32
    %lt3A_557 = arith.constant 100000 : i32
    %lt3A_558 = arith.cmpi slt, %add3A_556, %lt3A_557 : i32
    %add3A_559 = arith.constant 128 : i32
    %add3A_560 = arith.addi %mul3A_2, %add3A_559 : i32
    %add3A_561 = arith.constant 128 : i32
    %add3A_562 = arith.addi %add3A_560, %add3A_561 : i32
    %le3A_563 = arith.constant 100000 : i32
    %le3A_564 = arith.cmpi sle, %add3A_562, %le3A_563 : i32
    %not3A_565 = arith.constant true
    %not3A_566 = arith.xori %le3A_564, %not3A_565 : i1
    %and3A_567 = arith.andi %lt3A_558, %not3A_566 : i1
    %convert_element_type3A_568 = arith.extui %and3A_567 : i1 to i32
    %cond3A_569 = arith.constant 0 : i32
    %cond3A_570 = arith.cmpi ne, %convert_element_type3A_568, %cond3A_569 : i32
    scf.if %cond3A_570 {
      %add3A_2521 = arith.constant 128 : i32
      %add3A_2522 = arith.addi %mul3A_2, %add3A_2521 : i32
      %dma_wait3A = arith.constant 0 : i32
      %dma_wait3A_2523 = arith.constant 0 : i32
      %dma_wait3A_2524 = tpu.memref_slice %arg8[%dma_wait3A, %dma_wait3A_2523] : memref<128x128xf32, #tpu.memory_space<vmem>> -> memref<32x128xf32, #tpu.memory_space<vmem>>
      %dma_wait3A_2525 = arith.constant 0 : i32
      %dma_wait3A_2526 = tpu.memref_slice %arg4[%add3A_2522, %dma_wait3A_2525] : memref<100000x128xf32, #tpu.memory_space<hbm>> -> memref<32x128xf32, #tpu.memory_space<hbm>>
      %dma_wait3A_2527 = arith.constant 0 : i32
      %dma_wait3A_2528 = tpu.memref_slice %arg4[%add3A_2522, %dma_wait3A_2527] : memref<100000x128xf32, #tpu.memory_space<hbm>> -> memref<32x128xf32, #tpu.memory_space<hbm>>
      %dma_wait3A_2529 = arith.constant 0 : i32
      %dma_wait3A_2530 = arith.constant 0 : i32
      %dma_wait3A_2531 = tpu.memref_slice %arg8[%dma_wait3A_2529, %dma_wait3A_2530] : memref<128x128xf32, #tpu.memory_space<vmem>> -> memref<32x128xf32, #tpu.memory_space<vmem>>
      tpu.wait_dma2 semaphore(%arg22 : memref<!tpu.dma_semaphore, #tpu.memory_space<semaphore_mem>>) src(%dma_wait3A_2531 : memref<32x128xf32, #tpu.memory_space<vmem>>) dst(%dma_wait3A_2528 : memref<32x128xf32, #tpu.memory_space<hbm>>)
    } else {
    }
    %add3A_571 = arith.constant 1024 : i32
    %add3A_572 = arith.addi %mul3A_2, %add3A_571 : i32
    %add3A_573 = arith.constant 128 : i32
    %add3A_574 = arith.addi %add3A_572, %add3A_573 : i32
    %le3A_575 = arith.constant 100000 : i32
    %le3A_576 = arith.cmpi sle, %add3A_574, %le3A_575 : i32
    %convert_element_type3A_577 = arith.extui %le3A_576 : i1 to i32
    %cond3A_578 = arith.constant 0 : i32
    %cond3A_579 = arith.cmpi ne, %convert_element_type3A_577, %cond3A_578 : i32
    scf.if %cond3A_579 {
      %dma_start3A = arith.constant 1024 : i32
      %dma_start3A_2521 = tpu.memref_slice %arg5[%dma_start3A] : memref<3200xi32, #tpu.memory_space<vmem>> -> memref<128xi32, #tpu.memory_space<vmem>>
      %dma_start3A_2522 = arith.constant 0 : i32
      %dma_start3A_2523 = arith.constant 0 : i32
      %dma_start3A_2524 = tpu.memref_slice %arg6[%dma_start3A_2522, %dma_start3A_2523] : memref<28x128xf32, #tpu.memory_space<vmem_shared>> -> memref<28x128xf32, #tpu.memory_space<vmem_shared>>
      tpu.enqueue_indirect_dma source(%dma_start3A_2524 : memref<28x128xf32, #tpu.memory_space<vmem_shared>>) target(%arg8 : memref<128x128xf32, #tpu.memory_space<vmem>>) offsets(%dma_start3A_2521 : memref<128xi32, #tpu.memory_space<vmem>>) semaphore(%arg15 : memref<!tpu.dma_semaphore, #tpu.memory_space<semaphore_mem>>)
    } else {
    }
    %add3A_580 = arith.constant 1024 : i32
    %add3A_581 = arith.addi %mul3A_2, %add3A_580 : i32
    %lt3A_582 = arith.constant 100000 : i32
    %lt3A_583 = arith.cmpi slt, %add3A_581, %lt3A_582 : i32
    %add3A_584 = arith.constant 1024 : i32
    %add3A_585 = arith.addi %mul3A_2, %add3A_584 : i32
    %add3A_586 = arith.constant 128 : i32
    %add3A_587 = arith.addi %add3A_585, %add3A_586 : i32
    %le3A_588 = arith.constant 100000 : i32
    %le3A_589 = arith.cmpi sle, %add3A_587, %le3A_588 : i32
    %not3A_590 = arith.constant true
    %not3A_591 = arith.xori %le3A_589, %not3A_590 : i1
    %and3A_592 = arith.andi %lt3A_583, %not3A_591 : i1
    %convert_element_type3A_593 = arith.extui %and3A_592 : i1 to i32
    %cond3A_594 = arith.constant 0 : i32
    %cond3A_595 = arith.cmpi ne, %convert_element_type3A_593, %cond3A_594 : i32
    scf.if %cond3A_595 {
      %dma_start3A = arith.constant 0 : i32
      %dma_start3A_2521 = arith.constant 0 : i32
      %dma_start3A_2522 = tpu.memref_slice %arg8[%dma_start3A, %dma_start3A_2521] : memref<128x128xf32, #tpu.memory_space<vmem>> -> memref<32x128xf32, #tpu.memory_space<vmem>>
      %dma_start3A_2523 = arith.constant 1024 : i32
      %dma_start3A_2524 = tpu.memref_slice %arg5[%dma_start3A_2523] : memref<3200xi32, #tpu.memory_space<vmem>> -> memref<32xi32, #tpu.memory_space<vmem>>
      %dma_start3A_2525 = arith.constant 0 : i32
      %dma_start3A_2526 = arith.constant 0 : i32
      %dma_start3A_2527 = tpu.memref_slice %arg6[%dma_start3A_2525, %dma_start3A_2526] : memref<28x128xf32, #tpu.memory_space<vmem_shared>> -> memref<28x128xf32, #tpu.memory_space<vmem_shared>>
      tpu.enqueue_indirect_dma source(%dma_start3A_2527 : memref<28x128xf32, #tpu.memory_space<vmem_shared>>) target(%dma_start3A_2522 : memref<32x128xf32, #tpu.memory_space<vmem>>) offsets(%dma_start3A_2524 : memref<32xi32, #tpu.memory_space<vmem>>) semaphore(%arg15 : memref<!tpu.dma_semaphore, #tpu.memory_space<semaphore_mem>>)
    } else {
    }
    %add3A_596 = arith.constant 768 : i32
    %add3A_597 = arith.addi %mul3A_2, %add3A_596 : i32
    %add3A_598 = arith.constant 128 : i32
    %add3A_599 = arith.addi %add3A_597, %add3A_598 : i32
    %le3A_600 = arith.constant 100000 : i32
    %le3A_601 = arith.cmpi sle, %add3A_599, %le3A_600 : i32
    %convert_element_type3A_602 = arith.extui %le3A_601 : i1 to i32
    %cond3A_603 = arith.constant 0 : i32
    %cond3A_604 = arith.cmpi ne, %convert_element_type3A_602, %cond3A_603 : i32
    scf.if %cond3A_604 {
      %dma_wait3A = arith.constant 768 : i32
      %dma_wait3A_2521 = tpu.memref_slice %arg5[%dma_wait3A] : memref<3200xi32, #tpu.memory_space<vmem>> -> memref<128xi32, #tpu.memory_space<vmem>>
      %dma_wait3A_2522 = arith.constant 0 : i32
      %dma_wait3A_2523 = arith.constant 0 : i32
      %dma_wait3A_2524 = tpu.memref_slice %arg6[%dma_wait3A_2522, %dma_wait3A_2523] : memref<28x128xf32, #tpu.memory_space<vmem_shared>> -> memref<28x128xf32, #tpu.memory_space<vmem_shared>>
      tpu.wait_indirect_dma semaphore(%arg20 : memref<!tpu.dma_semaphore, #tpu.memory_space<semaphore_mem>>) src(%dma_wait3A_2524 : memref<28x128xf32, #tpu.memory_space<vmem_shared>>) dst(%arg13 : memref<128x128xf32, #tpu.memory_space<vmem>>)
    } else {
    }
    %add3A_605 = arith.constant 768 : i32
    %add3A_606 = arith.addi %mul3A_2, %add3A_605 : i32
    %lt3A_607 = arith.constant 100000 : i32
    %lt3A_608 = arith.cmpi slt, %add3A_606, %lt3A_607 : i32
    %add3A_609 = arith.constant 768 : i32
    %add3A_610 = arith.addi %mul3A_2, %add3A_609 : i32
    %add3A_611 = arith.constant 128 : i32
    %add3A_612 = arith.addi %add3A_610, %add3A_611 : i32
    %le3A_613 = arith.constant 100000 : i32
    %le3A_614 = arith.cmpi sle, %add3A_612, %le3A_613 : i32
    %not3A_615 = arith.constant true
    %not3A_616 = arith.xori %le3A_614, %not3A_615 : i1
    %and3A_617 = arith.andi %lt3A_608, %not3A_616 : i1
    %convert_element_type3A_618 = arith.extui %and3A_617 : i1 to i32
    %cond3A_619 = arith.constant 0 : i32
    %cond3A_620 = arith.cmpi ne, %convert_element_type3A_618, %cond3A_619 : i32
    scf.if %cond3A_620 {
      %dma_wait3A = arith.constant 0 : i32
      %dma_wait3A_2521 = arith.constant 0 : i32
      %dma_wait3A_2522 = tpu.memref_slice %arg13[%dma_wait3A, %dma_wait3A_2521] : memref<128x128xf32, #tpu.memory_space<vmem>> -> memref<32x128xf32, #tpu.memory_space<vmem>>
      %dma_wait3A_2523 = arith.constant 768 : i32
      %dma_wait3A_2524 = tpu.memref_slice %arg5[%dma_wait3A_2523] : memref<3200xi32, #tpu.memory_space<vmem>> -> memref<32xi32, #tpu.memory_space<vmem>>
      %dma_wait3A_2525 = arith.constant 0 : i32
      %dma_wait3A_2526 = arith.constant 0 : i32
      %dma_wait3A_2527 = tpu.memref_slice %arg6[%dma_wait3A_2525, %dma_wait3A_2526] : memref<28x128xf32, #tpu.memory_space<vmem_shared>> -> memref<28x128xf32, #tpu.memory_space<vmem_shared>>
      tpu.wait_indirect_dma semaphore(%arg20 : memref<!tpu.dma_semaphore, #tpu.memory_space<semaphore_mem>>) src(%dma_wait3A_2527 : memref<28x128xf32, #tpu.memory_space<vmem_shared>>) dst(%dma_wait3A_2522 : memref<32x128xf32, #tpu.memory_space<vmem>>)
    } else {
    }
    %add3A_621 = arith.constant 768 : i32
    %add3A_622 = arith.addi %mul3A_2, %add3A_621 : i32
    %add3A_623 = arith.constant 128 : i32
    %add3A_624 = arith.addi %add3A_622, %add3A_623 : i32
    %le3A_625 = arith.constant 100000 : i32
    %le3A_626 = arith.cmpi sle, %add3A_624, %le3A_625 : i32
    %convert_element_type3A_627 = arith.extui %le3A_626 : i1 to i32
    %cond3A_628 = arith.constant 0 : i32
    %cond3A_629 = arith.cmpi ne, %convert_element_type3A_627, %cond3A_628 : i32
    scf.if %cond3A_629 {
      %add3A_2521 = arith.constant 768 : i32
      %add3A_2522 = arith.addi %mul3A_2, %add3A_2521 : i32
      %dma_start3A = arith.constant 0 : i32
      %dma_start3A_2523 = tpu.memref_slice %arg4[%add3A_2522, %dma_start3A] : memref<100000x128xf32, #tpu.memory_space<hbm>> -> memref<128x128xf32, #tpu.memory_space<hbm>>
      %dma_start3A_2524 = arith.constant 0 : i32
      %dma_start3A_2525 = tpu.memref_slice %arg4[%add3A_2522, %dma_start3A_2524] : memref<100000x128xf32, #tpu.memory_space<hbm>> -> memref<128x128xf32, #tpu.memory_space<hbm>>
      tpu.enqueue_dma source(%arg13 : memref<128x128xf32, #tpu.memory_space<vmem>>) target(%dma_start3A_2525 : memref<128x128xf32, #tpu.memory_space<hbm>>) target_semaphore(%arg27 : memref<!tpu.dma_semaphore, #tpu.memory_space<semaphore_mem>>)
    } else {
    }
    %add3A_630 = arith.constant 768 : i32
    %add3A_631 = arith.addi %mul3A_2, %add3A_630 : i32
    %lt3A_632 = arith.constant 100000 : i32
    %lt3A_633 = arith.cmpi slt, %add3A_631, %lt3A_632 : i32
    %add3A_634 = arith.constant 768 : i32
    %add3A_635 = arith.addi %mul3A_2, %add3A_634 : i32
    %add3A_636 = arith.constant 128 : i32
    %add3A_637 = arith.addi %add3A_635, %add3A_636 : i32
    %le3A_638 = arith.constant 100000 : i32
    %le3A_639 = arith.cmpi sle, %add3A_637, %le3A_638 : i32
    %not3A_640 = arith.constant true
    %not3A_641 = arith.xori %le3A_639, %not3A_640 : i1
    %and3A_642 = arith.andi %lt3A_633, %not3A_641 : i1
    %convert_element_type3A_643 = arith.extui %and3A_642 : i1 to i32
    %cond3A_644 = arith.constant 0 : i32
    %cond3A_645 = arith.cmpi ne, %convert_element_type3A_643, %cond3A_644 : i32
    scf.if %cond3A_645 {
      %add3A_2521 = arith.constant 768 : i32
      %add3A_2522 = arith.addi %mul3A_2, %add3A_2521 : i32
      %dma_start3A = arith.constant 0 : i32
      %dma_start3A_2523 = arith.constant 0 : i32
      %dma_start3A_2524 = tpu.memref_slice %arg13[%dma_start3A, %dma_start3A_2523] : memref<128x128xf32, #tpu.memory_space<vmem>> -> memref<32x128xf32, #tpu.memory_space<vmem>>
      %dma_start3A_2525 = arith.constant 0 : i32
      %dma_start3A_2526 = tpu.memref_slice %arg4[%add3A_2522, %dma_start3A_2525] : memref<100000x128xf32, #tpu.memory_space<hbm>> -> memref<32x128xf32, #tpu.memory_space<hbm>>
      %dma_start3A_2527 = arith.constant 0 : i32
      %dma_start3A_2528 = tpu.memref_slice %arg4[%add3A_2522, %dma_start3A_2527] : memref<100000x128xf32, #tpu.memory_space<hbm>> -> memref<32x128xf32, #tpu.memory_space<hbm>>
      %dma_start3A_2529 = arith.constant 0 : i32
      %dma_start3A_2530 = arith.constant 0 : i32
      %dma_start3A_2531 = tpu.memref_slice %arg13[%dma_start3A_2529, %dma_start3A_2530] : memref<128x128xf32, #tpu.memory_space<vmem>> -> memref<32x128xf32, #tpu.memory_space<vmem>>
      tpu.enqueue_dma source(%dma_start3A_2531 : memref<32x128xf32, #tpu.memory_space<vmem>>) target(%dma_start3A_2528 : memref<32x128xf32, #tpu.memory_space<hbm>>) target_semaphore(%arg27 : memref<!tpu.dma_semaphore, #tpu.memory_space<semaphore_mem>>)
    } else {
    }
    %add3A_646 = arith.constant 256 : i32
    %add3A_647 = arith.addi %mul3A_2, %add3A_646 : i32
    %add3A_648 = arith.constant 128 : i32
    %add3A_649 = arith.addi %add3A_647, %add3A_648 : i32
    %le3A_650 = arith.constant 100000 : i32
    %le3A_651 = arith.cmpi sle, %add3A_649, %le3A_650 : i32
    %convert_element_type3A_652 = arith.extui %le3A_651 : i1 to i32
    %cond3A_653 = arith.constant 0 : i32
    %cond3A_654 = arith.cmpi ne, %convert_element_type3A_652, %cond3A_653 : i32
    scf.if %cond3A_654 {
      %add3A_2521 = arith.constant 256 : i32
      %add3A_2522 = arith.addi %mul3A_2, %add3A_2521 : i32
      %dma_wait3A = arith.constant 0 : i32
      %dma_wait3A_2523 = tpu.memref_slice %arg4[%add3A_2522, %dma_wait3A] : memref<100000x128xf32, #tpu.memory_space<hbm>> -> memref<128x128xf32, #tpu.memory_space<hbm>>
      %dma_wait3A_2524 = arith.constant 0 : i32
      %dma_wait3A_2525 = tpu.memref_slice %arg4[%add3A_2522, %dma_wait3A_2524] : memref<100000x128xf32, #tpu.memory_space<hbm>> -> memref<128x128xf32, #tpu.memory_space<hbm>>
      tpu.wait_dma2 semaphore(%arg23 : memref<!tpu.dma_semaphore, #tpu.memory_space<semaphore_mem>>) src(%arg9 : memref<128x128xf32, #tpu.memory_space<vmem>>) dst(%dma_wait3A_2525 : memref<128x128xf32, #tpu.memory_space<hbm>>)
    } else {
    }
    %add3A_655 = arith.constant 256 : i32
    %add3A_656 = arith.addi %mul3A_2, %add3A_655 : i32
    %lt3A_657 = arith.constant 100000 : i32
    %lt3A_658 = arith.cmpi slt, %add3A_656, %lt3A_657 : i32
    %add3A_659 = arith.constant 256 : i32
    %add3A_660 = arith.addi %mul3A_2, %add3A_659 : i32
    %add3A_661 = arith.constant 128 : i32
    %add3A_662 = arith.addi %add3A_660, %add3A_661 : i32
    %le3A_663 = arith.constant 100000 : i32
    %le3A_664 = arith.cmpi sle, %add3A_662, %le3A_663 : i32
    %not3A_665 = arith.constant true
    %not3A_666 = arith.xori %le3A_664, %not3A_665 : i1
    %and3A_667 = arith.andi %lt3A_658, %not3A_666 : i1
    %convert_element_type3A_668 = arith.extui %and3A_667 : i1 to i32
    %cond3A_669 = arith.constant 0 : i32
    %cond3A_670 = arith.cmpi ne, %convert_element_type3A_668, %cond3A_669 : i32
    scf.if %cond3A_670 {
      %add3A_2521 = arith.constant 256 : i32
      %add3A_2522 = arith.addi %mul3A_2, %add3A_2521 : i32
      %dma_wait3A = arith.constant 0 : i32
      %dma_wait3A_2523 = arith.constant 0 : i32
      %dma_wait3A_2524 = tpu.memref_slice %arg9[%dma_wait3A, %dma_wait3A_2523] : memref<128x128xf32, #tpu.memory_space<vmem>> -> memref<32x128xf32, #tpu.memory_space<vmem>>
      %dma_wait3A_2525 = arith.constant 0 : i32
      %dma_wait3A_2526 = tpu.memref_slice %arg4[%add3A_2522, %dma_wait3A_2525] : memref<100000x128xf32, #tpu.memory_space<hbm>> -> memref<32x128xf32, #tpu.memory_space<hbm>>
      %dma_wait3A_2527 = arith.constant 0 : i32
      %dma_wait3A_2528 = tpu.memref_slice %arg4[%add3A_2522, %dma_wait3A_2527] : memref<100000x128xf32, #tpu.memory_space<hbm>> -> memref<32x128xf32, #tpu.memory_space<hbm>>
      %dma_wait3A_2529 = arith.constant 0 : i32
      %dma_wait3A_2530 = arith.constant 0 : i32
      %dma_wait3A_2531 = tpu.memref_slice %arg9[%dma_wait3A_2529, %dma_wait3A_2530] : memref<128x128xf32, #tpu.memory_space<vmem>> -> memref<32x128xf32, #tpu.memory_space<vmem>>
      tpu.wait_dma2 semaphore(%arg23 : memref<!tpu.dma_semaphore, #tpu.memory_space<semaphore_mem>>) src(%dma_wait3A_2531 : memref<32x128xf32, #tpu.memory_space<vmem>>) dst(%dma_wait3A_2528 : memref<32x128xf32, #tpu.memory_space<hbm>>)
    } else {
    }
    %add3A_671 = arith.constant 1152 : i32
    %add3A_672 = arith.addi %mul3A_2, %add3A_671 : i32
    %add3A_673 = arith.constant 128 : i32
    %add3A_674 = arith.addi %add3A_672, %add3A_673 : i32
    %le3A_675 = arith.constant 100000 : i32
    %le3A_676 = arith.cmpi sle, %add3A_674, %le3A_675 : i32
    %convert_element_type3A_677 = arith.extui %le3A_676 : i1 to i32
    %cond3A_678 = arith.constant 0 : i32
    %cond3A_679 = arith.cmpi ne, %convert_element_type3A_677, %cond3A_678 : i32
    scf.if %cond3A_679 {
      %dma_start3A = arith.constant 1152 : i32
      %dma_start3A_2521 = tpu.memref_slice %arg5[%dma_start3A] : memref<3200xi32, #tpu.memory_space<vmem>> -> memref<128xi32, #tpu.memory_space<vmem>>
      %dma_start3A_2522 = arith.constant 0 : i32
      %dma_start3A_2523 = arith.constant 0 : i32
      %dma_start3A_2524 = tpu.memref_slice %arg6[%dma_start3A_2522, %dma_start3A_2523] : memref<28x128xf32, #tpu.memory_space<vmem_shared>> -> memref<28x128xf32, #tpu.memory_space<vmem_shared>>
      tpu.enqueue_indirect_dma source(%dma_start3A_2524 : memref<28x128xf32, #tpu.memory_space<vmem_shared>>) target(%arg9 : memref<128x128xf32, #tpu.memory_space<vmem>>) offsets(%dma_start3A_2521 : memref<128xi32, #tpu.memory_space<vmem>>) semaphore(%arg16 : memref<!tpu.dma_semaphore, #tpu.memory_space<semaphore_mem>>)
    } else {
    }
    %add3A_680 = arith.constant 1152 : i32
    %add3A_681 = arith.addi %mul3A_2, %add3A_680 : i32
    %lt3A_682 = arith.constant 100000 : i32
    %lt3A_683 = arith.cmpi slt, %add3A_681, %lt3A_682 : i32
    %add3A_684 = arith.constant 1152 : i32
    %add3A_685 = arith.addi %mul3A_2, %add3A_684 : i32
    %add3A_686 = arith.constant 128 : i32
    %add3A_687 = arith.addi %add3A_685, %add3A_686 : i32
    %le3A_688 = arith.constant 100000 : i32
    %le3A_689 = arith.cmpi sle, %add3A_687, %le3A_688 : i32
    %not3A_690 = arith.constant true
    %not3A_691 = arith.xori %le3A_689, %not3A_690 : i1
    %and3A_692 = arith.andi %lt3A_683, %not3A_691 : i1
    %convert_element_type3A_693 = arith.extui %and3A_692 : i1 to i32
    %cond3A_694 = arith.constant 0 : i32
    %cond3A_695 = arith.cmpi ne, %convert_element_type3A_693, %cond3A_694 : i32
    scf.if %cond3A_695 {
      %dma_start3A = arith.constant 0 : i32
      %dma_start3A_2521 = arith.constant 0 : i32
      %dma_start3A_2522 = tpu.memref_slice %arg9[%dma_start3A, %dma_start3A_2521] : memref<128x128xf32, #tpu.memory_space<vmem>> -> memref<32x128xf32, #tpu.memory_space<vmem>>
      %dma_start3A_2523 = arith.constant 1152 : i32
      %dma_start3A_2524 = tpu.memref_slice %arg5[%dma_start3A_2523] : memref<3200xi32, #tpu.memory_space<vmem>> -> memref<32xi32, #tpu.memory_space<vmem>>
      %dma_start3A_2525 = arith.constant 0 : i32
      %dma_start3A_2526 = arith.constant 0 : i32
      %dma_start3A_2527 = tpu.memref_slice %arg6[%dma_start3A_2525, %dma_start3A_2526] : memref<28x128xf32, #tpu.memory_space<vmem_shared>> -> memref<28x128xf32, #tpu.memory_space<vmem_shared>>
      tpu.enqueue_indirect_dma source(%dma_start3A_2527 : memref<28x128xf32, #tpu.memory_space<vmem_shared>>) target(%dma_start3A_2522 : memref<32x128xf32, #tpu.memory_space<vmem>>) offsets(%dma_start3A_2524 : memref<32xi32, #tpu.memory_space<vmem>>) semaphore(%arg16 : memref<!tpu.dma_semaphore, #tpu.memory_space<semaphore_mem>>)
    } else {
    }
    %add3A_696 = arith.constant 896 : i32
    %add3A_697 = arith.addi %mul3A_2, %add3A_696 : i32
    %add3A_698 = arith.constant 128 : i32
    %add3A_699 = arith.addi %add3A_697, %add3A_698 : i32
    %le3A_700 = arith.constant 100000 : i32
    %le3A_701 = arith.cmpi sle, %add3A_699, %le3A_700 : i32
    %convert_element_type3A_702 = arith.extui %le3A_701 : i1 to i32
    %cond3A_703 = arith.constant 0 : i32
    %cond3A_704 = arith.cmpi ne, %convert_element_type3A_702, %cond3A_703 : i32
    scf.if %cond3A_704 {
      %dma_wait3A = arith.constant 896 : i32
      %dma_wait3A_2521 = tpu.memref_slice %arg5[%dma_wait3A] : memref<3200xi32, #tpu.memory_space<vmem>> -> memref<128xi32, #tpu.memory_space<vmem>>
      %dma_wait3A_2522 = arith.constant 0 : i32
      %dma_wait3A_2523 = arith.constant 0 : i32
      %dma_wait3A_2524 = tpu.memref_slice %arg6[%dma_wait3A_2522, %dma_wait3A_2523] : memref<28x128xf32, #tpu.memory_space<vmem_shared>> -> memref<28x128xf32, #tpu.memory_space<vmem_shared>>
      tpu.wait_indirect_dma semaphore(%arg14 : memref<!tpu.dma_semaphore, #tpu.memory_space<semaphore_mem>>) src(%dma_wait3A_2524 : memref<28x128xf32, #tpu.memory_space<vmem_shared>>) dst(%arg7 : memref<128x128xf32, #tpu.memory_space<vmem>>)
    } else {
    }
    %add3A_705 = arith.constant 896 : i32
    %add3A_706 = arith.addi %mul3A_2, %add3A_705 : i32
    %lt3A_707 = arith.constant 100000 : i32
    %lt3A_708 = arith.cmpi slt, %add3A_706, %lt3A_707 : i32
    %add3A_709 = arith.constant 896 : i32
    %add3A_710 = arith.addi %mul3A_2, %add3A_709 : i32
    %add3A_711 = arith.constant 128 : i32
    %add3A_712 = arith.addi %add3A_710, %add3A_711 : i32
    %le3A_713 = arith.constant 100000 : i32
    %le3A_714 = arith.cmpi sle, %add3A_712, %le3A_713 : i32
    %not3A_715 = arith.constant true
    %not3A_716 = arith.xori %le3A_714, %not3A_715 : i1
    %and3A_717 = arith.andi %lt3A_708, %not3A_716 : i1
    %convert_element_type3A_718 = arith.extui %and3A_717 : i1 to i32
    %cond3A_719 = arith.constant 0 : i32
    %cond3A_720 = arith.cmpi ne, %convert_element_type3A_718, %cond3A_719 : i32
    scf.if %cond3A_720 {
      %dma_wait3A = arith.constant 0 : i32
      %dma_wait3A_2521 = arith.constant 0 : i32
      %dma_wait3A_2522 = tpu.memref_slice %arg7[%dma_wait3A, %dma_wait3A_2521] : memref<128x128xf32, #tpu.memory_space<vmem>> -> memref<32x128xf32, #tpu.memory_space<vmem>>
      %dma_wait3A_2523 = arith.constant 896 : i32
      %dma_wait3A_2524 = tpu.memref_slice %arg5[%dma_wait3A_2523] : memref<3200xi32, #tpu.memory_space<vmem>> -> memref<32xi32, #tpu.memory_space<vmem>>
      %dma_wait3A_2525 = arith.constant 0 : i32
      %dma_wait3A_2526 = arith.constant 0 : i32
      %dma_wait3A_2527 = tpu.memref_slice %arg6[%dma_wait3A_2525, %dma_wait3A_2526] : memref<28x128xf32, #tpu.memory_space<vmem_shared>> -> memref<28x128xf32, #tpu.memory_space<vmem_shared>>
      tpu.wait_indirect_dma semaphore(%arg14 : memref<!tpu.dma_semaphore, #tpu.memory_space<semaphore_mem>>) src(%dma_wait3A_2527 : memref<28x128xf32, #tpu.memory_space<vmem_shared>>) dst(%dma_wait3A_2522 : memref<32x128xf32, #tpu.memory_space<vmem>>)
    } else {
    }
    %add3A_721 = arith.constant 896 : i32
    %add3A_722 = arith.addi %mul3A_2, %add3A_721 : i32
    %add3A_723 = arith.constant 128 : i32
    %add3A_724 = arith.addi %add3A_722, %add3A_723 : i32
    %le3A_725 = arith.constant 100000 : i32
    %le3A_726 = arith.cmpi sle, %add3A_724, %le3A_725 : i32
    %convert_element_type3A_727 = arith.extui %le3A_726 : i1 to i32
    %cond3A_728 = arith.constant 0 : i32
    %cond3A_729 = arith.cmpi ne, %convert_element_type3A_727, %cond3A_728 : i32
    scf.if %cond3A_729 {
      %add3A_2521 = arith.constant 896 : i32
      %add3A_2522 = arith.addi %mul3A_2, %add3A_2521 : i32
      %dma_start3A = arith.constant 0 : i32
      %dma_start3A_2523 = tpu.memref_slice %arg4[%add3A_2522, %dma_start3A] : memref<100000x128xf32, #tpu.memory_space<hbm>> -> memref<128x128xf32, #tpu.memory_space<hbm>>
      %dma_start3A_2524 = arith.constant 0 : i32
      %dma_start3A_2525 = tpu.memref_slice %arg4[%add3A_2522, %dma_start3A_2524] : memref<100000x128xf32, #tpu.memory_space<hbm>> -> memref<128x128xf32, #tpu.memory_space<hbm>>
      tpu.enqueue_dma source(%arg7 : memref<128x128xf32, #tpu.memory_space<vmem>>) target(%dma_start3A_2525 : memref<128x128xf32, #tpu.memory_space<hbm>>) target_semaphore(%arg21 : memref<!tpu.dma_semaphore, #tpu.memory_space<semaphore_mem>>)
    } else {
    }
    %add3A_730 = arith.constant 896 : i32
    %add3A_731 = arith.addi %mul3A_2, %add3A_730 : i32
    %lt3A_732 = arith.constant 100000 : i32
    %lt3A_733 = arith.cmpi slt, %add3A_731, %lt3A_732 : i32
    %add3A_734 = arith.constant 896 : i32
    %add3A_735 = arith.addi %mul3A_2, %add3A_734 : i32
    %add3A_736 = arith.constant 128 : i32
    %add3A_737 = arith.addi %add3A_735, %add3A_736 : i32
    %le3A_738 = arith.constant 100000 : i32
    %le3A_739 = arith.cmpi sle, %add3A_737, %le3A_738 : i32
    %not3A_740 = arith.constant true
    %not3A_741 = arith.xori %le3A_739, %not3A_740 : i1
    %and3A_742 = arith.andi %lt3A_733, %not3A_741 : i1
    %convert_element_type3A_743 = arith.extui %and3A_742 : i1 to i32
    %cond3A_744 = arith.constant 0 : i32
    %cond3A_745 = arith.cmpi ne, %convert_element_type3A_743, %cond3A_744 : i32
    scf.if %cond3A_745 {
      %add3A_2521 = arith.constant 896 : i32
      %add3A_2522 = arith.addi %mul3A_2, %add3A_2521 : i32
      %dma_start3A = arith.constant 0 : i32
      %dma_start3A_2523 = arith.constant 0 : i32
      %dma_start3A_2524 = tpu.memref_slice %arg7[%dma_start3A, %dma_start3A_2523] : memref<128x128xf32, #tpu.memory_space<vmem>> -> memref<32x128xf32, #tpu.memory_space<vmem>>
      %dma_start3A_2525 = arith.constant 0 : i32
      %dma_start3A_2526 = tpu.memref_slice %arg4[%add3A_2522, %dma_start3A_2525] : memref<100000x128xf32, #tpu.memory_space<hbm>> -> memref<32x128xf32, #tpu.memory_space<hbm>>
      %dma_start3A_2527 = arith.constant 0 : i32
      %dma_start3A_2528 = tpu.memref_slice %arg4[%add3A_2522, %dma_start3A_2527] : memref<100000x128xf32, #tpu.memory_space<hbm>> -> memref<32x128xf32, #tpu.memory_space<hbm>>
      %dma_start3A_2529 = arith.constant 0 : i32
      %dma_start3A_2530 = arith.constant 0 : i32
      %dma_start3A_2531 = tpu.memref_slice %arg7[%dma_start3A_2529, %dma_start3A_2530] : memref<128x128xf32, #tpu.memory_space<vmem>> -> memref<32x128xf32, #tpu.memory_space<vmem>>
      tpu.enqueue_dma source(%dma_start3A_2531 : memref<32x128xf32, #tpu.memory_space<vmem>>) target(%dma_start3A_2528 : memref<32x128xf32, #tpu.memory_space<hbm>>) target_semaphore(%arg21 : memref<!tpu.dma_semaphore, #tpu.memory_space<semaphore_mem>>)
    } else {
    }
    %add3A_746 = arith.constant 384 : i32
    %add3A_747 = arith.addi %mul3A_2, %add3A_746 : i32
    %add3A_748 = arith.constant 128 : i32
    %add3A_749 = arith.addi %add3A_747, %add3A_748 : i32
    %le3A_750 = arith.constant 100000 : i32
    %le3A_751 = arith.cmpi sle, %add3A_749, %le3A_750 : i32
    %convert_element_type3A_752 = arith.extui %le3A_751 : i1 to i32
    %cond3A_753 = arith.constant 0 : i32
    %cond3A_754 = arith.cmpi ne, %convert_element_type3A_752, %cond3A_753 : i32
    scf.if %cond3A_754 {
      %add3A_2521 = arith.constant 384 : i32
      %add3A_2522 = arith.addi %mul3A_2, %add3A_2521 : i32
      %dma_wait3A = arith.constant 0 : i32
      %dma_wait3A_2523 = tpu.memref_slice %arg4[%add3A_2522, %dma_wait3A] : memref<100000x128xf32, #tpu.memory_space<hbm>> -> memref<128x128xf32, #tpu.memory_space<hbm>>
      %dma_wait3A_2524 = arith.constant 0 : i32
      %dma_wait3A_2525 = tpu.memref_slice %arg4[%add3A_2522, %dma_wait3A_2524] : memref<100000x128xf32, #tpu.memory_space<hbm>> -> memref<128x128xf32, #tpu.memory_space<hbm>>
      tpu.wait_dma2 semaphore(%arg24 : memref<!tpu.dma_semaphore, #tpu.memory_space<semaphore_mem>>) src(%arg10 : memref<128x128xf32, #tpu.memory_space<vmem>>) dst(%dma_wait3A_2525 : memref<128x128xf32, #tpu.memory_space<hbm>>)
    } else {
    }
    %add3A_755 = arith.constant 384 : i32
    %add3A_756 = arith.addi %mul3A_2, %add3A_755 : i32
    %lt3A_757 = arith.constant 100000 : i32
    %lt3A_758 = arith.cmpi slt, %add3A_756, %lt3A_757 : i32
    %add3A_759 = arith.constant 384 : i32
    %add3A_760 = arith.addi %mul3A_2, %add3A_759 : i32
    %add3A_761 = arith.constant 128 : i32
    %add3A_762 = arith.addi %add3A_760, %add3A_761 : i32
    %le3A_763 = arith.constant 100000 : i32
    %le3A_764 = arith.cmpi sle, %add3A_762, %le3A_763 : i32
    %not3A_765 = arith.constant true
    %not3A_766 = arith.xori %le3A_764, %not3A_765 : i1
    %and3A_767 = arith.andi %lt3A_758, %not3A_766 : i1
    %convert_element_type3A_768 = arith.extui %and3A_767 : i1 to i32
    %cond3A_769 = arith.constant 0 : i32
    %cond3A_770 = arith.cmpi ne, %convert_element_type3A_768, %cond3A_769 : i32
    scf.if %cond3A_770 {
      %add3A_2521 = arith.constant 384 : i32
      %add3A_2522 = arith.addi %mul3A_2, %add3A_2521 : i32
      %dma_wait3A = arith.constant 0 : i32
      %dma_wait3A_2523 = arith.constant 0 : i32
      %dma_wait3A_2524 = tpu.memref_slice %arg10[%dma_wait3A, %dma_wait3A_2523] : memref<128x128xf32, #tpu.memory_space<vmem>> -> memref<32x128xf32, #tpu.memory_space<vmem>>
      %dma_wait3A_2525 = arith.constant 0 : i32
      %dma_wait3A_2526 = tpu.memref_slice %arg4[%add3A_2522, %dma_wait3A_2525] : memref<100000x128xf32, #tpu.memory_space<hbm>> -> memref<32x128xf32, #tpu.memory_space<hbm>>
      %dma_wait3A_2527 = arith.constant 0 : i32
      %dma_wait3A_2528 = tpu.memref_slice %arg4[%add3A_2522, %dma_wait3A_2527] : memref<100000x128xf32, #tpu.memory_space<hbm>> -> memref<32x128xf32, #tpu.memory_space<hbm>>
      %dma_wait3A_2529 = arith.constant 0 : i32
      %dma_wait3A_2530 = arith.constant 0 : i32
      %dma_wait3A_2531 = tpu.memref_slice %arg10[%dma_wait3A_2529, %dma_wait3A_2530] : memref<128x128xf32, #tpu.memory_space<vmem>> -> memref<32x128xf32, #tpu.memory_space<vmem>>
      tpu.wait_dma2 semaphore(%arg24 : memref<!tpu.dma_semaphore, #tpu.memory_space<semaphore_mem>>) src(%dma_wait3A_2531 : memref<32x128xf32, #tpu.memory_space<vmem>>) dst(%dma_wait3A_2528 : memref<32x128xf32, #tpu.memory_space<hbm>>)
    } else {
    }
    %add3A_771 = arith.constant 1280 : i32
    %add3A_772 = arith.addi %mul3A_2, %add3A_771 : i32
    %add3A_773 = arith.constant 128 : i32
    %add3A_774 = arith.addi %add3A_772, %add3A_773 : i32
    %le3A_775 = arith.constant 100000 : i32
    %le3A_776 = arith.cmpi sle, %add3A_774, %le3A_775 : i32
    %convert_element_type3A_777 = arith.extui %le3A_776 : i1 to i32
    %cond3A_778 = arith.constant 0 : i32
    %cond3A_779 = arith.cmpi ne, %convert_element_type3A_777, %cond3A_778 : i32
    scf.if %cond3A_779 {
      %dma_start3A = arith.constant 1280 : i32
      %dma_start3A_2521 = tpu.memref_slice %arg5[%dma_start3A] : memref<3200xi32, #tpu.memory_space<vmem>> -> memref<128xi32, #tpu.memory_space<vmem>>
      %dma_start3A_2522 = arith.constant 0 : i32
      %dma_start3A_2523 = arith.constant 0 : i32
      %dma_start3A_2524 = tpu.memref_slice %arg6[%dma_start3A_2522, %dma_start3A_2523] : memref<28x128xf32, #tpu.memory_space<vmem_shared>> -> memref<28x128xf32, #tpu.memory_space<vmem_shared>>
      tpu.enqueue_indirect_dma source(%dma_start3A_2524 : memref<28x128xf32, #tpu.memory_space<vmem_shared>>) target(%arg10 : memref<128x128xf32, #tpu.memory_space<vmem>>) offsets(%dma_start3A_2521 : memref<128xi32, #tpu.memory_space<vmem>>) semaphore(%arg17 : memref<!tpu.dma_semaphore, #tpu.memory_space<semaphore_mem>>)
    } else {
    }
    %add3A_780 = arith.constant 1280 : i32
    %add3A_781 = arith.addi %mul3A_2, %add3A_780 : i32
    %lt3A_782 = arith.constant 100000 : i32
    %lt3A_783 = arith.cmpi slt, %add3A_781, %lt3A_782 : i32
    %add3A_784 = arith.constant 1280 : i32
    %add3A_785 = arith.addi %mul3A_2, %add3A_784 : i32
    %add3A_786 = arith.constant 128 : i32
    %add3A_787 = arith.addi %add3A_785, %add3A_786 : i32
    %le3A_788 = arith.constant 100000 : i32
    %le3A_789 = arith.cmpi sle, %add3A_787, %le3A_788 : i32
    %not3A_790 = arith.constant true
    %not3A_791 = arith.xori %le3A_789, %not3A_790 : i1
    %and3A_792 = arith.andi %lt3A_783, %not3A_791 : i1
    %convert_element_type3A_793 = arith.extui %and3A_792 : i1 to i32
    %cond3A_794 = arith.constant 0 : i32
    %cond3A_795 = arith.cmpi ne, %convert_element_type3A_793, %cond3A_794 : i32
    scf.if %cond3A_795 {
      %dma_start3A = arith.constant 0 : i32
      %dma_start3A_2521 = arith.constant 0 : i32
      %dma_start3A_2522 = tpu.memref_slice %arg10[%dma_start3A, %dma_start3A_2521] : memref<128x128xf32, #tpu.memory_space<vmem>> -> memref<32x128xf32, #tpu.memory_space<vmem>>
      %dma_start3A_2523 = arith.constant 1280 : i32
      %dma_start3A_2524 = tpu.memref_slice %arg5[%dma_start3A_2523] : memref<3200xi32, #tpu.memory_space<vmem>> -> memref<32xi32, #tpu.memory_space<vmem>>
      %dma_start3A_2525 = arith.constant 0 : i32
      %dma_start3A_2526 = arith.constant 0 : i32
      %dma_start3A_2527 = tpu.memref_slice %arg6[%dma_start3A_2525, %dma_start3A_2526] : memref<28x128xf32, #tpu.memory_space<vmem_shared>> -> memref<28x128xf32, #tpu.memory_space<vmem_shared>>
      tpu.enqueue_indirect_dma source(%dma_start3A_2527 : memref<28x128xf32, #tpu.memory_space<vmem_shared>>) target(%dma_start3A_2522 : memref<32x128xf32, #tpu.memory_space<vmem>>) offsets(%dma_start3A_2524 : memref<32xi32, #tpu.memory_space<vmem>>) semaphore(%arg17 : memref<!tpu.dma_semaphore, #tpu.memory_space<semaphore_mem>>)
    } else {
    }
    %add3A_796 = arith.constant 1024 : i32
    %add3A_797 = arith.addi %mul3A_2, %add3A_796 : i32
    %add3A_798 = arith.constant 128 : i32
    %add3A_799 = arith.addi %add3A_797, %add3A_798 : i32
    %le3A_800 = arith.constant 100000 : i32
    %le3A_801 = arith.cmpi sle, %add3A_799, %le3A_800 : i32
    %convert_element_type3A_802 = arith.extui %le3A_801 : i1 to i32
    %cond3A_803 = arith.constant 0 : i32
    %cond3A_804 = arith.cmpi ne, %convert_element_type3A_802, %cond3A_803 : i32
    scf.if %cond3A_804 {
      %dma_wait3A = arith.constant 1024 : i32
      %dma_wait3A_2521 = tpu.memref_slice %arg5[%dma_wait3A] : memref<3200xi32, #tpu.memory_space<vmem>> -> memref<128xi32, #tpu.memory_space<vmem>>
      %dma_wait3A_2522 = arith.constant 0 : i32
      %dma_wait3A_2523 = arith.constant 0 : i32
      %dma_wait3A_2524 = tpu.memref_slice %arg6[%dma_wait3A_2522, %dma_wait3A_2523] : memref<28x128xf32, #tpu.memory_space<vmem_shared>> -> memref<28x128xf32, #tpu.memory_space<vmem_shared>>
      tpu.wait_indirect_dma semaphore(%arg15 : memref<!tpu.dma_semaphore, #tpu.memory_space<semaphore_mem>>) src(%dma_wait3A_2524 : memref<28x128xf32, #tpu.memory_space<vmem_shared>>) dst(%arg8 : memref<128x128xf32, #tpu.memory_space<vmem>>)
    } else {
    }
    %add3A_805 = arith.constant 1024 : i32
    %add3A_806 = arith.addi %mul3A_2, %add3A_805 : i32
    %lt3A_807 = arith.constant 100000 : i32
    %lt3A_808 = arith.cmpi slt, %add3A_806, %lt3A_807 : i32
    %add3A_809 = arith.constant 1024 : i32
    %add3A_810 = arith.addi %mul3A_2, %add3A_809 : i32
    %add3A_811 = arith.constant 128 : i32
    %add3A_812 = arith.addi %add3A_810, %add3A_811 : i32
    %le3A_813 = arith.constant 100000 : i32
    %le3A_814 = arith.cmpi sle, %add3A_812, %le3A_813 : i32
    %not3A_815 = arith.constant true
    %not3A_816 = arith.xori %le3A_814, %not3A_815 : i1
    %and3A_817 = arith.andi %lt3A_808, %not3A_816 : i1
    %convert_element_type3A_818 = arith.extui %and3A_817 : i1 to i32
    %cond3A_819 = arith.constant 0 : i32
    %cond3A_820 = arith.cmpi ne, %convert_element_type3A_818, %cond3A_819 : i32
    scf.if %cond3A_820 {
      %dma_wait3A = arith.constant 0 : i32
      %dma_wait3A_2521 = arith.constant 0 : i32
      %dma_wait3A_2522 = tpu.memref_slice %arg8[%dma_wait3A, %dma_wait3A_2521] : memref<128x128xf32, #tpu.memory_space<vmem>> -> memref<32x128xf32, #tpu.memory_space<vmem>>
      %dma_wait3A_2523 = arith.constant 1024 : i32
      %dma_wait3A_2524 = tpu.memref_slice %arg5[%dma_wait3A_2523] : memref<3200xi32, #tpu.memory_space<vmem>> -> memref<32xi32, #tpu.memory_space<vmem>>
      %dma_wait3A_2525 = arith.constant 0 : i32
      %dma_wait3A_2526 = arith.constant 0 : i32
      %dma_wait3A_2527 = tpu.memref_slice %arg6[%dma_wait3A_2525, %dma_wait3A_2526] : memref<28x128xf32, #tpu.memory_space<vmem_shared>> -> memref<28x128xf32, #tpu.memory_space<vmem_shared>>
      tpu.wait_indirect_dma semaphore(%arg15 : memref<!tpu.dma_semaphore, #tpu.memory_space<semaphore_mem>>) src(%dma_wait3A_2527 : memref<28x128xf32, #tpu.memory_space<vmem_shared>>) dst(%dma_wait3A_2522 : memref<32x128xf32, #tpu.memory_space<vmem>>)
    } else {
    }
    %add3A_821 = arith.constant 1024 : i32
    %add3A_822 = arith.addi %mul3A_2, %add3A_821 : i32
    %add3A_823 = arith.constant 128 : i32
    %add3A_824 = arith.addi %add3A_822, %add3A_823 : i32
    %le3A_825 = arith.constant 100000 : i32
    %le3A_826 = arith.cmpi sle, %add3A_824, %le3A_825 : i32
    %convert_element_type3A_827 = arith.extui %le3A_826 : i1 to i32
    %cond3A_828 = arith.constant 0 : i32
    %cond3A_829 = arith.cmpi ne, %convert_element_type3A_827, %cond3A_828 : i32
    scf.if %cond3A_829 {
      %add3A_2521 = arith.constant 1024 : i32
      %add3A_2522 = arith.addi %mul3A_2, %add3A_2521 : i32
      %dma_start3A = arith.constant 0 : i32
      %dma_start3A_2523 = tpu.memref_slice %arg4[%add3A_2522, %dma_start3A] : memref<100000x128xf32, #tpu.memory_space<hbm>> -> memref<128x128xf32, #tpu.memory_space<hbm>>
      %dma_start3A_2524 = arith.constant 0 : i32
      %dma_start3A_2525 = tpu.memref_slice %arg4[%add3A_2522, %dma_start3A_2524] : memref<100000x128xf32, #tpu.memory_space<hbm>> -> memref<128x128xf32, #tpu.memory_space<hbm>>
      tpu.enqueue_dma source(%arg8 : memref<128x128xf32, #tpu.memory_space<vmem>>) target(%dma_start3A_2525 : memref<128x128xf32, #tpu.memory_space<hbm>>) target_semaphore(%arg22 : memref<!tpu.dma_semaphore, #tpu.memory_space<semaphore_mem>>)
    } else {
    }
    %add3A_830 = arith.constant 1024 : i32
    %add3A_831 = arith.addi %mul3A_2, %add3A_830 : i32
    %lt3A_832 = arith.constant 100000 : i32
    %lt3A_833 = arith.cmpi slt, %add3A_831, %lt3A_832 : i32
    %add3A_834 = arith.constant 1024 : i32
    %add3A_835 = arith.addi %mul3A_2, %add3A_834 : i32
    %add3A_836 = arith.constant 128 : i32
    %add3A_837 = arith.addi %add3A_835, %add3A_836 : i32
    %le3A_838 = arith.constant 100000 : i32
    %le3A_839 = arith.cmpi sle, %add3A_837, %le3A_838 : i32
    %not3A_840 = arith.constant true
    %not3A_841 = arith.xori %le3A_839, %not3A_840 : i1
    %and3A_842 = arith.andi %lt3A_833, %not3A_841 : i1
    %convert_element_type3A_843 = arith.extui %and3A_842 : i1 to i32
    %cond3A_844 = arith.constant 0 : i32
    %cond3A_845 = arith.cmpi ne, %convert_element_type3A_843, %cond3A_844 : i32
    scf.if %cond3A_845 {
      %add3A_2521 = arith.constant 1024 : i32
      %add3A_2522 = arith.addi %mul3A_2, %add3A_2521 : i32
      %dma_start3A = arith.constant 0 : i32
      %dma_start3A_2523 = arith.constant 0 : i32
      %dma_start3A_2524 = tpu.memref_slice %arg8[%dma_start3A, %dma_start3A_2523] : memref<128x128xf32, #tpu.memory_space<vmem>> -> memref<32x128xf32, #tpu.memory_space<vmem>>
      %dma_start3A_2525 = arith.constant 0 : i32
      %dma_start3A_2526 = tpu.memref_slice %arg4[%add3A_2522, %dma_start3A_2525] : memref<100000x128xf32, #tpu.memory_space<hbm>> -> memref<32x128xf32, #tpu.memory_space<hbm>>
      %dma_start3A_2527 = arith.constant 0 : i32
      %dma_start3A_2528 = tpu.memref_slice %arg4[%add3A_2522, %dma_start3A_2527] : memref<100000x128xf32, #tpu.memory_space<hbm>> -> memref<32x128xf32, #tpu.memory_space<hbm>>
      %dma_start3A_2529 = arith.constant 0 : i32
      %dma_start3A_2530 = arith.constant 0 : i32
      %dma_start3A_2531 = tpu.memref_slice %arg8[%dma_start3A_2529, %dma_start3A_2530] : memref<128x128xf32, #tpu.memory_space<vmem>> -> memref<32x128xf32, #tpu.memory_space<vmem>>
      tpu.enqueue_dma source(%dma_start3A_2531 : memref<32x128xf32, #tpu.memory_space<vmem>>) target(%dma_start3A_2528 : memref<32x128xf32, #tpu.memory_space<hbm>>) target_semaphore(%arg22 : memref<!tpu.dma_semaphore, #tpu.memory_space<semaphore_mem>>)
    } else {
    }
    %add3A_846 = arith.constant 512 : i32
    %add3A_847 = arith.addi %mul3A_2, %add3A_846 : i32
    %add3A_848 = arith.constant 128 : i32
    %add3A_849 = arith.addi %add3A_847, %add3A_848 : i32
    %le3A_850 = arith.constant 100000 : i32
    %le3A_851 = arith.cmpi sle, %add3A_849, %le3A_850 : i32
    %convert_element_type3A_852 = arith.extui %le3A_851 : i1 to i32
    %cond3A_853 = arith.constant 0 : i32
    %cond3A_854 = arith.cmpi ne, %convert_element_type3A_852, %cond3A_853 : i32
    scf.if %cond3A_854 {
      %add3A_2521 = arith.constant 512 : i32
      %add3A_2522 = arith.addi %mul3A_2, %add3A_2521 : i32
      %dma_wait3A = arith.constant 0 : i32
      %dma_wait3A_2523 = tpu.memref_slice %arg4[%add3A_2522, %dma_wait3A] : memref<100000x128xf32, #tpu.memory_space<hbm>> -> memref<128x128xf32, #tpu.memory_space<hbm>>
      %dma_wait3A_2524 = arith.constant 0 : i32
      %dma_wait3A_2525 = tpu.memref_slice %arg4[%add3A_2522, %dma_wait3A_2524] : memref<100000x128xf32, #tpu.memory_space<hbm>> -> memref<128x128xf32, #tpu.memory_space<hbm>>
      tpu.wait_dma2 semaphore(%arg25 : memref<!tpu.dma_semaphore, #tpu.memory_space<semaphore_mem>>) src(%arg11 : memref<128x128xf32, #tpu.memory_space<vmem>>) dst(%dma_wait3A_2525 : memref<128x128xf32, #tpu.memory_space<hbm>>)
    } else {
    }
    %add3A_855 = arith.constant 512 : i32
    %add3A_856 = arith.addi %mul3A_2, %add3A_855 : i32
    %lt3A_857 = arith.constant 100000 : i32
    %lt3A_858 = arith.cmpi slt, %add3A_856, %lt3A_857 : i32
    %add3A_859 = arith.constant 512 : i32
    %add3A_860 = arith.addi %mul3A_2, %add3A_859 : i32
    %add3A_861 = arith.constant 128 : i32
    %add3A_862 = arith.addi %add3A_860, %add3A_861 : i32
    %le3A_863 = arith.constant 100000 : i32
    %le3A_864 = arith.cmpi sle, %add3A_862, %le3A_863 : i32
    %not3A_865 = arith.constant true
    %not3A_866 = arith.xori %le3A_864, %not3A_865 : i1
    %and3A_867 = arith.andi %lt3A_858, %not3A_866 : i1
    %convert_element_type3A_868 = arith.extui %and3A_867 : i1 to i32
    %cond3A_869 = arith.constant 0 : i32
    %cond3A_870 = arith.cmpi ne, %convert_element_type3A_868, %cond3A_869 : i32
    scf.if %cond3A_870 {
      %add3A_2521 = arith.constant 512 : i32
      %add3A_2522 = arith.addi %mul3A_2, %add3A_2521 : i32
      %dma_wait3A = arith.constant 0 : i32
      %dma_wait3A_2523 = arith.constant 0 : i32
      %dma_wait3A_2524 = tpu.memref_slice %arg11[%dma_wait3A, %dma_wait3A_2523] : memref<128x128xf32, #tpu.memory_space<vmem>> -> memref<32x128xf32, #tpu.memory_space<vmem>>
      %dma_wait3A_2525 = arith.constant 0 : i32
      %dma_wait3A_2526 = tpu.memref_slice %arg4[%add3A_2522, %dma_wait3A_2525] : memref<100000x128xf32, #tpu.memory_space<hbm>> -> memref<32x128xf32, #tpu.memory_space<hbm>>
      %dma_wait3A_2527 = arith.constant 0 : i32
      %dma_wait3A_2528 = tpu.memref_slice %arg4[%add3A_2522, %dma_wait3A_2527] : memref<100000x128xf32, #tpu.memory_space<hbm>> -> memref<32x128xf32, #tpu.memory_space<hbm>>
      %dma_wait3A_2529 = arith.constant 0 : i32
      %dma_wait3A_2530 = arith.constant 0 : i32
      %dma_wait3A_2531 = tpu.memref_slice %arg11[%dma_wait3A_2529, %dma_wait3A_2530] : memref<128x128xf32, #tpu.memory_space<vmem>> -> memref<32x128xf32, #tpu.memory_space<vmem>>
      tpu.wait_dma2 semaphore(%arg25 : memref<!tpu.dma_semaphore, #tpu.memory_space<semaphore_mem>>) src(%dma_wait3A_2531 : memref<32x128xf32, #tpu.memory_space<vmem>>) dst(%dma_wait3A_2528 : memref<32x128xf32, #tpu.memory_space<hbm>>)
    } else {
    }
    %add3A_871 = arith.constant 1408 : i32
    %add3A_872 = arith.addi %mul3A_2, %add3A_871 : i32
    %add3A_873 = arith.constant 128 : i32
    %add3A_874 = arith.addi %add3A_872, %add3A_873 : i32
    %le3A_875 = arith.constant 100000 : i32
    %le3A_876 = arith.cmpi sle, %add3A_874, %le3A_875 : i32
    %convert_element_type3A_877 = arith.extui %le3A_876 : i1 to i32
    %cond3A_878 = arith.constant 0 : i32
    %cond3A_879 = arith.cmpi ne, %convert_element_type3A_877, %cond3A_878 : i32
    scf.if %cond3A_879 {
      %dma_start3A = arith.constant 1408 : i32
      %dma_start3A_2521 = tpu.memref_slice %arg5[%dma_start3A] : memref<3200xi32, #tpu.memory_space<vmem>> -> memref<128xi32, #tpu.memory_space<vmem>>
      %dma_start3A_2522 = arith.constant 0 : i32
      %dma_start3A_2523 = arith.constant 0 : i32
      %dma_start3A_2524 = tpu.memref_slice %arg6[%dma_start3A_2522, %dma_start3A_2523] : memref<28x128xf32, #tpu.memory_space<vmem_shared>> -> memref<28x128xf32, #tpu.memory_space<vmem_shared>>
      tpu.enqueue_indirect_dma source(%dma_start3A_2524 : memref<28x128xf32, #tpu.memory_space<vmem_shared>>) target(%arg11 : memref<128x128xf32, #tpu.memory_space<vmem>>) offsets(%dma_start3A_2521 : memref<128xi32, #tpu.memory_space<vmem>>) semaphore(%arg18 : memref<!tpu.dma_semaphore, #tpu.memory_space<semaphore_mem>>)
    } else {
    }
    %add3A_880 = arith.constant 1408 : i32
    %add3A_881 = arith.addi %mul3A_2, %add3A_880 : i32
    %lt3A_882 = arith.constant 100000 : i32
    %lt3A_883 = arith.cmpi slt, %add3A_881, %lt3A_882 : i32
    %add3A_884 = arith.constant 1408 : i32
    %add3A_885 = arith.addi %mul3A_2, %add3A_884 : i32
    %add3A_886 = arith.constant 128 : i32
    %add3A_887 = arith.addi %add3A_885, %add3A_886 : i32
    %le3A_888 = arith.constant 100000 : i32
    %le3A_889 = arith.cmpi sle, %add3A_887, %le3A_888 : i32
    %not3A_890 = arith.constant true
    %not3A_891 = arith.xori %le3A_889, %not3A_890 : i1
    %and3A_892 = arith.andi %lt3A_883, %not3A_891 : i1
    %convert_element_type3A_893 = arith.extui %and3A_892 : i1 to i32
    %cond3A_894 = arith.constant 0 : i32
    %cond3A_895 = arith.cmpi ne, %convert_element_type3A_893, %cond3A_894 : i32
    scf.if %cond3A_895 {
      %dma_start3A = arith.constant 0 : i32
      %dma_start3A_2521 = arith.constant 0 : i32
      %dma_start3A_2522 = tpu.memref_slice %arg11[%dma_start3A, %dma_start3A_2521] : memref<128x128xf32, #tpu.memory_space<vmem>> -> memref<32x128xf32, #tpu.memory_space<vmem>>
      %dma_start3A_2523 = arith.constant 1408 : i32
      %dma_start3A_2524 = tpu.memref_slice %arg5[%dma_start3A_2523] : memref<3200xi32, #tpu.memory_space<vmem>> -> memref<32xi32, #tpu.memory_space<vmem>>
      %dma_start3A_2525 = arith.constant 0 : i32
      %dma_start3A_2526 = arith.constant 0 : i32
      %dma_start3A_2527 = tpu.memref_slice %arg6[%dma_start3A_2525, %dma_start3A_2526] : memref<28x128xf32, #tpu.memory_space<vmem_shared>> -> memref<28x128xf32, #tpu.memory_space<vmem_shared>>
      tpu.enqueue_indirect_dma source(%dma_start3A_2527 : memref<28x128xf32, #tpu.memory_space<vmem_shared>>) target(%dma_start3A_2522 : memref<32x128xf32, #tpu.memory_space<vmem>>) offsets(%dma_start3A_2524 : memref<32xi32, #tpu.memory_space<vmem>>) semaphore(%arg18 : memref<!tpu.dma_semaphore, #tpu.memory_space<semaphore_mem>>)
    } else {
    }
    %add3A_896 = arith.constant 1152 : i32
    %add3A_897 = arith.addi %mul3A_2, %add3A_896 : i32
    %add3A_898 = arith.constant 128 : i32
    %add3A_899 = arith.addi %add3A_897, %add3A_898 : i32
    %le3A_900 = arith.constant 100000 : i32
    %le3A_901 = arith.cmpi sle, %add3A_899, %le3A_900 : i32
    %convert_element_type3A_902 = arith.extui %le3A_901 : i1 to i32
    %cond3A_903 = arith.constant 0 : i32
    %cond3A_904 = arith.cmpi ne, %convert_element_type3A_902, %cond3A_903 : i32
    scf.if %cond3A_904 {
      %dma_wait3A = arith.constant 1152 : i32
      %dma_wait3A_2521 = tpu.memref_slice %arg5[%dma_wait3A] : memref<3200xi32, #tpu.memory_space<vmem>> -> memref<128xi32, #tpu.memory_space<vmem>>
      %dma_wait3A_2522 = arith.constant 0 : i32
      %dma_wait3A_2523 = arith.constant 0 : i32
      %dma_wait3A_2524 = tpu.memref_slice %arg6[%dma_wait3A_2522, %dma_wait3A_2523] : memref<28x128xf32, #tpu.memory_space<vmem_shared>> -> memref<28x128xf32, #tpu.memory_space<vmem_shared>>
      tpu.wait_indirect_dma semaphore(%arg16 : memref<!tpu.dma_semaphore, #tpu.memory_space<semaphore_mem>>) src(%dma_wait3A_2524 : memref<28x128xf32, #tpu.memory_space<vmem_shared>>) dst(%arg9 : memref<128x128xf32, #tpu.memory_space<vmem>>)
    } else {
    }
    %add3A_905 = arith.constant 1152 : i32
    %add3A_906 = arith.addi %mul3A_2, %add3A_905 : i32
    %lt3A_907 = arith.constant 100000 : i32
    %lt3A_908 = arith.cmpi slt, %add3A_906, %lt3A_907 : i32
    %add3A_909 = arith.constant 1152 : i32
    %add3A_910 = arith.addi %mul3A_2, %add3A_909 : i32
    %add3A_911 = arith.constant 128 : i32
    %add3A_912 = arith.addi %add3A_910, %add3A_911 : i32
    %le3A_913 = arith.constant 100000 : i32
    %le3A_914 = arith.cmpi sle, %add3A_912, %le3A_913 : i32
    %not3A_915 = arith.constant true
    %not3A_916 = arith.xori %le3A_914, %not3A_915 : i1
    %and3A_917 = arith.andi %lt3A_908, %not3A_916 : i1
    %convert_element_type3A_918 = arith.extui %and3A_917 : i1 to i32
    %cond3A_919 = arith.constant 0 : i32
    %cond3A_920 = arith.cmpi ne, %convert_element_type3A_918, %cond3A_919 : i32
    scf.if %cond3A_920 {
      %dma_wait3A = arith.constant 0 : i32
      %dma_wait3A_2521 = arith.constant 0 : i32
      %dma_wait3A_2522 = tpu.memref_slice %arg9[%dma_wait3A, %dma_wait3A_2521] : memref<128x128xf32, #tpu.memory_space<vmem>> -> memref<32x128xf32, #tpu.memory_space<vmem>>
      %dma_wait3A_2523 = arith.constant 1152 : i32
      %dma_wait3A_2524 = tpu.memref_slice %arg5[%dma_wait3A_2523] : memref<3200xi32, #tpu.memory_space<vmem>> -> memref<32xi32, #tpu.memory_space<vmem>>
      %dma_wait3A_2525 = arith.constant 0 : i32
      %dma_wait3A_2526 = arith.constant 0 : i32
      %dma_wait3A_2527 = tpu.memref_slice %arg6[%dma_wait3A_2525, %dma_wait3A_2526] : memref<28x128xf32, #tpu.memory_space<vmem_shared>> -> memref<28x128xf32, #tpu.memory_space<vmem_shared>>
      tpu.wait_indirect_dma semaphore(%arg16 : memref<!tpu.dma_semaphore, #tpu.memory_space<semaphore_mem>>) src(%dma_wait3A_2527 : memref<28x128xf32, #tpu.memory_space<vmem_shared>>) dst(%dma_wait3A_2522 : memref<32x128xf32, #tpu.memory_space<vmem>>)
    } else {
    }
    %add3A_921 = arith.constant 1152 : i32
    %add3A_922 = arith.addi %mul3A_2, %add3A_921 : i32
    %add3A_923 = arith.constant 128 : i32
    %add3A_924 = arith.addi %add3A_922, %add3A_923 : i32
    %le3A_925 = arith.constant 100000 : i32
    %le3A_926 = arith.cmpi sle, %add3A_924, %le3A_925 : i32
    %convert_element_type3A_927 = arith.extui %le3A_926 : i1 to i32
    %cond3A_928 = arith.constant 0 : i32
    %cond3A_929 = arith.cmpi ne, %convert_element_type3A_927, %cond3A_928 : i32
    scf.if %cond3A_929 {
      %add3A_2521 = arith.constant 1152 : i32
      %add3A_2522 = arith.addi %mul3A_2, %add3A_2521 : i32
      %dma_start3A = arith.constant 0 : i32
      %dma_start3A_2523 = tpu.memref_slice %arg4[%add3A_2522, %dma_start3A] : memref<100000x128xf32, #tpu.memory_space<hbm>> -> memref<128x128xf32, #tpu.memory_space<hbm>>
      %dma_start3A_2524 = arith.constant 0 : i32
      %dma_start3A_2525 = tpu.memref_slice %arg4[%add3A_2522, %dma_start3A_2524] : memref<100000x128xf32, #tpu.memory_space<hbm>> -> memref<128x128xf32, #tpu.memory_space<hbm>>
      tpu.enqueue_dma source(%arg9 : memref<128x128xf32, #tpu.memory_space<vmem>>) target(%dma_start3A_2525 : memref<128x128xf32, #tpu.memory_space<hbm>>) target_semaphore(%arg23 : memref<!tpu.dma_semaphore, #tpu.memory_space<semaphore_mem>>)
    } else {
    }
    %add3A_930 = arith.constant 1152 : i32
    %add3A_931 = arith.addi %mul3A_2, %add3A_930 : i32
    %lt3A_932 = arith.constant 100000 : i32
    %lt3A_933 = arith.cmpi slt, %add3A_931, %lt3A_932 : i32
    %add3A_934 = arith.constant 1152 : i32
    %add3A_935 = arith.addi %mul3A_2, %add3A_934 : i32
    %add3A_936 = arith.constant 128 : i32
    %add3A_937 = arith.addi %add3A_935, %add3A_936 : i32
    %le3A_938 = arith.constant 100000 : i32
    %le3A_939 = arith.cmpi sle, %add3A_937, %le3A_938 : i32
    %not3A_940 = arith.constant true
    %not3A_941 = arith.xori %le3A_939, %not3A_940 : i1
    %and3A_942 = arith.andi %lt3A_933, %not3A_941 : i1
    %convert_element_type3A_943 = arith.extui %and3A_942 : i1 to i32
    %cond3A_944 = arith.constant 0 : i32
    %cond3A_945 = arith.cmpi ne, %convert_element_type3A_943, %cond3A_944 : i32
    scf.if %cond3A_945 {
      %add3A_2521 = arith.constant 1152 : i32
      %add3A_2522 = arith.addi %mul3A_2, %add3A_2521 : i32
      %dma_start3A = arith.constant 0 : i32
      %dma_start3A_2523 = arith.constant 0 : i32
      %dma_start3A_2524 = tpu.memref_slice %arg9[%dma_start3A, %dma_start3A_2523] : memref<128x128xf32, #tpu.memory_space<vmem>> -> memref<32x128xf32, #tpu.memory_space<vmem>>
      %dma_start3A_2525 = arith.constant 0 : i32
      %dma_start3A_2526 = tpu.memref_slice %arg4[%add3A_2522, %dma_start3A_2525] : memref<100000x128xf32, #tpu.memory_space<hbm>> -> memref<32x128xf32, #tpu.memory_space<hbm>>
      %dma_start3A_2527 = arith.constant 0 : i32
      %dma_start3A_2528 = tpu.memref_slice %arg4[%add3A_2522, %dma_start3A_2527] : memref<100000x128xf32, #tpu.memory_space<hbm>> -> memref<32x128xf32, #tpu.memory_space<hbm>>
      %dma_start3A_2529 = arith.constant 0 : i32
      %dma_start3A_2530 = arith.constant 0 : i32
      %dma_start3A_2531 = tpu.memref_slice %arg9[%dma_start3A_2529, %dma_start3A_2530] : memref<128x128xf32, #tpu.memory_space<vmem>> -> memref<32x128xf32, #tpu.memory_space<vmem>>
      tpu.enqueue_dma source(%dma_start3A_2531 : memref<32x128xf32, #tpu.memory_space<vmem>>) target(%dma_start3A_2528 : memref<32x128xf32, #tpu.memory_space<hbm>>) target_semaphore(%arg23 : memref<!tpu.dma_semaphore, #tpu.memory_space<semaphore_mem>>)
    } else {
    }
    %add3A_946 = arith.constant 640 : i32
    %add3A_947 = arith.addi %mul3A_2, %add3A_946 : i32
    %add3A_948 = arith.constant 128 : i32
    %add3A_949 = arith.addi %add3A_947, %add3A_948 : i32
    %le3A_950 = arith.constant 100000 : i32
    %le3A_951 = arith.cmpi sle, %add3A_949, %le3A_950 : i32
    %convert_element_type3A_952 = arith.extui %le3A_951 : i1 to i32
    %cond3A_953 = arith.constant 0 : i32
    %cond3A_954 = arith.cmpi ne, %convert_element_type3A_952, %cond3A_953 : i32
    scf.if %cond3A_954 {
      %add3A_2521 = arith.constant 640 : i32
      %add3A_2522 = arith.addi %mul3A_2, %add3A_2521 : i32
      %dma_wait3A = arith.constant 0 : i32
      %dma_wait3A_2523 = tpu.memref_slice %arg4[%add3A_2522, %dma_wait3A] : memref<100000x128xf32, #tpu.memory_space<hbm>> -> memref<128x128xf32, #tpu.memory_space<hbm>>
      %dma_wait3A_2524 = arith.constant 0 : i32
      %dma_wait3A_2525 = tpu.memref_slice %arg4[%add3A_2522, %dma_wait3A_2524] : memref<100000x128xf32, #tpu.memory_space<hbm>> -> memref<128x128xf32, #tpu.memory_space<hbm>>
      tpu.wait_dma2 semaphore(%arg26 : memref<!tpu.dma_semaphore, #tpu.memory_space<semaphore_mem>>) src(%arg12 : memref<128x128xf32, #tpu.memory_space<vmem>>) dst(%dma_wait3A_2525 : memref<128x128xf32, #tpu.memory_space<hbm>>)
    } else {
    }
    %add3A_955 = arith.constant 640 : i32
    %add3A_956 = arith.addi %mul3A_2, %add3A_955 : i32
    %lt3A_957 = arith.constant 100000 : i32
    %lt3A_958 = arith.cmpi slt, %add3A_956, %lt3A_957 : i32
    %add3A_959 = arith.constant 640 : i32
    %add3A_960 = arith.addi %mul3A_2, %add3A_959 : i32
    %add3A_961 = arith.constant 128 : i32
    %add3A_962 = arith.addi %add3A_960, %add3A_961 : i32
    %le3A_963 = arith.constant 100000 : i32
    %le3A_964 = arith.cmpi sle, %add3A_962, %le3A_963 : i32
    %not3A_965 = arith.constant true
    %not3A_966 = arith.xori %le3A_964, %not3A_965 : i1
    %and3A_967 = arith.andi %lt3A_958, %not3A_966 : i1
    %convert_element_type3A_968 = arith.extui %and3A_967 : i1 to i32
    %cond3A_969 = arith.constant 0 : i32
    %cond3A_970 = arith.cmpi ne, %convert_element_type3A_968, %cond3A_969 : i32
    scf.if %cond3A_970 {
      %add3A_2521 = arith.constant 640 : i32
      %add3A_2522 = arith.addi %mul3A_2, %add3A_2521 : i32
      %dma_wait3A = arith.constant 0 : i32
      %dma_wait3A_2523 = arith.constant 0 : i32
      %dma_wait3A_2524 = tpu.memref_slice %arg12[%dma_wait3A, %dma_wait3A_2523] : memref<128x128xf32, #tpu.memory_space<vmem>> -> memref<32x128xf32, #tpu.memory_space<vmem>>
      %dma_wait3A_2525 = arith.constant 0 : i32
      %dma_wait3A_2526 = tpu.memref_slice %arg4[%add3A_2522, %dma_wait3A_2525] : memref<100000x128xf32, #tpu.memory_space<hbm>> -> memref<32x128xf32, #tpu.memory_space<hbm>>
      %dma_wait3A_2527 = arith.constant 0 : i32
      %dma_wait3A_2528 = tpu.memref_slice %arg4[%add3A_2522, %dma_wait3A_2527] : memref<100000x128xf32, #tpu.memory_space<hbm>> -> memref<32x128xf32, #tpu.memory_space<hbm>>
      %dma_wait3A_2529 = arith.constant 0 : i32
      %dma_wait3A_2530 = arith.constant 0 : i32
      %dma_wait3A_2531 = tpu.memref_slice %arg12[%dma_wait3A_2529, %dma_wait3A_2530] : memref<128x128xf32, #tpu.memory_space<vmem>> -> memref<32x128xf32, #tpu.memory_space<vmem>>
      tpu.wait_dma2 semaphore(%arg26 : memref<!tpu.dma_semaphore, #tpu.memory_space<semaphore_mem>>) src(%dma_wait3A_2531 : memref<32x128xf32, #tpu.memory_space<vmem>>) dst(%dma_wait3A_2528 : memref<32x128xf32, #tpu.memory_space<hbm>>)
    } else {
    }
    %add3A_971 = arith.constant 1536 : i32
    %add3A_972 = arith.addi %mul3A_2, %add3A_971 : i32
    %add3A_973 = arith.constant 128 : i32
    %add3A_974 = arith.addi %add3A_972, %add3A_973 : i32
    %le3A_975 = arith.constant 100000 : i32
    %le3A_976 = arith.cmpi sle, %add3A_974, %le3A_975 : i32
    %convert_element_type3A_977 = arith.extui %le3A_976 : i1 to i32
    %cond3A_978 = arith.constant 0 : i32
    %cond3A_979 = arith.cmpi ne, %convert_element_type3A_977, %cond3A_978 : i32
    scf.if %cond3A_979 {
      %dma_start3A = arith.constant 1536 : i32
      %dma_start3A_2521 = tpu.memref_slice %arg5[%dma_start3A] : memref<3200xi32, #tpu.memory_space<vmem>> -> memref<128xi32, #tpu.memory_space<vmem>>
      %dma_start3A_2522 = arith.constant 0 : i32
      %dma_start3A_2523 = arith.constant 0 : i32
      %dma_start3A_2524 = tpu.memref_slice %arg6[%dma_start3A_2522, %dma_start3A_2523] : memref<28x128xf32, #tpu.memory_space<vmem_shared>> -> memref<28x128xf32, #tpu.memory_space<vmem_shared>>
      tpu.enqueue_indirect_dma source(%dma_start3A_2524 : memref<28x128xf32, #tpu.memory_space<vmem_shared>>) target(%arg12 : memref<128x128xf32, #tpu.memory_space<vmem>>) offsets(%dma_start3A_2521 : memref<128xi32, #tpu.memory_space<vmem>>) semaphore(%arg19 : memref<!tpu.dma_semaphore, #tpu.memory_space<semaphore_mem>>)
    } else {
    }
    %add3A_980 = arith.constant 1536 : i32
    %add3A_981 = arith.addi %mul3A_2, %add3A_980 : i32
    %lt3A_982 = arith.constant 100000 : i32
    %lt3A_983 = arith.cmpi slt, %add3A_981, %lt3A_982 : i32
    %add3A_984 = arith.constant 1536 : i32
    %add3A_985 = arith.addi %mul3A_2, %add3A_984 : i32
    %add3A_986 = arith.constant 128 : i32
    %add3A_987 = arith.addi %add3A_985, %add3A_986 : i32
    %le3A_988 = arith.constant 100000 : i32
    %le3A_989 = arith.cmpi sle, %add3A_987, %le3A_988 : i32
    %not3A_990 = arith.constant true
    %not3A_991 = arith.xori %le3A_989, %not3A_990 : i1
    %and3A_992 = arith.andi %lt3A_983, %not3A_991 : i1
    %convert_element_type3A_993 = arith.extui %and3A_992 : i1 to i32
    %cond3A_994 = arith.constant 0 : i32
    %cond3A_995 = arith.cmpi ne, %convert_element_type3A_993, %cond3A_994 : i32
    scf.if %cond3A_995 {
      %dma_start3A = arith.constant 0 : i32
      %dma_start3A_2521 = arith.constant 0 : i32
      %dma_start3A_2522 = tpu.memref_slice %arg12[%dma_start3A, %dma_start3A_2521] : memref<128x128xf32, #tpu.memory_space<vmem>> -> memref<32x128xf32, #tpu.memory_space<vmem>>
      %dma_start3A_2523 = arith.constant 1536 : i32
      %dma_start3A_2524 = tpu.memref_slice %arg5[%dma_start3A_2523] : memref<3200xi32, #tpu.memory_space<vmem>> -> memref<32xi32, #tpu.memory_space<vmem>>
      %dma_start3A_2525 = arith.constant 0 : i32
      %dma_start3A_2526 = arith.constant 0 : i32
      %dma_start3A_2527 = tpu.memref_slice %arg6[%dma_start3A_2525, %dma_start3A_2526] : memref<28x128xf32, #tpu.memory_space<vmem_shared>> -> memref<28x128xf32, #tpu.memory_space<vmem_shared>>
      tpu.enqueue_indirect_dma source(%dma_start3A_2527 : memref<28x128xf32, #tpu.memory_space<vmem_shared>>) target(%dma_start3A_2522 : memref<32x128xf32, #tpu.memory_space<vmem>>) offsets(%dma_start3A_2524 : memref<32xi32, #tpu.memory_space<vmem>>) semaphore(%arg19 : memref<!tpu.dma_semaphore, #tpu.memory_space<semaphore_mem>>)
    } else {
    }
    %add3A_996 = arith.constant 1280 : i32
    %add3A_997 = arith.addi %mul3A_2, %add3A_996 : i32
    %add3A_998 = arith.constant 128 : i32
    %add3A_999 = arith.addi %add3A_997, %add3A_998 : i32
    %le3A_1000 = arith.constant 100000 : i32
    %le3A_1001 = arith.cmpi sle, %add3A_999, %le3A_1000 : i32
    %convert_element_type3A_1002 = arith.extui %le3A_1001 : i1 to i32
    %cond3A_1003 = arith.constant 0 : i32
    %cond3A_1004 = arith.cmpi ne, %convert_element_type3A_1002, %cond3A_1003 : i32
    scf.if %cond3A_1004 {
      %dma_wait3A = arith.constant 1280 : i32
      %dma_wait3A_2521 = tpu.memref_slice %arg5[%dma_wait3A] : memref<3200xi32, #tpu.memory_space<vmem>> -> memref<128xi32, #tpu.memory_space<vmem>>
      %dma_wait3A_2522 = arith.constant 0 : i32
      %dma_wait3A_2523 = arith.constant 0 : i32
      %dma_wait3A_2524 = tpu.memref_slice %arg6[%dma_wait3A_2522, %dma_wait3A_2523] : memref<28x128xf32, #tpu.memory_space<vmem_shared>> -> memref<28x128xf32, #tpu.memory_space<vmem_shared>>
      tpu.wait_indirect_dma semaphore(%arg17 : memref<!tpu.dma_semaphore, #tpu.memory_space<semaphore_mem>>) src(%dma_wait3A_2524 : memref<28x128xf32, #tpu.memory_space<vmem_shared>>) dst(%arg10 : memref<128x128xf32, #tpu.memory_space<vmem>>)
    } else {
    }
    %add3A_1005 = arith.constant 1280 : i32
    %add3A_1006 = arith.addi %mul3A_2, %add3A_1005 : i32
    %lt3A_1007 = arith.constant 100000 : i32
    %lt3A_1008 = arith.cmpi slt, %add3A_1006, %lt3A_1007 : i32
    %add3A_1009 = arith.constant 1280 : i32
    %add3A_1010 = arith.addi %mul3A_2, %add3A_1009 : i32
    %add3A_1011 = arith.constant 128 : i32
    %add3A_1012 = arith.addi %add3A_1010, %add3A_1011 : i32
    %le3A_1013 = arith.constant 100000 : i32
    %le3A_1014 = arith.cmpi sle, %add3A_1012, %le3A_1013 : i32
    %not3A_1015 = arith.constant true
    %not3A_1016 = arith.xori %le3A_1014, %not3A_1015 : i1
    %and3A_1017 = arith.andi %lt3A_1008, %not3A_1016 : i1
    %convert_element_type3A_1018 = arith.extui %and3A_1017 : i1 to i32
    %cond3A_1019 = arith.constant 0 : i32
    %cond3A_1020 = arith.cmpi ne, %convert_element_type3A_1018, %cond3A_1019 : i32
    scf.if %cond3A_1020 {
      %dma_wait3A = arith.constant 0 : i32
      %dma_wait3A_2521 = arith.constant 0 : i32
      %dma_wait3A_2522 = tpu.memref_slice %arg10[%dma_wait3A, %dma_wait3A_2521] : memref<128x128xf32, #tpu.memory_space<vmem>> -> memref<32x128xf32, #tpu.memory_space<vmem>>
      %dma_wait3A_2523 = arith.constant 1280 : i32
      %dma_wait3A_2524 = tpu.memref_slice %arg5[%dma_wait3A_2523] : memref<3200xi32, #tpu.memory_space<vmem>> -> memref<32xi32, #tpu.memory_space<vmem>>
      %dma_wait3A_2525 = arith.constant 0 : i32
      %dma_wait3A_2526 = arith.constant 0 : i32
      %dma_wait3A_2527 = tpu.memref_slice %arg6[%dma_wait3A_2525, %dma_wait3A_2526] : memref<28x128xf32, #tpu.memory_space<vmem_shared>> -> memref<28x128xf32, #tpu.memory_space<vmem_shared>>
      tpu.wait_indirect_dma semaphore(%arg17 : memref<!tpu.dma_semaphore, #tpu.memory_space<semaphore_mem>>) src(%dma_wait3A_2527 : memref<28x128xf32, #tpu.memory_space<vmem_shared>>) dst(%dma_wait3A_2522 : memref<32x128xf32, #tpu.memory_space<vmem>>)
    } else {
    }
    %add3A_1021 = arith.constant 1280 : i32
    %add3A_1022 = arith.addi %mul3A_2, %add3A_1021 : i32
    %add3A_1023 = arith.constant 128 : i32
    %add3A_1024 = arith.addi %add3A_1022, %add3A_1023 : i32
    %le3A_1025 = arith.constant 100000 : i32
    %le3A_1026 = arith.cmpi sle, %add3A_1024, %le3A_1025 : i32
    %convert_element_type3A_1027 = arith.extui %le3A_1026 : i1 to i32
    %cond3A_1028 = arith.constant 0 : i32
    %cond3A_1029 = arith.cmpi ne, %convert_element_type3A_1027, %cond3A_1028 : i32
    scf.if %cond3A_1029 {
      %add3A_2521 = arith.constant 1280 : i32
      %add3A_2522 = arith.addi %mul3A_2, %add3A_2521 : i32
      %dma_start3A = arith.constant 0 : i32
      %dma_start3A_2523 = tpu.memref_slice %arg4[%add3A_2522, %dma_start3A] : memref<100000x128xf32, #tpu.memory_space<hbm>> -> memref<128x128xf32, #tpu.memory_space<hbm>>
      %dma_start3A_2524 = arith.constant 0 : i32
      %dma_start3A_2525 = tpu.memref_slice %arg4[%add3A_2522, %dma_start3A_2524] : memref<100000x128xf32, #tpu.memory_space<hbm>> -> memref<128x128xf32, #tpu.memory_space<hbm>>
      tpu.enqueue_dma source(%arg10 : memref<128x128xf32, #tpu.memory_space<vmem>>) target(%dma_start3A_2525 : memref<128x128xf32, #tpu.memory_space<hbm>>) target_semaphore(%arg24 : memref<!tpu.dma_semaphore, #tpu.memory_space<semaphore_mem>>)
    } else {
    }
    %add3A_1030 = arith.constant 1280 : i32
    %add3A_1031 = arith.addi %mul3A_2, %add3A_1030 : i32
    %lt3A_1032 = arith.constant 100000 : i32
    %lt3A_1033 = arith.cmpi slt, %add3A_1031, %lt3A_1032 : i32
    %add3A_1034 = arith.constant 1280 : i32
    %add3A_1035 = arith.addi %mul3A_2, %add3A_1034 : i32
    %add3A_1036 = arith.constant 128 : i32
    %add3A_1037 = arith.addi %add3A_1035, %add3A_1036 : i32
    %le3A_1038 = arith.constant 100000 : i32
    %le3A_1039 = arith.cmpi sle, %add3A_1037, %le3A_1038 : i32
    %not3A_1040 = arith.constant true
    %not3A_1041 = arith.xori %le3A_1039, %not3A_1040 : i1
    %and3A_1042 = arith.andi %lt3A_1033, %not3A_1041 : i1
    %convert_element_type3A_1043 = arith.extui %and3A_1042 : i1 to i32
    %cond3A_1044 = arith.constant 0 : i32
    %cond3A_1045 = arith.cmpi ne, %convert_element_type3A_1043, %cond3A_1044 : i32
    scf.if %cond3A_1045 {
      %add3A_2521 = arith.constant 1280 : i32
      %add3A_2522 = arith.addi %mul3A_2, %add3A_2521 : i32
      %dma_start3A = arith.constant 0 : i32
      %dma_start3A_2523 = arith.constant 0 : i32
      %dma_start3A_2524 = tpu.memref_slice %arg10[%dma_start3A, %dma_start3A_2523] : memref<128x128xf32, #tpu.memory_space<vmem>> -> memref<32x128xf32, #tpu.memory_space<vmem>>
      %dma_start3A_2525 = arith.constant 0 : i32
      %dma_start3A_2526 = tpu.memref_slice %arg4[%add3A_2522, %dma_start3A_2525] : memref<100000x128xf32, #tpu.memory_space<hbm>> -> memref<32x128xf32, #tpu.memory_space<hbm>>
      %dma_start3A_2527 = arith.constant 0 : i32
      %dma_start3A_2528 = tpu.memref_slice %arg4[%add3A_2522, %dma_start3A_2527] : memref<100000x128xf32, #tpu.memory_space<hbm>> -> memref<32x128xf32, #tpu.memory_space<hbm>>
      %dma_start3A_2529 = arith.constant 0 : i32
      %dma_start3A_2530 = arith.constant 0 : i32
      %dma_start3A_2531 = tpu.memref_slice %arg10[%dma_start3A_2529, %dma_start3A_2530] : memref<128x128xf32, #tpu.memory_space<vmem>> -> memref<32x128xf32, #tpu.memory_space<vmem>>
      tpu.enqueue_dma source(%dma_start3A_2531 : memref<32x128xf32, #tpu.memory_space<vmem>>) target(%dma_start3A_2528 : memref<32x128xf32, #tpu.memory_space<hbm>>) target_semaphore(%arg24 : memref<!tpu.dma_semaphore, #tpu.memory_space<semaphore_mem>>)
    } else {
    }
    %add3A_1046 = arith.constant 768 : i32
    %add3A_1047 = arith.addi %mul3A_2, %add3A_1046 : i32
    %add3A_1048 = arith.constant 128 : i32
    %add3A_1049 = arith.addi %add3A_1047, %add3A_1048 : i32
    %le3A_1050 = arith.constant 100000 : i32
    %le3A_1051 = arith.cmpi sle, %add3A_1049, %le3A_1050 : i32
    %convert_element_type3A_1052 = arith.extui %le3A_1051 : i1 to i32
    %cond3A_1053 = arith.constant 0 : i32
    %cond3A_1054 = arith.cmpi ne, %convert_element_type3A_1052, %cond3A_1053 : i32
    scf.if %cond3A_1054 {
      %add3A_2521 = arith.constant 768 : i32
      %add3A_2522 = arith.addi %mul3A_2, %add3A_2521 : i32
      %dma_wait3A = arith.constant 0 : i32
      %dma_wait3A_2523 = tpu.memref_slice %arg4[%add3A_2522, %dma_wait3A] : memref<100000x128xf32, #tpu.memory_space<hbm>> -> memref<128x128xf32, #tpu.memory_space<hbm>>
      %dma_wait3A_2524 = arith.constant 0 : i32
      %dma_wait3A_2525 = tpu.memref_slice %arg4[%add3A_2522, %dma_wait3A_2524] : memref<100000x128xf32, #tpu.memory_space<hbm>> -> memref<128x128xf32, #tpu.memory_space<hbm>>
      tpu.wait_dma2 semaphore(%arg27 : memref<!tpu.dma_semaphore, #tpu.memory_space<semaphore_mem>>) src(%arg13 : memref<128x128xf32, #tpu.memory_space<vmem>>) dst(%dma_wait3A_2525 : memref<128x128xf32, #tpu.memory_space<hbm>>)
    } else {
    }
    %add3A_1055 = arith.constant 768 : i32
    %add3A_1056 = arith.addi %mul3A_2, %add3A_1055 : i32
    %lt3A_1057 = arith.constant 100000 : i32
    %lt3A_1058 = arith.cmpi slt, %add3A_1056, %lt3A_1057 : i32
    %add3A_1059 = arith.constant 768 : i32
    %add3A_1060 = arith.addi %mul3A_2, %add3A_1059 : i32
    %add3A_1061 = arith.constant 128 : i32
    %add3A_1062 = arith.addi %add3A_1060, %add3A_1061 : i32
    %le3A_1063 = arith.constant 100000 : i32
    %le3A_1064 = arith.cmpi sle, %add3A_1062, %le3A_1063 : i32
    %not3A_1065 = arith.constant true
    %not3A_1066 = arith.xori %le3A_1064, %not3A_1065 : i1
    %and3A_1067 = arith.andi %lt3A_1058, %not3A_1066 : i1
    %convert_element_type3A_1068 = arith.extui %and3A_1067 : i1 to i32
    %cond3A_1069 = arith.constant 0 : i32
    %cond3A_1070 = arith.cmpi ne, %convert_element_type3A_1068, %cond3A_1069 : i32
    scf.if %cond3A_1070 {
      %add3A_2521 = arith.constant 768 : i32
      %add3A_2522 = arith.addi %mul3A_2, %add3A_2521 : i32
      %dma_wait3A = arith.constant 0 : i32
      %dma_wait3A_2523 = arith.constant 0 : i32
      %dma_wait3A_2524 = tpu.memref_slice %arg13[%dma_wait3A, %dma_wait3A_2523] : memref<128x128xf32, #tpu.memory_space<vmem>> -> memref<32x128xf32, #tpu.memory_space<vmem>>
      %dma_wait3A_2525 = arith.constant 0 : i32
      %dma_wait3A_2526 = tpu.memref_slice %arg4[%add3A_2522, %dma_wait3A_2525] : memref<100000x128xf32, #tpu.memory_space<hbm>> -> memref<32x128xf32, #tpu.memory_space<hbm>>
      %dma_wait3A_2527 = arith.constant 0 : i32
      %dma_wait3A_2528 = tpu.memref_slice %arg4[%add3A_2522, %dma_wait3A_2527] : memref<100000x128xf32, #tpu.memory_space<hbm>> -> memref<32x128xf32, #tpu.memory_space<hbm>>
      %dma_wait3A_2529 = arith.constant 0 : i32
      %dma_wait3A_2530 = arith.constant 0 : i32
      %dma_wait3A_2531 = tpu.memref_slice %arg13[%dma_wait3A_2529, %dma_wait3A_2530] : memref<128x128xf32, #tpu.memory_space<vmem>> -> memref<32x128xf32, #tpu.memory_space<vmem>>
      tpu.wait_dma2 semaphore(%arg27 : memref<!tpu.dma_semaphore, #tpu.memory_space<semaphore_mem>>) src(%dma_wait3A_2531 : memref<32x128xf32, #tpu.memory_space<vmem>>) dst(%dma_wait3A_2528 : memref<32x128xf32, #tpu.memory_space<hbm>>)
    } else {
    }
    %add3A_1071 = arith.constant 1664 : i32
    %add3A_1072 = arith.addi %mul3A_2, %add3A_1071 : i32
    %add3A_1073 = arith.constant 128 : i32
    %add3A_1074 = arith.addi %add3A_1072, %add3A_1073 : i32
    %le3A_1075 = arith.constant 100000 : i32
    %le3A_1076 = arith.cmpi sle, %add3A_1074, %le3A_1075 : i32
    %convert_element_type3A_1077 = arith.extui %le3A_1076 : i1 to i32
    %cond3A_1078 = arith.constant 0 : i32
    %cond3A_1079 = arith.cmpi ne, %convert_element_type3A_1077, %cond3A_1078 : i32
    scf.if %cond3A_1079 {
      %dma_start3A = arith.constant 1664 : i32
      %dma_start3A_2521 = tpu.memref_slice %arg5[%dma_start3A] : memref<3200xi32, #tpu.memory_space<vmem>> -> memref<128xi32, #tpu.memory_space<vmem>>
      %dma_start3A_2522 = arith.constant 0 : i32
      %dma_start3A_2523 = arith.constant 0 : i32
      %dma_start3A_2524 = tpu.memref_slice %arg6[%dma_start3A_2522, %dma_start3A_2523] : memref<28x128xf32, #tpu.memory_space<vmem_shared>> -> memref<28x128xf32, #tpu.memory_space<vmem_shared>>
      tpu.enqueue_indirect_dma source(%dma_start3A_2524 : memref<28x128xf32, #tpu.memory_space<vmem_shared>>) target(%arg13 : memref<128x128xf32, #tpu.memory_space<vmem>>) offsets(%dma_start3A_2521 : memref<128xi32, #tpu.memory_space<vmem>>) semaphore(%arg20 : memref<!tpu.dma_semaphore, #tpu.memory_space<semaphore_mem>>)
    } else {
    }
    %add3A_1080 = arith.constant 1664 : i32
    %add3A_1081 = arith.addi %mul3A_2, %add3A_1080 : i32
    %lt3A_1082 = arith.constant 100000 : i32
    %lt3A_1083 = arith.cmpi slt, %add3A_1081, %lt3A_1082 : i32
    %add3A_1084 = arith.constant 1664 : i32
    %add3A_1085 = arith.addi %mul3A_2, %add3A_1084 : i32
    %add3A_1086 = arith.constant 128 : i32
    %add3A_1087 = arith.addi %add3A_1085, %add3A_1086 : i32
    %le3A_1088 = arith.constant 100000 : i32
    %le3A_1089 = arith.cmpi sle, %add3A_1087, %le3A_1088 : i32
    %not3A_1090 = arith.constant true
    %not3A_1091 = arith.xori %le3A_1089, %not3A_1090 : i1
    %and3A_1092 = arith.andi %lt3A_1083, %not3A_1091 : i1
    %convert_element_type3A_1093 = arith.extui %and3A_1092 : i1 to i32
    %cond3A_1094 = arith.constant 0 : i32
    %cond3A_1095 = arith.cmpi ne, %convert_element_type3A_1093, %cond3A_1094 : i32
    scf.if %cond3A_1095 {
      %dma_start3A = arith.constant 0 : i32
      %dma_start3A_2521 = arith.constant 0 : i32
      %dma_start3A_2522 = tpu.memref_slice %arg13[%dma_start3A, %dma_start3A_2521] : memref<128x128xf32, #tpu.memory_space<vmem>> -> memref<32x128xf32, #tpu.memory_space<vmem>>
      %dma_start3A_2523 = arith.constant 1664 : i32
      %dma_start3A_2524 = tpu.memref_slice %arg5[%dma_start3A_2523] : memref<3200xi32, #tpu.memory_space<vmem>> -> memref<32xi32, #tpu.memory_space<vmem>>
      %dma_start3A_2525 = arith.constant 0 : i32
      %dma_start3A_2526 = arith.constant 0 : i32
      %dma_start3A_2527 = tpu.memref_slice %arg6[%dma_start3A_2525, %dma_start3A_2526] : memref<28x128xf32, #tpu.memory_space<vmem_shared>> -> memref<28x128xf32, #tpu.memory_space<vmem_shared>>
      tpu.enqueue_indirect_dma source(%dma_start3A_2527 : memref<28x128xf32, #tpu.memory_space<vmem_shared>>) target(%dma_start3A_2522 : memref<32x128xf32, #tpu.memory_space<vmem>>) offsets(%dma_start3A_2524 : memref<32xi32, #tpu.memory_space<vmem>>) semaphore(%arg20 : memref<!tpu.dma_semaphore, #tpu.memory_space<semaphore_mem>>)
    } else {
    }
    %add3A_1096 = arith.constant 1408 : i32
    %add3A_1097 = arith.addi %mul3A_2, %add3A_1096 : i32
    %add3A_1098 = arith.constant 128 : i32
    %add3A_1099 = arith.addi %add3A_1097, %add3A_1098 : i32
    %le3A_1100 = arith.constant 100000 : i32
    %le3A_1101 = arith.cmpi sle, %add3A_1099, %le3A_1100 : i32
    %convert_element_type3A_1102 = arith.extui %le3A_1101 : i1 to i32
    %cond3A_1103 = arith.constant 0 : i32
    %cond3A_1104 = arith.cmpi ne, %convert_element_type3A_1102, %cond3A_1103 : i32
    scf.if %cond3A_1104 {
      %dma_wait3A = arith.constant 1408 : i32
      %dma_wait3A_2521 = tpu.memref_slice %arg5[%dma_wait3A] : memref<3200xi32, #tpu.memory_space<vmem>> -> memref<128xi32, #tpu.memory_space<vmem>>
      %dma_wait3A_2522 = arith.constant 0 : i32
      %dma_wait3A_2523 = arith.constant 0 : i32
      %dma_wait3A_2524 = tpu.memref_slice %arg6[%dma_wait3A_2522, %dma_wait3A_2523] : memref<28x128xf32, #tpu.memory_space<vmem_shared>> -> memref<28x128xf32, #tpu.memory_space<vmem_shared>>
      tpu.wait_indirect_dma semaphore(%arg18 : memref<!tpu.dma_semaphore, #tpu.memory_space<semaphore_mem>>) src(%dma_wait3A_2524 : memref<28x128xf32, #tpu.memory_space<vmem_shared>>) dst(%arg11 : memref<128x128xf32, #tpu.memory_space<vmem>>)
    } else {
    }
    %add3A_1105 = arith.constant 1408 : i32
    %add3A_1106 = arith.addi %mul3A_2, %add3A_1105 : i32
    %lt3A_1107 = arith.constant 100000 : i32
    %lt3A_1108 = arith.cmpi slt, %add3A_1106, %lt3A_1107 : i32
    %add3A_1109 = arith.constant 1408 : i32
    %add3A_1110 = arith.addi %mul3A_2, %add3A_1109 : i32
    %add3A_1111 = arith.constant 128 : i32
    %add3A_1112 = arith.addi %add3A_1110, %add3A_1111 : i32
    %le3A_1113 = arith.constant 100000 : i32
    %le3A_1114 = arith.cmpi sle, %add3A_1112, %le3A_1113 : i32
    %not3A_1115 = arith.constant true
    %not3A_1116 = arith.xori %le3A_1114, %not3A_1115 : i1
    %and3A_1117 = arith.andi %lt3A_1108, %not3A_1116 : i1
    %convert_element_type3A_1118 = arith.extui %and3A_1117 : i1 to i32
    %cond3A_1119 = arith.constant 0 : i32
    %cond3A_1120 = arith.cmpi ne, %convert_element_type3A_1118, %cond3A_1119 : i32
    scf.if %cond3A_1120 {
      %dma_wait3A = arith.constant 0 : i32
      %dma_wait3A_2521 = arith.constant 0 : i32
      %dma_wait3A_2522 = tpu.memref_slice %arg11[%dma_wait3A, %dma_wait3A_2521] : memref<128x128xf32, #tpu.memory_space<vmem>> -> memref<32x128xf32, #tpu.memory_space<vmem>>
      %dma_wait3A_2523 = arith.constant 1408 : i32
      %dma_wait3A_2524 = tpu.memref_slice %arg5[%dma_wait3A_2523] : memref<3200xi32, #tpu.memory_space<vmem>> -> memref<32xi32, #tpu.memory_space<vmem>>
      %dma_wait3A_2525 = arith.constant 0 : i32
      %dma_wait3A_2526 = arith.constant 0 : i32
      %dma_wait3A_2527 = tpu.memref_slice %arg6[%dma_wait3A_2525, %dma_wait3A_2526] : memref<28x128xf32, #tpu.memory_space<vmem_shared>> -> memref<28x128xf32, #tpu.memory_space<vmem_shared>>
      tpu.wait_indirect_dma semaphore(%arg18 : memref<!tpu.dma_semaphore, #tpu.memory_space<semaphore_mem>>) src(%dma_wait3A_2527 : memref<28x128xf32, #tpu.memory_space<vmem_shared>>) dst(%dma_wait3A_2522 : memref<32x128xf32, #tpu.memory_space<vmem>>)
    } else {
    }
    %add3A_1121 = arith.constant 1408 : i32
    %add3A_1122 = arith.addi %mul3A_2, %add3A_1121 : i32
    %add3A_1123 = arith.constant 128 : i32
    %add3A_1124 = arith.addi %add3A_1122, %add3A_1123 : i32
    %le3A_1125 = arith.constant 100000 : i32
    %le3A_1126 = arith.cmpi sle, %add3A_1124, %le3A_1125 : i32
    %convert_element_type3A_1127 = arith.extui %le3A_1126 : i1 to i32
    %cond3A_1128 = arith.constant 0 : i32
    %cond3A_1129 = arith.cmpi ne, %convert_element_type3A_1127, %cond3A_1128 : i32
    scf.if %cond3A_1129 {
      %add3A_2521 = arith.constant 1408 : i32
      %add3A_2522 = arith.addi %mul3A_2, %add3A_2521 : i32
      %dma_start3A = arith.constant 0 : i32
      %dma_start3A_2523 = tpu.memref_slice %arg4[%add3A_2522, %dma_start3A] : memref<100000x128xf32, #tpu.memory_space<hbm>> -> memref<128x128xf32, #tpu.memory_space<hbm>>
      %dma_start3A_2524 = arith.constant 0 : i32
      %dma_start3A_2525 = tpu.memref_slice %arg4[%add3A_2522, %dma_start3A_2524] : memref<100000x128xf32, #tpu.memory_space<hbm>> -> memref<128x128xf32, #tpu.memory_space<hbm>>
      tpu.enqueue_dma source(%arg11 : memref<128x128xf32, #tpu.memory_space<vmem>>) target(%dma_start3A_2525 : memref<128x128xf32, #tpu.memory_space<hbm>>) target_semaphore(%arg25 : memref<!tpu.dma_semaphore, #tpu.memory_space<semaphore_mem>>)
    } else {
    }
    %add3A_1130 = arith.constant 1408 : i32
    %add3A_1131 = arith.addi %mul3A_2, %add3A_1130 : i32
    %lt3A_1132 = arith.constant 100000 : i32
    %lt3A_1133 = arith.cmpi slt, %add3A_1131, %lt3A_1132 : i32
    %add3A_1134 = arith.constant 1408 : i32
    %add3A_1135 = arith.addi %mul3A_2, %add3A_1134 : i32
    %add3A_1136 = arith.constant 128 : i32
    %add3A_1137 = arith.addi %add3A_1135, %add3A_1136 : i32
    %le3A_1138 = arith.constant 100000 : i32
    %le3A_1139 = arith.cmpi sle, %add3A_1137, %le3A_1138 : i32
    %not3A_1140 = arith.constant true
    %not3A_1141 = arith.xori %le3A_1139, %not3A_1140 : i1
    %and3A_1142 = arith.andi %lt3A_1133, %not3A_1141 : i1
    %convert_element_type3A_1143 = arith.extui %and3A_1142 : i1 to i32
    %cond3A_1144 = arith.constant 0 : i32
    %cond3A_1145 = arith.cmpi ne, %convert_element_type3A_1143, %cond3A_1144 : i32
    scf.if %cond3A_1145 {
      %add3A_2521 = arith.constant 1408 : i32
      %add3A_2522 = arith.addi %mul3A_2, %add3A_2521 : i32
      %dma_start3A = arith.constant 0 : i32
      %dma_start3A_2523 = arith.constant 0 : i32
      %dma_start3A_2524 = tpu.memref_slice %arg11[%dma_start3A, %dma_start3A_2523] : memref<128x128xf32, #tpu.memory_space<vmem>> -> memref<32x128xf32, #tpu.memory_space<vmem>>
      %dma_start3A_2525 = arith.constant 0 : i32
      %dma_start3A_2526 = tpu.memref_slice %arg4[%add3A_2522, %dma_start3A_2525] : memref<100000x128xf32, #tpu.memory_space<hbm>> -> memref<32x128xf32, #tpu.memory_space<hbm>>
      %dma_start3A_2527 = arith.constant 0 : i32
      %dma_start3A_2528 = tpu.memref_slice %arg4[%add3A_2522, %dma_start3A_2527] : memref<100000x128xf32, #tpu.memory_space<hbm>> -> memref<32x128xf32, #tpu.memory_space<hbm>>
      %dma_start3A_2529 = arith.constant 0 : i32
      %dma_start3A_2530 = arith.constant 0 : i32
      %dma_start3A_2531 = tpu.memref_slice %arg11[%dma_start3A_2529, %dma_start3A_2530] : memref<128x128xf32, #tpu.memory_space<vmem>> -> memref<32x128xf32, #tpu.memory_space<vmem>>
      tpu.enqueue_dma source(%dma_start3A_2531 : memref<32x128xf32, #tpu.memory_space<vmem>>) target(%dma_start3A_2528 : memref<32x128xf32, #tpu.memory_space<hbm>>) target_semaphore(%arg25 : memref<!tpu.dma_semaphore, #tpu.memory_space<semaphore_mem>>)
    } else {
    }
    %add3A_1146 = arith.constant 896 : i32
    %add3A_1147 = arith.addi %mul3A_2, %add3A_1146 : i32
    %add3A_1148 = arith.constant 128 : i32
    %add3A_1149 = arith.addi %add3A_1147, %add3A_1148 : i32
    %le3A_1150 = arith.constant 100000 : i32
    %le3A_1151 = arith.cmpi sle, %add3A_1149, %le3A_1150 : i32
    %convert_element_type3A_1152 = arith.extui %le3A_1151 : i1 to i32
    %cond3A_1153 = arith.constant 0 : i32
    %cond3A_1154 = arith.cmpi ne, %convert_element_type3A_1152, %cond3A_1153 : i32
    scf.if %cond3A_1154 {
      %add3A_2521 = arith.constant 896 : i32
      %add3A_2522 = arith.addi %mul3A_2, %add3A_2521 : i32
      %dma_wait3A = arith.constant 0 : i32
      %dma_wait3A_2523 = tpu.memref_slice %arg4[%add3A_2522, %dma_wait3A] : memref<100000x128xf32, #tpu.memory_space<hbm>> -> memref<128x128xf32, #tpu.memory_space<hbm>>
      %dma_wait3A_2524 = arith.constant 0 : i32
      %dma_wait3A_2525 = tpu.memref_slice %arg4[%add3A_2522, %dma_wait3A_2524] : memref<100000x128xf32, #tpu.memory_space<hbm>> -> memref<128x128xf32, #tpu.memory_space<hbm>>
      tpu.wait_dma2 semaphore(%arg21 : memref<!tpu.dma_semaphore, #tpu.memory_space<semaphore_mem>>) src(%arg7 : memref<128x128xf32, #tpu.memory_space<vmem>>) dst(%dma_wait3A_2525 : memref<128x128xf32, #tpu.memory_space<hbm>>)
    } else {
    }
    %add3A_1155 = arith.constant 896 : i32
    %add3A_1156 = arith.addi %mul3A_2, %add3A_1155 : i32
    %lt3A_1157 = arith.constant 100000 : i32
    %lt3A_1158 = arith.cmpi slt, %add3A_1156, %lt3A_1157 : i32
    %add3A_1159 = arith.constant 896 : i32
    %add3A_1160 = arith.addi %mul3A_2, %add3A_1159 : i32
    %add3A_1161 = arith.constant 128 : i32
    %add3A_1162 = arith.addi %add3A_1160, %add3A_1161 : i32
    %le3A_1163 = arith.constant 100000 : i32
    %le3A_1164 = arith.cmpi sle, %add3A_1162, %le3A_1163 : i32
    %not3A_1165 = arith.constant true
    %not3A_1166 = arith.xori %le3A_1164, %not3A_1165 : i1
    %and3A_1167 = arith.andi %lt3A_1158, %not3A_1166 : i1
    %convert_element_type3A_1168 = arith.extui %and3A_1167 : i1 to i32
    %cond3A_1169 = arith.constant 0 : i32
    %cond3A_1170 = arith.cmpi ne, %convert_element_type3A_1168, %cond3A_1169 : i32
    scf.if %cond3A_1170 {
      %add3A_2521 = arith.constant 896 : i32
      %add3A_2522 = arith.addi %mul3A_2, %add3A_2521 : i32
      %dma_wait3A = arith.constant 0 : i32
      %dma_wait3A_2523 = arith.constant 0 : i32
      %dma_wait3A_2524 = tpu.memref_slice %arg7[%dma_wait3A, %dma_wait3A_2523] : memref<128x128xf32, #tpu.memory_space<vmem>> -> memref<32x128xf32, #tpu.memory_space<vmem>>
      %dma_wait3A_2525 = arith.constant 0 : i32
      %dma_wait3A_2526 = tpu.memref_slice %arg4[%add3A_2522, %dma_wait3A_2525] : memref<100000x128xf32, #tpu.memory_space<hbm>> -> memref<32x128xf32, #tpu.memory_space<hbm>>
      %dma_wait3A_2527 = arith.constant 0 : i32
      %dma_wait3A_2528 = tpu.memref_slice %arg4[%add3A_2522, %dma_wait3A_2527] : memref<100000x128xf32, #tpu.memory_space<hbm>> -> memref<32x128xf32, #tpu.memory_space<hbm>>
      %dma_wait3A_2529 = arith.constant 0 : i32
      %dma_wait3A_2530 = arith.constant 0 : i32
      %dma_wait3A_2531 = tpu.memref_slice %arg7[%dma_wait3A_2529, %dma_wait3A_2530] : memref<128x128xf32, #tpu.memory_space<vmem>> -> memref<32x128xf32, #tpu.memory_space<vmem>>
      tpu.wait_dma2 semaphore(%arg21 : memref<!tpu.dma_semaphore, #tpu.memory_space<semaphore_mem>>) src(%dma_wait3A_2531 : memref<32x128xf32, #tpu.memory_space<vmem>>) dst(%dma_wait3A_2528 : memref<32x128xf32, #tpu.memory_space<hbm>>)
    } else {
    }
    %add3A_1171 = arith.constant 1792 : i32
    %add3A_1172 = arith.addi %mul3A_2, %add3A_1171 : i32
    %add3A_1173 = arith.constant 128 : i32
    %add3A_1174 = arith.addi %add3A_1172, %add3A_1173 : i32
    %le3A_1175 = arith.constant 100000 : i32
    %le3A_1176 = arith.cmpi sle, %add3A_1174, %le3A_1175 : i32
    %convert_element_type3A_1177 = arith.extui %le3A_1176 : i1 to i32
    %cond3A_1178 = arith.constant 0 : i32
    %cond3A_1179 = arith.cmpi ne, %convert_element_type3A_1177, %cond3A_1178 : i32
    scf.if %cond3A_1179 {
      %dma_start3A = arith.constant 1792 : i32
      %dma_start3A_2521 = tpu.memref_slice %arg5[%dma_start3A] : memref<3200xi32, #tpu.memory_space<vmem>> -> memref<128xi32, #tpu.memory_space<vmem>>
      %dma_start3A_2522 = arith.constant 0 : i32
      %dma_start3A_2523 = arith.constant 0 : i32
      %dma_start3A_2524 = tpu.memref_slice %arg6[%dma_start3A_2522, %dma_start3A_2523] : memref<28x128xf32, #tpu.memory_space<vmem_shared>> -> memref<28x128xf32, #tpu.memory_space<vmem_shared>>
      tpu.enqueue_indirect_dma source(%dma_start3A_2524 : memref<28x128xf32, #tpu.memory_space<vmem_shared>>) target(%arg7 : memref<128x128xf32, #tpu.memory_space<vmem>>) offsets(%dma_start3A_2521 : memref<128xi32, #tpu.memory_space<vmem>>) semaphore(%arg14 : memref<!tpu.dma_semaphore, #tpu.memory_space<semaphore_mem>>)
    } else {
    }
    %add3A_1180 = arith.constant 1792 : i32
    %add3A_1181 = arith.addi %mul3A_2, %add3A_1180 : i32
    %lt3A_1182 = arith.constant 100000 : i32
    %lt3A_1183 = arith.cmpi slt, %add3A_1181, %lt3A_1182 : i32
    %add3A_1184 = arith.constant 1792 : i32
    %add3A_1185 = arith.addi %mul3A_2, %add3A_1184 : i32
    %add3A_1186 = arith.constant 128 : i32
    %add3A_1187 = arith.addi %add3A_1185, %add3A_1186 : i32
    %le3A_1188 = arith.constant 100000 : i32
    %le3A_1189 = arith.cmpi sle, %add3A_1187, %le3A_1188 : i32
    %not3A_1190 = arith.constant true
    %not3A_1191 = arith.xori %le3A_1189, %not3A_1190 : i1
    %and3A_1192 = arith.andi %lt3A_1183, %not3A_1191 : i1
    %convert_element_type3A_1193 = arith.extui %and3A_1192 : i1 to i32
    %cond3A_1194 = arith.constant 0 : i32
    %cond3A_1195 = arith.cmpi ne, %convert_element_type3A_1193, %cond3A_1194 : i32
    scf.if %cond3A_1195 {
      %dma_start3A = arith.constant 0 : i32
      %dma_start3A_2521 = arith.constant 0 : i32
      %dma_start3A_2522 = tpu.memref_slice %arg7[%dma_start3A, %dma_start3A_2521] : memref<128x128xf32, #tpu.memory_space<vmem>> -> memref<32x128xf32, #tpu.memory_space<vmem>>
      %dma_start3A_2523 = arith.constant 1792 : i32
      %dma_start3A_2524 = tpu.memref_slice %arg5[%dma_start3A_2523] : memref<3200xi32, #tpu.memory_space<vmem>> -> memref<32xi32, #tpu.memory_space<vmem>>
      %dma_start3A_2525 = arith.constant 0 : i32
      %dma_start3A_2526 = arith.constant 0 : i32
      %dma_start3A_2527 = tpu.memref_slice %arg6[%dma_start3A_2525, %dma_start3A_2526] : memref<28x128xf32, #tpu.memory_space<vmem_shared>> -> memref<28x128xf32, #tpu.memory_space<vmem_shared>>
      tpu.enqueue_indirect_dma source(%dma_start3A_2527 : memref<28x128xf32, #tpu.memory_space<vmem_shared>>) target(%dma_start3A_2522 : memref<32x128xf32, #tpu.memory_space<vmem>>) offsets(%dma_start3A_2524 : memref<32xi32, #tpu.memory_space<vmem>>) semaphore(%arg14 : memref<!tpu.dma_semaphore, #tpu.memory_space<semaphore_mem>>)
    } else {
    }
    %add3A_1196 = arith.constant 1536 : i32
    %add3A_1197 = arith.addi %mul3A_2, %add3A_1196 : i32
    %add3A_1198 = arith.constant 128 : i32
    %add3A_1199 = arith.addi %add3A_1197, %add3A_1198 : i32
    %le3A_1200 = arith.constant 100000 : i32
    %le3A_1201 = arith.cmpi sle, %add3A_1199, %le3A_1200 : i32
    %convert_element_type3A_1202 = arith.extui %le3A_1201 : i1 to i32
    %cond3A_1203 = arith.constant 0 : i32
    %cond3A_1204 = arith.cmpi ne, %convert_element_type3A_1202, %cond3A_1203 : i32
    scf.if %cond3A_1204 {
      %dma_wait3A = arith.constant 1536 : i32
      %dma_wait3A_2521 = tpu.memref_slice %arg5[%dma_wait3A] : memref<3200xi32, #tpu.memory_space<vmem>> -> memref<128xi32, #tpu.memory_space<vmem>>
      %dma_wait3A_2522 = arith.constant 0 : i32
      %dma_wait3A_2523 = arith.constant 0 : i32
      %dma_wait3A_2524 = tpu.memref_slice %arg6[%dma_wait3A_2522, %dma_wait3A_2523] : memref<28x128xf32, #tpu.memory_space<vmem_shared>> -> memref<28x128xf32, #tpu.memory_space<vmem_shared>>
      tpu.wait_indirect_dma semaphore(%arg19 : memref<!tpu.dma_semaphore, #tpu.memory_space<semaphore_mem>>) src(%dma_wait3A_2524 : memref<28x128xf32, #tpu.memory_space<vmem_shared>>) dst(%arg12 : memref<128x128xf32, #tpu.memory_space<vmem>>)
    } else {
    }
    %add3A_1205 = arith.constant 1536 : i32
    %add3A_1206 = arith.addi %mul3A_2, %add3A_1205 : i32
    %lt3A_1207 = arith.constant 100000 : i32
    %lt3A_1208 = arith.cmpi slt, %add3A_1206, %lt3A_1207 : i32
    %add3A_1209 = arith.constant 1536 : i32
    %add3A_1210 = arith.addi %mul3A_2, %add3A_1209 : i32
    %add3A_1211 = arith.constant 128 : i32
    %add3A_1212 = arith.addi %add3A_1210, %add3A_1211 : i32
    %le3A_1213 = arith.constant 100000 : i32
    %le3A_1214 = arith.cmpi sle, %add3A_1212, %le3A_1213 : i32
    %not3A_1215 = arith.constant true
    %not3A_1216 = arith.xori %le3A_1214, %not3A_1215 : i1
    %and3A_1217 = arith.andi %lt3A_1208, %not3A_1216 : i1
    %convert_element_type3A_1218 = arith.extui %and3A_1217 : i1 to i32
    %cond3A_1219 = arith.constant 0 : i32
    %cond3A_1220 = arith.cmpi ne, %convert_element_type3A_1218, %cond3A_1219 : i32
    scf.if %cond3A_1220 {
      %dma_wait3A = arith.constant 0 : i32
      %dma_wait3A_2521 = arith.constant 0 : i32
      %dma_wait3A_2522 = tpu.memref_slice %arg12[%dma_wait3A, %dma_wait3A_2521] : memref<128x128xf32, #tpu.memory_space<vmem>> -> memref<32x128xf32, #tpu.memory_space<vmem>>
      %dma_wait3A_2523 = arith.constant 1536 : i32
      %dma_wait3A_2524 = tpu.memref_slice %arg5[%dma_wait3A_2523] : memref<3200xi32, #tpu.memory_space<vmem>> -> memref<32xi32, #tpu.memory_space<vmem>>
      %dma_wait3A_2525 = arith.constant 0 : i32
      %dma_wait3A_2526 = arith.constant 0 : i32
      %dma_wait3A_2527 = tpu.memref_slice %arg6[%dma_wait3A_2525, %dma_wait3A_2526] : memref<28x128xf32, #tpu.memory_space<vmem_shared>> -> memref<28x128xf32, #tpu.memory_space<vmem_shared>>
      tpu.wait_indirect_dma semaphore(%arg19 : memref<!tpu.dma_semaphore, #tpu.memory_space<semaphore_mem>>) src(%dma_wait3A_2527 : memref<28x128xf32, #tpu.memory_space<vmem_shared>>) dst(%dma_wait3A_2522 : memref<32x128xf32, #tpu.memory_space<vmem>>)
    } else {
    }
    %add3A_1221 = arith.constant 1536 : i32
    %add3A_1222 = arith.addi %mul3A_2, %add3A_1221 : i32
    %add3A_1223 = arith.constant 128 : i32
    %add3A_1224 = arith.addi %add3A_1222, %add3A_1223 : i32
    %le3A_1225 = arith.constant 100000 : i32
    %le3A_1226 = arith.cmpi sle, %add3A_1224, %le3A_1225 : i32
    %convert_element_type3A_1227 = arith.extui %le3A_1226 : i1 to i32
    %cond3A_1228 = arith.constant 0 : i32
    %cond3A_1229 = arith.cmpi ne, %convert_element_type3A_1227, %cond3A_1228 : i32
    scf.if %cond3A_1229 {
      %add3A_2521 = arith.constant 1536 : i32
      %add3A_2522 = arith.addi %mul3A_2, %add3A_2521 : i32
      %dma_start3A = arith.constant 0 : i32
      %dma_start3A_2523 = tpu.memref_slice %arg4[%add3A_2522, %dma_start3A] : memref<100000x128xf32, #tpu.memory_space<hbm>> -> memref<128x128xf32, #tpu.memory_space<hbm>>
      %dma_start3A_2524 = arith.constant 0 : i32
      %dma_start3A_2525 = tpu.memref_slice %arg4[%add3A_2522, %dma_start3A_2524] : memref<100000x128xf32, #tpu.memory_space<hbm>> -> memref<128x128xf32, #tpu.memory_space<hbm>>
      tpu.enqueue_dma source(%arg12 : memref<128x128xf32, #tpu.memory_space<vmem>>) target(%dma_start3A_2525 : memref<128x128xf32, #tpu.memory_space<hbm>>) target_semaphore(%arg26 : memref<!tpu.dma_semaphore, #tpu.memory_space<semaphore_mem>>)
    } else {
    }
    %add3A_1230 = arith.constant 1536 : i32
    %add3A_1231 = arith.addi %mul3A_2, %add3A_1230 : i32
    %lt3A_1232 = arith.constant 100000 : i32
    %lt3A_1233 = arith.cmpi slt, %add3A_1231, %lt3A_1232 : i32
    %add3A_1234 = arith.constant 1536 : i32
    %add3A_1235 = arith.addi %mul3A_2, %add3A_1234 : i32
    %add3A_1236 = arith.constant 128 : i32
    %add3A_1237 = arith.addi %add3A_1235, %add3A_1236 : i32
    %le3A_1238 = arith.constant 100000 : i32
    %le3A_1239 = arith.cmpi sle, %add3A_1237, %le3A_1238 : i32
    %not3A_1240 = arith.constant true
    %not3A_1241 = arith.xori %le3A_1239, %not3A_1240 : i1
    %and3A_1242 = arith.andi %lt3A_1233, %not3A_1241 : i1
    %convert_element_type3A_1243 = arith.extui %and3A_1242 : i1 to i32
    %cond3A_1244 = arith.constant 0 : i32
    %cond3A_1245 = arith.cmpi ne, %convert_element_type3A_1243, %cond3A_1244 : i32
    scf.if %cond3A_1245 {
      %add3A_2521 = arith.constant 1536 : i32
      %add3A_2522 = arith.addi %mul3A_2, %add3A_2521 : i32
      %dma_start3A = arith.constant 0 : i32
      %dma_start3A_2523 = arith.constant 0 : i32
      %dma_start3A_2524 = tpu.memref_slice %arg12[%dma_start3A, %dma_start3A_2523] : memref<128x128xf32, #tpu.memory_space<vmem>> -> memref<32x128xf32, #tpu.memory_space<vmem>>
      %dma_start3A_2525 = arith.constant 0 : i32
      %dma_start3A_2526 = tpu.memref_slice %arg4[%add3A_2522, %dma_start3A_2525] : memref<100000x128xf32, #tpu.memory_space<hbm>> -> memref<32x128xf32, #tpu.memory_space<hbm>>
      %dma_start3A_2527 = arith.constant 0 : i32
      %dma_start3A_2528 = tpu.memref_slice %arg4[%add3A_2522, %dma_start3A_2527] : memref<100000x128xf32, #tpu.memory_space<hbm>> -> memref<32x128xf32, #tpu.memory_space<hbm>>
      %dma_start3A_2529 = arith.constant 0 : i32
      %dma_start3A_2530 = arith.constant 0 : i32
      %dma_start3A_2531 = tpu.memref_slice %arg12[%dma_start3A_2529, %dma_start3A_2530] : memref<128x128xf32, #tpu.memory_space<vmem>> -> memref<32x128xf32, #tpu.memory_space<vmem>>
      tpu.enqueue_dma source(%dma_start3A_2531 : memref<32x128xf32, #tpu.memory_space<vmem>>) target(%dma_start3A_2528 : memref<32x128xf32, #tpu.memory_space<hbm>>) target_semaphore(%arg26 : memref<!tpu.dma_semaphore, #tpu.memory_space<semaphore_mem>>)
    } else {
    }
    %add3A_1246 = arith.constant 1024 : i32
    %add3A_1247 = arith.addi %mul3A_2, %add3A_1246 : i32
    %add3A_1248 = arith.constant 128 : i32
    %add3A_1249 = arith.addi %add3A_1247, %add3A_1248 : i32
    %le3A_1250 = arith.constant 100000 : i32
    %le3A_1251 = arith.cmpi sle, %add3A_1249, %le3A_1250 : i32
    %convert_element_type3A_1252 = arith.extui %le3A_1251 : i1 to i32
    %cond3A_1253 = arith.constant 0 : i32
    %cond3A_1254 = arith.cmpi ne, %convert_element_type3A_1252, %cond3A_1253 : i32
    scf.if %cond3A_1254 {
      %add3A_2521 = arith.constant 1024 : i32
      %add3A_2522 = arith.addi %mul3A_2, %add3A_2521 : i32
      %dma_wait3A = arith.constant 0 : i32
      %dma_wait3A_2523 = tpu.memref_slice %arg4[%add3A_2522, %dma_wait3A] : memref<100000x128xf32, #tpu.memory_space<hbm>> -> memref<128x128xf32, #tpu.memory_space<hbm>>
      %dma_wait3A_2524 = arith.constant 0 : i32
      %dma_wait3A_2525 = tpu.memref_slice %arg4[%add3A_2522, %dma_wait3A_2524] : memref<100000x128xf32, #tpu.memory_space<hbm>> -> memref<128x128xf32, #tpu.memory_space<hbm>>
      tpu.wait_dma2 semaphore(%arg22 : memref<!tpu.dma_semaphore, #tpu.memory_space<semaphore_mem>>) src(%arg8 : memref<128x128xf32, #tpu.memory_space<vmem>>) dst(%dma_wait3A_2525 : memref<128x128xf32, #tpu.memory_space<hbm>>)
    } else {
    }
    %add3A_1255 = arith.constant 1024 : i32
    %add3A_1256 = arith.addi %mul3A_2, %add3A_1255 : i32
    %lt3A_1257 = arith.constant 100000 : i32
    %lt3A_1258 = arith.cmpi slt, %add3A_1256, %lt3A_1257 : i32
    %add3A_1259 = arith.constant 1024 : i32
    %add3A_1260 = arith.addi %mul3A_2, %add3A_1259 : i32
    %add3A_1261 = arith.constant 128 : i32
    %add3A_1262 = arith.addi %add3A_1260, %add3A_1261 : i32
    %le3A_1263 = arith.constant 100000 : i32
    %le3A_1264 = arith.cmpi sle, %add3A_1262, %le3A_1263 : i32
    %not3A_1265 = arith.constant true
    %not3A_1266 = arith.xori %le3A_1264, %not3A_1265 : i1
    %and3A_1267 = arith.andi %lt3A_1258, %not3A_1266 : i1
    %convert_element_type3A_1268 = arith.extui %and3A_1267 : i1 to i32
    %cond3A_1269 = arith.constant 0 : i32
    %cond3A_1270 = arith.cmpi ne, %convert_element_type3A_1268, %cond3A_1269 : i32
    scf.if %cond3A_1270 {
      %add3A_2521 = arith.constant 1024 : i32
      %add3A_2522 = arith.addi %mul3A_2, %add3A_2521 : i32
      %dma_wait3A = arith.constant 0 : i32
      %dma_wait3A_2523 = arith.constant 0 : i32
      %dma_wait3A_2524 = tpu.memref_slice %arg8[%dma_wait3A, %dma_wait3A_2523] : memref<128x128xf32, #tpu.memory_space<vmem>> -> memref<32x128xf32, #tpu.memory_space<vmem>>
      %dma_wait3A_2525 = arith.constant 0 : i32
      %dma_wait3A_2526 = tpu.memref_slice %arg4[%add3A_2522, %dma_wait3A_2525] : memref<100000x128xf32, #tpu.memory_space<hbm>> -> memref<32x128xf32, #tpu.memory_space<hbm>>
      %dma_wait3A_2527 = arith.constant 0 : i32
      %dma_wait3A_2528 = tpu.memref_slice %arg4[%add3A_2522, %dma_wait3A_2527] : memref<100000x128xf32, #tpu.memory_space<hbm>> -> memref<32x128xf32, #tpu.memory_space<hbm>>
      %dma_wait3A_2529 = arith.constant 0 : i32
      %dma_wait3A_2530 = arith.constant 0 : i32
      %dma_wait3A_2531 = tpu.memref_slice %arg8[%dma_wait3A_2529, %dma_wait3A_2530] : memref<128x128xf32, #tpu.memory_space<vmem>> -> memref<32x128xf32, #tpu.memory_space<vmem>>
      tpu.wait_dma2 semaphore(%arg22 : memref<!tpu.dma_semaphore, #tpu.memory_space<semaphore_mem>>) src(%dma_wait3A_2531 : memref<32x128xf32, #tpu.memory_space<vmem>>) dst(%dma_wait3A_2528 : memref<32x128xf32, #tpu.memory_space<hbm>>)
    } else {
    }
    %add3A_1271 = arith.constant 1920 : i32
    %add3A_1272 = arith.addi %mul3A_2, %add3A_1271 : i32
    %add3A_1273 = arith.constant 128 : i32
    %add3A_1274 = arith.addi %add3A_1272, %add3A_1273 : i32
    %le3A_1275 = arith.constant 100000 : i32
    %le3A_1276 = arith.cmpi sle, %add3A_1274, %le3A_1275 : i32
    %convert_element_type3A_1277 = arith.extui %le3A_1276 : i1 to i32
    %cond3A_1278 = arith.constant 0 : i32
    %cond3A_1279 = arith.cmpi ne, %convert_element_type3A_1277, %cond3A_1278 : i32
    scf.if %cond3A_1279 {
      %dma_start3A = arith.constant 1920 : i32
      %dma_start3A_2521 = tpu.memref_slice %arg5[%dma_start3A] : memref<3200xi32, #tpu.memory_space<vmem>> -> memref<128xi32, #tpu.memory_space<vmem>>
      %dma_start3A_2522 = arith.constant 0 : i32
      %dma_start3A_2523 = arith.constant 0 : i32
      %dma_start3A_2524 = tpu.memref_slice %arg6[%dma_start3A_2522, %dma_start3A_2523] : memref<28x128xf32, #tpu.memory_space<vmem_shared>> -> memref<28x128xf32, #tpu.memory_space<vmem_shared>>
      tpu.enqueue_indirect_dma source(%dma_start3A_2524 : memref<28x128xf32, #tpu.memory_space<vmem_shared>>) target(%arg8 : memref<128x128xf32, #tpu.memory_space<vmem>>) offsets(%dma_start3A_2521 : memref<128xi32, #tpu.memory_space<vmem>>) semaphore(%arg15 : memref<!tpu.dma_semaphore, #tpu.memory_space<semaphore_mem>>)
    } else {
    }
    %add3A_1280 = arith.constant 1920 : i32
    %add3A_1281 = arith.addi %mul3A_2, %add3A_1280 : i32
    %lt3A_1282 = arith.constant 100000 : i32
    %lt3A_1283 = arith.cmpi slt, %add3A_1281, %lt3A_1282 : i32
    %add3A_1284 = arith.constant 1920 : i32
    %add3A_1285 = arith.addi %mul3A_2, %add3A_1284 : i32
    %add3A_1286 = arith.constant 128 : i32
    %add3A_1287 = arith.addi %add3A_1285, %add3A_1286 : i32
    %le3A_1288 = arith.constant 100000 : i32
    %le3A_1289 = arith.cmpi sle, %add3A_1287, %le3A_1288 : i32
    %not3A_1290 = arith.constant true
    %not3A_1291 = arith.xori %le3A_1289, %not3A_1290 : i1
    %and3A_1292 = arith.andi %lt3A_1283, %not3A_1291 : i1
    %convert_element_type3A_1293 = arith.extui %and3A_1292 : i1 to i32
    %cond3A_1294 = arith.constant 0 : i32
    %cond3A_1295 = arith.cmpi ne, %convert_element_type3A_1293, %cond3A_1294 : i32
    scf.if %cond3A_1295 {
      %dma_start3A = arith.constant 0 : i32
      %dma_start3A_2521 = arith.constant 0 : i32
      %dma_start3A_2522 = tpu.memref_slice %arg8[%dma_start3A, %dma_start3A_2521] : memref<128x128xf32, #tpu.memory_space<vmem>> -> memref<32x128xf32, #tpu.memory_space<vmem>>
      %dma_start3A_2523 = arith.constant 1920 : i32
      %dma_start3A_2524 = tpu.memref_slice %arg5[%dma_start3A_2523] : memref<3200xi32, #tpu.memory_space<vmem>> -> memref<32xi32, #tpu.memory_space<vmem>>
      %dma_start3A_2525 = arith.constant 0 : i32
      %dma_start3A_2526 = arith.constant 0 : i32
      %dma_start3A_2527 = tpu.memref_slice %arg6[%dma_start3A_2525, %dma_start3A_2526] : memref<28x128xf32, #tpu.memory_space<vmem_shared>> -> memref<28x128xf32, #tpu.memory_space<vmem_shared>>
      tpu.enqueue_indirect_dma source(%dma_start3A_2527 : memref<28x128xf32, #tpu.memory_space<vmem_shared>>) target(%dma_start3A_2522 : memref<32x128xf32, #tpu.memory_space<vmem>>) offsets(%dma_start3A_2524 : memref<32xi32, #tpu.memory_space<vmem>>) semaphore(%arg15 : memref<!tpu.dma_semaphore, #tpu.memory_space<semaphore_mem>>)
    } else {
    }
    %add3A_1296 = arith.constant 1664 : i32
    %add3A_1297 = arith.addi %mul3A_2, %add3A_1296 : i32
    %add3A_1298 = arith.constant 128 : i32
    %add3A_1299 = arith.addi %add3A_1297, %add3A_1298 : i32
    %le3A_1300 = arith.constant 100000 : i32
    %le3A_1301 = arith.cmpi sle, %add3A_1299, %le3A_1300 : i32
    %convert_element_type3A_1302 = arith.extui %le3A_1301 : i1 to i32
    %cond3A_1303 = arith.constant 0 : i32
    %cond3A_1304 = arith.cmpi ne, %convert_element_type3A_1302, %cond3A_1303 : i32
    scf.if %cond3A_1304 {
      %dma_wait3A = arith.constant 1664 : i32
      %dma_wait3A_2521 = tpu.memref_slice %arg5[%dma_wait3A] : memref<3200xi32, #tpu.memory_space<vmem>> -> memref<128xi32, #tpu.memory_space<vmem>>
      %dma_wait3A_2522 = arith.constant 0 : i32
      %dma_wait3A_2523 = arith.constant 0 : i32
      %dma_wait3A_2524 = tpu.memref_slice %arg6[%dma_wait3A_2522, %dma_wait3A_2523] : memref<28x128xf32, #tpu.memory_space<vmem_shared>> -> memref<28x128xf32, #tpu.memory_space<vmem_shared>>
      tpu.wait_indirect_dma semaphore(%arg20 : memref<!tpu.dma_semaphore, #tpu.memory_space<semaphore_mem>>) src(%dma_wait3A_2524 : memref<28x128xf32, #tpu.memory_space<vmem_shared>>) dst(%arg13 : memref<128x128xf32, #tpu.memory_space<vmem>>)
    } else {
    }
    %add3A_1305 = arith.constant 1664 : i32
    %add3A_1306 = arith.addi %mul3A_2, %add3A_1305 : i32
    %lt3A_1307 = arith.constant 100000 : i32
    %lt3A_1308 = arith.cmpi slt, %add3A_1306, %lt3A_1307 : i32
    %add3A_1309 = arith.constant 1664 : i32
    %add3A_1310 = arith.addi %mul3A_2, %add3A_1309 : i32
    %add3A_1311 = arith.constant 128 : i32
    %add3A_1312 = arith.addi %add3A_1310, %add3A_1311 : i32
    %le3A_1313 = arith.constant 100000 : i32
    %le3A_1314 = arith.cmpi sle, %add3A_1312, %le3A_1313 : i32
    %not3A_1315 = arith.constant true
    %not3A_1316 = arith.xori %le3A_1314, %not3A_1315 : i1
    %and3A_1317 = arith.andi %lt3A_1308, %not3A_1316 : i1
    %convert_element_type3A_1318 = arith.extui %and3A_1317 : i1 to i32
    %cond3A_1319 = arith.constant 0 : i32
    %cond3A_1320 = arith.cmpi ne, %convert_element_type3A_1318, %cond3A_1319 : i32
    scf.if %cond3A_1320 {
      %dma_wait3A = arith.constant 0 : i32
      %dma_wait3A_2521 = arith.constant 0 : i32
      %dma_wait3A_2522 = tpu.memref_slice %arg13[%dma_wait3A, %dma_wait3A_2521] : memref<128x128xf32, #tpu.memory_space<vmem>> -> memref<32x128xf32, #tpu.memory_space<vmem>>
      %dma_wait3A_2523 = arith.constant 1664 : i32
      %dma_wait3A_2524 = tpu.memref_slice %arg5[%dma_wait3A_2523] : memref<3200xi32, #tpu.memory_space<vmem>> -> memref<32xi32, #tpu.memory_space<vmem>>
      %dma_wait3A_2525 = arith.constant 0 : i32
      %dma_wait3A_2526 = arith.constant 0 : i32
      %dma_wait3A_2527 = tpu.memref_slice %arg6[%dma_wait3A_2525, %dma_wait3A_2526] : memref<28x128xf32, #tpu.memory_space<vmem_shared>> -> memref<28x128xf32, #tpu.memory_space<vmem_shared>>
      tpu.wait_indirect_dma semaphore(%arg20 : memref<!tpu.dma_semaphore, #tpu.memory_space<semaphore_mem>>) src(%dma_wait3A_2527 : memref<28x128xf32, #tpu.memory_space<vmem_shared>>) dst(%dma_wait3A_2522 : memref<32x128xf32, #tpu.memory_space<vmem>>)
    } else {
    }
    %add3A_1321 = arith.constant 1664 : i32
    %add3A_1322 = arith.addi %mul3A_2, %add3A_1321 : i32
    %add3A_1323 = arith.constant 128 : i32
    %add3A_1324 = arith.addi %add3A_1322, %add3A_1323 : i32
    %le3A_1325 = arith.constant 100000 : i32
    %le3A_1326 = arith.cmpi sle, %add3A_1324, %le3A_1325 : i32
    %convert_element_type3A_1327 = arith.extui %le3A_1326 : i1 to i32
    %cond3A_1328 = arith.constant 0 : i32
    %cond3A_1329 = arith.cmpi ne, %convert_element_type3A_1327, %cond3A_1328 : i32
    scf.if %cond3A_1329 {
      %add3A_2521 = arith.constant 1664 : i32
      %add3A_2522 = arith.addi %mul3A_2, %add3A_2521 : i32
      %dma_start3A = arith.constant 0 : i32
      %dma_start3A_2523 = tpu.memref_slice %arg4[%add3A_2522, %dma_start3A] : memref<100000x128xf32, #tpu.memory_space<hbm>> -> memref<128x128xf32, #tpu.memory_space<hbm>>
      %dma_start3A_2524 = arith.constant 0 : i32
      %dma_start3A_2525 = tpu.memref_slice %arg4[%add3A_2522, %dma_start3A_2524] : memref<100000x128xf32, #tpu.memory_space<hbm>> -> memref<128x128xf32, #tpu.memory_space<hbm>>
      tpu.enqueue_dma source(%arg13 : memref<128x128xf32, #tpu.memory_space<vmem>>) target(%dma_start3A_2525 : memref<128x128xf32, #tpu.memory_space<hbm>>) target_semaphore(%arg27 : memref<!tpu.dma_semaphore, #tpu.memory_space<semaphore_mem>>)
    } else {
    }
    %add3A_1330 = arith.constant 1664 : i32
    %add3A_1331 = arith.addi %mul3A_2, %add3A_1330 : i32
    %lt3A_1332 = arith.constant 100000 : i32
    %lt3A_1333 = arith.cmpi slt, %add3A_1331, %lt3A_1332 : i32
    %add3A_1334 = arith.constant 1664 : i32
    %add3A_1335 = arith.addi %mul3A_2, %add3A_1334 : i32
    %add3A_1336 = arith.constant 128 : i32
    %add3A_1337 = arith.addi %add3A_1335, %add3A_1336 : i32
    %le3A_1338 = arith.constant 100000 : i32
    %le3A_1339 = arith.cmpi sle, %add3A_1337, %le3A_1338 : i32
    %not3A_1340 = arith.constant true
    %not3A_1341 = arith.xori %le3A_1339, %not3A_1340 : i1
    %and3A_1342 = arith.andi %lt3A_1333, %not3A_1341 : i1
    %convert_element_type3A_1343 = arith.extui %and3A_1342 : i1 to i32
    %cond3A_1344 = arith.constant 0 : i32
    %cond3A_1345 = arith.cmpi ne, %convert_element_type3A_1343, %cond3A_1344 : i32
    scf.if %cond3A_1345 {
      %add3A_2521 = arith.constant 1664 : i32
      %add3A_2522 = arith.addi %mul3A_2, %add3A_2521 : i32
      %dma_start3A = arith.constant 0 : i32
      %dma_start3A_2523 = arith.constant 0 : i32
      %dma_start3A_2524 = tpu.memref_slice %arg13[%dma_start3A, %dma_start3A_2523] : memref<128x128xf32, #tpu.memory_space<vmem>> -> memref<32x128xf32, #tpu.memory_space<vmem>>
      %dma_start3A_2525 = arith.constant 0 : i32
      %dma_start3A_2526 = tpu.memref_slice %arg4[%add3A_2522, %dma_start3A_2525] : memref<100000x128xf32, #tpu.memory_space<hbm>> -> memref<32x128xf32, #tpu.memory_space<hbm>>
      %dma_start3A_2527 = arith.constant 0 : i32
      %dma_start3A_2528 = tpu.memref_slice %arg4[%add3A_2522, %dma_start3A_2527] : memref<100000x128xf32, #tpu.memory_space<hbm>> -> memref<32x128xf32, #tpu.memory_space<hbm>>
      %dma_start3A_2529 = arith.constant 0 : i32
      %dma_start3A_2530 = arith.constant 0 : i32
      %dma_start3A_2531 = tpu.memref_slice %arg13[%dma_start3A_2529, %dma_start3A_2530] : memref<128x128xf32, #tpu.memory_space<vmem>> -> memref<32x128xf32, #tpu.memory_space<vmem>>
      tpu.enqueue_dma source(%dma_start3A_2531 : memref<32x128xf32, #tpu.memory_space<vmem>>) target(%dma_start3A_2528 : memref<32x128xf32, #tpu.memory_space<hbm>>) target_semaphore(%arg27 : memref<!tpu.dma_semaphore, #tpu.memory_space<semaphore_mem>>)
    } else {
    }
    %add3A_1346 = arith.constant 1152 : i32
    %add3A_1347 = arith.addi %mul3A_2, %add3A_1346 : i32
    %add3A_1348 = arith.constant 128 : i32
    %add3A_1349 = arith.addi %add3A_1347, %add3A_1348 : i32
    %le3A_1350 = arith.constant 100000 : i32
    %le3A_1351 = arith.cmpi sle, %add3A_1349, %le3A_1350 : i32
    %convert_element_type3A_1352 = arith.extui %le3A_1351 : i1 to i32
    %cond3A_1353 = arith.constant 0 : i32
    %cond3A_1354 = arith.cmpi ne, %convert_element_type3A_1352, %cond3A_1353 : i32
    scf.if %cond3A_1354 {
      %add3A_2521 = arith.constant 1152 : i32
      %add3A_2522 = arith.addi %mul3A_2, %add3A_2521 : i32
      %dma_wait3A = arith.constant 0 : i32
      %dma_wait3A_2523 = tpu.memref_slice %arg4[%add3A_2522, %dma_wait3A] : memref<100000x128xf32, #tpu.memory_space<hbm>> -> memref<128x128xf32, #tpu.memory_space<hbm>>
      %dma_wait3A_2524 = arith.constant 0 : i32
      %dma_wait3A_2525 = tpu.memref_slice %arg4[%add3A_2522, %dma_wait3A_2524] : memref<100000x128xf32, #tpu.memory_space<hbm>> -> memref<128x128xf32, #tpu.memory_space<hbm>>
      tpu.wait_dma2 semaphore(%arg23 : memref<!tpu.dma_semaphore, #tpu.memory_space<semaphore_mem>>) src(%arg9 : memref<128x128xf32, #tpu.memory_space<vmem>>) dst(%dma_wait3A_2525 : memref<128x128xf32, #tpu.memory_space<hbm>>)
    } else {
    }
    %add3A_1355 = arith.constant 1152 : i32
    %add3A_1356 = arith.addi %mul3A_2, %add3A_1355 : i32
    %lt3A_1357 = arith.constant 100000 : i32
    %lt3A_1358 = arith.cmpi slt, %add3A_1356, %lt3A_1357 : i32
    %add3A_1359 = arith.constant 1152 : i32
    %add3A_1360 = arith.addi %mul3A_2, %add3A_1359 : i32
    %add3A_1361 = arith.constant 128 : i32
    %add3A_1362 = arith.addi %add3A_1360, %add3A_1361 : i32
    %le3A_1363 = arith.constant 100000 : i32
    %le3A_1364 = arith.cmpi sle, %add3A_1362, %le3A_1363 : i32
    %not3A_1365 = arith.constant true
    %not3A_1366 = arith.xori %le3A_1364, %not3A_1365 : i1
    %and3A_1367 = arith.andi %lt3A_1358, %not3A_1366 : i1
    %convert_element_type3A_1368 = arith.extui %and3A_1367 : i1 to i32
    %cond3A_1369 = arith.constant 0 : i32
    %cond3A_1370 = arith.cmpi ne, %convert_element_type3A_1368, %cond3A_1369 : i32
    scf.if %cond3A_1370 {
      %add3A_2521 = arith.constant 1152 : i32
      %add3A_2522 = arith.addi %mul3A_2, %add3A_2521 : i32
      %dma_wait3A = arith.constant 0 : i32
      %dma_wait3A_2523 = arith.constant 0 : i32
      %dma_wait3A_2524 = tpu.memref_slice %arg9[%dma_wait3A, %dma_wait3A_2523] : memref<128x128xf32, #tpu.memory_space<vmem>> -> memref<32x128xf32, #tpu.memory_space<vmem>>
      %dma_wait3A_2525 = arith.constant 0 : i32
      %dma_wait3A_2526 = tpu.memref_slice %arg4[%add3A_2522, %dma_wait3A_2525] : memref<100000x128xf32, #tpu.memory_space<hbm>> -> memref<32x128xf32, #tpu.memory_space<hbm>>
      %dma_wait3A_2527 = arith.constant 0 : i32
      %dma_wait3A_2528 = tpu.memref_slice %arg4[%add3A_2522, %dma_wait3A_2527] : memref<100000x128xf32, #tpu.memory_space<hbm>> -> memref<32x128xf32, #tpu.memory_space<hbm>>
      %dma_wait3A_2529 = arith.constant 0 : i32
      %dma_wait3A_2530 = arith.constant 0 : i32
      %dma_wait3A_2531 = tpu.memref_slice %arg9[%dma_wait3A_2529, %dma_wait3A_2530] : memref<128x128xf32, #tpu.memory_space<vmem>> -> memref<32x128xf32, #tpu.memory_space<vmem>>
      tpu.wait_dma2 semaphore(%arg23 : memref<!tpu.dma_semaphore, #tpu.memory_space<semaphore_mem>>) src(%dma_wait3A_2531 : memref<32x128xf32, #tpu.memory_space<vmem>>) dst(%dma_wait3A_2528 : memref<32x128xf32, #tpu.memory_space<hbm>>)
    } else {
    }
    %add3A_1371 = arith.constant 2048 : i32
    %add3A_1372 = arith.addi %mul3A_2, %add3A_1371 : i32
    %add3A_1373 = arith.constant 128 : i32
    %add3A_1374 = arith.addi %add3A_1372, %add3A_1373 : i32
    %le3A_1375 = arith.constant 100000 : i32
    %le3A_1376 = arith.cmpi sle, %add3A_1374, %le3A_1375 : i32
    %convert_element_type3A_1377 = arith.extui %le3A_1376 : i1 to i32
    %cond3A_1378 = arith.constant 0 : i32
    %cond3A_1379 = arith.cmpi ne, %convert_element_type3A_1377, %cond3A_1378 : i32
    scf.if %cond3A_1379 {
      %dma_start3A = arith.constant 2048 : i32
      %dma_start3A_2521 = tpu.memref_slice %arg5[%dma_start3A] : memref<3200xi32, #tpu.memory_space<vmem>> -> memref<128xi32, #tpu.memory_space<vmem>>
      %dma_start3A_2522 = arith.constant 0 : i32
      %dma_start3A_2523 = arith.constant 0 : i32
      %dma_start3A_2524 = tpu.memref_slice %arg6[%dma_start3A_2522, %dma_start3A_2523] : memref<28x128xf32, #tpu.memory_space<vmem_shared>> -> memref<28x128xf32, #tpu.memory_space<vmem_shared>>
      tpu.enqueue_indirect_dma source(%dma_start3A_2524 : memref<28x128xf32, #tpu.memory_space<vmem_shared>>) target(%arg9 : memref<128x128xf32, #tpu.memory_space<vmem>>) offsets(%dma_start3A_2521 : memref<128xi32, #tpu.memory_space<vmem>>) semaphore(%arg16 : memref<!tpu.dma_semaphore, #tpu.memory_space<semaphore_mem>>)
    } else {
    }
    %add3A_1380 = arith.constant 2048 : i32
    %add3A_1381 = arith.addi %mul3A_2, %add3A_1380 : i32
    %lt3A_1382 = arith.constant 100000 : i32
    %lt3A_1383 = arith.cmpi slt, %add3A_1381, %lt3A_1382 : i32
    %add3A_1384 = arith.constant 2048 : i32
    %add3A_1385 = arith.addi %mul3A_2, %add3A_1384 : i32
    %add3A_1386 = arith.constant 128 : i32
    %add3A_1387 = arith.addi %add3A_1385, %add3A_1386 : i32
    %le3A_1388 = arith.constant 100000 : i32
    %le3A_1389 = arith.cmpi sle, %add3A_1387, %le3A_1388 : i32
    %not3A_1390 = arith.constant true
    %not3A_1391 = arith.xori %le3A_1389, %not3A_1390 : i1
    %and3A_1392 = arith.andi %lt3A_1383, %not3A_1391 : i1
    %convert_element_type3A_1393 = arith.extui %and3A_1392 : i1 to i32
    %cond3A_1394 = arith.constant 0 : i32
    %cond3A_1395 = arith.cmpi ne, %convert_element_type3A_1393, %cond3A_1394 : i32
    scf.if %cond3A_1395 {
      %dma_start3A = arith.constant 0 : i32
      %dma_start3A_2521 = arith.constant 0 : i32
      %dma_start3A_2522 = tpu.memref_slice %arg9[%dma_start3A, %dma_start3A_2521] : memref<128x128xf32, #tpu.memory_space<vmem>> -> memref<32x128xf32, #tpu.memory_space<vmem>>
      %dma_start3A_2523 = arith.constant 2048 : i32
      %dma_start3A_2524 = tpu.memref_slice %arg5[%dma_start3A_2523] : memref<3200xi32, #tpu.memory_space<vmem>> -> memref<32xi32, #tpu.memory_space<vmem>>
      %dma_start3A_2525 = arith.constant 0 : i32
      %dma_start3A_2526 = arith.constant 0 : i32
      %dma_start3A_2527 = tpu.memref_slice %arg6[%dma_start3A_2525, %dma_start3A_2526] : memref<28x128xf32, #tpu.memory_space<vmem_shared>> -> memref<28x128xf32, #tpu.memory_space<vmem_shared>>
      tpu.enqueue_indirect_dma source(%dma_start3A_2527 : memref<28x128xf32, #tpu.memory_space<vmem_shared>>) target(%dma_start3A_2522 : memref<32x128xf32, #tpu.memory_space<vmem>>) offsets(%dma_start3A_2524 : memref<32xi32, #tpu.memory_space<vmem>>) semaphore(%arg16 : memref<!tpu.dma_semaphore, #tpu.memory_space<semaphore_mem>>)
    } else {
    }
    %add3A_1396 = arith.constant 1792 : i32
    %add3A_1397 = arith.addi %mul3A_2, %add3A_1396 : i32
    %add3A_1398 = arith.constant 128 : i32
    %add3A_1399 = arith.addi %add3A_1397, %add3A_1398 : i32
    %le3A_1400 = arith.constant 100000 : i32
    %le3A_1401 = arith.cmpi sle, %add3A_1399, %le3A_1400 : i32
    %convert_element_type3A_1402 = arith.extui %le3A_1401 : i1 to i32
    %cond3A_1403 = arith.constant 0 : i32
    %cond3A_1404 = arith.cmpi ne, %convert_element_type3A_1402, %cond3A_1403 : i32
    scf.if %cond3A_1404 {
      %dma_wait3A = arith.constant 1792 : i32
      %dma_wait3A_2521 = tpu.memref_slice %arg5[%dma_wait3A] : memref<3200xi32, #tpu.memory_space<vmem>> -> memref<128xi32, #tpu.memory_space<vmem>>
      %dma_wait3A_2522 = arith.constant 0 : i32
      %dma_wait3A_2523 = arith.constant 0 : i32
      %dma_wait3A_2524 = tpu.memref_slice %arg6[%dma_wait3A_2522, %dma_wait3A_2523] : memref<28x128xf32, #tpu.memory_space<vmem_shared>> -> memref<28x128xf32, #tpu.memory_space<vmem_shared>>
      tpu.wait_indirect_dma semaphore(%arg14 : memref<!tpu.dma_semaphore, #tpu.memory_space<semaphore_mem>>) src(%dma_wait3A_2524 : memref<28x128xf32, #tpu.memory_space<vmem_shared>>) dst(%arg7 : memref<128x128xf32, #tpu.memory_space<vmem>>)
    } else {
    }
    %add3A_1405 = arith.constant 1792 : i32
    %add3A_1406 = arith.addi %mul3A_2, %add3A_1405 : i32
    %lt3A_1407 = arith.constant 100000 : i32
    %lt3A_1408 = arith.cmpi slt, %add3A_1406, %lt3A_1407 : i32
    %add3A_1409 = arith.constant 1792 : i32
    %add3A_1410 = arith.addi %mul3A_2, %add3A_1409 : i32
    %add3A_1411 = arith.constant 128 : i32
    %add3A_1412 = arith.addi %add3A_1410, %add3A_1411 : i32
    %le3A_1413 = arith.constant 100000 : i32
    %le3A_1414 = arith.cmpi sle, %add3A_1412, %le3A_1413 : i32
    %not3A_1415 = arith.constant true
    %not3A_1416 = arith.xori %le3A_1414, %not3A_1415 : i1
    %and3A_1417 = arith.andi %lt3A_1408, %not3A_1416 : i1
    %convert_element_type3A_1418 = arith.extui %and3A_1417 : i1 to i32
    %cond3A_1419 = arith.constant 0 : i32
    %cond3A_1420 = arith.cmpi ne, %convert_element_type3A_1418, %cond3A_1419 : i32
    scf.if %cond3A_1420 {
      %dma_wait3A = arith.constant 0 : i32
      %dma_wait3A_2521 = arith.constant 0 : i32
      %dma_wait3A_2522 = tpu.memref_slice %arg7[%dma_wait3A, %dma_wait3A_2521] : memref<128x128xf32, #tpu.memory_space<vmem>> -> memref<32x128xf32, #tpu.memory_space<vmem>>
      %dma_wait3A_2523 = arith.constant 1792 : i32
      %dma_wait3A_2524 = tpu.memref_slice %arg5[%dma_wait3A_2523] : memref<3200xi32, #tpu.memory_space<vmem>> -> memref<32xi32, #tpu.memory_space<vmem>>
      %dma_wait3A_2525 = arith.constant 0 : i32
      %dma_wait3A_2526 = arith.constant 0 : i32
      %dma_wait3A_2527 = tpu.memref_slice %arg6[%dma_wait3A_2525, %dma_wait3A_2526] : memref<28x128xf32, #tpu.memory_space<vmem_shared>> -> memref<28x128xf32, #tpu.memory_space<vmem_shared>>
      tpu.wait_indirect_dma semaphore(%arg14 : memref<!tpu.dma_semaphore, #tpu.memory_space<semaphore_mem>>) src(%dma_wait3A_2527 : memref<28x128xf32, #tpu.memory_space<vmem_shared>>) dst(%dma_wait3A_2522 : memref<32x128xf32, #tpu.memory_space<vmem>>)
    } else {
    }
    %add3A_1421 = arith.constant 1792 : i32
    %add3A_1422 = arith.addi %mul3A_2, %add3A_1421 : i32
    %add3A_1423 = arith.constant 128 : i32
    %add3A_1424 = arith.addi %add3A_1422, %add3A_1423 : i32
    %le3A_1425 = arith.constant 100000 : i32
    %le3A_1426 = arith.cmpi sle, %add3A_1424, %le3A_1425 : i32
    %convert_element_type3A_1427 = arith.extui %le3A_1426 : i1 to i32
    %cond3A_1428 = arith.constant 0 : i32
    %cond3A_1429 = arith.cmpi ne, %convert_element_type3A_1427, %cond3A_1428 : i32
    scf.if %cond3A_1429 {
      %add3A_2521 = arith.constant 1792 : i32
      %add3A_2522 = arith.addi %mul3A_2, %add3A_2521 : i32
      %dma_start3A = arith.constant 0 : i32
      %dma_start3A_2523 = tpu.memref_slice %arg4[%add3A_2522, %dma_start3A] : memref<100000x128xf32, #tpu.memory_space<hbm>> -> memref<128x128xf32, #tpu.memory_space<hbm>>
      %dma_start3A_2524 = arith.constant 0 : i32
      %dma_start3A_2525 = tpu.memref_slice %arg4[%add3A_2522, %dma_start3A_2524] : memref<100000x128xf32, #tpu.memory_space<hbm>> -> memref<128x128xf32, #tpu.memory_space<hbm>>
      tpu.enqueue_dma source(%arg7 : memref<128x128xf32, #tpu.memory_space<vmem>>) target(%dma_start3A_2525 : memref<128x128xf32, #tpu.memory_space<hbm>>) target_semaphore(%arg21 : memref<!tpu.dma_semaphore, #tpu.memory_space<semaphore_mem>>)
    } else {
    }
    %add3A_1430 = arith.constant 1792 : i32
    %add3A_1431 = arith.addi %mul3A_2, %add3A_1430 : i32
    %lt3A_1432 = arith.constant 100000 : i32
    %lt3A_1433 = arith.cmpi slt, %add3A_1431, %lt3A_1432 : i32
    %add3A_1434 = arith.constant 1792 : i32
    %add3A_1435 = arith.addi %mul3A_2, %add3A_1434 : i32
    %add3A_1436 = arith.constant 128 : i32
    %add3A_1437 = arith.addi %add3A_1435, %add3A_1436 : i32
    %le3A_1438 = arith.constant 100000 : i32
    %le3A_1439 = arith.cmpi sle, %add3A_1437, %le3A_1438 : i32
    %not3A_1440 = arith.constant true
    %not3A_1441 = arith.xori %le3A_1439, %not3A_1440 : i1
    %and3A_1442 = arith.andi %lt3A_1433, %not3A_1441 : i1
    %convert_element_type3A_1443 = arith.extui %and3A_1442 : i1 to i32
    %cond3A_1444 = arith.constant 0 : i32
    %cond3A_1445 = arith.cmpi ne, %convert_element_type3A_1443, %cond3A_1444 : i32
    scf.if %cond3A_1445 {
      %add3A_2521 = arith.constant 1792 : i32
      %add3A_2522 = arith.addi %mul3A_2, %add3A_2521 : i32
      %dma_start3A = arith.constant 0 : i32
      %dma_start3A_2523 = arith.constant 0 : i32
      %dma_start3A_2524 = tpu.memref_slice %arg7[%dma_start3A, %dma_start3A_2523] : memref<128x128xf32, #tpu.memory_space<vmem>> -> memref<32x128xf32, #tpu.memory_space<vmem>>
      %dma_start3A_2525 = arith.constant 0 : i32
      %dma_start3A_2526 = tpu.memref_slice %arg4[%add3A_2522, %dma_start3A_2525] : memref<100000x128xf32, #tpu.memory_space<hbm>> -> memref<32x128xf32, #tpu.memory_space<hbm>>
      %dma_start3A_2527 = arith.constant 0 : i32
      %dma_start3A_2528 = tpu.memref_slice %arg4[%add3A_2522, %dma_start3A_2527] : memref<100000x128xf32, #tpu.memory_space<hbm>> -> memref<32x128xf32, #tpu.memory_space<hbm>>
      %dma_start3A_2529 = arith.constant 0 : i32
      %dma_start3A_2530 = arith.constant 0 : i32
      %dma_start3A_2531 = tpu.memref_slice %arg7[%dma_start3A_2529, %dma_start3A_2530] : memref<128x128xf32, #tpu.memory_space<vmem>> -> memref<32x128xf32, #tpu.memory_space<vmem>>
      tpu.enqueue_dma source(%dma_start3A_2531 : memref<32x128xf32, #tpu.memory_space<vmem>>) target(%dma_start3A_2528 : memref<32x128xf32, #tpu.memory_space<hbm>>) target_semaphore(%arg21 : memref<!tpu.dma_semaphore, #tpu.memory_space<semaphore_mem>>)
    } else {
    }
    %add3A_1446 = arith.constant 1280 : i32
    %add3A_1447 = arith.addi %mul3A_2, %add3A_1446 : i32
    %add3A_1448 = arith.constant 128 : i32
    %add3A_1449 = arith.addi %add3A_1447, %add3A_1448 : i32
    %le3A_1450 = arith.constant 100000 : i32
    %le3A_1451 = arith.cmpi sle, %add3A_1449, %le3A_1450 : i32
    %convert_element_type3A_1452 = arith.extui %le3A_1451 : i1 to i32
    %cond3A_1453 = arith.constant 0 : i32
    %cond3A_1454 = arith.cmpi ne, %convert_element_type3A_1452, %cond3A_1453 : i32
    scf.if %cond3A_1454 {
      %add3A_2521 = arith.constant 1280 : i32
      %add3A_2522 = arith.addi %mul3A_2, %add3A_2521 : i32
      %dma_wait3A = arith.constant 0 : i32
      %dma_wait3A_2523 = tpu.memref_slice %arg4[%add3A_2522, %dma_wait3A] : memref<100000x128xf32, #tpu.memory_space<hbm>> -> memref<128x128xf32, #tpu.memory_space<hbm>>
      %dma_wait3A_2524 = arith.constant 0 : i32
      %dma_wait3A_2525 = tpu.memref_slice %arg4[%add3A_2522, %dma_wait3A_2524] : memref<100000x128xf32, #tpu.memory_space<hbm>> -> memref<128x128xf32, #tpu.memory_space<hbm>>
      tpu.wait_dma2 semaphore(%arg24 : memref<!tpu.dma_semaphore, #tpu.memory_space<semaphore_mem>>) src(%arg10 : memref<128x128xf32, #tpu.memory_space<vmem>>) dst(%dma_wait3A_2525 : memref<128x128xf32, #tpu.memory_space<hbm>>)
    } else {
    }
    %add3A_1455 = arith.constant 1280 : i32
    %add3A_1456 = arith.addi %mul3A_2, %add3A_1455 : i32
    %lt3A_1457 = arith.constant 100000 : i32
    %lt3A_1458 = arith.cmpi slt, %add3A_1456, %lt3A_1457 : i32
    %add3A_1459 = arith.constant 1280 : i32
    %add3A_1460 = arith.addi %mul3A_2, %add3A_1459 : i32
    %add3A_1461 = arith.constant 128 : i32
    %add3A_1462 = arith.addi %add3A_1460, %add3A_1461 : i32
    %le3A_1463 = arith.constant 100000 : i32
    %le3A_1464 = arith.cmpi sle, %add3A_1462, %le3A_1463 : i32
    %not3A_1465 = arith.constant true
    %not3A_1466 = arith.xori %le3A_1464, %not3A_1465 : i1
    %and3A_1467 = arith.andi %lt3A_1458, %not3A_1466 : i1
    %convert_element_type3A_1468 = arith.extui %and3A_1467 : i1 to i32
    %cond3A_1469 = arith.constant 0 : i32
    %cond3A_1470 = arith.cmpi ne, %convert_element_type3A_1468, %cond3A_1469 : i32
    scf.if %cond3A_1470 {
      %add3A_2521 = arith.constant 1280 : i32
      %add3A_2522 = arith.addi %mul3A_2, %add3A_2521 : i32
      %dma_wait3A = arith.constant 0 : i32
      %dma_wait3A_2523 = arith.constant 0 : i32
      %dma_wait3A_2524 = tpu.memref_slice %arg10[%dma_wait3A, %dma_wait3A_2523] : memref<128x128xf32, #tpu.memory_space<vmem>> -> memref<32x128xf32, #tpu.memory_space<vmem>>
      %dma_wait3A_2525 = arith.constant 0 : i32
      %dma_wait3A_2526 = tpu.memref_slice %arg4[%add3A_2522, %dma_wait3A_2525] : memref<100000x128xf32, #tpu.memory_space<hbm>> -> memref<32x128xf32, #tpu.memory_space<hbm>>
      %dma_wait3A_2527 = arith.constant 0 : i32
      %dma_wait3A_2528 = tpu.memref_slice %arg4[%add3A_2522, %dma_wait3A_2527] : memref<100000x128xf32, #tpu.memory_space<hbm>> -> memref<32x128xf32, #tpu.memory_space<hbm>>
      %dma_wait3A_2529 = arith.constant 0 : i32
      %dma_wait3A_2530 = arith.constant 0 : i32
      %dma_wait3A_2531 = tpu.memref_slice %arg10[%dma_wait3A_2529, %dma_wait3A_2530] : memref<128x128xf32, #tpu.memory_space<vmem>> -> memref<32x128xf32, #tpu.memory_space<vmem>>
      tpu.wait_dma2 semaphore(%arg24 : memref<!tpu.dma_semaphore, #tpu.memory_space<semaphore_mem>>) src(%dma_wait3A_2531 : memref<32x128xf32, #tpu.memory_space<vmem>>) dst(%dma_wait3A_2528 : memref<32x128xf32, #tpu.memory_space<hbm>>)
    } else {
    }
    %add3A_1471 = arith.constant 2176 : i32
    %add3A_1472 = arith.addi %mul3A_2, %add3A_1471 : i32
    %add3A_1473 = arith.constant 128 : i32
    %add3A_1474 = arith.addi %add3A_1472, %add3A_1473 : i32
    %le3A_1475 = arith.constant 100000 : i32
    %le3A_1476 = arith.cmpi sle, %add3A_1474, %le3A_1475 : i32
    %convert_element_type3A_1477 = arith.extui %le3A_1476 : i1 to i32
    %cond3A_1478 = arith.constant 0 : i32
    %cond3A_1479 = arith.cmpi ne, %convert_element_type3A_1477, %cond3A_1478 : i32
    scf.if %cond3A_1479 {
      %dma_start3A = arith.constant 2176 : i32
      %dma_start3A_2521 = tpu.memref_slice %arg5[%dma_start3A] : memref<3200xi32, #tpu.memory_space<vmem>> -> memref<128xi32, #tpu.memory_space<vmem>>
      %dma_start3A_2522 = arith.constant 0 : i32
      %dma_start3A_2523 = arith.constant 0 : i32
      %dma_start3A_2524 = tpu.memref_slice %arg6[%dma_start3A_2522, %dma_start3A_2523] : memref<28x128xf32, #tpu.memory_space<vmem_shared>> -> memref<28x128xf32, #tpu.memory_space<vmem_shared>>
      tpu.enqueue_indirect_dma source(%dma_start3A_2524 : memref<28x128xf32, #tpu.memory_space<vmem_shared>>) target(%arg10 : memref<128x128xf32, #tpu.memory_space<vmem>>) offsets(%dma_start3A_2521 : memref<128xi32, #tpu.memory_space<vmem>>) semaphore(%arg17 : memref<!tpu.dma_semaphore, #tpu.memory_space<semaphore_mem>>)
    } else {
    }
    %add3A_1480 = arith.constant 2176 : i32
    %add3A_1481 = arith.addi %mul3A_2, %add3A_1480 : i32
    %lt3A_1482 = arith.constant 100000 : i32
    %lt3A_1483 = arith.cmpi slt, %add3A_1481, %lt3A_1482 : i32
    %add3A_1484 = arith.constant 2176 : i32
    %add3A_1485 = arith.addi %mul3A_2, %add3A_1484 : i32
    %add3A_1486 = arith.constant 128 : i32
    %add3A_1487 = arith.addi %add3A_1485, %add3A_1486 : i32
    %le3A_1488 = arith.constant 100000 : i32
    %le3A_1489 = arith.cmpi sle, %add3A_1487, %le3A_1488 : i32
    %not3A_1490 = arith.constant true
    %not3A_1491 = arith.xori %le3A_1489, %not3A_1490 : i1
    %and3A_1492 = arith.andi %lt3A_1483, %not3A_1491 : i1
    %convert_element_type3A_1493 = arith.extui %and3A_1492 : i1 to i32
    %cond3A_1494 = arith.constant 0 : i32
    %cond3A_1495 = arith.cmpi ne, %convert_element_type3A_1493, %cond3A_1494 : i32
    scf.if %cond3A_1495 {
      %dma_start3A = arith.constant 0 : i32
      %dma_start3A_2521 = arith.constant 0 : i32
      %dma_start3A_2522 = tpu.memref_slice %arg10[%dma_start3A, %dma_start3A_2521] : memref<128x128xf32, #tpu.memory_space<vmem>> -> memref<32x128xf32, #tpu.memory_space<vmem>>
      %dma_start3A_2523 = arith.constant 2176 : i32
      %dma_start3A_2524 = tpu.memref_slice %arg5[%dma_start3A_2523] : memref<3200xi32, #tpu.memory_space<vmem>> -> memref<32xi32, #tpu.memory_space<vmem>>
      %dma_start3A_2525 = arith.constant 0 : i32
      %dma_start3A_2526 = arith.constant 0 : i32
      %dma_start3A_2527 = tpu.memref_slice %arg6[%dma_start3A_2525, %dma_start3A_2526] : memref<28x128xf32, #tpu.memory_space<vmem_shared>> -> memref<28x128xf32, #tpu.memory_space<vmem_shared>>
      tpu.enqueue_indirect_dma source(%dma_start3A_2527 : memref<28x128xf32, #tpu.memory_space<vmem_shared>>) target(%dma_start3A_2522 : memref<32x128xf32, #tpu.memory_space<vmem>>) offsets(%dma_start3A_2524 : memref<32xi32, #tpu.memory_space<vmem>>) semaphore(%arg17 : memref<!tpu.dma_semaphore, #tpu.memory_space<semaphore_mem>>)
    } else {
    }
    %add3A_1496 = arith.constant 1920 : i32
    %add3A_1497 = arith.addi %mul3A_2, %add3A_1496 : i32
    %add3A_1498 = arith.constant 128 : i32
    %add3A_1499 = arith.addi %add3A_1497, %add3A_1498 : i32
    %le3A_1500 = arith.constant 100000 : i32
    %le3A_1501 = arith.cmpi sle, %add3A_1499, %le3A_1500 : i32
    %convert_element_type3A_1502 = arith.extui %le3A_1501 : i1 to i32
    %cond3A_1503 = arith.constant 0 : i32
    %cond3A_1504 = arith.cmpi ne, %convert_element_type3A_1502, %cond3A_1503 : i32
    scf.if %cond3A_1504 {
      %dma_wait3A = arith.constant 1920 : i32
      %dma_wait3A_2521 = tpu.memref_slice %arg5[%dma_wait3A] : memref<3200xi32, #tpu.memory_space<vmem>> -> memref<128xi32, #tpu.memory_space<vmem>>
      %dma_wait3A_2522 = arith.constant 0 : i32
      %dma_wait3A_2523 = arith.constant 0 : i32
      %dma_wait3A_2524 = tpu.memref_slice %arg6[%dma_wait3A_2522, %dma_wait3A_2523] : memref<28x128xf32, #tpu.memory_space<vmem_shared>> -> memref<28x128xf32, #tpu.memory_space<vmem_shared>>
      tpu.wait_indirect_dma semaphore(%arg15 : memref<!tpu.dma_semaphore, #tpu.memory_space<semaphore_mem>>) src(%dma_wait3A_2524 : memref<28x128xf32, #tpu.memory_space<vmem_shared>>) dst(%arg8 : memref<128x128xf32, #tpu.memory_space<vmem>>)
    } else {
    }
    %add3A_1505 = arith.constant 1920 : i32
    %add3A_1506 = arith.addi %mul3A_2, %add3A_1505 : i32
    %lt3A_1507 = arith.constant 100000 : i32
    %lt3A_1508 = arith.cmpi slt, %add3A_1506, %lt3A_1507 : i32
    %add3A_1509 = arith.constant 1920 : i32
    %add3A_1510 = arith.addi %mul3A_2, %add3A_1509 : i32
    %add3A_1511 = arith.constant 128 : i32
    %add3A_1512 = arith.addi %add3A_1510, %add3A_1511 : i32
    %le3A_1513 = arith.constant 100000 : i32
    %le3A_1514 = arith.cmpi sle, %add3A_1512, %le3A_1513 : i32
    %not3A_1515 = arith.constant true
    %not3A_1516 = arith.xori %le3A_1514, %not3A_1515 : i1
    %and3A_1517 = arith.andi %lt3A_1508, %not3A_1516 : i1
    %convert_element_type3A_1518 = arith.extui %and3A_1517 : i1 to i32
    %cond3A_1519 = arith.constant 0 : i32
    %cond3A_1520 = arith.cmpi ne, %convert_element_type3A_1518, %cond3A_1519 : i32
    scf.if %cond3A_1520 {
      %dma_wait3A = arith.constant 0 : i32
      %dma_wait3A_2521 = arith.constant 0 : i32
      %dma_wait3A_2522 = tpu.memref_slice %arg8[%dma_wait3A, %dma_wait3A_2521] : memref<128x128xf32, #tpu.memory_space<vmem>> -> memref<32x128xf32, #tpu.memory_space<vmem>>
      %dma_wait3A_2523 = arith.constant 1920 : i32
      %dma_wait3A_2524 = tpu.memref_slice %arg5[%dma_wait3A_2523] : memref<3200xi32, #tpu.memory_space<vmem>> -> memref<32xi32, #tpu.memory_space<vmem>>
      %dma_wait3A_2525 = arith.constant 0 : i32
      %dma_wait3A_2526 = arith.constant 0 : i32
      %dma_wait3A_2527 = tpu.memref_slice %arg6[%dma_wait3A_2525, %dma_wait3A_2526] : memref<28x128xf32, #tpu.memory_space<vmem_shared>> -> memref<28x128xf32, #tpu.memory_space<vmem_shared>>
      tpu.wait_indirect_dma semaphore(%arg15 : memref<!tpu.dma_semaphore, #tpu.memory_space<semaphore_mem>>) src(%dma_wait3A_2527 : memref<28x128xf32, #tpu.memory_space<vmem_shared>>) dst(%dma_wait3A_2522 : memref<32x128xf32, #tpu.memory_space<vmem>>)
    } else {
    }
    %add3A_1521 = arith.constant 1920 : i32
    %add3A_1522 = arith.addi %mul3A_2, %add3A_1521 : i32
    %add3A_1523 = arith.constant 128 : i32
    %add3A_1524 = arith.addi %add3A_1522, %add3A_1523 : i32
    %le3A_1525 = arith.constant 100000 : i32
    %le3A_1526 = arith.cmpi sle, %add3A_1524, %le3A_1525 : i32
    %convert_element_type3A_1527 = arith.extui %le3A_1526 : i1 to i32
    %cond3A_1528 = arith.constant 0 : i32
    %cond3A_1529 = arith.cmpi ne, %convert_element_type3A_1527, %cond3A_1528 : i32
    scf.if %cond3A_1529 {
      %add3A_2521 = arith.constant 1920 : i32
      %add3A_2522 = arith.addi %mul3A_2, %add3A_2521 : i32
      %dma_start3A = arith.constant 0 : i32
      %dma_start3A_2523 = tpu.memref_slice %arg4[%add3A_2522, %dma_start3A] : memref<100000x128xf32, #tpu.memory_space<hbm>> -> memref<128x128xf32, #tpu.memory_space<hbm>>
      %dma_start3A_2524 = arith.constant 0 : i32
      %dma_start3A_2525 = tpu.memref_slice %arg4[%add3A_2522, %dma_start3A_2524] : memref<100000x128xf32, #tpu.memory_space<hbm>> -> memref<128x128xf32, #tpu.memory_space<hbm>>
      tpu.enqueue_dma source(%arg8 : memref<128x128xf32, #tpu.memory_space<vmem>>) target(%dma_start3A_2525 : memref<128x128xf32, #tpu.memory_space<hbm>>) target_semaphore(%arg22 : memref<!tpu.dma_semaphore, #tpu.memory_space<semaphore_mem>>)
    } else {
    }
    %add3A_1530 = arith.constant 1920 : i32
    %add3A_1531 = arith.addi %mul3A_2, %add3A_1530 : i32
    %lt3A_1532 = arith.constant 100000 : i32
    %lt3A_1533 = arith.cmpi slt, %add3A_1531, %lt3A_1532 : i32
    %add3A_1534 = arith.constant 1920 : i32
    %add3A_1535 = arith.addi %mul3A_2, %add3A_1534 : i32
    %add3A_1536 = arith.constant 128 : i32
    %add3A_1537 = arith.addi %add3A_1535, %add3A_1536 : i32
    %le3A_1538 = arith.constant 100000 : i32
    %le3A_1539 = arith.cmpi sle, %add3A_1537, %le3A_1538 : i32
    %not3A_1540 = arith.constant true
    %not3A_1541 = arith.xori %le3A_1539, %not3A_1540 : i1
    %and3A_1542 = arith.andi %lt3A_1533, %not3A_1541 : i1
    %convert_element_type3A_1543 = arith.extui %and3A_1542 : i1 to i32
    %cond3A_1544 = arith.constant 0 : i32
    %cond3A_1545 = arith.cmpi ne, %convert_element_type3A_1543, %cond3A_1544 : i32
    scf.if %cond3A_1545 {
      %add3A_2521 = arith.constant 1920 : i32
      %add3A_2522 = arith.addi %mul3A_2, %add3A_2521 : i32
      %dma_start3A = arith.constant 0 : i32
      %dma_start3A_2523 = arith.constant 0 : i32
      %dma_start3A_2524 = tpu.memref_slice %arg8[%dma_start3A, %dma_start3A_2523] : memref<128x128xf32, #tpu.memory_space<vmem>> -> memref<32x128xf32, #tpu.memory_space<vmem>>
      %dma_start3A_2525 = arith.constant 0 : i32
      %dma_start3A_2526 = tpu.memref_slice %arg4[%add3A_2522, %dma_start3A_2525] : memref<100000x128xf32, #tpu.memory_space<hbm>> -> memref<32x128xf32, #tpu.memory_space<hbm>>
      %dma_start3A_2527 = arith.constant 0 : i32
      %dma_start3A_2528 = tpu.memref_slice %arg4[%add3A_2522, %dma_start3A_2527] : memref<100000x128xf32, #tpu.memory_space<hbm>> -> memref<32x128xf32, #tpu.memory_space<hbm>>
      %dma_start3A_2529 = arith.constant 0 : i32
      %dma_start3A_2530 = arith.constant 0 : i32
      %dma_start3A_2531 = tpu.memref_slice %arg8[%dma_start3A_2529, %dma_start3A_2530] : memref<128x128xf32, #tpu.memory_space<vmem>> -> memref<32x128xf32, #tpu.memory_space<vmem>>
      tpu.enqueue_dma source(%dma_start3A_2531 : memref<32x128xf32, #tpu.memory_space<vmem>>) target(%dma_start3A_2528 : memref<32x128xf32, #tpu.memory_space<hbm>>) target_semaphore(%arg22 : memref<!tpu.dma_semaphore, #tpu.memory_space<semaphore_mem>>)
    } else {
    }
    %add3A_1546 = arith.constant 1408 : i32
    %add3A_1547 = arith.addi %mul3A_2, %add3A_1546 : i32
    %add3A_1548 = arith.constant 128 : i32
    %add3A_1549 = arith.addi %add3A_1547, %add3A_1548 : i32
    %le3A_1550 = arith.constant 100000 : i32
    %le3A_1551 = arith.cmpi sle, %add3A_1549, %le3A_1550 : i32
    %convert_element_type3A_1552 = arith.extui %le3A_1551 : i1 to i32
    %cond3A_1553 = arith.constant 0 : i32
    %cond3A_1554 = arith.cmpi ne, %convert_element_type3A_1552, %cond3A_1553 : i32
    scf.if %cond3A_1554 {
      %add3A_2521 = arith.constant 1408 : i32
      %add3A_2522 = arith.addi %mul3A_2, %add3A_2521 : i32
      %dma_wait3A = arith.constant 0 : i32
      %dma_wait3A_2523 = tpu.memref_slice %arg4[%add3A_2522, %dma_wait3A] : memref<100000x128xf32, #tpu.memory_space<hbm>> -> memref<128x128xf32, #tpu.memory_space<hbm>>
      %dma_wait3A_2524 = arith.constant 0 : i32
      %dma_wait3A_2525 = tpu.memref_slice %arg4[%add3A_2522, %dma_wait3A_2524] : memref<100000x128xf32, #tpu.memory_space<hbm>> -> memref<128x128xf32, #tpu.memory_space<hbm>>
      tpu.wait_dma2 semaphore(%arg25 : memref<!tpu.dma_semaphore, #tpu.memory_space<semaphore_mem>>) src(%arg11 : memref<128x128xf32, #tpu.memory_space<vmem>>) dst(%dma_wait3A_2525 : memref<128x128xf32, #tpu.memory_space<hbm>>)
    } else {
    }
    %add3A_1555 = arith.constant 1408 : i32
    %add3A_1556 = arith.addi %mul3A_2, %add3A_1555 : i32
    %lt3A_1557 = arith.constant 100000 : i32
    %lt3A_1558 = arith.cmpi slt, %add3A_1556, %lt3A_1557 : i32
    %add3A_1559 = arith.constant 1408 : i32
    %add3A_1560 = arith.addi %mul3A_2, %add3A_1559 : i32
    %add3A_1561 = arith.constant 128 : i32
    %add3A_1562 = arith.addi %add3A_1560, %add3A_1561 : i32
    %le3A_1563 = arith.constant 100000 : i32
    %le3A_1564 = arith.cmpi sle, %add3A_1562, %le3A_1563 : i32
    %not3A_1565 = arith.constant true
    %not3A_1566 = arith.xori %le3A_1564, %not3A_1565 : i1
    %and3A_1567 = arith.andi %lt3A_1558, %not3A_1566 : i1
    %convert_element_type3A_1568 = arith.extui %and3A_1567 : i1 to i32
    %cond3A_1569 = arith.constant 0 : i32
    %cond3A_1570 = arith.cmpi ne, %convert_element_type3A_1568, %cond3A_1569 : i32
    scf.if %cond3A_1570 {
      %add3A_2521 = arith.constant 1408 : i32
      %add3A_2522 = arith.addi %mul3A_2, %add3A_2521 : i32
      %dma_wait3A = arith.constant 0 : i32
      %dma_wait3A_2523 = arith.constant 0 : i32
      %dma_wait3A_2524 = tpu.memref_slice %arg11[%dma_wait3A, %dma_wait3A_2523] : memref<128x128xf32, #tpu.memory_space<vmem>> -> memref<32x128xf32, #tpu.memory_space<vmem>>
      %dma_wait3A_2525 = arith.constant 0 : i32
      %dma_wait3A_2526 = tpu.memref_slice %arg4[%add3A_2522, %dma_wait3A_2525] : memref<100000x128xf32, #tpu.memory_space<hbm>> -> memref<32x128xf32, #tpu.memory_space<hbm>>
      %dma_wait3A_2527 = arith.constant 0 : i32
      %dma_wait3A_2528 = tpu.memref_slice %arg4[%add3A_2522, %dma_wait3A_2527] : memref<100000x128xf32, #tpu.memory_space<hbm>> -> memref<32x128xf32, #tpu.memory_space<hbm>>
      %dma_wait3A_2529 = arith.constant 0 : i32
      %dma_wait3A_2530 = arith.constant 0 : i32
      %dma_wait3A_2531 = tpu.memref_slice %arg11[%dma_wait3A_2529, %dma_wait3A_2530] : memref<128x128xf32, #tpu.memory_space<vmem>> -> memref<32x128xf32, #tpu.memory_space<vmem>>
      tpu.wait_dma2 semaphore(%arg25 : memref<!tpu.dma_semaphore, #tpu.memory_space<semaphore_mem>>) src(%dma_wait3A_2531 : memref<32x128xf32, #tpu.memory_space<vmem>>) dst(%dma_wait3A_2528 : memref<32x128xf32, #tpu.memory_space<hbm>>)
    } else {
    }
    %add3A_1571 = arith.constant 2304 : i32
    %add3A_1572 = arith.addi %mul3A_2, %add3A_1571 : i32
    %add3A_1573 = arith.constant 128 : i32
    %add3A_1574 = arith.addi %add3A_1572, %add3A_1573 : i32
    %le3A_1575 = arith.constant 100000 : i32
    %le3A_1576 = arith.cmpi sle, %add3A_1574, %le3A_1575 : i32
    %convert_element_type3A_1577 = arith.extui %le3A_1576 : i1 to i32
    %cond3A_1578 = arith.constant 0 : i32
    %cond3A_1579 = arith.cmpi ne, %convert_element_type3A_1577, %cond3A_1578 : i32
    scf.if %cond3A_1579 {
      %dma_start3A = arith.constant 2304 : i32
      %dma_start3A_2521 = tpu.memref_slice %arg5[%dma_start3A] : memref<3200xi32, #tpu.memory_space<vmem>> -> memref<128xi32, #tpu.memory_space<vmem>>
      %dma_start3A_2522 = arith.constant 0 : i32
      %dma_start3A_2523 = arith.constant 0 : i32
      %dma_start3A_2524 = tpu.memref_slice %arg6[%dma_start3A_2522, %dma_start3A_2523] : memref<28x128xf32, #tpu.memory_space<vmem_shared>> -> memref<28x128xf32, #tpu.memory_space<vmem_shared>>
      tpu.enqueue_indirect_dma source(%dma_start3A_2524 : memref<28x128xf32, #tpu.memory_space<vmem_shared>>) target(%arg11 : memref<128x128xf32, #tpu.memory_space<vmem>>) offsets(%dma_start3A_2521 : memref<128xi32, #tpu.memory_space<vmem>>) semaphore(%arg18 : memref<!tpu.dma_semaphore, #tpu.memory_space<semaphore_mem>>)
    } else {
    }
    %add3A_1580 = arith.constant 2304 : i32
    %add3A_1581 = arith.addi %mul3A_2, %add3A_1580 : i32
    %lt3A_1582 = arith.constant 100000 : i32
    %lt3A_1583 = arith.cmpi slt, %add3A_1581, %lt3A_1582 : i32
    %add3A_1584 = arith.constant 2304 : i32
    %add3A_1585 = arith.addi %mul3A_2, %add3A_1584 : i32
    %add3A_1586 = arith.constant 128 : i32
    %add3A_1587 = arith.addi %add3A_1585, %add3A_1586 : i32
    %le3A_1588 = arith.constant 100000 : i32
    %le3A_1589 = arith.cmpi sle, %add3A_1587, %le3A_1588 : i32
    %not3A_1590 = arith.constant true
    %not3A_1591 = arith.xori %le3A_1589, %not3A_1590 : i1
    %and3A_1592 = arith.andi %lt3A_1583, %not3A_1591 : i1
    %convert_element_type3A_1593 = arith.extui %and3A_1592 : i1 to i32
    %cond3A_1594 = arith.constant 0 : i32
    %cond3A_1595 = arith.cmpi ne, %convert_element_type3A_1593, %cond3A_1594 : i32
    scf.if %cond3A_1595 {
      %dma_start3A = arith.constant 0 : i32
      %dma_start3A_2521 = arith.constant 0 : i32
      %dma_start3A_2522 = tpu.memref_slice %arg11[%dma_start3A, %dma_start3A_2521] : memref<128x128xf32, #tpu.memory_space<vmem>> -> memref<32x128xf32, #tpu.memory_space<vmem>>
      %dma_start3A_2523 = arith.constant 2304 : i32
      %dma_start3A_2524 = tpu.memref_slice %arg5[%dma_start3A_2523] : memref<3200xi32, #tpu.memory_space<vmem>> -> memref<32xi32, #tpu.memory_space<vmem>>
      %dma_start3A_2525 = arith.constant 0 : i32
      %dma_start3A_2526 = arith.constant 0 : i32
      %dma_start3A_2527 = tpu.memref_slice %arg6[%dma_start3A_2525, %dma_start3A_2526] : memref<28x128xf32, #tpu.memory_space<vmem_shared>> -> memref<28x128xf32, #tpu.memory_space<vmem_shared>>
      tpu.enqueue_indirect_dma source(%dma_start3A_2527 : memref<28x128xf32, #tpu.memory_space<vmem_shared>>) target(%dma_start3A_2522 : memref<32x128xf32, #tpu.memory_space<vmem>>) offsets(%dma_start3A_2524 : memref<32xi32, #tpu.memory_space<vmem>>) semaphore(%arg18 : memref<!tpu.dma_semaphore, #tpu.memory_space<semaphore_mem>>)
    } else {
    }
    %add3A_1596 = arith.constant 2048 : i32
    %add3A_1597 = arith.addi %mul3A_2, %add3A_1596 : i32
    %add3A_1598 = arith.constant 128 : i32
    %add3A_1599 = arith.addi %add3A_1597, %add3A_1598 : i32
    %le3A_1600 = arith.constant 100000 : i32
    %le3A_1601 = arith.cmpi sle, %add3A_1599, %le3A_1600 : i32
    %convert_element_type3A_1602 = arith.extui %le3A_1601 : i1 to i32
    %cond3A_1603 = arith.constant 0 : i32
    %cond3A_1604 = arith.cmpi ne, %convert_element_type3A_1602, %cond3A_1603 : i32
    scf.if %cond3A_1604 {
      %dma_wait3A = arith.constant 2048 : i32
      %dma_wait3A_2521 = tpu.memref_slice %arg5[%dma_wait3A] : memref<3200xi32, #tpu.memory_space<vmem>> -> memref<128xi32, #tpu.memory_space<vmem>>
      %dma_wait3A_2522 = arith.constant 0 : i32
      %dma_wait3A_2523 = arith.constant 0 : i32
      %dma_wait3A_2524 = tpu.memref_slice %arg6[%dma_wait3A_2522, %dma_wait3A_2523] : memref<28x128xf32, #tpu.memory_space<vmem_shared>> -> memref<28x128xf32, #tpu.memory_space<vmem_shared>>
      tpu.wait_indirect_dma semaphore(%arg16 : memref<!tpu.dma_semaphore, #tpu.memory_space<semaphore_mem>>) src(%dma_wait3A_2524 : memref<28x128xf32, #tpu.memory_space<vmem_shared>>) dst(%arg9 : memref<128x128xf32, #tpu.memory_space<vmem>>)
    } else {
    }
    %add3A_1605 = arith.constant 2048 : i32
    %add3A_1606 = arith.addi %mul3A_2, %add3A_1605 : i32
    %lt3A_1607 = arith.constant 100000 : i32
    %lt3A_1608 = arith.cmpi slt, %add3A_1606, %lt3A_1607 : i32
    %add3A_1609 = arith.constant 2048 : i32
    %add3A_1610 = arith.addi %mul3A_2, %add3A_1609 : i32
    %add3A_1611 = arith.constant 128 : i32
    %add3A_1612 = arith.addi %add3A_1610, %add3A_1611 : i32
    %le3A_1613 = arith.constant 100000 : i32
    %le3A_1614 = arith.cmpi sle, %add3A_1612, %le3A_1613 : i32
    %not3A_1615 = arith.constant true
    %not3A_1616 = arith.xori %le3A_1614, %not3A_1615 : i1
    %and3A_1617 = arith.andi %lt3A_1608, %not3A_1616 : i1
    %convert_element_type3A_1618 = arith.extui %and3A_1617 : i1 to i32
    %cond3A_1619 = arith.constant 0 : i32
    %cond3A_1620 = arith.cmpi ne, %convert_element_type3A_1618, %cond3A_1619 : i32
    scf.if %cond3A_1620 {
      %dma_wait3A = arith.constant 0 : i32
      %dma_wait3A_2521 = arith.constant 0 : i32
      %dma_wait3A_2522 = tpu.memref_slice %arg9[%dma_wait3A, %dma_wait3A_2521] : memref<128x128xf32, #tpu.memory_space<vmem>> -> memref<32x128xf32, #tpu.memory_space<vmem>>
      %dma_wait3A_2523 = arith.constant 2048 : i32
      %dma_wait3A_2524 = tpu.memref_slice %arg5[%dma_wait3A_2523] : memref<3200xi32, #tpu.memory_space<vmem>> -> memref<32xi32, #tpu.memory_space<vmem>>
      %dma_wait3A_2525 = arith.constant 0 : i32
      %dma_wait3A_2526 = arith.constant 0 : i32
      %dma_wait3A_2527 = tpu.memref_slice %arg6[%dma_wait3A_2525, %dma_wait3A_2526] : memref<28x128xf32, #tpu.memory_space<vmem_shared>> -> memref<28x128xf32, #tpu.memory_space<vmem_shared>>
      tpu.wait_indirect_dma semaphore(%arg16 : memref<!tpu.dma_semaphore, #tpu.memory_space<semaphore_mem>>) src(%dma_wait3A_2527 : memref<28x128xf32, #tpu.memory_space<vmem_shared>>) dst(%dma_wait3A_2522 : memref<32x128xf32, #tpu.memory_space<vmem>>)
    } else {
    }
    %add3A_1621 = arith.constant 2048 : i32
    %add3A_1622 = arith.addi %mul3A_2, %add3A_1621 : i32
    %add3A_1623 = arith.constant 128 : i32
    %add3A_1624 = arith.addi %add3A_1622, %add3A_1623 : i32
    %le3A_1625 = arith.constant 100000 : i32
    %le3A_1626 = arith.cmpi sle, %add3A_1624, %le3A_1625 : i32
    %convert_element_type3A_1627 = arith.extui %le3A_1626 : i1 to i32
    %cond3A_1628 = arith.constant 0 : i32
    %cond3A_1629 = arith.cmpi ne, %convert_element_type3A_1627, %cond3A_1628 : i32
    scf.if %cond3A_1629 {
      %add3A_2521 = arith.constant 2048 : i32
      %add3A_2522 = arith.addi %mul3A_2, %add3A_2521 : i32
      %dma_start3A = arith.constant 0 : i32
      %dma_start3A_2523 = tpu.memref_slice %arg4[%add3A_2522, %dma_start3A] : memref<100000x128xf32, #tpu.memory_space<hbm>> -> memref<128x128xf32, #tpu.memory_space<hbm>>
      %dma_start3A_2524 = arith.constant 0 : i32
      %dma_start3A_2525 = tpu.memref_slice %arg4[%add3A_2522, %dma_start3A_2524] : memref<100000x128xf32, #tpu.memory_space<hbm>> -> memref<128x128xf32, #tpu.memory_space<hbm>>
      tpu.enqueue_dma source(%arg9 : memref<128x128xf32, #tpu.memory_space<vmem>>) target(%dma_start3A_2525 : memref<128x128xf32, #tpu.memory_space<hbm>>) target_semaphore(%arg23 : memref<!tpu.dma_semaphore, #tpu.memory_space<semaphore_mem>>)
    } else {
    }
    %add3A_1630 = arith.constant 2048 : i32
    %add3A_1631 = arith.addi %mul3A_2, %add3A_1630 : i32
    %lt3A_1632 = arith.constant 100000 : i32
    %lt3A_1633 = arith.cmpi slt, %add3A_1631, %lt3A_1632 : i32
    %add3A_1634 = arith.constant 2048 : i32
    %add3A_1635 = arith.addi %mul3A_2, %add3A_1634 : i32
    %add3A_1636 = arith.constant 128 : i32
    %add3A_1637 = arith.addi %add3A_1635, %add3A_1636 : i32
    %le3A_1638 = arith.constant 100000 : i32
    %le3A_1639 = arith.cmpi sle, %add3A_1637, %le3A_1638 : i32
    %not3A_1640 = arith.constant true
    %not3A_1641 = arith.xori %le3A_1639, %not3A_1640 : i1
    %and3A_1642 = arith.andi %lt3A_1633, %not3A_1641 : i1
    %convert_element_type3A_1643 = arith.extui %and3A_1642 : i1 to i32
    %cond3A_1644 = arith.constant 0 : i32
    %cond3A_1645 = arith.cmpi ne, %convert_element_type3A_1643, %cond3A_1644 : i32
    scf.if %cond3A_1645 {
      %add3A_2521 = arith.constant 2048 : i32
      %add3A_2522 = arith.addi %mul3A_2, %add3A_2521 : i32
      %dma_start3A = arith.constant 0 : i32
      %dma_start3A_2523 = arith.constant 0 : i32
      %dma_start3A_2524 = tpu.memref_slice %arg9[%dma_start3A, %dma_start3A_2523] : memref<128x128xf32, #tpu.memory_space<vmem>> -> memref<32x128xf32, #tpu.memory_space<vmem>>
      %dma_start3A_2525 = arith.constant 0 : i32
      %dma_start3A_2526 = tpu.memref_slice %arg4[%add3A_2522, %dma_start3A_2525] : memref<100000x128xf32, #tpu.memory_space<hbm>> -> memref<32x128xf32, #tpu.memory_space<hbm>>
      %dma_start3A_2527 = arith.constant 0 : i32
      %dma_start3A_2528 = tpu.memref_slice %arg4[%add3A_2522, %dma_start3A_2527] : memref<100000x128xf32, #tpu.memory_space<hbm>> -> memref<32x128xf32, #tpu.memory_space<hbm>>
      %dma_start3A_2529 = arith.constant 0 : i32
      %dma_start3A_2530 = arith.constant 0 : i32
      %dma_start3A_2531 = tpu.memref_slice %arg9[%dma_start3A_2529, %dma_start3A_2530] : memref<128x128xf32, #tpu.memory_space<vmem>> -> memref<32x128xf32, #tpu.memory_space<vmem>>
      tpu.enqueue_dma source(%dma_start3A_2531 : memref<32x128xf32, #tpu.memory_space<vmem>>) target(%dma_start3A_2528 : memref<32x128xf32, #tpu.memory_space<hbm>>) target_semaphore(%arg23 : memref<!tpu.dma_semaphore, #tpu.memory_space<semaphore_mem>>)
    } else {
    }
    %add3A_1646 = arith.constant 1536 : i32
    %add3A_1647 = arith.addi %mul3A_2, %add3A_1646 : i32
    %add3A_1648 = arith.constant 128 : i32
    %add3A_1649 = arith.addi %add3A_1647, %add3A_1648 : i32
    %le3A_1650 = arith.constant 100000 : i32
    %le3A_1651 = arith.cmpi sle, %add3A_1649, %le3A_1650 : i32
    %convert_element_type3A_1652 = arith.extui %le3A_1651 : i1 to i32
    %cond3A_1653 = arith.constant 0 : i32
    %cond3A_1654 = arith.cmpi ne, %convert_element_type3A_1652, %cond3A_1653 : i32
    scf.if %cond3A_1654 {
      %add3A_2521 = arith.constant 1536 : i32
      %add3A_2522 = arith.addi %mul3A_2, %add3A_2521 : i32
      %dma_wait3A = arith.constant 0 : i32
      %dma_wait3A_2523 = tpu.memref_slice %arg4[%add3A_2522, %dma_wait3A] : memref<100000x128xf32, #tpu.memory_space<hbm>> -> memref<128x128xf32, #tpu.memory_space<hbm>>
      %dma_wait3A_2524 = arith.constant 0 : i32
      %dma_wait3A_2525 = tpu.memref_slice %arg4[%add3A_2522, %dma_wait3A_2524] : memref<100000x128xf32, #tpu.memory_space<hbm>> -> memref<128x128xf32, #tpu.memory_space<hbm>>
      tpu.wait_dma2 semaphore(%arg26 : memref<!tpu.dma_semaphore, #tpu.memory_space<semaphore_mem>>) src(%arg12 : memref<128x128xf32, #tpu.memory_space<vmem>>) dst(%dma_wait3A_2525 : memref<128x128xf32, #tpu.memory_space<hbm>>)
    } else {
    }
    %add3A_1655 = arith.constant 1536 : i32
    %add3A_1656 = arith.addi %mul3A_2, %add3A_1655 : i32
    %lt3A_1657 = arith.constant 100000 : i32
    %lt3A_1658 = arith.cmpi slt, %add3A_1656, %lt3A_1657 : i32
    %add3A_1659 = arith.constant 1536 : i32
    %add3A_1660 = arith.addi %mul3A_2, %add3A_1659 : i32
    %add3A_1661 = arith.constant 128 : i32
    %add3A_1662 = arith.addi %add3A_1660, %add3A_1661 : i32
    %le3A_1663 = arith.constant 100000 : i32
    %le3A_1664 = arith.cmpi sle, %add3A_1662, %le3A_1663 : i32
    %not3A_1665 = arith.constant true
    %not3A_1666 = arith.xori %le3A_1664, %not3A_1665 : i1
    %and3A_1667 = arith.andi %lt3A_1658, %not3A_1666 : i1
    %convert_element_type3A_1668 = arith.extui %and3A_1667 : i1 to i32
    %cond3A_1669 = arith.constant 0 : i32
    %cond3A_1670 = arith.cmpi ne, %convert_element_type3A_1668, %cond3A_1669 : i32
    scf.if %cond3A_1670 {
      %add3A_2521 = arith.constant 1536 : i32
      %add3A_2522 = arith.addi %mul3A_2, %add3A_2521 : i32
      %dma_wait3A = arith.constant 0 : i32
      %dma_wait3A_2523 = arith.constant 0 : i32
      %dma_wait3A_2524 = tpu.memref_slice %arg12[%dma_wait3A, %dma_wait3A_2523] : memref<128x128xf32, #tpu.memory_space<vmem>> -> memref<32x128xf32, #tpu.memory_space<vmem>>
      %dma_wait3A_2525 = arith.constant 0 : i32
      %dma_wait3A_2526 = tpu.memref_slice %arg4[%add3A_2522, %dma_wait3A_2525] : memref<100000x128xf32, #tpu.memory_space<hbm>> -> memref<32x128xf32, #tpu.memory_space<hbm>>
      %dma_wait3A_2527 = arith.constant 0 : i32
      %dma_wait3A_2528 = tpu.memref_slice %arg4[%add3A_2522, %dma_wait3A_2527] : memref<100000x128xf32, #tpu.memory_space<hbm>> -> memref<32x128xf32, #tpu.memory_space<hbm>>
      %dma_wait3A_2529 = arith.constant 0 : i32
      %dma_wait3A_2530 = arith.constant 0 : i32
      %dma_wait3A_2531 = tpu.memref_slice %arg12[%dma_wait3A_2529, %dma_wait3A_2530] : memref<128x128xf32, #tpu.memory_space<vmem>> -> memref<32x128xf32, #tpu.memory_space<vmem>>
      tpu.wait_dma2 semaphore(%arg26 : memref<!tpu.dma_semaphore, #tpu.memory_space<semaphore_mem>>) src(%dma_wait3A_2531 : memref<32x128xf32, #tpu.memory_space<vmem>>) dst(%dma_wait3A_2528 : memref<32x128xf32, #tpu.memory_space<hbm>>)
    } else {
    }
    %add3A_1671 = arith.constant 2432 : i32
    %add3A_1672 = arith.addi %mul3A_2, %add3A_1671 : i32
    %add3A_1673 = arith.constant 128 : i32
    %add3A_1674 = arith.addi %add3A_1672, %add3A_1673 : i32
    %le3A_1675 = arith.constant 100000 : i32
    %le3A_1676 = arith.cmpi sle, %add3A_1674, %le3A_1675 : i32
    %convert_element_type3A_1677 = arith.extui %le3A_1676 : i1 to i32
    %cond3A_1678 = arith.constant 0 : i32
    %cond3A_1679 = arith.cmpi ne, %convert_element_type3A_1677, %cond3A_1678 : i32
    scf.if %cond3A_1679 {
      %dma_start3A = arith.constant 2432 : i32
      %dma_start3A_2521 = tpu.memref_slice %arg5[%dma_start3A] : memref<3200xi32, #tpu.memory_space<vmem>> -> memref<128xi32, #tpu.memory_space<vmem>>
      %dma_start3A_2522 = arith.constant 0 : i32
      %dma_start3A_2523 = arith.constant 0 : i32
      %dma_start3A_2524 = tpu.memref_slice %arg6[%dma_start3A_2522, %dma_start3A_2523] : memref<28x128xf32, #tpu.memory_space<vmem_shared>> -> memref<28x128xf32, #tpu.memory_space<vmem_shared>>
      tpu.enqueue_indirect_dma source(%dma_start3A_2524 : memref<28x128xf32, #tpu.memory_space<vmem_shared>>) target(%arg12 : memref<128x128xf32, #tpu.memory_space<vmem>>) offsets(%dma_start3A_2521 : memref<128xi32, #tpu.memory_space<vmem>>) semaphore(%arg19 : memref<!tpu.dma_semaphore, #tpu.memory_space<semaphore_mem>>)
    } else {
    }
    %add3A_1680 = arith.constant 2432 : i32
    %add3A_1681 = arith.addi %mul3A_2, %add3A_1680 : i32
    %lt3A_1682 = arith.constant 100000 : i32
    %lt3A_1683 = arith.cmpi slt, %add3A_1681, %lt3A_1682 : i32
    %add3A_1684 = arith.constant 2432 : i32
    %add3A_1685 = arith.addi %mul3A_2, %add3A_1684 : i32
    %add3A_1686 = arith.constant 128 : i32
    %add3A_1687 = arith.addi %add3A_1685, %add3A_1686 : i32
    %le3A_1688 = arith.constant 100000 : i32
    %le3A_1689 = arith.cmpi sle, %add3A_1687, %le3A_1688 : i32
    %not3A_1690 = arith.constant true
    %not3A_1691 = arith.xori %le3A_1689, %not3A_1690 : i1
    %and3A_1692 = arith.andi %lt3A_1683, %not3A_1691 : i1
    %convert_element_type3A_1693 = arith.extui %and3A_1692 : i1 to i32
    %cond3A_1694 = arith.constant 0 : i32
    %cond3A_1695 = arith.cmpi ne, %convert_element_type3A_1693, %cond3A_1694 : i32
    scf.if %cond3A_1695 {
      %dma_start3A = arith.constant 0 : i32
      %dma_start3A_2521 = arith.constant 0 : i32
      %dma_start3A_2522 = tpu.memref_slice %arg12[%dma_start3A, %dma_start3A_2521] : memref<128x128xf32, #tpu.memory_space<vmem>> -> memref<32x128xf32, #tpu.memory_space<vmem>>
      %dma_start3A_2523 = arith.constant 2432 : i32
      %dma_start3A_2524 = tpu.memref_slice %arg5[%dma_start3A_2523] : memref<3200xi32, #tpu.memory_space<vmem>> -> memref<32xi32, #tpu.memory_space<vmem>>
      %dma_start3A_2525 = arith.constant 0 : i32
      %dma_start3A_2526 = arith.constant 0 : i32
      %dma_start3A_2527 = tpu.memref_slice %arg6[%dma_start3A_2525, %dma_start3A_2526] : memref<28x128xf32, #tpu.memory_space<vmem_shared>> -> memref<28x128xf32, #tpu.memory_space<vmem_shared>>
      tpu.enqueue_indirect_dma source(%dma_start3A_2527 : memref<28x128xf32, #tpu.memory_space<vmem_shared>>) target(%dma_start3A_2522 : memref<32x128xf32, #tpu.memory_space<vmem>>) offsets(%dma_start3A_2524 : memref<32xi32, #tpu.memory_space<vmem>>) semaphore(%arg19 : memref<!tpu.dma_semaphore, #tpu.memory_space<semaphore_mem>>)
    } else {
    }
    %add3A_1696 = arith.constant 2176 : i32
    %add3A_1697 = arith.addi %mul3A_2, %add3A_1696 : i32
    %add3A_1698 = arith.constant 128 : i32
    %add3A_1699 = arith.addi %add3A_1697, %add3A_1698 : i32
    %le3A_1700 = arith.constant 100000 : i32
    %le3A_1701 = arith.cmpi sle, %add3A_1699, %le3A_1700 : i32
    %convert_element_type3A_1702 = arith.extui %le3A_1701 : i1 to i32
    %cond3A_1703 = arith.constant 0 : i32
    %cond3A_1704 = arith.cmpi ne, %convert_element_type3A_1702, %cond3A_1703 : i32
    scf.if %cond3A_1704 {
      %dma_wait3A = arith.constant 2176 : i32
      %dma_wait3A_2521 = tpu.memref_slice %arg5[%dma_wait3A] : memref<3200xi32, #tpu.memory_space<vmem>> -> memref<128xi32, #tpu.memory_space<vmem>>
      %dma_wait3A_2522 = arith.constant 0 : i32
      %dma_wait3A_2523 = arith.constant 0 : i32
      %dma_wait3A_2524 = tpu.memref_slice %arg6[%dma_wait3A_2522, %dma_wait3A_2523] : memref<28x128xf32, #tpu.memory_space<vmem_shared>> -> memref<28x128xf32, #tpu.memory_space<vmem_shared>>
      tpu.wait_indirect_dma semaphore(%arg17 : memref<!tpu.dma_semaphore, #tpu.memory_space<semaphore_mem>>) src(%dma_wait3A_2524 : memref<28x128xf32, #tpu.memory_space<vmem_shared>>) dst(%arg10 : memref<128x128xf32, #tpu.memory_space<vmem>>)
    } else {
    }
    %add3A_1705 = arith.constant 2176 : i32
    %add3A_1706 = arith.addi %mul3A_2, %add3A_1705 : i32
    %lt3A_1707 = arith.constant 100000 : i32
    %lt3A_1708 = arith.cmpi slt, %add3A_1706, %lt3A_1707 : i32
    %add3A_1709 = arith.constant 2176 : i32
    %add3A_1710 = arith.addi %mul3A_2, %add3A_1709 : i32
    %add3A_1711 = arith.constant 128 : i32
    %add3A_1712 = arith.addi %add3A_1710, %add3A_1711 : i32
    %le3A_1713 = arith.constant 100000 : i32
    %le3A_1714 = arith.cmpi sle, %add3A_1712, %le3A_1713 : i32
    %not3A_1715 = arith.constant true
    %not3A_1716 = arith.xori %le3A_1714, %not3A_1715 : i1
    %and3A_1717 = arith.andi %lt3A_1708, %not3A_1716 : i1
    %convert_element_type3A_1718 = arith.extui %and3A_1717 : i1 to i32
    %cond3A_1719 = arith.constant 0 : i32
    %cond3A_1720 = arith.cmpi ne, %convert_element_type3A_1718, %cond3A_1719 : i32
    scf.if %cond3A_1720 {
      %dma_wait3A = arith.constant 0 : i32
      %dma_wait3A_2521 = arith.constant 0 : i32
      %dma_wait3A_2522 = tpu.memref_slice %arg10[%dma_wait3A, %dma_wait3A_2521] : memref<128x128xf32, #tpu.memory_space<vmem>> -> memref<32x128xf32, #tpu.memory_space<vmem>>
      %dma_wait3A_2523 = arith.constant 2176 : i32
      %dma_wait3A_2524 = tpu.memref_slice %arg5[%dma_wait3A_2523] : memref<3200xi32, #tpu.memory_space<vmem>> -> memref<32xi32, #tpu.memory_space<vmem>>
      %dma_wait3A_2525 = arith.constant 0 : i32
      %dma_wait3A_2526 = arith.constant 0 : i32
      %dma_wait3A_2527 = tpu.memref_slice %arg6[%dma_wait3A_2525, %dma_wait3A_2526] : memref<28x128xf32, #tpu.memory_space<vmem_shared>> -> memref<28x128xf32, #tpu.memory_space<vmem_shared>>
      tpu.wait_indirect_dma semaphore(%arg17 : memref<!tpu.dma_semaphore, #tpu.memory_space<semaphore_mem>>) src(%dma_wait3A_2527 : memref<28x128xf32, #tpu.memory_space<vmem_shared>>) dst(%dma_wait3A_2522 : memref<32x128xf32, #tpu.memory_space<vmem>>)
    } else {
    }
    %add3A_1721 = arith.constant 2176 : i32
    %add3A_1722 = arith.addi %mul3A_2, %add3A_1721 : i32
    %add3A_1723 = arith.constant 128 : i32
    %add3A_1724 = arith.addi %add3A_1722, %add3A_1723 : i32
    %le3A_1725 = arith.constant 100000 : i32
    %le3A_1726 = arith.cmpi sle, %add3A_1724, %le3A_1725 : i32
    %convert_element_type3A_1727 = arith.extui %le3A_1726 : i1 to i32
    %cond3A_1728 = arith.constant 0 : i32
    %cond3A_1729 = arith.cmpi ne, %convert_element_type3A_1727, %cond3A_1728 : i32
    scf.if %cond3A_1729 {
      %add3A_2521 = arith.constant 2176 : i32
      %add3A_2522 = arith.addi %mul3A_2, %add3A_2521 : i32
      %dma_start3A = arith.constant 0 : i32
      %dma_start3A_2523 = tpu.memref_slice %arg4[%add3A_2522, %dma_start3A] : memref<100000x128xf32, #tpu.memory_space<hbm>> -> memref<128x128xf32, #tpu.memory_space<hbm>>
      %dma_start3A_2524 = arith.constant 0 : i32
      %dma_start3A_2525 = tpu.memref_slice %arg4[%add3A_2522, %dma_start3A_2524] : memref<100000x128xf32, #tpu.memory_space<hbm>> -> memref<128x128xf32, #tpu.memory_space<hbm>>
      tpu.enqueue_dma source(%arg10 : memref<128x128xf32, #tpu.memory_space<vmem>>) target(%dma_start3A_2525 : memref<128x128xf32, #tpu.memory_space<hbm>>) target_semaphore(%arg24 : memref<!tpu.dma_semaphore, #tpu.memory_space<semaphore_mem>>)
    } else {
    }
    %add3A_1730 = arith.constant 2176 : i32
    %add3A_1731 = arith.addi %mul3A_2, %add3A_1730 : i32
    %lt3A_1732 = arith.constant 100000 : i32
    %lt3A_1733 = arith.cmpi slt, %add3A_1731, %lt3A_1732 : i32
    %add3A_1734 = arith.constant 2176 : i32
    %add3A_1735 = arith.addi %mul3A_2, %add3A_1734 : i32
    %add3A_1736 = arith.constant 128 : i32
    %add3A_1737 = arith.addi %add3A_1735, %add3A_1736 : i32
    %le3A_1738 = arith.constant 100000 : i32
    %le3A_1739 = arith.cmpi sle, %add3A_1737, %le3A_1738 : i32
    %not3A_1740 = arith.constant true
    %not3A_1741 = arith.xori %le3A_1739, %not3A_1740 : i1
    %and3A_1742 = arith.andi %lt3A_1733, %not3A_1741 : i1
    %convert_element_type3A_1743 = arith.extui %and3A_1742 : i1 to i32
    %cond3A_1744 = arith.constant 0 : i32
    %cond3A_1745 = arith.cmpi ne, %convert_element_type3A_1743, %cond3A_1744 : i32
    scf.if %cond3A_1745 {
      %add3A_2521 = arith.constant 2176 : i32
      %add3A_2522 = arith.addi %mul3A_2, %add3A_2521 : i32
      %dma_start3A = arith.constant 0 : i32
      %dma_start3A_2523 = arith.constant 0 : i32
      %dma_start3A_2524 = tpu.memref_slice %arg10[%dma_start3A, %dma_start3A_2523] : memref<128x128xf32, #tpu.memory_space<vmem>> -> memref<32x128xf32, #tpu.memory_space<vmem>>
      %dma_start3A_2525 = arith.constant 0 : i32
      %dma_start3A_2526 = tpu.memref_slice %arg4[%add3A_2522, %dma_start3A_2525] : memref<100000x128xf32, #tpu.memory_space<hbm>> -> memref<32x128xf32, #tpu.memory_space<hbm>>
      %dma_start3A_2527 = arith.constant 0 : i32
      %dma_start3A_2528 = tpu.memref_slice %arg4[%add3A_2522, %dma_start3A_2527] : memref<100000x128xf32, #tpu.memory_space<hbm>> -> memref<32x128xf32, #tpu.memory_space<hbm>>
      %dma_start3A_2529 = arith.constant 0 : i32
      %dma_start3A_2530 = arith.constant 0 : i32
      %dma_start3A_2531 = tpu.memref_slice %arg10[%dma_start3A_2529, %dma_start3A_2530] : memref<128x128xf32, #tpu.memory_space<vmem>> -> memref<32x128xf32, #tpu.memory_space<vmem>>
      tpu.enqueue_dma source(%dma_start3A_2531 : memref<32x128xf32, #tpu.memory_space<vmem>>) target(%dma_start3A_2528 : memref<32x128xf32, #tpu.memory_space<hbm>>) target_semaphore(%arg24 : memref<!tpu.dma_semaphore, #tpu.memory_space<semaphore_mem>>)
    } else {
    }
    %add3A_1746 = arith.constant 1664 : i32
    %add3A_1747 = arith.addi %mul3A_2, %add3A_1746 : i32
    %add3A_1748 = arith.constant 128 : i32
    %add3A_1749 = arith.addi %add3A_1747, %add3A_1748 : i32
    %le3A_1750 = arith.constant 100000 : i32
    %le3A_1751 = arith.cmpi sle, %add3A_1749, %le3A_1750 : i32
    %convert_element_type3A_1752 = arith.extui %le3A_1751 : i1 to i32
    %cond3A_1753 = arith.constant 0 : i32
    %cond3A_1754 = arith.cmpi ne, %convert_element_type3A_1752, %cond3A_1753 : i32
    scf.if %cond3A_1754 {
      %add3A_2521 = arith.constant 1664 : i32
      %add3A_2522 = arith.addi %mul3A_2, %add3A_2521 : i32
      %dma_wait3A = arith.constant 0 : i32
      %dma_wait3A_2523 = tpu.memref_slice %arg4[%add3A_2522, %dma_wait3A] : memref<100000x128xf32, #tpu.memory_space<hbm>> -> memref<128x128xf32, #tpu.memory_space<hbm>>
      %dma_wait3A_2524 = arith.constant 0 : i32
      %dma_wait3A_2525 = tpu.memref_slice %arg4[%add3A_2522, %dma_wait3A_2524] : memref<100000x128xf32, #tpu.memory_space<hbm>> -> memref<128x128xf32, #tpu.memory_space<hbm>>
      tpu.wait_dma2 semaphore(%arg27 : memref<!tpu.dma_semaphore, #tpu.memory_space<semaphore_mem>>) src(%arg13 : memref<128x128xf32, #tpu.memory_space<vmem>>) dst(%dma_wait3A_2525 : memref<128x128xf32, #tpu.memory_space<hbm>>)
    } else {
    }
    %add3A_1755 = arith.constant 1664 : i32
    %add3A_1756 = arith.addi %mul3A_2, %add3A_1755 : i32
    %lt3A_1757 = arith.constant 100000 : i32
    %lt3A_1758 = arith.cmpi slt, %add3A_1756, %lt3A_1757 : i32
    %add3A_1759 = arith.constant 1664 : i32
    %add3A_1760 = arith.addi %mul3A_2, %add3A_1759 : i32
    %add3A_1761 = arith.constant 128 : i32
    %add3A_1762 = arith.addi %add3A_1760, %add3A_1761 : i32
    %le3A_1763 = arith.constant 100000 : i32
    %le3A_1764 = arith.cmpi sle, %add3A_1762, %le3A_1763 : i32
    %not3A_1765 = arith.constant true
    %not3A_1766 = arith.xori %le3A_1764, %not3A_1765 : i1
    %and3A_1767 = arith.andi %lt3A_1758, %not3A_1766 : i1
    %convert_element_type3A_1768 = arith.extui %and3A_1767 : i1 to i32
    %cond3A_1769 = arith.constant 0 : i32
    %cond3A_1770 = arith.cmpi ne, %convert_element_type3A_1768, %cond3A_1769 : i32
    scf.if %cond3A_1770 {
      %add3A_2521 = arith.constant 1664 : i32
      %add3A_2522 = arith.addi %mul3A_2, %add3A_2521 : i32
      %dma_wait3A = arith.constant 0 : i32
      %dma_wait3A_2523 = arith.constant 0 : i32
      %dma_wait3A_2524 = tpu.memref_slice %arg13[%dma_wait3A, %dma_wait3A_2523] : memref<128x128xf32, #tpu.memory_space<vmem>> -> memref<32x128xf32, #tpu.memory_space<vmem>>
      %dma_wait3A_2525 = arith.constant 0 : i32
      %dma_wait3A_2526 = tpu.memref_slice %arg4[%add3A_2522, %dma_wait3A_2525] : memref<100000x128xf32, #tpu.memory_space<hbm>> -> memref<32x128xf32, #tpu.memory_space<hbm>>
      %dma_wait3A_2527 = arith.constant 0 : i32
      %dma_wait3A_2528 = tpu.memref_slice %arg4[%add3A_2522, %dma_wait3A_2527] : memref<100000x128xf32, #tpu.memory_space<hbm>> -> memref<32x128xf32, #tpu.memory_space<hbm>>
      %dma_wait3A_2529 = arith.constant 0 : i32
      %dma_wait3A_2530 = arith.constant 0 : i32
      %dma_wait3A_2531 = tpu.memref_slice %arg13[%dma_wait3A_2529, %dma_wait3A_2530] : memref<128x128xf32, #tpu.memory_space<vmem>> -> memref<32x128xf32, #tpu.memory_space<vmem>>
      tpu.wait_dma2 semaphore(%arg27 : memref<!tpu.dma_semaphore, #tpu.memory_space<semaphore_mem>>) src(%dma_wait3A_2531 : memref<32x128xf32, #tpu.memory_space<vmem>>) dst(%dma_wait3A_2528 : memref<32x128xf32, #tpu.memory_space<hbm>>)
    } else {
    }
    %add3A_1771 = arith.constant 2560 : i32
    %add3A_1772 = arith.addi %mul3A_2, %add3A_1771 : i32
    %add3A_1773 = arith.constant 128 : i32
    %add3A_1774 = arith.addi %add3A_1772, %add3A_1773 : i32
    %le3A_1775 = arith.constant 100000 : i32
    %le3A_1776 = arith.cmpi sle, %add3A_1774, %le3A_1775 : i32
    %convert_element_type3A_1777 = arith.extui %le3A_1776 : i1 to i32
    %cond3A_1778 = arith.constant 0 : i32
    %cond3A_1779 = arith.cmpi ne, %convert_element_type3A_1777, %cond3A_1778 : i32
    scf.if %cond3A_1779 {
      %dma_start3A = arith.constant 2560 : i32
      %dma_start3A_2521 = tpu.memref_slice %arg5[%dma_start3A] : memref<3200xi32, #tpu.memory_space<vmem>> -> memref<128xi32, #tpu.memory_space<vmem>>
      %dma_start3A_2522 = arith.constant 0 : i32
      %dma_start3A_2523 = arith.constant 0 : i32
      %dma_start3A_2524 = tpu.memref_slice %arg6[%dma_start3A_2522, %dma_start3A_2523] : memref<28x128xf32, #tpu.memory_space<vmem_shared>> -> memref<28x128xf32, #tpu.memory_space<vmem_shared>>
      tpu.enqueue_indirect_dma source(%dma_start3A_2524 : memref<28x128xf32, #tpu.memory_space<vmem_shared>>) target(%arg13 : memref<128x128xf32, #tpu.memory_space<vmem>>) offsets(%dma_start3A_2521 : memref<128xi32, #tpu.memory_space<vmem>>) semaphore(%arg20 : memref<!tpu.dma_semaphore, #tpu.memory_space<semaphore_mem>>)
    } else {
    }
    %add3A_1780 = arith.constant 2560 : i32
    %add3A_1781 = arith.addi %mul3A_2, %add3A_1780 : i32
    %lt3A_1782 = arith.constant 100000 : i32
    %lt3A_1783 = arith.cmpi slt, %add3A_1781, %lt3A_1782 : i32
    %add3A_1784 = arith.constant 2560 : i32
    %add3A_1785 = arith.addi %mul3A_2, %add3A_1784 : i32
    %add3A_1786 = arith.constant 128 : i32
    %add3A_1787 = arith.addi %add3A_1785, %add3A_1786 : i32
    %le3A_1788 = arith.constant 100000 : i32
    %le3A_1789 = arith.cmpi sle, %add3A_1787, %le3A_1788 : i32
    %not3A_1790 = arith.constant true
    %not3A_1791 = arith.xori %le3A_1789, %not3A_1790 : i1
    %and3A_1792 = arith.andi %lt3A_1783, %not3A_1791 : i1
    %convert_element_type3A_1793 = arith.extui %and3A_1792 : i1 to i32
    %cond3A_1794 = arith.constant 0 : i32
    %cond3A_1795 = arith.cmpi ne, %convert_element_type3A_1793, %cond3A_1794 : i32
    scf.if %cond3A_1795 {
      %dma_start3A = arith.constant 0 : i32
      %dma_start3A_2521 = arith.constant 0 : i32
      %dma_start3A_2522 = tpu.memref_slice %arg13[%dma_start3A, %dma_start3A_2521] : memref<128x128xf32, #tpu.memory_space<vmem>> -> memref<32x128xf32, #tpu.memory_space<vmem>>
      %dma_start3A_2523 = arith.constant 2560 : i32
      %dma_start3A_2524 = tpu.memref_slice %arg5[%dma_start3A_2523] : memref<3200xi32, #tpu.memory_space<vmem>> -> memref<32xi32, #tpu.memory_space<vmem>>
      %dma_start3A_2525 = arith.constant 0 : i32
      %dma_start3A_2526 = arith.constant 0 : i32
      %dma_start3A_2527 = tpu.memref_slice %arg6[%dma_start3A_2525, %dma_start3A_2526] : memref<28x128xf32, #tpu.memory_space<vmem_shared>> -> memref<28x128xf32, #tpu.memory_space<vmem_shared>>
      tpu.enqueue_indirect_dma source(%dma_start3A_2527 : memref<28x128xf32, #tpu.memory_space<vmem_shared>>) target(%dma_start3A_2522 : memref<32x128xf32, #tpu.memory_space<vmem>>) offsets(%dma_start3A_2524 : memref<32xi32, #tpu.memory_space<vmem>>) semaphore(%arg20 : memref<!tpu.dma_semaphore, #tpu.memory_space<semaphore_mem>>)
    } else {
    }
    %add3A_1796 = arith.constant 2304 : i32
    %add3A_1797 = arith.addi %mul3A_2, %add3A_1796 : i32
    %add3A_1798 = arith.constant 128 : i32
    %add3A_1799 = arith.addi %add3A_1797, %add3A_1798 : i32
    %le3A_1800 = arith.constant 100000 : i32
    %le3A_1801 = arith.cmpi sle, %add3A_1799, %le3A_1800 : i32
    %convert_element_type3A_1802 = arith.extui %le3A_1801 : i1 to i32
    %cond3A_1803 = arith.constant 0 : i32
    %cond3A_1804 = arith.cmpi ne, %convert_element_type3A_1802, %cond3A_1803 : i32
    scf.if %cond3A_1804 {
      %dma_wait3A = arith.constant 2304 : i32
      %dma_wait3A_2521 = tpu.memref_slice %arg5[%dma_wait3A] : memref<3200xi32, #tpu.memory_space<vmem>> -> memref<128xi32, #tpu.memory_space<vmem>>
      %dma_wait3A_2522 = arith.constant 0 : i32
      %dma_wait3A_2523 = arith.constant 0 : i32
      %dma_wait3A_2524 = tpu.memref_slice %arg6[%dma_wait3A_2522, %dma_wait3A_2523] : memref<28x128xf32, #tpu.memory_space<vmem_shared>> -> memref<28x128xf32, #tpu.memory_space<vmem_shared>>
      tpu.wait_indirect_dma semaphore(%arg18 : memref<!tpu.dma_semaphore, #tpu.memory_space<semaphore_mem>>) src(%dma_wait3A_2524 : memref<28x128xf32, #tpu.memory_space<vmem_shared>>) dst(%arg11 : memref<128x128xf32, #tpu.memory_space<vmem>>)
    } else {
    }
    %add3A_1805 = arith.constant 2304 : i32
    %add3A_1806 = arith.addi %mul3A_2, %add3A_1805 : i32
    %lt3A_1807 = arith.constant 100000 : i32
    %lt3A_1808 = arith.cmpi slt, %add3A_1806, %lt3A_1807 : i32
    %add3A_1809 = arith.constant 2304 : i32
    %add3A_1810 = arith.addi %mul3A_2, %add3A_1809 : i32
    %add3A_1811 = arith.constant 128 : i32
    %add3A_1812 = arith.addi %add3A_1810, %add3A_1811 : i32
    %le3A_1813 = arith.constant 100000 : i32
    %le3A_1814 = arith.cmpi sle, %add3A_1812, %le3A_1813 : i32
    %not3A_1815 = arith.constant true
    %not3A_1816 = arith.xori %le3A_1814, %not3A_1815 : i1
    %and3A_1817 = arith.andi %lt3A_1808, %not3A_1816 : i1
    %convert_element_type3A_1818 = arith.extui %and3A_1817 : i1 to i32
    %cond3A_1819 = arith.constant 0 : i32
    %cond3A_1820 = arith.cmpi ne, %convert_element_type3A_1818, %cond3A_1819 : i32
    scf.if %cond3A_1820 {
      %dma_wait3A = arith.constant 0 : i32
      %dma_wait3A_2521 = arith.constant 0 : i32
      %dma_wait3A_2522 = tpu.memref_slice %arg11[%dma_wait3A, %dma_wait3A_2521] : memref<128x128xf32, #tpu.memory_space<vmem>> -> memref<32x128xf32, #tpu.memory_space<vmem>>
      %dma_wait3A_2523 = arith.constant 2304 : i32
      %dma_wait3A_2524 = tpu.memref_slice %arg5[%dma_wait3A_2523] : memref<3200xi32, #tpu.memory_space<vmem>> -> memref<32xi32, #tpu.memory_space<vmem>>
      %dma_wait3A_2525 = arith.constant 0 : i32
      %dma_wait3A_2526 = arith.constant 0 : i32
      %dma_wait3A_2527 = tpu.memref_slice %arg6[%dma_wait3A_2525, %dma_wait3A_2526] : memref<28x128xf32, #tpu.memory_space<vmem_shared>> -> memref<28x128xf32, #tpu.memory_space<vmem_shared>>
      tpu.wait_indirect_dma semaphore(%arg18 : memref<!tpu.dma_semaphore, #tpu.memory_space<semaphore_mem>>) src(%dma_wait3A_2527 : memref<28x128xf32, #tpu.memory_space<vmem_shared>>) dst(%dma_wait3A_2522 : memref<32x128xf32, #tpu.memory_space<vmem>>)
    } else {
    }
    %add3A_1821 = arith.constant 2304 : i32
    %add3A_1822 = arith.addi %mul3A_2, %add3A_1821 : i32
    %add3A_1823 = arith.constant 128 : i32
    %add3A_1824 = arith.addi %add3A_1822, %add3A_1823 : i32
    %le3A_1825 = arith.constant 100000 : i32
    %le3A_1826 = arith.cmpi sle, %add3A_1824, %le3A_1825 : i32
    %convert_element_type3A_1827 = arith.extui %le3A_1826 : i1 to i32
    %cond3A_1828 = arith.constant 0 : i32
    %cond3A_1829 = arith.cmpi ne, %convert_element_type3A_1827, %cond3A_1828 : i32
    scf.if %cond3A_1829 {
      %add3A_2521 = arith.constant 2304 : i32
      %add3A_2522 = arith.addi %mul3A_2, %add3A_2521 : i32
      %dma_start3A = arith.constant 0 : i32
      %dma_start3A_2523 = tpu.memref_slice %arg4[%add3A_2522, %dma_start3A] : memref<100000x128xf32, #tpu.memory_space<hbm>> -> memref<128x128xf32, #tpu.memory_space<hbm>>
      %dma_start3A_2524 = arith.constant 0 : i32
      %dma_start3A_2525 = tpu.memref_slice %arg4[%add3A_2522, %dma_start3A_2524] : memref<100000x128xf32, #tpu.memory_space<hbm>> -> memref<128x128xf32, #tpu.memory_space<hbm>>
      tpu.enqueue_dma source(%arg11 : memref<128x128xf32, #tpu.memory_space<vmem>>) target(%dma_start3A_2525 : memref<128x128xf32, #tpu.memory_space<hbm>>) target_semaphore(%arg25 : memref<!tpu.dma_semaphore, #tpu.memory_space<semaphore_mem>>)
    } else {
    }
    %add3A_1830 = arith.constant 2304 : i32
    %add3A_1831 = arith.addi %mul3A_2, %add3A_1830 : i32
    %lt3A_1832 = arith.constant 100000 : i32
    %lt3A_1833 = arith.cmpi slt, %add3A_1831, %lt3A_1832 : i32
    %add3A_1834 = arith.constant 2304 : i32
    %add3A_1835 = arith.addi %mul3A_2, %add3A_1834 : i32
    %add3A_1836 = arith.constant 128 : i32
    %add3A_1837 = arith.addi %add3A_1835, %add3A_1836 : i32
    %le3A_1838 = arith.constant 100000 : i32
    %le3A_1839 = arith.cmpi sle, %add3A_1837, %le3A_1838 : i32
    %not3A_1840 = arith.constant true
    %not3A_1841 = arith.xori %le3A_1839, %not3A_1840 : i1
    %and3A_1842 = arith.andi %lt3A_1833, %not3A_1841 : i1
    %convert_element_type3A_1843 = arith.extui %and3A_1842 : i1 to i32
    %cond3A_1844 = arith.constant 0 : i32
    %cond3A_1845 = arith.cmpi ne, %convert_element_type3A_1843, %cond3A_1844 : i32
    scf.if %cond3A_1845 {
      %add3A_2521 = arith.constant 2304 : i32
      %add3A_2522 = arith.addi %mul3A_2, %add3A_2521 : i32
      %dma_start3A = arith.constant 0 : i32
      %dma_start3A_2523 = arith.constant 0 : i32
      %dma_start3A_2524 = tpu.memref_slice %arg11[%dma_start3A, %dma_start3A_2523] : memref<128x128xf32, #tpu.memory_space<vmem>> -> memref<32x128xf32, #tpu.memory_space<vmem>>
      %dma_start3A_2525 = arith.constant 0 : i32
      %dma_start3A_2526 = tpu.memref_slice %arg4[%add3A_2522, %dma_start3A_2525] : memref<100000x128xf32, #tpu.memory_space<hbm>> -> memref<32x128xf32, #tpu.memory_space<hbm>>
      %dma_start3A_2527 = arith.constant 0 : i32
      %dma_start3A_2528 = tpu.memref_slice %arg4[%add3A_2522, %dma_start3A_2527] : memref<100000x128xf32, #tpu.memory_space<hbm>> -> memref<32x128xf32, #tpu.memory_space<hbm>>
      %dma_start3A_2529 = arith.constant 0 : i32
      %dma_start3A_2530 = arith.constant 0 : i32
      %dma_start3A_2531 = tpu.memref_slice %arg11[%dma_start3A_2529, %dma_start3A_2530] : memref<128x128xf32, #tpu.memory_space<vmem>> -> memref<32x128xf32, #tpu.memory_space<vmem>>
      tpu.enqueue_dma source(%dma_start3A_2531 : memref<32x128xf32, #tpu.memory_space<vmem>>) target(%dma_start3A_2528 : memref<32x128xf32, #tpu.memory_space<hbm>>) target_semaphore(%arg25 : memref<!tpu.dma_semaphore, #tpu.memory_space<semaphore_mem>>)
    } else {
    }
    %add3A_1846 = arith.constant 1792 : i32
    %add3A_1847 = arith.addi %mul3A_2, %add3A_1846 : i32
    %add3A_1848 = arith.constant 128 : i32
    %add3A_1849 = arith.addi %add3A_1847, %add3A_1848 : i32
    %le3A_1850 = arith.constant 100000 : i32
    %le3A_1851 = arith.cmpi sle, %add3A_1849, %le3A_1850 : i32
    %convert_element_type3A_1852 = arith.extui %le3A_1851 : i1 to i32
    %cond3A_1853 = arith.constant 0 : i32
    %cond3A_1854 = arith.cmpi ne, %convert_element_type3A_1852, %cond3A_1853 : i32
    scf.if %cond3A_1854 {
      %add3A_2521 = arith.constant 1792 : i32
      %add3A_2522 = arith.addi %mul3A_2, %add3A_2521 : i32
      %dma_wait3A = arith.constant 0 : i32
      %dma_wait3A_2523 = tpu.memref_slice %arg4[%add3A_2522, %dma_wait3A] : memref<100000x128xf32, #tpu.memory_space<hbm>> -> memref<128x128xf32, #tpu.memory_space<hbm>>
      %dma_wait3A_2524 = arith.constant 0 : i32
      %dma_wait3A_2525 = tpu.memref_slice %arg4[%add3A_2522, %dma_wait3A_2524] : memref<100000x128xf32, #tpu.memory_space<hbm>> -> memref<128x128xf32, #tpu.memory_space<hbm>>
      tpu.wait_dma2 semaphore(%arg21 : memref<!tpu.dma_semaphore, #tpu.memory_space<semaphore_mem>>) src(%arg7 : memref<128x128xf32, #tpu.memory_space<vmem>>) dst(%dma_wait3A_2525 : memref<128x128xf32, #tpu.memory_space<hbm>>)
    } else {
    }
    %add3A_1855 = arith.constant 1792 : i32
    %add3A_1856 = arith.addi %mul3A_2, %add3A_1855 : i32
    %lt3A_1857 = arith.constant 100000 : i32
    %lt3A_1858 = arith.cmpi slt, %add3A_1856, %lt3A_1857 : i32
    %add3A_1859 = arith.constant 1792 : i32
    %add3A_1860 = arith.addi %mul3A_2, %add3A_1859 : i32
    %add3A_1861 = arith.constant 128 : i32
    %add3A_1862 = arith.addi %add3A_1860, %add3A_1861 : i32
    %le3A_1863 = arith.constant 100000 : i32
    %le3A_1864 = arith.cmpi sle, %add3A_1862, %le3A_1863 : i32
    %not3A_1865 = arith.constant true
    %not3A_1866 = arith.xori %le3A_1864, %not3A_1865 : i1
    %and3A_1867 = arith.andi %lt3A_1858, %not3A_1866 : i1
    %convert_element_type3A_1868 = arith.extui %and3A_1867 : i1 to i32
    %cond3A_1869 = arith.constant 0 : i32
    %cond3A_1870 = arith.cmpi ne, %convert_element_type3A_1868, %cond3A_1869 : i32
    scf.if %cond3A_1870 {
      %add3A_2521 = arith.constant 1792 : i32
      %add3A_2522 = arith.addi %mul3A_2, %add3A_2521 : i32
      %dma_wait3A = arith.constant 0 : i32
      %dma_wait3A_2523 = arith.constant 0 : i32
      %dma_wait3A_2524 = tpu.memref_slice %arg7[%dma_wait3A, %dma_wait3A_2523] : memref<128x128xf32, #tpu.memory_space<vmem>> -> memref<32x128xf32, #tpu.memory_space<vmem>>
      %dma_wait3A_2525 = arith.constant 0 : i32
      %dma_wait3A_2526 = tpu.memref_slice %arg4[%add3A_2522, %dma_wait3A_2525] : memref<100000x128xf32, #tpu.memory_space<hbm>> -> memref<32x128xf32, #tpu.memory_space<hbm>>
      %dma_wait3A_2527 = arith.constant 0 : i32
      %dma_wait3A_2528 = tpu.memref_slice %arg4[%add3A_2522, %dma_wait3A_2527] : memref<100000x128xf32, #tpu.memory_space<hbm>> -> memref<32x128xf32, #tpu.memory_space<hbm>>
      %dma_wait3A_2529 = arith.constant 0 : i32
      %dma_wait3A_2530 = arith.constant 0 : i32
      %dma_wait3A_2531 = tpu.memref_slice %arg7[%dma_wait3A_2529, %dma_wait3A_2530] : memref<128x128xf32, #tpu.memory_space<vmem>> -> memref<32x128xf32, #tpu.memory_space<vmem>>
      tpu.wait_dma2 semaphore(%arg21 : memref<!tpu.dma_semaphore, #tpu.memory_space<semaphore_mem>>) src(%dma_wait3A_2531 : memref<32x128xf32, #tpu.memory_space<vmem>>) dst(%dma_wait3A_2528 : memref<32x128xf32, #tpu.memory_space<hbm>>)
    } else {
    }
    %add3A_1871 = arith.constant 2688 : i32
    %add3A_1872 = arith.addi %mul3A_2, %add3A_1871 : i32
    %add3A_1873 = arith.constant 128 : i32
    %add3A_1874 = arith.addi %add3A_1872, %add3A_1873 : i32
    %le3A_1875 = arith.constant 100000 : i32
    %le3A_1876 = arith.cmpi sle, %add3A_1874, %le3A_1875 : i32
    %convert_element_type3A_1877 = arith.extui %le3A_1876 : i1 to i32
    %cond3A_1878 = arith.constant 0 : i32
    %cond3A_1879 = arith.cmpi ne, %convert_element_type3A_1877, %cond3A_1878 : i32
    scf.if %cond3A_1879 {
      %dma_start3A = arith.constant 2688 : i32
      %dma_start3A_2521 = tpu.memref_slice %arg5[%dma_start3A] : memref<3200xi32, #tpu.memory_space<vmem>> -> memref<128xi32, #tpu.memory_space<vmem>>
      %dma_start3A_2522 = arith.constant 0 : i32
      %dma_start3A_2523 = arith.constant 0 : i32
      %dma_start3A_2524 = tpu.memref_slice %arg6[%dma_start3A_2522, %dma_start3A_2523] : memref<28x128xf32, #tpu.memory_space<vmem_shared>> -> memref<28x128xf32, #tpu.memory_space<vmem_shared>>
      tpu.enqueue_indirect_dma source(%dma_start3A_2524 : memref<28x128xf32, #tpu.memory_space<vmem_shared>>) target(%arg7 : memref<128x128xf32, #tpu.memory_space<vmem>>) offsets(%dma_start3A_2521 : memref<128xi32, #tpu.memory_space<vmem>>) semaphore(%arg14 : memref<!tpu.dma_semaphore, #tpu.memory_space<semaphore_mem>>)
    } else {
    }
    %add3A_1880 = arith.constant 2688 : i32
    %add3A_1881 = arith.addi %mul3A_2, %add3A_1880 : i32
    %lt3A_1882 = arith.constant 100000 : i32
    %lt3A_1883 = arith.cmpi slt, %add3A_1881, %lt3A_1882 : i32
    %add3A_1884 = arith.constant 2688 : i32
    %add3A_1885 = arith.addi %mul3A_2, %add3A_1884 : i32
    %add3A_1886 = arith.constant 128 : i32
    %add3A_1887 = arith.addi %add3A_1885, %add3A_1886 : i32
    %le3A_1888 = arith.constant 100000 : i32
    %le3A_1889 = arith.cmpi sle, %add3A_1887, %le3A_1888 : i32
    %not3A_1890 = arith.constant true
    %not3A_1891 = arith.xori %le3A_1889, %not3A_1890 : i1
    %and3A_1892 = arith.andi %lt3A_1883, %not3A_1891 : i1
    %convert_element_type3A_1893 = arith.extui %and3A_1892 : i1 to i32
    %cond3A_1894 = arith.constant 0 : i32
    %cond3A_1895 = arith.cmpi ne, %convert_element_type3A_1893, %cond3A_1894 : i32
    scf.if %cond3A_1895 {
      %dma_start3A = arith.constant 0 : i32
      %dma_start3A_2521 = arith.constant 0 : i32
      %dma_start3A_2522 = tpu.memref_slice %arg7[%dma_start3A, %dma_start3A_2521] : memref<128x128xf32, #tpu.memory_space<vmem>> -> memref<32x128xf32, #tpu.memory_space<vmem>>
      %dma_start3A_2523 = arith.constant 2688 : i32
      %dma_start3A_2524 = tpu.memref_slice %arg5[%dma_start3A_2523] : memref<3200xi32, #tpu.memory_space<vmem>> -> memref<32xi32, #tpu.memory_space<vmem>>
      %dma_start3A_2525 = arith.constant 0 : i32
      %dma_start3A_2526 = arith.constant 0 : i32
      %dma_start3A_2527 = tpu.memref_slice %arg6[%dma_start3A_2525, %dma_start3A_2526] : memref<28x128xf32, #tpu.memory_space<vmem_shared>> -> memref<28x128xf32, #tpu.memory_space<vmem_shared>>
      tpu.enqueue_indirect_dma source(%dma_start3A_2527 : memref<28x128xf32, #tpu.memory_space<vmem_shared>>) target(%dma_start3A_2522 : memref<32x128xf32, #tpu.memory_space<vmem>>) offsets(%dma_start3A_2524 : memref<32xi32, #tpu.memory_space<vmem>>) semaphore(%arg14 : memref<!tpu.dma_semaphore, #tpu.memory_space<semaphore_mem>>)
    } else {
    }
    %add3A_1896 = arith.constant 2432 : i32
    %add3A_1897 = arith.addi %mul3A_2, %add3A_1896 : i32
    %add3A_1898 = arith.constant 128 : i32
    %add3A_1899 = arith.addi %add3A_1897, %add3A_1898 : i32
    %le3A_1900 = arith.constant 100000 : i32
    %le3A_1901 = arith.cmpi sle, %add3A_1899, %le3A_1900 : i32
    %convert_element_type3A_1902 = arith.extui %le3A_1901 : i1 to i32
    %cond3A_1903 = arith.constant 0 : i32
    %cond3A_1904 = arith.cmpi ne, %convert_element_type3A_1902, %cond3A_1903 : i32
    scf.if %cond3A_1904 {
      %dma_wait3A = arith.constant 2432 : i32
      %dma_wait3A_2521 = tpu.memref_slice %arg5[%dma_wait3A] : memref<3200xi32, #tpu.memory_space<vmem>> -> memref<128xi32, #tpu.memory_space<vmem>>
      %dma_wait3A_2522 = arith.constant 0 : i32
      %dma_wait3A_2523 = arith.constant 0 : i32
      %dma_wait3A_2524 = tpu.memref_slice %arg6[%dma_wait3A_2522, %dma_wait3A_2523] : memref<28x128xf32, #tpu.memory_space<vmem_shared>> -> memref<28x128xf32, #tpu.memory_space<vmem_shared>>
      tpu.wait_indirect_dma semaphore(%arg19 : memref<!tpu.dma_semaphore, #tpu.memory_space<semaphore_mem>>) src(%dma_wait3A_2524 : memref<28x128xf32, #tpu.memory_space<vmem_shared>>) dst(%arg12 : memref<128x128xf32, #tpu.memory_space<vmem>>)
    } else {
    }
    %add3A_1905 = arith.constant 2432 : i32
    %add3A_1906 = arith.addi %mul3A_2, %add3A_1905 : i32
    %lt3A_1907 = arith.constant 100000 : i32
    %lt3A_1908 = arith.cmpi slt, %add3A_1906, %lt3A_1907 : i32
    %add3A_1909 = arith.constant 2432 : i32
    %add3A_1910 = arith.addi %mul3A_2, %add3A_1909 : i32
    %add3A_1911 = arith.constant 128 : i32
    %add3A_1912 = arith.addi %add3A_1910, %add3A_1911 : i32
    %le3A_1913 = arith.constant 100000 : i32
    %le3A_1914 = arith.cmpi sle, %add3A_1912, %le3A_1913 : i32
    %not3A_1915 = arith.constant true
    %not3A_1916 = arith.xori %le3A_1914, %not3A_1915 : i1
    %and3A_1917 = arith.andi %lt3A_1908, %not3A_1916 : i1
    %convert_element_type3A_1918 = arith.extui %and3A_1917 : i1 to i32
    %cond3A_1919 = arith.constant 0 : i32
    %cond3A_1920 = arith.cmpi ne, %convert_element_type3A_1918, %cond3A_1919 : i32
    scf.if %cond3A_1920 {
      %dma_wait3A = arith.constant 0 : i32
      %dma_wait3A_2521 = arith.constant 0 : i32
      %dma_wait3A_2522 = tpu.memref_slice %arg12[%dma_wait3A, %dma_wait3A_2521] : memref<128x128xf32, #tpu.memory_space<vmem>> -> memref<32x128xf32, #tpu.memory_space<vmem>>
      %dma_wait3A_2523 = arith.constant 2432 : i32
      %dma_wait3A_2524 = tpu.memref_slice %arg5[%dma_wait3A_2523] : memref<3200xi32, #tpu.memory_space<vmem>> -> memref<32xi32, #tpu.memory_space<vmem>>
      %dma_wait3A_2525 = arith.constant 0 : i32
      %dma_wait3A_2526 = arith.constant 0 : i32
      %dma_wait3A_2527 = tpu.memref_slice %arg6[%dma_wait3A_2525, %dma_wait3A_2526] : memref<28x128xf32, #tpu.memory_space<vmem_shared>> -> memref<28x128xf32, #tpu.memory_space<vmem_shared>>
      tpu.wait_indirect_dma semaphore(%arg19 : memref<!tpu.dma_semaphore, #tpu.memory_space<semaphore_mem>>) src(%dma_wait3A_2527 : memref<28x128xf32, #tpu.memory_space<vmem_shared>>) dst(%dma_wait3A_2522 : memref<32x128xf32, #tpu.memory_space<vmem>>)
    } else {
    }
    %add3A_1921 = arith.constant 2432 : i32
    %add3A_1922 = arith.addi %mul3A_2, %add3A_1921 : i32
    %add3A_1923 = arith.constant 128 : i32
    %add3A_1924 = arith.addi %add3A_1922, %add3A_1923 : i32
    %le3A_1925 = arith.constant 100000 : i32
    %le3A_1926 = arith.cmpi sle, %add3A_1924, %le3A_1925 : i32
    %convert_element_type3A_1927 = arith.extui %le3A_1926 : i1 to i32
    %cond3A_1928 = arith.constant 0 : i32
    %cond3A_1929 = arith.cmpi ne, %convert_element_type3A_1927, %cond3A_1928 : i32
    scf.if %cond3A_1929 {
      %add3A_2521 = arith.constant 2432 : i32
      %add3A_2522 = arith.addi %mul3A_2, %add3A_2521 : i32
      %dma_start3A = arith.constant 0 : i32
      %dma_start3A_2523 = tpu.memref_slice %arg4[%add3A_2522, %dma_start3A] : memref<100000x128xf32, #tpu.memory_space<hbm>> -> memref<128x128xf32, #tpu.memory_space<hbm>>
      %dma_start3A_2524 = arith.constant 0 : i32
      %dma_start3A_2525 = tpu.memref_slice %arg4[%add3A_2522, %dma_start3A_2524] : memref<100000x128xf32, #tpu.memory_space<hbm>> -> memref<128x128xf32, #tpu.memory_space<hbm>>
      tpu.enqueue_dma source(%arg12 : memref<128x128xf32, #tpu.memory_space<vmem>>) target(%dma_start3A_2525 : memref<128x128xf32, #tpu.memory_space<hbm>>) target_semaphore(%arg26 : memref<!tpu.dma_semaphore, #tpu.memory_space<semaphore_mem>>)
    } else {
    }
    %add3A_1930 = arith.constant 2432 : i32
    %add3A_1931 = arith.addi %mul3A_2, %add3A_1930 : i32
    %lt3A_1932 = arith.constant 100000 : i32
    %lt3A_1933 = arith.cmpi slt, %add3A_1931, %lt3A_1932 : i32
    %add3A_1934 = arith.constant 2432 : i32
    %add3A_1935 = arith.addi %mul3A_2, %add3A_1934 : i32
    %add3A_1936 = arith.constant 128 : i32
    %add3A_1937 = arith.addi %add3A_1935, %add3A_1936 : i32
    %le3A_1938 = arith.constant 100000 : i32
    %le3A_1939 = arith.cmpi sle, %add3A_1937, %le3A_1938 : i32
    %not3A_1940 = arith.constant true
    %not3A_1941 = arith.xori %le3A_1939, %not3A_1940 : i1
    %and3A_1942 = arith.andi %lt3A_1933, %not3A_1941 : i1
    %convert_element_type3A_1943 = arith.extui %and3A_1942 : i1 to i32
    %cond3A_1944 = arith.constant 0 : i32
    %cond3A_1945 = arith.cmpi ne, %convert_element_type3A_1943, %cond3A_1944 : i32
    scf.if %cond3A_1945 {
      %add3A_2521 = arith.constant 2432 : i32
      %add3A_2522 = arith.addi %mul3A_2, %add3A_2521 : i32
      %dma_start3A = arith.constant 0 : i32
      %dma_start3A_2523 = arith.constant 0 : i32
      %dma_start3A_2524 = tpu.memref_slice %arg12[%dma_start3A, %dma_start3A_2523] : memref<128x128xf32, #tpu.memory_space<vmem>> -> memref<32x128xf32, #tpu.memory_space<vmem>>
      %dma_start3A_2525 = arith.constant 0 : i32
      %dma_start3A_2526 = tpu.memref_slice %arg4[%add3A_2522, %dma_start3A_2525] : memref<100000x128xf32, #tpu.memory_space<hbm>> -> memref<32x128xf32, #tpu.memory_space<hbm>>
      %dma_start3A_2527 = arith.constant 0 : i32
      %dma_start3A_2528 = tpu.memref_slice %arg4[%add3A_2522, %dma_start3A_2527] : memref<100000x128xf32, #tpu.memory_space<hbm>> -> memref<32x128xf32, #tpu.memory_space<hbm>>
      %dma_start3A_2529 = arith.constant 0 : i32
      %dma_start3A_2530 = arith.constant 0 : i32
      %dma_start3A_2531 = tpu.memref_slice %arg12[%dma_start3A_2529, %dma_start3A_2530] : memref<128x128xf32, #tpu.memory_space<vmem>> -> memref<32x128xf32, #tpu.memory_space<vmem>>
      tpu.enqueue_dma source(%dma_start3A_2531 : memref<32x128xf32, #tpu.memory_space<vmem>>) target(%dma_start3A_2528 : memref<32x128xf32, #tpu.memory_space<hbm>>) target_semaphore(%arg26 : memref<!tpu.dma_semaphore, #tpu.memory_space<semaphore_mem>>)
    } else {
    }
    %add3A_1946 = arith.constant 1920 : i32
    %add3A_1947 = arith.addi %mul3A_2, %add3A_1946 : i32
    %add3A_1948 = arith.constant 128 : i32
    %add3A_1949 = arith.addi %add3A_1947, %add3A_1948 : i32
    %le3A_1950 = arith.constant 100000 : i32
    %le3A_1951 = arith.cmpi sle, %add3A_1949, %le3A_1950 : i32
    %convert_element_type3A_1952 = arith.extui %le3A_1951 : i1 to i32
    %cond3A_1953 = arith.constant 0 : i32
    %cond3A_1954 = arith.cmpi ne, %convert_element_type3A_1952, %cond3A_1953 : i32
    scf.if %cond3A_1954 {
      %add3A_2521 = arith.constant 1920 : i32
      %add3A_2522 = arith.addi %mul3A_2, %add3A_2521 : i32
      %dma_wait3A = arith.constant 0 : i32
      %dma_wait3A_2523 = tpu.memref_slice %arg4[%add3A_2522, %dma_wait3A] : memref<100000x128xf32, #tpu.memory_space<hbm>> -> memref<128x128xf32, #tpu.memory_space<hbm>>
      %dma_wait3A_2524 = arith.constant 0 : i32
      %dma_wait3A_2525 = tpu.memref_slice %arg4[%add3A_2522, %dma_wait3A_2524] : memref<100000x128xf32, #tpu.memory_space<hbm>> -> memref<128x128xf32, #tpu.memory_space<hbm>>
      tpu.wait_dma2 semaphore(%arg22 : memref<!tpu.dma_semaphore, #tpu.memory_space<semaphore_mem>>) src(%arg8 : memref<128x128xf32, #tpu.memory_space<vmem>>) dst(%dma_wait3A_2525 : memref<128x128xf32, #tpu.memory_space<hbm>>)
    } else {
    }
    %add3A_1955 = arith.constant 1920 : i32
    %add3A_1956 = arith.addi %mul3A_2, %add3A_1955 : i32
    %lt3A_1957 = arith.constant 100000 : i32
    %lt3A_1958 = arith.cmpi slt, %add3A_1956, %lt3A_1957 : i32
    %add3A_1959 = arith.constant 1920 : i32
    %add3A_1960 = arith.addi %mul3A_2, %add3A_1959 : i32
    %add3A_1961 = arith.constant 128 : i32
    %add3A_1962 = arith.addi %add3A_1960, %add3A_1961 : i32
    %le3A_1963 = arith.constant 100000 : i32
    %le3A_1964 = arith.cmpi sle, %add3A_1962, %le3A_1963 : i32
    %not3A_1965 = arith.constant true
    %not3A_1966 = arith.xori %le3A_1964, %not3A_1965 : i1
    %and3A_1967 = arith.andi %lt3A_1958, %not3A_1966 : i1
    %convert_element_type3A_1968 = arith.extui %and3A_1967 : i1 to i32
    %cond3A_1969 = arith.constant 0 : i32
    %cond3A_1970 = arith.cmpi ne, %convert_element_type3A_1968, %cond3A_1969 : i32
    scf.if %cond3A_1970 {
      %add3A_2521 = arith.constant 1920 : i32
      %add3A_2522 = arith.addi %mul3A_2, %add3A_2521 : i32
      %dma_wait3A = arith.constant 0 : i32
      %dma_wait3A_2523 = arith.constant 0 : i32
      %dma_wait3A_2524 = tpu.memref_slice %arg8[%dma_wait3A, %dma_wait3A_2523] : memref<128x128xf32, #tpu.memory_space<vmem>> -> memref<32x128xf32, #tpu.memory_space<vmem>>
      %dma_wait3A_2525 = arith.constant 0 : i32
      %dma_wait3A_2526 = tpu.memref_slice %arg4[%add3A_2522, %dma_wait3A_2525] : memref<100000x128xf32, #tpu.memory_space<hbm>> -> memref<32x128xf32, #tpu.memory_space<hbm>>
      %dma_wait3A_2527 = arith.constant 0 : i32
      %dma_wait3A_2528 = tpu.memref_slice %arg4[%add3A_2522, %dma_wait3A_2527] : memref<100000x128xf32, #tpu.memory_space<hbm>> -> memref<32x128xf32, #tpu.memory_space<hbm>>
      %dma_wait3A_2529 = arith.constant 0 : i32
      %dma_wait3A_2530 = arith.constant 0 : i32
      %dma_wait3A_2531 = tpu.memref_slice %arg8[%dma_wait3A_2529, %dma_wait3A_2530] : memref<128x128xf32, #tpu.memory_space<vmem>> -> memref<32x128xf32, #tpu.memory_space<vmem>>
      tpu.wait_dma2 semaphore(%arg22 : memref<!tpu.dma_semaphore, #tpu.memory_space<semaphore_mem>>) src(%dma_wait3A_2531 : memref<32x128xf32, #tpu.memory_space<vmem>>) dst(%dma_wait3A_2528 : memref<32x128xf32, #tpu.memory_space<hbm>>)
    } else {
    }
    %add3A_1971 = arith.constant 2816 : i32
    %add3A_1972 = arith.addi %mul3A_2, %add3A_1971 : i32
    %add3A_1973 = arith.constant 128 : i32
    %add3A_1974 = arith.addi %add3A_1972, %add3A_1973 : i32
    %le3A_1975 = arith.constant 100000 : i32
    %le3A_1976 = arith.cmpi sle, %add3A_1974, %le3A_1975 : i32
    %convert_element_type3A_1977 = arith.extui %le3A_1976 : i1 to i32
    %cond3A_1978 = arith.constant 0 : i32
    %cond3A_1979 = arith.cmpi ne, %convert_element_type3A_1977, %cond3A_1978 : i32
    scf.if %cond3A_1979 {
      %dma_start3A = arith.constant 2816 : i32
      %dma_start3A_2521 = tpu.memref_slice %arg5[%dma_start3A] : memref<3200xi32, #tpu.memory_space<vmem>> -> memref<128xi32, #tpu.memory_space<vmem>>
      %dma_start3A_2522 = arith.constant 0 : i32
      %dma_start3A_2523 = arith.constant 0 : i32
      %dma_start3A_2524 = tpu.memref_slice %arg6[%dma_start3A_2522, %dma_start3A_2523] : memref<28x128xf32, #tpu.memory_space<vmem_shared>> -> memref<28x128xf32, #tpu.memory_space<vmem_shared>>
      tpu.enqueue_indirect_dma source(%dma_start3A_2524 : memref<28x128xf32, #tpu.memory_space<vmem_shared>>) target(%arg8 : memref<128x128xf32, #tpu.memory_space<vmem>>) offsets(%dma_start3A_2521 : memref<128xi32, #tpu.memory_space<vmem>>) semaphore(%arg15 : memref<!tpu.dma_semaphore, #tpu.memory_space<semaphore_mem>>)
    } else {
    }
    %add3A_1980 = arith.constant 2816 : i32
    %add3A_1981 = arith.addi %mul3A_2, %add3A_1980 : i32
    %lt3A_1982 = arith.constant 100000 : i32
    %lt3A_1983 = arith.cmpi slt, %add3A_1981, %lt3A_1982 : i32
    %add3A_1984 = arith.constant 2816 : i32
    %add3A_1985 = arith.addi %mul3A_2, %add3A_1984 : i32
    %add3A_1986 = arith.constant 128 : i32
    %add3A_1987 = arith.addi %add3A_1985, %add3A_1986 : i32
    %le3A_1988 = arith.constant 100000 : i32
    %le3A_1989 = arith.cmpi sle, %add3A_1987, %le3A_1988 : i32
    %not3A_1990 = arith.constant true
    %not3A_1991 = arith.xori %le3A_1989, %not3A_1990 : i1
    %and3A_1992 = arith.andi %lt3A_1983, %not3A_1991 : i1
    %convert_element_type3A_1993 = arith.extui %and3A_1992 : i1 to i32
    %cond3A_1994 = arith.constant 0 : i32
    %cond3A_1995 = arith.cmpi ne, %convert_element_type3A_1993, %cond3A_1994 : i32
    scf.if %cond3A_1995 {
      %dma_start3A = arith.constant 0 : i32
      %dma_start3A_2521 = arith.constant 0 : i32
      %dma_start3A_2522 = tpu.memref_slice %arg8[%dma_start3A, %dma_start3A_2521] : memref<128x128xf32, #tpu.memory_space<vmem>> -> memref<32x128xf32, #tpu.memory_space<vmem>>
      %dma_start3A_2523 = arith.constant 2816 : i32
      %dma_start3A_2524 = tpu.memref_slice %arg5[%dma_start3A_2523] : memref<3200xi32, #tpu.memory_space<vmem>> -> memref<32xi32, #tpu.memory_space<vmem>>
      %dma_start3A_2525 = arith.constant 0 : i32
      %dma_start3A_2526 = arith.constant 0 : i32
      %dma_start3A_2527 = tpu.memref_slice %arg6[%dma_start3A_2525, %dma_start3A_2526] : memref<28x128xf32, #tpu.memory_space<vmem_shared>> -> memref<28x128xf32, #tpu.memory_space<vmem_shared>>
      tpu.enqueue_indirect_dma source(%dma_start3A_2527 : memref<28x128xf32, #tpu.memory_space<vmem_shared>>) target(%dma_start3A_2522 : memref<32x128xf32, #tpu.memory_space<vmem>>) offsets(%dma_start3A_2524 : memref<32xi32, #tpu.memory_space<vmem>>) semaphore(%arg15 : memref<!tpu.dma_semaphore, #tpu.memory_space<semaphore_mem>>)
    } else {
    }
    %add3A_1996 = arith.constant 2560 : i32
    %add3A_1997 = arith.addi %mul3A_2, %add3A_1996 : i32
    %add3A_1998 = arith.constant 128 : i32
    %add3A_1999 = arith.addi %add3A_1997, %add3A_1998 : i32
    %le3A_2000 = arith.constant 100000 : i32
    %le3A_2001 = arith.cmpi sle, %add3A_1999, %le3A_2000 : i32
    %convert_element_type3A_2002 = arith.extui %le3A_2001 : i1 to i32
    %cond3A_2003 = arith.constant 0 : i32
    %cond3A_2004 = arith.cmpi ne, %convert_element_type3A_2002, %cond3A_2003 : i32
    scf.if %cond3A_2004 {
      %dma_wait3A = arith.constant 2560 : i32
      %dma_wait3A_2521 = tpu.memref_slice %arg5[%dma_wait3A] : memref<3200xi32, #tpu.memory_space<vmem>> -> memref<128xi32, #tpu.memory_space<vmem>>
      %dma_wait3A_2522 = arith.constant 0 : i32
      %dma_wait3A_2523 = arith.constant 0 : i32
      %dma_wait3A_2524 = tpu.memref_slice %arg6[%dma_wait3A_2522, %dma_wait3A_2523] : memref<28x128xf32, #tpu.memory_space<vmem_shared>> -> memref<28x128xf32, #tpu.memory_space<vmem_shared>>
      tpu.wait_indirect_dma semaphore(%arg20 : memref<!tpu.dma_semaphore, #tpu.memory_space<semaphore_mem>>) src(%dma_wait3A_2524 : memref<28x128xf32, #tpu.memory_space<vmem_shared>>) dst(%arg13 : memref<128x128xf32, #tpu.memory_space<vmem>>)
    } else {
    }
    %add3A_2005 = arith.constant 2560 : i32
    %add3A_2006 = arith.addi %mul3A_2, %add3A_2005 : i32
    %lt3A_2007 = arith.constant 100000 : i32
    %lt3A_2008 = arith.cmpi slt, %add3A_2006, %lt3A_2007 : i32
    %add3A_2009 = arith.constant 2560 : i32
    %add3A_2010 = arith.addi %mul3A_2, %add3A_2009 : i32
    %add3A_2011 = arith.constant 128 : i32
    %add3A_2012 = arith.addi %add3A_2010, %add3A_2011 : i32
    %le3A_2013 = arith.constant 100000 : i32
    %le3A_2014 = arith.cmpi sle, %add3A_2012, %le3A_2013 : i32
    %not3A_2015 = arith.constant true
    %not3A_2016 = arith.xori %le3A_2014, %not3A_2015 : i1
    %and3A_2017 = arith.andi %lt3A_2008, %not3A_2016 : i1
    %convert_element_type3A_2018 = arith.extui %and3A_2017 : i1 to i32
    %cond3A_2019 = arith.constant 0 : i32
    %cond3A_2020 = arith.cmpi ne, %convert_element_type3A_2018, %cond3A_2019 : i32
    scf.if %cond3A_2020 {
      %dma_wait3A = arith.constant 0 : i32
      %dma_wait3A_2521 = arith.constant 0 : i32
      %dma_wait3A_2522 = tpu.memref_slice %arg13[%dma_wait3A, %dma_wait3A_2521] : memref<128x128xf32, #tpu.memory_space<vmem>> -> memref<32x128xf32, #tpu.memory_space<vmem>>
      %dma_wait3A_2523 = arith.constant 2560 : i32
      %dma_wait3A_2524 = tpu.memref_slice %arg5[%dma_wait3A_2523] : memref<3200xi32, #tpu.memory_space<vmem>> -> memref<32xi32, #tpu.memory_space<vmem>>
      %dma_wait3A_2525 = arith.constant 0 : i32
      %dma_wait3A_2526 = arith.constant 0 : i32
      %dma_wait3A_2527 = tpu.memref_slice %arg6[%dma_wait3A_2525, %dma_wait3A_2526] : memref<28x128xf32, #tpu.memory_space<vmem_shared>> -> memref<28x128xf32, #tpu.memory_space<vmem_shared>>
      tpu.wait_indirect_dma semaphore(%arg20 : memref<!tpu.dma_semaphore, #tpu.memory_space<semaphore_mem>>) src(%dma_wait3A_2527 : memref<28x128xf32, #tpu.memory_space<vmem_shared>>) dst(%dma_wait3A_2522 : memref<32x128xf32, #tpu.memory_space<vmem>>)
    } else {
    }
    %add3A_2021 = arith.constant 2560 : i32
    %add3A_2022 = arith.addi %mul3A_2, %add3A_2021 : i32
    %add3A_2023 = arith.constant 128 : i32
    %add3A_2024 = arith.addi %add3A_2022, %add3A_2023 : i32
    %le3A_2025 = arith.constant 100000 : i32
    %le3A_2026 = arith.cmpi sle, %add3A_2024, %le3A_2025 : i32
    %convert_element_type3A_2027 = arith.extui %le3A_2026 : i1 to i32
    %cond3A_2028 = arith.constant 0 : i32
    %cond3A_2029 = arith.cmpi ne, %convert_element_type3A_2027, %cond3A_2028 : i32
    scf.if %cond3A_2029 {
      %add3A_2521 = arith.constant 2560 : i32
      %add3A_2522 = arith.addi %mul3A_2, %add3A_2521 : i32
      %dma_start3A = arith.constant 0 : i32
      %dma_start3A_2523 = tpu.memref_slice %arg4[%add3A_2522, %dma_start3A] : memref<100000x128xf32, #tpu.memory_space<hbm>> -> memref<128x128xf32, #tpu.memory_space<hbm>>
      %dma_start3A_2524 = arith.constant 0 : i32
      %dma_start3A_2525 = tpu.memref_slice %arg4[%add3A_2522, %dma_start3A_2524] : memref<100000x128xf32, #tpu.memory_space<hbm>> -> memref<128x128xf32, #tpu.memory_space<hbm>>
      tpu.enqueue_dma source(%arg13 : memref<128x128xf32, #tpu.memory_space<vmem>>) target(%dma_start3A_2525 : memref<128x128xf32, #tpu.memory_space<hbm>>) target_semaphore(%arg27 : memref<!tpu.dma_semaphore, #tpu.memory_space<semaphore_mem>>)
    } else {
    }
    %add3A_2030 = arith.constant 2560 : i32
    %add3A_2031 = arith.addi %mul3A_2, %add3A_2030 : i32
    %lt3A_2032 = arith.constant 100000 : i32
    %lt3A_2033 = arith.cmpi slt, %add3A_2031, %lt3A_2032 : i32
    %add3A_2034 = arith.constant 2560 : i32
    %add3A_2035 = arith.addi %mul3A_2, %add3A_2034 : i32
    %add3A_2036 = arith.constant 128 : i32
    %add3A_2037 = arith.addi %add3A_2035, %add3A_2036 : i32
    %le3A_2038 = arith.constant 100000 : i32
    %le3A_2039 = arith.cmpi sle, %add3A_2037, %le3A_2038 : i32
    %not3A_2040 = arith.constant true
    %not3A_2041 = arith.xori %le3A_2039, %not3A_2040 : i1
    %and3A_2042 = arith.andi %lt3A_2033, %not3A_2041 : i1
    %convert_element_type3A_2043 = arith.extui %and3A_2042 : i1 to i32
    %cond3A_2044 = arith.constant 0 : i32
    %cond3A_2045 = arith.cmpi ne, %convert_element_type3A_2043, %cond3A_2044 : i32
    scf.if %cond3A_2045 {
      %add3A_2521 = arith.constant 2560 : i32
      %add3A_2522 = arith.addi %mul3A_2, %add3A_2521 : i32
      %dma_start3A = arith.constant 0 : i32
      %dma_start3A_2523 = arith.constant 0 : i32
      %dma_start3A_2524 = tpu.memref_slice %arg13[%dma_start3A, %dma_start3A_2523] : memref<128x128xf32, #tpu.memory_space<vmem>> -> memref<32x128xf32, #tpu.memory_space<vmem>>
      %dma_start3A_2525 = arith.constant 0 : i32
      %dma_start3A_2526 = tpu.memref_slice %arg4[%add3A_2522, %dma_start3A_2525] : memref<100000x128xf32, #tpu.memory_space<hbm>> -> memref<32x128xf32, #tpu.memory_space<hbm>>
      %dma_start3A_2527 = arith.constant 0 : i32
      %dma_start3A_2528 = tpu.memref_slice %arg4[%add3A_2522, %dma_start3A_2527] : memref<100000x128xf32, #tpu.memory_space<hbm>> -> memref<32x128xf32, #tpu.memory_space<hbm>>
      %dma_start3A_2529 = arith.constant 0 : i32
      %dma_start3A_2530 = arith.constant 0 : i32
      %dma_start3A_2531 = tpu.memref_slice %arg13[%dma_start3A_2529, %dma_start3A_2530] : memref<128x128xf32, #tpu.memory_space<vmem>> -> memref<32x128xf32, #tpu.memory_space<vmem>>
      tpu.enqueue_dma source(%dma_start3A_2531 : memref<32x128xf32, #tpu.memory_space<vmem>>) target(%dma_start3A_2528 : memref<32x128xf32, #tpu.memory_space<hbm>>) target_semaphore(%arg27 : memref<!tpu.dma_semaphore, #tpu.memory_space<semaphore_mem>>)
    } else {
    }
    %add3A_2046 = arith.constant 2048 : i32
    %add3A_2047 = arith.addi %mul3A_2, %add3A_2046 : i32
    %add3A_2048 = arith.constant 128 : i32
    %add3A_2049 = arith.addi %add3A_2047, %add3A_2048 : i32
    %le3A_2050 = arith.constant 100000 : i32
    %le3A_2051 = arith.cmpi sle, %add3A_2049, %le3A_2050 : i32
    %convert_element_type3A_2052 = arith.extui %le3A_2051 : i1 to i32
    %cond3A_2053 = arith.constant 0 : i32
    %cond3A_2054 = arith.cmpi ne, %convert_element_type3A_2052, %cond3A_2053 : i32
    scf.if %cond3A_2054 {
      %add3A_2521 = arith.constant 2048 : i32
      %add3A_2522 = arith.addi %mul3A_2, %add3A_2521 : i32
      %dma_wait3A = arith.constant 0 : i32
      %dma_wait3A_2523 = tpu.memref_slice %arg4[%add3A_2522, %dma_wait3A] : memref<100000x128xf32, #tpu.memory_space<hbm>> -> memref<128x128xf32, #tpu.memory_space<hbm>>
      %dma_wait3A_2524 = arith.constant 0 : i32
      %dma_wait3A_2525 = tpu.memref_slice %arg4[%add3A_2522, %dma_wait3A_2524] : memref<100000x128xf32, #tpu.memory_space<hbm>> -> memref<128x128xf32, #tpu.memory_space<hbm>>
      tpu.wait_dma2 semaphore(%arg23 : memref<!tpu.dma_semaphore, #tpu.memory_space<semaphore_mem>>) src(%arg9 : memref<128x128xf32, #tpu.memory_space<vmem>>) dst(%dma_wait3A_2525 : memref<128x128xf32, #tpu.memory_space<hbm>>)
    } else {
    }
    %add3A_2055 = arith.constant 2048 : i32
    %add3A_2056 = arith.addi %mul3A_2, %add3A_2055 : i32
    %lt3A_2057 = arith.constant 100000 : i32
    %lt3A_2058 = arith.cmpi slt, %add3A_2056, %lt3A_2057 : i32
    %add3A_2059 = arith.constant 2048 : i32
    %add3A_2060 = arith.addi %mul3A_2, %add3A_2059 : i32
    %add3A_2061 = arith.constant 128 : i32
    %add3A_2062 = arith.addi %add3A_2060, %add3A_2061 : i32
    %le3A_2063 = arith.constant 100000 : i32
    %le3A_2064 = arith.cmpi sle, %add3A_2062, %le3A_2063 : i32
    %not3A_2065 = arith.constant true
    %not3A_2066 = arith.xori %le3A_2064, %not3A_2065 : i1
    %and3A_2067 = arith.andi %lt3A_2058, %not3A_2066 : i1
    %convert_element_type3A_2068 = arith.extui %and3A_2067 : i1 to i32
    %cond3A_2069 = arith.constant 0 : i32
    %cond3A_2070 = arith.cmpi ne, %convert_element_type3A_2068, %cond3A_2069 : i32
    scf.if %cond3A_2070 {
      %add3A_2521 = arith.constant 2048 : i32
      %add3A_2522 = arith.addi %mul3A_2, %add3A_2521 : i32
      %dma_wait3A = arith.constant 0 : i32
      %dma_wait3A_2523 = arith.constant 0 : i32
      %dma_wait3A_2524 = tpu.memref_slice %arg9[%dma_wait3A, %dma_wait3A_2523] : memref<128x128xf32, #tpu.memory_space<vmem>> -> memref<32x128xf32, #tpu.memory_space<vmem>>
      %dma_wait3A_2525 = arith.constant 0 : i32
      %dma_wait3A_2526 = tpu.memref_slice %arg4[%add3A_2522, %dma_wait3A_2525] : memref<100000x128xf32, #tpu.memory_space<hbm>> -> memref<32x128xf32, #tpu.memory_space<hbm>>
      %dma_wait3A_2527 = arith.constant 0 : i32
      %dma_wait3A_2528 = tpu.memref_slice %arg4[%add3A_2522, %dma_wait3A_2527] : memref<100000x128xf32, #tpu.memory_space<hbm>> -> memref<32x128xf32, #tpu.memory_space<hbm>>
      %dma_wait3A_2529 = arith.constant 0 : i32
      %dma_wait3A_2530 = arith.constant 0 : i32
      %dma_wait3A_2531 = tpu.memref_slice %arg9[%dma_wait3A_2529, %dma_wait3A_2530] : memref<128x128xf32, #tpu.memory_space<vmem>> -> memref<32x128xf32, #tpu.memory_space<vmem>>
      tpu.wait_dma2 semaphore(%arg23 : memref<!tpu.dma_semaphore, #tpu.memory_space<semaphore_mem>>) src(%dma_wait3A_2531 : memref<32x128xf32, #tpu.memory_space<vmem>>) dst(%dma_wait3A_2528 : memref<32x128xf32, #tpu.memory_space<hbm>>)
    } else {
    }
    %add3A_2071 = arith.constant 2944 : i32
    %add3A_2072 = arith.addi %mul3A_2, %add3A_2071 : i32
    %add3A_2073 = arith.constant 128 : i32
    %add3A_2074 = arith.addi %add3A_2072, %add3A_2073 : i32
    %le3A_2075 = arith.constant 100000 : i32
    %le3A_2076 = arith.cmpi sle, %add3A_2074, %le3A_2075 : i32
    %convert_element_type3A_2077 = arith.extui %le3A_2076 : i1 to i32
    %cond3A_2078 = arith.constant 0 : i32
    %cond3A_2079 = arith.cmpi ne, %convert_element_type3A_2077, %cond3A_2078 : i32
    scf.if %cond3A_2079 {
      %dma_start3A = arith.constant 2944 : i32
      %dma_start3A_2521 = tpu.memref_slice %arg5[%dma_start3A] : memref<3200xi32, #tpu.memory_space<vmem>> -> memref<128xi32, #tpu.memory_space<vmem>>
      %dma_start3A_2522 = arith.constant 0 : i32
      %dma_start3A_2523 = arith.constant 0 : i32
      %dma_start3A_2524 = tpu.memref_slice %arg6[%dma_start3A_2522, %dma_start3A_2523] : memref<28x128xf32, #tpu.memory_space<vmem_shared>> -> memref<28x128xf32, #tpu.memory_space<vmem_shared>>
      tpu.enqueue_indirect_dma source(%dma_start3A_2524 : memref<28x128xf32, #tpu.memory_space<vmem_shared>>) target(%arg9 : memref<128x128xf32, #tpu.memory_space<vmem>>) offsets(%dma_start3A_2521 : memref<128xi32, #tpu.memory_space<vmem>>) semaphore(%arg16 : memref<!tpu.dma_semaphore, #tpu.memory_space<semaphore_mem>>)
    } else {
    }
    %add3A_2080 = arith.constant 2944 : i32
    %add3A_2081 = arith.addi %mul3A_2, %add3A_2080 : i32
    %lt3A_2082 = arith.constant 100000 : i32
    %lt3A_2083 = arith.cmpi slt, %add3A_2081, %lt3A_2082 : i32
    %add3A_2084 = arith.constant 2944 : i32
    %add3A_2085 = arith.addi %mul3A_2, %add3A_2084 : i32
    %add3A_2086 = arith.constant 128 : i32
    %add3A_2087 = arith.addi %add3A_2085, %add3A_2086 : i32
    %le3A_2088 = arith.constant 100000 : i32
    %le3A_2089 = arith.cmpi sle, %add3A_2087, %le3A_2088 : i32
    %not3A_2090 = arith.constant true
    %not3A_2091 = arith.xori %le3A_2089, %not3A_2090 : i1
    %and3A_2092 = arith.andi %lt3A_2083, %not3A_2091 : i1
    %convert_element_type3A_2093 = arith.extui %and3A_2092 : i1 to i32
    %cond3A_2094 = arith.constant 0 : i32
    %cond3A_2095 = arith.cmpi ne, %convert_element_type3A_2093, %cond3A_2094 : i32
    scf.if %cond3A_2095 {
      %dma_start3A = arith.constant 0 : i32
      %dma_start3A_2521 = arith.constant 0 : i32
      %dma_start3A_2522 = tpu.memref_slice %arg9[%dma_start3A, %dma_start3A_2521] : memref<128x128xf32, #tpu.memory_space<vmem>> -> memref<32x128xf32, #tpu.memory_space<vmem>>
      %dma_start3A_2523 = arith.constant 2944 : i32
      %dma_start3A_2524 = tpu.memref_slice %arg5[%dma_start3A_2523] : memref<3200xi32, #tpu.memory_space<vmem>> -> memref<32xi32, #tpu.memory_space<vmem>>
      %dma_start3A_2525 = arith.constant 0 : i32
      %dma_start3A_2526 = arith.constant 0 : i32
      %dma_start3A_2527 = tpu.memref_slice %arg6[%dma_start3A_2525, %dma_start3A_2526] : memref<28x128xf32, #tpu.memory_space<vmem_shared>> -> memref<28x128xf32, #tpu.memory_space<vmem_shared>>
      tpu.enqueue_indirect_dma source(%dma_start3A_2527 : memref<28x128xf32, #tpu.memory_space<vmem_shared>>) target(%dma_start3A_2522 : memref<32x128xf32, #tpu.memory_space<vmem>>) offsets(%dma_start3A_2524 : memref<32xi32, #tpu.memory_space<vmem>>) semaphore(%arg16 : memref<!tpu.dma_semaphore, #tpu.memory_space<semaphore_mem>>)
    } else {
    }
    %add3A_2096 = arith.constant 2688 : i32
    %add3A_2097 = arith.addi %mul3A_2, %add3A_2096 : i32
    %add3A_2098 = arith.constant 128 : i32
    %add3A_2099 = arith.addi %add3A_2097, %add3A_2098 : i32
    %le3A_2100 = arith.constant 100000 : i32
    %le3A_2101 = arith.cmpi sle, %add3A_2099, %le3A_2100 : i32
    %convert_element_type3A_2102 = arith.extui %le3A_2101 : i1 to i32
    %cond3A_2103 = arith.constant 0 : i32
    %cond3A_2104 = arith.cmpi ne, %convert_element_type3A_2102, %cond3A_2103 : i32
    scf.if %cond3A_2104 {
      %dma_wait3A = arith.constant 2688 : i32
      %dma_wait3A_2521 = tpu.memref_slice %arg5[%dma_wait3A] : memref<3200xi32, #tpu.memory_space<vmem>> -> memref<128xi32, #tpu.memory_space<vmem>>
      %dma_wait3A_2522 = arith.constant 0 : i32
      %dma_wait3A_2523 = arith.constant 0 : i32
      %dma_wait3A_2524 = tpu.memref_slice %arg6[%dma_wait3A_2522, %dma_wait3A_2523] : memref<28x128xf32, #tpu.memory_space<vmem_shared>> -> memref<28x128xf32, #tpu.memory_space<vmem_shared>>
      tpu.wait_indirect_dma semaphore(%arg14 : memref<!tpu.dma_semaphore, #tpu.memory_space<semaphore_mem>>) src(%dma_wait3A_2524 : memref<28x128xf32, #tpu.memory_space<vmem_shared>>) dst(%arg7 : memref<128x128xf32, #tpu.memory_space<vmem>>)
    } else {
    }
    %add3A_2105 = arith.constant 2688 : i32
    %add3A_2106 = arith.addi %mul3A_2, %add3A_2105 : i32
    %lt3A_2107 = arith.constant 100000 : i32
    %lt3A_2108 = arith.cmpi slt, %add3A_2106, %lt3A_2107 : i32
    %add3A_2109 = arith.constant 2688 : i32
    %add3A_2110 = arith.addi %mul3A_2, %add3A_2109 : i32
    %add3A_2111 = arith.constant 128 : i32
    %add3A_2112 = arith.addi %add3A_2110, %add3A_2111 : i32
    %le3A_2113 = arith.constant 100000 : i32
    %le3A_2114 = arith.cmpi sle, %add3A_2112, %le3A_2113 : i32
    %not3A_2115 = arith.constant true
    %not3A_2116 = arith.xori %le3A_2114, %not3A_2115 : i1
    %and3A_2117 = arith.andi %lt3A_2108, %not3A_2116 : i1
    %convert_element_type3A_2118 = arith.extui %and3A_2117 : i1 to i32
    %cond3A_2119 = arith.constant 0 : i32
    %cond3A_2120 = arith.cmpi ne, %convert_element_type3A_2118, %cond3A_2119 : i32
    scf.if %cond3A_2120 {
      %dma_wait3A = arith.constant 0 : i32
      %dma_wait3A_2521 = arith.constant 0 : i32
      %dma_wait3A_2522 = tpu.memref_slice %arg7[%dma_wait3A, %dma_wait3A_2521] : memref<128x128xf32, #tpu.memory_space<vmem>> -> memref<32x128xf32, #tpu.memory_space<vmem>>
      %dma_wait3A_2523 = arith.constant 2688 : i32
      %dma_wait3A_2524 = tpu.memref_slice %arg5[%dma_wait3A_2523] : memref<3200xi32, #tpu.memory_space<vmem>> -> memref<32xi32, #tpu.memory_space<vmem>>
      %dma_wait3A_2525 = arith.constant 0 : i32
      %dma_wait3A_2526 = arith.constant 0 : i32
      %dma_wait3A_2527 = tpu.memref_slice %arg6[%dma_wait3A_2525, %dma_wait3A_2526] : memref<28x128xf32, #tpu.memory_space<vmem_shared>> -> memref<28x128xf32, #tpu.memory_space<vmem_shared>>
      tpu.wait_indirect_dma semaphore(%arg14 : memref<!tpu.dma_semaphore, #tpu.memory_space<semaphore_mem>>) src(%dma_wait3A_2527 : memref<28x128xf32, #tpu.memory_space<vmem_shared>>) dst(%dma_wait3A_2522 : memref<32x128xf32, #tpu.memory_space<vmem>>)
    } else {
    }
    %add3A_2121 = arith.constant 2688 : i32
    %add3A_2122 = arith.addi %mul3A_2, %add3A_2121 : i32
    %add3A_2123 = arith.constant 128 : i32
    %add3A_2124 = arith.addi %add3A_2122, %add3A_2123 : i32
    %le3A_2125 = arith.constant 100000 : i32
    %le3A_2126 = arith.cmpi sle, %add3A_2124, %le3A_2125 : i32
    %convert_element_type3A_2127 = arith.extui %le3A_2126 : i1 to i32
    %cond3A_2128 = arith.constant 0 : i32
    %cond3A_2129 = arith.cmpi ne, %convert_element_type3A_2127, %cond3A_2128 : i32
    scf.if %cond3A_2129 {
      %add3A_2521 = arith.constant 2688 : i32
      %add3A_2522 = arith.addi %mul3A_2, %add3A_2521 : i32
      %dma_start3A = arith.constant 0 : i32
      %dma_start3A_2523 = tpu.memref_slice %arg4[%add3A_2522, %dma_start3A] : memref<100000x128xf32, #tpu.memory_space<hbm>> -> memref<128x128xf32, #tpu.memory_space<hbm>>
      %dma_start3A_2524 = arith.constant 0 : i32
      %dma_start3A_2525 = tpu.memref_slice %arg4[%add3A_2522, %dma_start3A_2524] : memref<100000x128xf32, #tpu.memory_space<hbm>> -> memref<128x128xf32, #tpu.memory_space<hbm>>
      tpu.enqueue_dma source(%arg7 : memref<128x128xf32, #tpu.memory_space<vmem>>) target(%dma_start3A_2525 : memref<128x128xf32, #tpu.memory_space<hbm>>) target_semaphore(%arg21 : memref<!tpu.dma_semaphore, #tpu.memory_space<semaphore_mem>>)
    } else {
    }
    %add3A_2130 = arith.constant 2688 : i32
    %add3A_2131 = arith.addi %mul3A_2, %add3A_2130 : i32
    %lt3A_2132 = arith.constant 100000 : i32
    %lt3A_2133 = arith.cmpi slt, %add3A_2131, %lt3A_2132 : i32
    %add3A_2134 = arith.constant 2688 : i32
    %add3A_2135 = arith.addi %mul3A_2, %add3A_2134 : i32
    %add3A_2136 = arith.constant 128 : i32
    %add3A_2137 = arith.addi %add3A_2135, %add3A_2136 : i32
    %le3A_2138 = arith.constant 100000 : i32
    %le3A_2139 = arith.cmpi sle, %add3A_2137, %le3A_2138 : i32
    %not3A_2140 = arith.constant true
    %not3A_2141 = arith.xori %le3A_2139, %not3A_2140 : i1
    %and3A_2142 = arith.andi %lt3A_2133, %not3A_2141 : i1
    %convert_element_type3A_2143 = arith.extui %and3A_2142 : i1 to i32
    %cond3A_2144 = arith.constant 0 : i32
    %cond3A_2145 = arith.cmpi ne, %convert_element_type3A_2143, %cond3A_2144 : i32
    scf.if %cond3A_2145 {
      %add3A_2521 = arith.constant 2688 : i32
      %add3A_2522 = arith.addi %mul3A_2, %add3A_2521 : i32
      %dma_start3A = arith.constant 0 : i32
      %dma_start3A_2523 = arith.constant 0 : i32
      %dma_start3A_2524 = tpu.memref_slice %arg7[%dma_start3A, %dma_start3A_2523] : memref<128x128xf32, #tpu.memory_space<vmem>> -> memref<32x128xf32, #tpu.memory_space<vmem>>
      %dma_start3A_2525 = arith.constant 0 : i32
      %dma_start3A_2526 = tpu.memref_slice %arg4[%add3A_2522, %dma_start3A_2525] : memref<100000x128xf32, #tpu.memory_space<hbm>> -> memref<32x128xf32, #tpu.memory_space<hbm>>
      %dma_start3A_2527 = arith.constant 0 : i32
      %dma_start3A_2528 = tpu.memref_slice %arg4[%add3A_2522, %dma_start3A_2527] : memref<100000x128xf32, #tpu.memory_space<hbm>> -> memref<32x128xf32, #tpu.memory_space<hbm>>
      %dma_start3A_2529 = arith.constant 0 : i32
      %dma_start3A_2530 = arith.constant 0 : i32
      %dma_start3A_2531 = tpu.memref_slice %arg7[%dma_start3A_2529, %dma_start3A_2530] : memref<128x128xf32, #tpu.memory_space<vmem>> -> memref<32x128xf32, #tpu.memory_space<vmem>>
      tpu.enqueue_dma source(%dma_start3A_2531 : memref<32x128xf32, #tpu.memory_space<vmem>>) target(%dma_start3A_2528 : memref<32x128xf32, #tpu.memory_space<hbm>>) target_semaphore(%arg21 : memref<!tpu.dma_semaphore, #tpu.memory_space<semaphore_mem>>)
    } else {
    }
    %add3A_2146 = arith.constant 2176 : i32
    %add3A_2147 = arith.addi %mul3A_2, %add3A_2146 : i32
    %add3A_2148 = arith.constant 128 : i32
    %add3A_2149 = arith.addi %add3A_2147, %add3A_2148 : i32
    %le3A_2150 = arith.constant 100000 : i32
    %le3A_2151 = arith.cmpi sle, %add3A_2149, %le3A_2150 : i32
    %convert_element_type3A_2152 = arith.extui %le3A_2151 : i1 to i32
    %cond3A_2153 = arith.constant 0 : i32
    %cond3A_2154 = arith.cmpi ne, %convert_element_type3A_2152, %cond3A_2153 : i32
    scf.if %cond3A_2154 {
      %add3A_2521 = arith.constant 2176 : i32
      %add3A_2522 = arith.addi %mul3A_2, %add3A_2521 : i32
      %dma_wait3A = arith.constant 0 : i32
      %dma_wait3A_2523 = tpu.memref_slice %arg4[%add3A_2522, %dma_wait3A] : memref<100000x128xf32, #tpu.memory_space<hbm>> -> memref<128x128xf32, #tpu.memory_space<hbm>>
      %dma_wait3A_2524 = arith.constant 0 : i32
      %dma_wait3A_2525 = tpu.memref_slice %arg4[%add3A_2522, %dma_wait3A_2524] : memref<100000x128xf32, #tpu.memory_space<hbm>> -> memref<128x128xf32, #tpu.memory_space<hbm>>
      tpu.wait_dma2 semaphore(%arg24 : memref<!tpu.dma_semaphore, #tpu.memory_space<semaphore_mem>>) src(%arg10 : memref<128x128xf32, #tpu.memory_space<vmem>>) dst(%dma_wait3A_2525 : memref<128x128xf32, #tpu.memory_space<hbm>>)
    } else {
    }
    %add3A_2155 = arith.constant 2176 : i32
    %add3A_2156 = arith.addi %mul3A_2, %add3A_2155 : i32
    %lt3A_2157 = arith.constant 100000 : i32
    %lt3A_2158 = arith.cmpi slt, %add3A_2156, %lt3A_2157 : i32
    %add3A_2159 = arith.constant 2176 : i32
    %add3A_2160 = arith.addi %mul3A_2, %add3A_2159 : i32
    %add3A_2161 = arith.constant 128 : i32
    %add3A_2162 = arith.addi %add3A_2160, %add3A_2161 : i32
    %le3A_2163 = arith.constant 100000 : i32
    %le3A_2164 = arith.cmpi sle, %add3A_2162, %le3A_2163 : i32
    %not3A_2165 = arith.constant true
    %not3A_2166 = arith.xori %le3A_2164, %not3A_2165 : i1
    %and3A_2167 = arith.andi %lt3A_2158, %not3A_2166 : i1
    %convert_element_type3A_2168 = arith.extui %and3A_2167 : i1 to i32
    %cond3A_2169 = arith.constant 0 : i32
    %cond3A_2170 = arith.cmpi ne, %convert_element_type3A_2168, %cond3A_2169 : i32
    scf.if %cond3A_2170 {
      %add3A_2521 = arith.constant 2176 : i32
      %add3A_2522 = arith.addi %mul3A_2, %add3A_2521 : i32
      %dma_wait3A = arith.constant 0 : i32
      %dma_wait3A_2523 = arith.constant 0 : i32
      %dma_wait3A_2524 = tpu.memref_slice %arg10[%dma_wait3A, %dma_wait3A_2523] : memref<128x128xf32, #tpu.memory_space<vmem>> -> memref<32x128xf32, #tpu.memory_space<vmem>>
      %dma_wait3A_2525 = arith.constant 0 : i32
      %dma_wait3A_2526 = tpu.memref_slice %arg4[%add3A_2522, %dma_wait3A_2525] : memref<100000x128xf32, #tpu.memory_space<hbm>> -> memref<32x128xf32, #tpu.memory_space<hbm>>
      %dma_wait3A_2527 = arith.constant 0 : i32
      %dma_wait3A_2528 = tpu.memref_slice %arg4[%add3A_2522, %dma_wait3A_2527] : memref<100000x128xf32, #tpu.memory_space<hbm>> -> memref<32x128xf32, #tpu.memory_space<hbm>>
      %dma_wait3A_2529 = arith.constant 0 : i32
      %dma_wait3A_2530 = arith.constant 0 : i32
      %dma_wait3A_2531 = tpu.memref_slice %arg10[%dma_wait3A_2529, %dma_wait3A_2530] : memref<128x128xf32, #tpu.memory_space<vmem>> -> memref<32x128xf32, #tpu.memory_space<vmem>>
      tpu.wait_dma2 semaphore(%arg24 : memref<!tpu.dma_semaphore, #tpu.memory_space<semaphore_mem>>) src(%dma_wait3A_2531 : memref<32x128xf32, #tpu.memory_space<vmem>>) dst(%dma_wait3A_2528 : memref<32x128xf32, #tpu.memory_space<hbm>>)
    } else {
    }
    %add3A_2171 = arith.constant 3072 : i32
    %add3A_2172 = arith.addi %mul3A_2, %add3A_2171 : i32
    %add3A_2173 = arith.constant 128 : i32
    %add3A_2174 = arith.addi %add3A_2172, %add3A_2173 : i32
    %le3A_2175 = arith.constant 100000 : i32
    %le3A_2176 = arith.cmpi sle, %add3A_2174, %le3A_2175 : i32
    %convert_element_type3A_2177 = arith.extui %le3A_2176 : i1 to i32
    %cond3A_2178 = arith.constant 0 : i32
    %cond3A_2179 = arith.cmpi ne, %convert_element_type3A_2177, %cond3A_2178 : i32
    scf.if %cond3A_2179 {
      %dma_start3A = arith.constant 3072 : i32
      %dma_start3A_2521 = tpu.memref_slice %arg5[%dma_start3A] : memref<3200xi32, #tpu.memory_space<vmem>> -> memref<128xi32, #tpu.memory_space<vmem>>
      %dma_start3A_2522 = arith.constant 0 : i32
      %dma_start3A_2523 = arith.constant 0 : i32
      %dma_start3A_2524 = tpu.memref_slice %arg6[%dma_start3A_2522, %dma_start3A_2523] : memref<28x128xf32, #tpu.memory_space<vmem_shared>> -> memref<28x128xf32, #tpu.memory_space<vmem_shared>>
      tpu.enqueue_indirect_dma source(%dma_start3A_2524 : memref<28x128xf32, #tpu.memory_space<vmem_shared>>) target(%arg10 : memref<128x128xf32, #tpu.memory_space<vmem>>) offsets(%dma_start3A_2521 : memref<128xi32, #tpu.memory_space<vmem>>) semaphore(%arg17 : memref<!tpu.dma_semaphore, #tpu.memory_space<semaphore_mem>>)
    } else {
    }
    %add3A_2180 = arith.constant 3072 : i32
    %add3A_2181 = arith.addi %mul3A_2, %add3A_2180 : i32
    %lt3A_2182 = arith.constant 100000 : i32
    %lt3A_2183 = arith.cmpi slt, %add3A_2181, %lt3A_2182 : i32
    %add3A_2184 = arith.constant 3072 : i32
    %add3A_2185 = arith.addi %mul3A_2, %add3A_2184 : i32
    %add3A_2186 = arith.constant 128 : i32
    %add3A_2187 = arith.addi %add3A_2185, %add3A_2186 : i32
    %le3A_2188 = arith.constant 100000 : i32
    %le3A_2189 = arith.cmpi sle, %add3A_2187, %le3A_2188 : i32
    %not3A_2190 = arith.constant true
    %not3A_2191 = arith.xori %le3A_2189, %not3A_2190 : i1
    %and3A_2192 = arith.andi %lt3A_2183, %not3A_2191 : i1
    %convert_element_type3A_2193 = arith.extui %and3A_2192 : i1 to i32
    %cond3A_2194 = arith.constant 0 : i32
    %cond3A_2195 = arith.cmpi ne, %convert_element_type3A_2193, %cond3A_2194 : i32
    scf.if %cond3A_2195 {
      %dma_start3A = arith.constant 0 : i32
      %dma_start3A_2521 = arith.constant 0 : i32
      %dma_start3A_2522 = tpu.memref_slice %arg10[%dma_start3A, %dma_start3A_2521] : memref<128x128xf32, #tpu.memory_space<vmem>> -> memref<32x128xf32, #tpu.memory_space<vmem>>
      %dma_start3A_2523 = arith.constant 3072 : i32
      %dma_start3A_2524 = tpu.memref_slice %arg5[%dma_start3A_2523] : memref<3200xi32, #tpu.memory_space<vmem>> -> memref<32xi32, #tpu.memory_space<vmem>>
      %dma_start3A_2525 = arith.constant 0 : i32
      %dma_start3A_2526 = arith.constant 0 : i32
      %dma_start3A_2527 = tpu.memref_slice %arg6[%dma_start3A_2525, %dma_start3A_2526] : memref<28x128xf32, #tpu.memory_space<vmem_shared>> -> memref<28x128xf32, #tpu.memory_space<vmem_shared>>
      tpu.enqueue_indirect_dma source(%dma_start3A_2527 : memref<28x128xf32, #tpu.memory_space<vmem_shared>>) target(%dma_start3A_2522 : memref<32x128xf32, #tpu.memory_space<vmem>>) offsets(%dma_start3A_2524 : memref<32xi32, #tpu.memory_space<vmem>>) semaphore(%arg17 : memref<!tpu.dma_semaphore, #tpu.memory_space<semaphore_mem>>)
    } else {
    }
    %add3A_2196 = arith.constant 2816 : i32
    %add3A_2197 = arith.addi %mul3A_2, %add3A_2196 : i32
    %add3A_2198 = arith.constant 128 : i32
    %add3A_2199 = arith.addi %add3A_2197, %add3A_2198 : i32
    %le3A_2200 = arith.constant 100000 : i32
    %le3A_2201 = arith.cmpi sle, %add3A_2199, %le3A_2200 : i32
    %convert_element_type3A_2202 = arith.extui %le3A_2201 : i1 to i32
    %cond3A_2203 = arith.constant 0 : i32
    %cond3A_2204 = arith.cmpi ne, %convert_element_type3A_2202, %cond3A_2203 : i32
    scf.if %cond3A_2204 {
      %dma_wait3A = arith.constant 2816 : i32
      %dma_wait3A_2521 = tpu.memref_slice %arg5[%dma_wait3A] : memref<3200xi32, #tpu.memory_space<vmem>> -> memref<128xi32, #tpu.memory_space<vmem>>
      %dma_wait3A_2522 = arith.constant 0 : i32
      %dma_wait3A_2523 = arith.constant 0 : i32
      %dma_wait3A_2524 = tpu.memref_slice %arg6[%dma_wait3A_2522, %dma_wait3A_2523] : memref<28x128xf32, #tpu.memory_space<vmem_shared>> -> memref<28x128xf32, #tpu.memory_space<vmem_shared>>
      tpu.wait_indirect_dma semaphore(%arg15 : memref<!tpu.dma_semaphore, #tpu.memory_space<semaphore_mem>>) src(%dma_wait3A_2524 : memref<28x128xf32, #tpu.memory_space<vmem_shared>>) dst(%arg8 : memref<128x128xf32, #tpu.memory_space<vmem>>)
    } else {
    }
    %add3A_2205 = arith.constant 2816 : i32
    %add3A_2206 = arith.addi %mul3A_2, %add3A_2205 : i32
    %lt3A_2207 = arith.constant 100000 : i32
    %lt3A_2208 = arith.cmpi slt, %add3A_2206, %lt3A_2207 : i32
    %add3A_2209 = arith.constant 2816 : i32
    %add3A_2210 = arith.addi %mul3A_2, %add3A_2209 : i32
    %add3A_2211 = arith.constant 128 : i32
    %add3A_2212 = arith.addi %add3A_2210, %add3A_2211 : i32
    %le3A_2213 = arith.constant 100000 : i32
    %le3A_2214 = arith.cmpi sle, %add3A_2212, %le3A_2213 : i32
    %not3A_2215 = arith.constant true
    %not3A_2216 = arith.xori %le3A_2214, %not3A_2215 : i1
    %and3A_2217 = arith.andi %lt3A_2208, %not3A_2216 : i1
    %convert_element_type3A_2218 = arith.extui %and3A_2217 : i1 to i32
    %cond3A_2219 = arith.constant 0 : i32
    %cond3A_2220 = arith.cmpi ne, %convert_element_type3A_2218, %cond3A_2219 : i32
    scf.if %cond3A_2220 {
      %dma_wait3A = arith.constant 0 : i32
      %dma_wait3A_2521 = arith.constant 0 : i32
      %dma_wait3A_2522 = tpu.memref_slice %arg8[%dma_wait3A, %dma_wait3A_2521] : memref<128x128xf32, #tpu.memory_space<vmem>> -> memref<32x128xf32, #tpu.memory_space<vmem>>
      %dma_wait3A_2523 = arith.constant 2816 : i32
      %dma_wait3A_2524 = tpu.memref_slice %arg5[%dma_wait3A_2523] : memref<3200xi32, #tpu.memory_space<vmem>> -> memref<32xi32, #tpu.memory_space<vmem>>
      %dma_wait3A_2525 = arith.constant 0 : i32
      %dma_wait3A_2526 = arith.constant 0 : i32
      %dma_wait3A_2527 = tpu.memref_slice %arg6[%dma_wait3A_2525, %dma_wait3A_2526] : memref<28x128xf32, #tpu.memory_space<vmem_shared>> -> memref<28x128xf32, #tpu.memory_space<vmem_shared>>
      tpu.wait_indirect_dma semaphore(%arg15 : memref<!tpu.dma_semaphore, #tpu.memory_space<semaphore_mem>>) src(%dma_wait3A_2527 : memref<28x128xf32, #tpu.memory_space<vmem_shared>>) dst(%dma_wait3A_2522 : memref<32x128xf32, #tpu.memory_space<vmem>>)
    } else {
    }
    %add3A_2221 = arith.constant 2816 : i32
    %add3A_2222 = arith.addi %mul3A_2, %add3A_2221 : i32
    %add3A_2223 = arith.constant 128 : i32
    %add3A_2224 = arith.addi %add3A_2222, %add3A_2223 : i32
    %le3A_2225 = arith.constant 100000 : i32
    %le3A_2226 = arith.cmpi sle, %add3A_2224, %le3A_2225 : i32
    %convert_element_type3A_2227 = arith.extui %le3A_2226 : i1 to i32
    %cond3A_2228 = arith.constant 0 : i32
    %cond3A_2229 = arith.cmpi ne, %convert_element_type3A_2227, %cond3A_2228 : i32
    scf.if %cond3A_2229 {
      %add3A_2521 = arith.constant 2816 : i32
      %add3A_2522 = arith.addi %mul3A_2, %add3A_2521 : i32
      %dma_start3A = arith.constant 0 : i32
      %dma_start3A_2523 = tpu.memref_slice %arg4[%add3A_2522, %dma_start3A] : memref<100000x128xf32, #tpu.memory_space<hbm>> -> memref<128x128xf32, #tpu.memory_space<hbm>>
      %dma_start3A_2524 = arith.constant 0 : i32
      %dma_start3A_2525 = tpu.memref_slice %arg4[%add3A_2522, %dma_start3A_2524] : memref<100000x128xf32, #tpu.memory_space<hbm>> -> memref<128x128xf32, #tpu.memory_space<hbm>>
      tpu.enqueue_dma source(%arg8 : memref<128x128xf32, #tpu.memory_space<vmem>>) target(%dma_start3A_2525 : memref<128x128xf32, #tpu.memory_space<hbm>>) target_semaphore(%arg22 : memref<!tpu.dma_semaphore, #tpu.memory_space<semaphore_mem>>)
    } else {
    }
    %add3A_2230 = arith.constant 2816 : i32
    %add3A_2231 = arith.addi %mul3A_2, %add3A_2230 : i32
    %lt3A_2232 = arith.constant 100000 : i32
    %lt3A_2233 = arith.cmpi slt, %add3A_2231, %lt3A_2232 : i32
    %add3A_2234 = arith.constant 2816 : i32
    %add3A_2235 = arith.addi %mul3A_2, %add3A_2234 : i32
    %add3A_2236 = arith.constant 128 : i32
    %add3A_2237 = arith.addi %add3A_2235, %add3A_2236 : i32
    %le3A_2238 = arith.constant 100000 : i32
    %le3A_2239 = arith.cmpi sle, %add3A_2237, %le3A_2238 : i32
    %not3A_2240 = arith.constant true
    %not3A_2241 = arith.xori %le3A_2239, %not3A_2240 : i1
    %and3A_2242 = arith.andi %lt3A_2233, %not3A_2241 : i1
    %convert_element_type3A_2243 = arith.extui %and3A_2242 : i1 to i32
    %cond3A_2244 = arith.constant 0 : i32
    %cond3A_2245 = arith.cmpi ne, %convert_element_type3A_2243, %cond3A_2244 : i32
    scf.if %cond3A_2245 {
      %add3A_2521 = arith.constant 2816 : i32
      %add3A_2522 = arith.addi %mul3A_2, %add3A_2521 : i32
      %dma_start3A = arith.constant 0 : i32
      %dma_start3A_2523 = arith.constant 0 : i32
      %dma_start3A_2524 = tpu.memref_slice %arg8[%dma_start3A, %dma_start3A_2523] : memref<128x128xf32, #tpu.memory_space<vmem>> -> memref<32x128xf32, #tpu.memory_space<vmem>>
      %dma_start3A_2525 = arith.constant 0 : i32
      %dma_start3A_2526 = tpu.memref_slice %arg4[%add3A_2522, %dma_start3A_2525] : memref<100000x128xf32, #tpu.memory_space<hbm>> -> memref<32x128xf32, #tpu.memory_space<hbm>>
      %dma_start3A_2527 = arith.constant 0 : i32
      %dma_start3A_2528 = tpu.memref_slice %arg4[%add3A_2522, %dma_start3A_2527] : memref<100000x128xf32, #tpu.memory_space<hbm>> -> memref<32x128xf32, #tpu.memory_space<hbm>>
      %dma_start3A_2529 = arith.constant 0 : i32
      %dma_start3A_2530 = arith.constant 0 : i32
      %dma_start3A_2531 = tpu.memref_slice %arg8[%dma_start3A_2529, %dma_start3A_2530] : memref<128x128xf32, #tpu.memory_space<vmem>> -> memref<32x128xf32, #tpu.memory_space<vmem>>
      tpu.enqueue_dma source(%dma_start3A_2531 : memref<32x128xf32, #tpu.memory_space<vmem>>) target(%dma_start3A_2528 : memref<32x128xf32, #tpu.memory_space<hbm>>) target_semaphore(%arg22 : memref<!tpu.dma_semaphore, #tpu.memory_space<semaphore_mem>>)
    } else {
    }
    %add3A_2246 = arith.constant 2944 : i32
    %add3A_2247 = arith.addi %mul3A_2, %add3A_2246 : i32
    %add3A_2248 = arith.constant 128 : i32
    %add3A_2249 = arith.addi %add3A_2247, %add3A_2248 : i32
    %le3A_2250 = arith.constant 100000 : i32
    %le3A_2251 = arith.cmpi sle, %add3A_2249, %le3A_2250 : i32
    %convert_element_type3A_2252 = arith.extui %le3A_2251 : i1 to i32
    %cond3A_2253 = arith.constant 0 : i32
    %cond3A_2254 = arith.cmpi ne, %convert_element_type3A_2252, %cond3A_2253 : i32
    scf.if %cond3A_2254 {
      %dma_wait3A = arith.constant 2944 : i32
      %dma_wait3A_2521 = tpu.memref_slice %arg5[%dma_wait3A] : memref<3200xi32, #tpu.memory_space<vmem>> -> memref<128xi32, #tpu.memory_space<vmem>>
      %dma_wait3A_2522 = arith.constant 0 : i32
      %dma_wait3A_2523 = arith.constant 0 : i32
      %dma_wait3A_2524 = tpu.memref_slice %arg6[%dma_wait3A_2522, %dma_wait3A_2523] : memref<28x128xf32, #tpu.memory_space<vmem_shared>> -> memref<28x128xf32, #tpu.memory_space<vmem_shared>>
      tpu.wait_indirect_dma semaphore(%arg16 : memref<!tpu.dma_semaphore, #tpu.memory_space<semaphore_mem>>) src(%dma_wait3A_2524 : memref<28x128xf32, #tpu.memory_space<vmem_shared>>) dst(%arg9 : memref<128x128xf32, #tpu.memory_space<vmem>>)
    } else {
    }
    %add3A_2255 = arith.constant 2944 : i32
    %add3A_2256 = arith.addi %mul3A_2, %add3A_2255 : i32
    %lt3A_2257 = arith.constant 100000 : i32
    %lt3A_2258 = arith.cmpi slt, %add3A_2256, %lt3A_2257 : i32
    %add3A_2259 = arith.constant 2944 : i32
    %add3A_2260 = arith.addi %mul3A_2, %add3A_2259 : i32
    %add3A_2261 = arith.constant 128 : i32
    %add3A_2262 = arith.addi %add3A_2260, %add3A_2261 : i32
    %le3A_2263 = arith.constant 100000 : i32
    %le3A_2264 = arith.cmpi sle, %add3A_2262, %le3A_2263 : i32
    %not3A_2265 = arith.constant true
    %not3A_2266 = arith.xori %le3A_2264, %not3A_2265 : i1
    %and3A_2267 = arith.andi %lt3A_2258, %not3A_2266 : i1
    %convert_element_type3A_2268 = arith.extui %and3A_2267 : i1 to i32
    %cond3A_2269 = arith.constant 0 : i32
    %cond3A_2270 = arith.cmpi ne, %convert_element_type3A_2268, %cond3A_2269 : i32
    scf.if %cond3A_2270 {
      %dma_wait3A = arith.constant 0 : i32
      %dma_wait3A_2521 = arith.constant 0 : i32
      %dma_wait3A_2522 = tpu.memref_slice %arg9[%dma_wait3A, %dma_wait3A_2521] : memref<128x128xf32, #tpu.memory_space<vmem>> -> memref<32x128xf32, #tpu.memory_space<vmem>>
      %dma_wait3A_2523 = arith.constant 2944 : i32
      %dma_wait3A_2524 = tpu.memref_slice %arg5[%dma_wait3A_2523] : memref<3200xi32, #tpu.memory_space<vmem>> -> memref<32xi32, #tpu.memory_space<vmem>>
      %dma_wait3A_2525 = arith.constant 0 : i32
      %dma_wait3A_2526 = arith.constant 0 : i32
      %dma_wait3A_2527 = tpu.memref_slice %arg6[%dma_wait3A_2525, %dma_wait3A_2526] : memref<28x128xf32, #tpu.memory_space<vmem_shared>> -> memref<28x128xf32, #tpu.memory_space<vmem_shared>>
      tpu.wait_indirect_dma semaphore(%arg16 : memref<!tpu.dma_semaphore, #tpu.memory_space<semaphore_mem>>) src(%dma_wait3A_2527 : memref<28x128xf32, #tpu.memory_space<vmem_shared>>) dst(%dma_wait3A_2522 : memref<32x128xf32, #tpu.memory_space<vmem>>)
    } else {
    }
    %add3A_2271 = arith.constant 2944 : i32
    %add3A_2272 = arith.addi %mul3A_2, %add3A_2271 : i32
    %add3A_2273 = arith.constant 128 : i32
    %add3A_2274 = arith.addi %add3A_2272, %add3A_2273 : i32
    %le3A_2275 = arith.constant 100000 : i32
    %le3A_2276 = arith.cmpi sle, %add3A_2274, %le3A_2275 : i32
    %convert_element_type3A_2277 = arith.extui %le3A_2276 : i1 to i32
    %cond3A_2278 = arith.constant 0 : i32
    %cond3A_2279 = arith.cmpi ne, %convert_element_type3A_2277, %cond3A_2278 : i32
    scf.if %cond3A_2279 {
      %add3A_2521 = arith.constant 2944 : i32
      %add3A_2522 = arith.addi %mul3A_2, %add3A_2521 : i32
      %dma_start3A = arith.constant 0 : i32
      %dma_start3A_2523 = tpu.memref_slice %arg4[%add3A_2522, %dma_start3A] : memref<100000x128xf32, #tpu.memory_space<hbm>> -> memref<128x128xf32, #tpu.memory_space<hbm>>
      %dma_start3A_2524 = arith.constant 0 : i32
      %dma_start3A_2525 = tpu.memref_slice %arg4[%add3A_2522, %dma_start3A_2524] : memref<100000x128xf32, #tpu.memory_space<hbm>> -> memref<128x128xf32, #tpu.memory_space<hbm>>
      tpu.enqueue_dma source(%arg9 : memref<128x128xf32, #tpu.memory_space<vmem>>) target(%dma_start3A_2525 : memref<128x128xf32, #tpu.memory_space<hbm>>) target_semaphore(%arg23 : memref<!tpu.dma_semaphore, #tpu.memory_space<semaphore_mem>>)
    } else {
    }
    %add3A_2280 = arith.constant 2944 : i32
    %add3A_2281 = arith.addi %mul3A_2, %add3A_2280 : i32
    %lt3A_2282 = arith.constant 100000 : i32
    %lt3A_2283 = arith.cmpi slt, %add3A_2281, %lt3A_2282 : i32
    %add3A_2284 = arith.constant 2944 : i32
    %add3A_2285 = arith.addi %mul3A_2, %add3A_2284 : i32
    %add3A_2286 = arith.constant 128 : i32
    %add3A_2287 = arith.addi %add3A_2285, %add3A_2286 : i32
    %le3A_2288 = arith.constant 100000 : i32
    %le3A_2289 = arith.cmpi sle, %add3A_2287, %le3A_2288 : i32
    %not3A_2290 = arith.constant true
    %not3A_2291 = arith.xori %le3A_2289, %not3A_2290 : i1
    %and3A_2292 = arith.andi %lt3A_2283, %not3A_2291 : i1
    %convert_element_type3A_2293 = arith.extui %and3A_2292 : i1 to i32
    %cond3A_2294 = arith.constant 0 : i32
    %cond3A_2295 = arith.cmpi ne, %convert_element_type3A_2293, %cond3A_2294 : i32
    scf.if %cond3A_2295 {
      %add3A_2521 = arith.constant 2944 : i32
      %add3A_2522 = arith.addi %mul3A_2, %add3A_2521 : i32
      %dma_start3A = arith.constant 0 : i32
      %dma_start3A_2523 = arith.constant 0 : i32
      %dma_start3A_2524 = tpu.memref_slice %arg9[%dma_start3A, %dma_start3A_2523] : memref<128x128xf32, #tpu.memory_space<vmem>> -> memref<32x128xf32, #tpu.memory_space<vmem>>
      %dma_start3A_2525 = arith.constant 0 : i32
      %dma_start3A_2526 = tpu.memref_slice %arg4[%add3A_2522, %dma_start3A_2525] : memref<100000x128xf32, #tpu.memory_space<hbm>> -> memref<32x128xf32, #tpu.memory_space<hbm>>
      %dma_start3A_2527 = arith.constant 0 : i32
      %dma_start3A_2528 = tpu.memref_slice %arg4[%add3A_2522, %dma_start3A_2527] : memref<100000x128xf32, #tpu.memory_space<hbm>> -> memref<32x128xf32, #tpu.memory_space<hbm>>
      %dma_start3A_2529 = arith.constant 0 : i32
      %dma_start3A_2530 = arith.constant 0 : i32
      %dma_start3A_2531 = tpu.memref_slice %arg9[%dma_start3A_2529, %dma_start3A_2530] : memref<128x128xf32, #tpu.memory_space<vmem>> -> memref<32x128xf32, #tpu.memory_space<vmem>>
      tpu.enqueue_dma source(%dma_start3A_2531 : memref<32x128xf32, #tpu.memory_space<vmem>>) target(%dma_start3A_2528 : memref<32x128xf32, #tpu.memory_space<hbm>>) target_semaphore(%arg23 : memref<!tpu.dma_semaphore, #tpu.memory_space<semaphore_mem>>)
    } else {
    }
    %add3A_2296 = arith.constant 3072 : i32
    %add3A_2297 = arith.addi %mul3A_2, %add3A_2296 : i32
    %add3A_2298 = arith.constant 128 : i32
    %add3A_2299 = arith.addi %add3A_2297, %add3A_2298 : i32
    %le3A_2300 = arith.constant 100000 : i32
    %le3A_2301 = arith.cmpi sle, %add3A_2299, %le3A_2300 : i32
    %convert_element_type3A_2302 = arith.extui %le3A_2301 : i1 to i32
    %cond3A_2303 = arith.constant 0 : i32
    %cond3A_2304 = arith.cmpi ne, %convert_element_type3A_2302, %cond3A_2303 : i32
    scf.if %cond3A_2304 {
      %dma_wait3A = arith.constant 3072 : i32
      %dma_wait3A_2521 = tpu.memref_slice %arg5[%dma_wait3A] : memref<3200xi32, #tpu.memory_space<vmem>> -> memref<128xi32, #tpu.memory_space<vmem>>
      %dma_wait3A_2522 = arith.constant 0 : i32
      %dma_wait3A_2523 = arith.constant 0 : i32
      %dma_wait3A_2524 = tpu.memref_slice %arg6[%dma_wait3A_2522, %dma_wait3A_2523] : memref<28x128xf32, #tpu.memory_space<vmem_shared>> -> memref<28x128xf32, #tpu.memory_space<vmem_shared>>
      tpu.wait_indirect_dma semaphore(%arg17 : memref<!tpu.dma_semaphore, #tpu.memory_space<semaphore_mem>>) src(%dma_wait3A_2524 : memref<28x128xf32, #tpu.memory_space<vmem_shared>>) dst(%arg10 : memref<128x128xf32, #tpu.memory_space<vmem>>)
    } else {
    }
    %add3A_2305 = arith.constant 3072 : i32
    %add3A_2306 = arith.addi %mul3A_2, %add3A_2305 : i32
    %lt3A_2307 = arith.constant 100000 : i32
    %lt3A_2308 = arith.cmpi slt, %add3A_2306, %lt3A_2307 : i32
    %add3A_2309 = arith.constant 3072 : i32
    %add3A_2310 = arith.addi %mul3A_2, %add3A_2309 : i32
    %add3A_2311 = arith.constant 128 : i32
    %add3A_2312 = arith.addi %add3A_2310, %add3A_2311 : i32
    %le3A_2313 = arith.constant 100000 : i32
    %le3A_2314 = arith.cmpi sle, %add3A_2312, %le3A_2313 : i32
    %not3A_2315 = arith.constant true
    %not3A_2316 = arith.xori %le3A_2314, %not3A_2315 : i1
    %and3A_2317 = arith.andi %lt3A_2308, %not3A_2316 : i1
    %convert_element_type3A_2318 = arith.extui %and3A_2317 : i1 to i32
    %cond3A_2319 = arith.constant 0 : i32
    %cond3A_2320 = arith.cmpi ne, %convert_element_type3A_2318, %cond3A_2319 : i32
    scf.if %cond3A_2320 {
      %dma_wait3A = arith.constant 0 : i32
      %dma_wait3A_2521 = arith.constant 0 : i32
      %dma_wait3A_2522 = tpu.memref_slice %arg10[%dma_wait3A, %dma_wait3A_2521] : memref<128x128xf32, #tpu.memory_space<vmem>> -> memref<32x128xf32, #tpu.memory_space<vmem>>
      %dma_wait3A_2523 = arith.constant 3072 : i32
      %dma_wait3A_2524 = tpu.memref_slice %arg5[%dma_wait3A_2523] : memref<3200xi32, #tpu.memory_space<vmem>> -> memref<32xi32, #tpu.memory_space<vmem>>
      %dma_wait3A_2525 = arith.constant 0 : i32
      %dma_wait3A_2526 = arith.constant 0 : i32
      %dma_wait3A_2527 = tpu.memref_slice %arg6[%dma_wait3A_2525, %dma_wait3A_2526] : memref<28x128xf32, #tpu.memory_space<vmem_shared>> -> memref<28x128xf32, #tpu.memory_space<vmem_shared>>
      tpu.wait_indirect_dma semaphore(%arg17 : memref<!tpu.dma_semaphore, #tpu.memory_space<semaphore_mem>>) src(%dma_wait3A_2527 : memref<28x128xf32, #tpu.memory_space<vmem_shared>>) dst(%dma_wait3A_2522 : memref<32x128xf32, #tpu.memory_space<vmem>>)
    } else {
    }
    %add3A_2321 = arith.constant 3072 : i32
    %add3A_2322 = arith.addi %mul3A_2, %add3A_2321 : i32
    %add3A_2323 = arith.constant 128 : i32
    %add3A_2324 = arith.addi %add3A_2322, %add3A_2323 : i32
    %le3A_2325 = arith.constant 100000 : i32
    %le3A_2326 = arith.cmpi sle, %add3A_2324, %le3A_2325 : i32
    %convert_element_type3A_2327 = arith.extui %le3A_2326 : i1 to i32
    %cond3A_2328 = arith.constant 0 : i32
    %cond3A_2329 = arith.cmpi ne, %convert_element_type3A_2327, %cond3A_2328 : i32
    scf.if %cond3A_2329 {
      %add3A_2521 = arith.constant 3072 : i32
      %add3A_2522 = arith.addi %mul3A_2, %add3A_2521 : i32
      %dma_start3A = arith.constant 0 : i32
      %dma_start3A_2523 = tpu.memref_slice %arg4[%add3A_2522, %dma_start3A] : memref<100000x128xf32, #tpu.memory_space<hbm>> -> memref<128x128xf32, #tpu.memory_space<hbm>>
      %dma_start3A_2524 = arith.constant 0 : i32
      %dma_start3A_2525 = tpu.memref_slice %arg4[%add3A_2522, %dma_start3A_2524] : memref<100000x128xf32, #tpu.memory_space<hbm>> -> memref<128x128xf32, #tpu.memory_space<hbm>>
      tpu.enqueue_dma source(%arg10 : memref<128x128xf32, #tpu.memory_space<vmem>>) target(%dma_start3A_2525 : memref<128x128xf32, #tpu.memory_space<hbm>>) target_semaphore(%arg24 : memref<!tpu.dma_semaphore, #tpu.memory_space<semaphore_mem>>)
    } else {
    }
    %add3A_2330 = arith.constant 3072 : i32
    %add3A_2331 = arith.addi %mul3A_2, %add3A_2330 : i32
    %lt3A_2332 = arith.constant 100000 : i32
    %lt3A_2333 = arith.cmpi slt, %add3A_2331, %lt3A_2332 : i32
    %add3A_2334 = arith.constant 3072 : i32
    %add3A_2335 = arith.addi %mul3A_2, %add3A_2334 : i32
    %add3A_2336 = arith.constant 128 : i32
    %add3A_2337 = arith.addi %add3A_2335, %add3A_2336 : i32
    %le3A_2338 = arith.constant 100000 : i32
    %le3A_2339 = arith.cmpi sle, %add3A_2337, %le3A_2338 : i32
    %not3A_2340 = arith.constant true
    %not3A_2341 = arith.xori %le3A_2339, %not3A_2340 : i1
    %and3A_2342 = arith.andi %lt3A_2333, %not3A_2341 : i1
    %convert_element_type3A_2343 = arith.extui %and3A_2342 : i1 to i32
    %cond3A_2344 = arith.constant 0 : i32
    %cond3A_2345 = arith.cmpi ne, %convert_element_type3A_2343, %cond3A_2344 : i32
    scf.if %cond3A_2345 {
      %add3A_2521 = arith.constant 3072 : i32
      %add3A_2522 = arith.addi %mul3A_2, %add3A_2521 : i32
      %dma_start3A = arith.constant 0 : i32
      %dma_start3A_2523 = arith.constant 0 : i32
      %dma_start3A_2524 = tpu.memref_slice %arg10[%dma_start3A, %dma_start3A_2523] : memref<128x128xf32, #tpu.memory_space<vmem>> -> memref<32x128xf32, #tpu.memory_space<vmem>>
      %dma_start3A_2525 = arith.constant 0 : i32
      %dma_start3A_2526 = tpu.memref_slice %arg4[%add3A_2522, %dma_start3A_2525] : memref<100000x128xf32, #tpu.memory_space<hbm>> -> memref<32x128xf32, #tpu.memory_space<hbm>>
      %dma_start3A_2527 = arith.constant 0 : i32
      %dma_start3A_2528 = tpu.memref_slice %arg4[%add3A_2522, %dma_start3A_2527] : memref<100000x128xf32, #tpu.memory_space<hbm>> -> memref<32x128xf32, #tpu.memory_space<hbm>>
      %dma_start3A_2529 = arith.constant 0 : i32
      %dma_start3A_2530 = arith.constant 0 : i32
      %dma_start3A_2531 = tpu.memref_slice %arg10[%dma_start3A_2529, %dma_start3A_2530] : memref<128x128xf32, #tpu.memory_space<vmem>> -> memref<32x128xf32, #tpu.memory_space<vmem>>
      tpu.enqueue_dma source(%dma_start3A_2531 : memref<32x128xf32, #tpu.memory_space<vmem>>) target(%dma_start3A_2528 : memref<32x128xf32, #tpu.memory_space<hbm>>) target_semaphore(%arg24 : memref<!tpu.dma_semaphore, #tpu.memory_space<semaphore_mem>>)
    } else {
    }
    %add3A_2346 = arith.constant 2304 : i32
    %add3A_2347 = arith.addi %mul3A_2, %add3A_2346 : i32
    %add3A_2348 = arith.constant 128 : i32
    %add3A_2349 = arith.addi %add3A_2347, %add3A_2348 : i32
    %le3A_2350 = arith.constant 100000 : i32
    %le3A_2351 = arith.cmpi sle, %add3A_2349, %le3A_2350 : i32
    %convert_element_type3A_2352 = arith.extui %le3A_2351 : i1 to i32
    %cond3A_2353 = arith.constant 0 : i32
    %cond3A_2354 = arith.cmpi ne, %convert_element_type3A_2352, %cond3A_2353 : i32
    scf.if %cond3A_2354 {
      %add3A_2521 = arith.constant 2304 : i32
      %add3A_2522 = arith.addi %mul3A_2, %add3A_2521 : i32
      %dma_wait3A = arith.constant 0 : i32
      %dma_wait3A_2523 = tpu.memref_slice %arg4[%add3A_2522, %dma_wait3A] : memref<100000x128xf32, #tpu.memory_space<hbm>> -> memref<128x128xf32, #tpu.memory_space<hbm>>
      %dma_wait3A_2524 = arith.constant 0 : i32
      %dma_wait3A_2525 = tpu.memref_slice %arg4[%add3A_2522, %dma_wait3A_2524] : memref<100000x128xf32, #tpu.memory_space<hbm>> -> memref<128x128xf32, #tpu.memory_space<hbm>>
      tpu.wait_dma2 semaphore(%arg25 : memref<!tpu.dma_semaphore, #tpu.memory_space<semaphore_mem>>) src(%arg11 : memref<128x128xf32, #tpu.memory_space<vmem>>) dst(%dma_wait3A_2525 : memref<128x128xf32, #tpu.memory_space<hbm>>)
    } else {
    }
    %add3A_2355 = arith.constant 2304 : i32
    %add3A_2356 = arith.addi %mul3A_2, %add3A_2355 : i32
    %lt3A_2357 = arith.constant 100000 : i32
    %lt3A_2358 = arith.cmpi slt, %add3A_2356, %lt3A_2357 : i32
    %add3A_2359 = arith.constant 2304 : i32
    %add3A_2360 = arith.addi %mul3A_2, %add3A_2359 : i32
    %add3A_2361 = arith.constant 128 : i32
    %add3A_2362 = arith.addi %add3A_2360, %add3A_2361 : i32
    %le3A_2363 = arith.constant 100000 : i32
    %le3A_2364 = arith.cmpi sle, %add3A_2362, %le3A_2363 : i32
    %not3A_2365 = arith.constant true
    %not3A_2366 = arith.xori %le3A_2364, %not3A_2365 : i1
    %and3A_2367 = arith.andi %lt3A_2358, %not3A_2366 : i1
    %convert_element_type3A_2368 = arith.extui %and3A_2367 : i1 to i32
    %cond3A_2369 = arith.constant 0 : i32
    %cond3A_2370 = arith.cmpi ne, %convert_element_type3A_2368, %cond3A_2369 : i32
    scf.if %cond3A_2370 {
      %add3A_2521 = arith.constant 2304 : i32
      %add3A_2522 = arith.addi %mul3A_2, %add3A_2521 : i32
      %dma_wait3A = arith.constant 0 : i32
      %dma_wait3A_2523 = arith.constant 0 : i32
      %dma_wait3A_2524 = tpu.memref_slice %arg11[%dma_wait3A, %dma_wait3A_2523] : memref<128x128xf32, #tpu.memory_space<vmem>> -> memref<32x128xf32, #tpu.memory_space<vmem>>
      %dma_wait3A_2525 = arith.constant 0 : i32
      %dma_wait3A_2526 = tpu.memref_slice %arg4[%add3A_2522, %dma_wait3A_2525] : memref<100000x128xf32, #tpu.memory_space<hbm>> -> memref<32x128xf32, #tpu.memory_space<hbm>>
      %dma_wait3A_2527 = arith.constant 0 : i32
      %dma_wait3A_2528 = tpu.memref_slice %arg4[%add3A_2522, %dma_wait3A_2527] : memref<100000x128xf32, #tpu.memory_space<hbm>> -> memref<32x128xf32, #tpu.memory_space<hbm>>
      %dma_wait3A_2529 = arith.constant 0 : i32
      %dma_wait3A_2530 = arith.constant 0 : i32
      %dma_wait3A_2531 = tpu.memref_slice %arg11[%dma_wait3A_2529, %dma_wait3A_2530] : memref<128x128xf32, #tpu.memory_space<vmem>> -> memref<32x128xf32, #tpu.memory_space<vmem>>
      tpu.wait_dma2 semaphore(%arg25 : memref<!tpu.dma_semaphore, #tpu.memory_space<semaphore_mem>>) src(%dma_wait3A_2531 : memref<32x128xf32, #tpu.memory_space<vmem>>) dst(%dma_wait3A_2528 : memref<32x128xf32, #tpu.memory_space<hbm>>)
    } else {
    }
    %add3A_2371 = arith.constant 2432 : i32
    %add3A_2372 = arith.addi %mul3A_2, %add3A_2371 : i32
    %add3A_2373 = arith.constant 128 : i32
    %add3A_2374 = arith.addi %add3A_2372, %add3A_2373 : i32
    %le3A_2375 = arith.constant 100000 : i32
    %le3A_2376 = arith.cmpi sle, %add3A_2374, %le3A_2375 : i32
    %convert_element_type3A_2377 = arith.extui %le3A_2376 : i1 to i32
    %cond3A_2378 = arith.constant 0 : i32
    %cond3A_2379 = arith.cmpi ne, %convert_element_type3A_2377, %cond3A_2378 : i32
    scf.if %cond3A_2379 {
      %add3A_2521 = arith.constant 2432 : i32
      %add3A_2522 = arith.addi %mul3A_2, %add3A_2521 : i32
      %dma_wait3A = arith.constant 0 : i32
      %dma_wait3A_2523 = tpu.memref_slice %arg4[%add3A_2522, %dma_wait3A] : memref<100000x128xf32, #tpu.memory_space<hbm>> -> memref<128x128xf32, #tpu.memory_space<hbm>>
      %dma_wait3A_2524 = arith.constant 0 : i32
      %dma_wait3A_2525 = tpu.memref_slice %arg4[%add3A_2522, %dma_wait3A_2524] : memref<100000x128xf32, #tpu.memory_space<hbm>> -> memref<128x128xf32, #tpu.memory_space<hbm>>
      tpu.wait_dma2 semaphore(%arg26 : memref<!tpu.dma_semaphore, #tpu.memory_space<semaphore_mem>>) src(%arg12 : memref<128x128xf32, #tpu.memory_space<vmem>>) dst(%dma_wait3A_2525 : memref<128x128xf32, #tpu.memory_space<hbm>>)
    } else {
    }
    %add3A_2380 = arith.constant 2432 : i32
    %add3A_2381 = arith.addi %mul3A_2, %add3A_2380 : i32
    %lt3A_2382 = arith.constant 100000 : i32
    %lt3A_2383 = arith.cmpi slt, %add3A_2381, %lt3A_2382 : i32
    %add3A_2384 = arith.constant 2432 : i32
    %add3A_2385 = arith.addi %mul3A_2, %add3A_2384 : i32
    %add3A_2386 = arith.constant 128 : i32
    %add3A_2387 = arith.addi %add3A_2385, %add3A_2386 : i32
    %le3A_2388 = arith.constant 100000 : i32
    %le3A_2389 = arith.cmpi sle, %add3A_2387, %le3A_2388 : i32
    %not3A_2390 = arith.constant true
    %not3A_2391 = arith.xori %le3A_2389, %not3A_2390 : i1
    %and3A_2392 = arith.andi %lt3A_2383, %not3A_2391 : i1
    %convert_element_type3A_2393 = arith.extui %and3A_2392 : i1 to i32
    %cond3A_2394 = arith.constant 0 : i32
    %cond3A_2395 = arith.cmpi ne, %convert_element_type3A_2393, %cond3A_2394 : i32
    scf.if %cond3A_2395 {
      %add3A_2521 = arith.constant 2432 : i32
      %add3A_2522 = arith.addi %mul3A_2, %add3A_2521 : i32
      %dma_wait3A = arith.constant 0 : i32
      %dma_wait3A_2523 = arith.constant 0 : i32
      %dma_wait3A_2524 = tpu.memref_slice %arg12[%dma_wait3A, %dma_wait3A_2523] : memref<128x128xf32, #tpu.memory_space<vmem>> -> memref<32x128xf32, #tpu.memory_space<vmem>>
      %dma_wait3A_2525 = arith.constant 0 : i32
      %dma_wait3A_2526 = tpu.memref_slice %arg4[%add3A_2522, %dma_wait3A_2525] : memref<100000x128xf32, #tpu.memory_space<hbm>> -> memref<32x128xf32, #tpu.memory_space<hbm>>
      %dma_wait3A_2527 = arith.constant 0 : i32
      %dma_wait3A_2528 = tpu.memref_slice %arg4[%add3A_2522, %dma_wait3A_2527] : memref<100000x128xf32, #tpu.memory_space<hbm>> -> memref<32x128xf32, #tpu.memory_space<hbm>>
      %dma_wait3A_2529 = arith.constant 0 : i32
      %dma_wait3A_2530 = arith.constant 0 : i32
      %dma_wait3A_2531 = tpu.memref_slice %arg12[%dma_wait3A_2529, %dma_wait3A_2530] : memref<128x128xf32, #tpu.memory_space<vmem>> -> memref<32x128xf32, #tpu.memory_space<vmem>>
      tpu.wait_dma2 semaphore(%arg26 : memref<!tpu.dma_semaphore, #tpu.memory_space<semaphore_mem>>) src(%dma_wait3A_2531 : memref<32x128xf32, #tpu.memory_space<vmem>>) dst(%dma_wait3A_2528 : memref<32x128xf32, #tpu.memory_space<hbm>>)
    } else {
    }
    %add3A_2396 = arith.constant 2560 : i32
    %add3A_2397 = arith.addi %mul3A_2, %add3A_2396 : i32
    %add3A_2398 = arith.constant 128 : i32
    %add3A_2399 = arith.addi %add3A_2397, %add3A_2398 : i32
    %le3A_2400 = arith.constant 100000 : i32
    %le3A_2401 = arith.cmpi sle, %add3A_2399, %le3A_2400 : i32
    %convert_element_type3A_2402 = arith.extui %le3A_2401 : i1 to i32
    %cond3A_2403 = arith.constant 0 : i32
    %cond3A_2404 = arith.cmpi ne, %convert_element_type3A_2402, %cond3A_2403 : i32
    scf.if %cond3A_2404 {
      %add3A_2521 = arith.constant 2560 : i32
      %add3A_2522 = arith.addi %mul3A_2, %add3A_2521 : i32
      %dma_wait3A = arith.constant 0 : i32
      %dma_wait3A_2523 = tpu.memref_slice %arg4[%add3A_2522, %dma_wait3A] : memref<100000x128xf32, #tpu.memory_space<hbm>> -> memref<128x128xf32, #tpu.memory_space<hbm>>
      %dma_wait3A_2524 = arith.constant 0 : i32
      %dma_wait3A_2525 = tpu.memref_slice %arg4[%add3A_2522, %dma_wait3A_2524] : memref<100000x128xf32, #tpu.memory_space<hbm>> -> memref<128x128xf32, #tpu.memory_space<hbm>>
      tpu.wait_dma2 semaphore(%arg27 : memref<!tpu.dma_semaphore, #tpu.memory_space<semaphore_mem>>) src(%arg13 : memref<128x128xf32, #tpu.memory_space<vmem>>) dst(%dma_wait3A_2525 : memref<128x128xf32, #tpu.memory_space<hbm>>)
    } else {
    }
    %add3A_2405 = arith.constant 2560 : i32
    %add3A_2406 = arith.addi %mul3A_2, %add3A_2405 : i32
    %lt3A_2407 = arith.constant 100000 : i32
    %lt3A_2408 = arith.cmpi slt, %add3A_2406, %lt3A_2407 : i32
    %add3A_2409 = arith.constant 2560 : i32
    %add3A_2410 = arith.addi %mul3A_2, %add3A_2409 : i32
    %add3A_2411 = arith.constant 128 : i32
    %add3A_2412 = arith.addi %add3A_2410, %add3A_2411 : i32
    %le3A_2413 = arith.constant 100000 : i32
    %le3A_2414 = arith.cmpi sle, %add3A_2412, %le3A_2413 : i32
    %not3A_2415 = arith.constant true
    %not3A_2416 = arith.xori %le3A_2414, %not3A_2415 : i1
    %and3A_2417 = arith.andi %lt3A_2408, %not3A_2416 : i1
    %convert_element_type3A_2418 = arith.extui %and3A_2417 : i1 to i32
    %cond3A_2419 = arith.constant 0 : i32
    %cond3A_2420 = arith.cmpi ne, %convert_element_type3A_2418, %cond3A_2419 : i32
    scf.if %cond3A_2420 {
      %add3A_2521 = arith.constant 2560 : i32
      %add3A_2522 = arith.addi %mul3A_2, %add3A_2521 : i32
      %dma_wait3A = arith.constant 0 : i32
      %dma_wait3A_2523 = arith.constant 0 : i32
      %dma_wait3A_2524 = tpu.memref_slice %arg13[%dma_wait3A, %dma_wait3A_2523] : memref<128x128xf32, #tpu.memory_space<vmem>> -> memref<32x128xf32, #tpu.memory_space<vmem>>
      %dma_wait3A_2525 = arith.constant 0 : i32
      %dma_wait3A_2526 = tpu.memref_slice %arg4[%add3A_2522, %dma_wait3A_2525] : memref<100000x128xf32, #tpu.memory_space<hbm>> -> memref<32x128xf32, #tpu.memory_space<hbm>>
      %dma_wait3A_2527 = arith.constant 0 : i32
      %dma_wait3A_2528 = tpu.memref_slice %arg4[%add3A_2522, %dma_wait3A_2527] : memref<100000x128xf32, #tpu.memory_space<hbm>> -> memref<32x128xf32, #tpu.memory_space<hbm>>
      %dma_wait3A_2529 = arith.constant 0 : i32
      %dma_wait3A_2530 = arith.constant 0 : i32
      %dma_wait3A_2531 = tpu.memref_slice %arg13[%dma_wait3A_2529, %dma_wait3A_2530] : memref<128x128xf32, #tpu.memory_space<vmem>> -> memref<32x128xf32, #tpu.memory_space<vmem>>
      tpu.wait_dma2 semaphore(%arg27 : memref<!tpu.dma_semaphore, #tpu.memory_space<semaphore_mem>>) src(%dma_wait3A_2531 : memref<32x128xf32, #tpu.memory_space<vmem>>) dst(%dma_wait3A_2528 : memref<32x128xf32, #tpu.memory_space<hbm>>)
    } else {
    }
    %add3A_2421 = arith.constant 2688 : i32
    %add3A_2422 = arith.addi %mul3A_2, %add3A_2421 : i32
    %add3A_2423 = arith.constant 128 : i32
    %add3A_2424 = arith.addi %add3A_2422, %add3A_2423 : i32
    %le3A_2425 = arith.constant 100000 : i32
    %le3A_2426 = arith.cmpi sle, %add3A_2424, %le3A_2425 : i32
    %convert_element_type3A_2427 = arith.extui %le3A_2426 : i1 to i32
    %cond3A_2428 = arith.constant 0 : i32
    %cond3A_2429 = arith.cmpi ne, %convert_element_type3A_2427, %cond3A_2428 : i32
    scf.if %cond3A_2429 {
      %add3A_2521 = arith.constant 2688 : i32
      %add3A_2522 = arith.addi %mul3A_2, %add3A_2521 : i32
      %dma_wait3A = arith.constant 0 : i32
      %dma_wait3A_2523 = tpu.memref_slice %arg4[%add3A_2522, %dma_wait3A] : memref<100000x128xf32, #tpu.memory_space<hbm>> -> memref<128x128xf32, #tpu.memory_space<hbm>>
      %dma_wait3A_2524 = arith.constant 0 : i32
      %dma_wait3A_2525 = tpu.memref_slice %arg4[%add3A_2522, %dma_wait3A_2524] : memref<100000x128xf32, #tpu.memory_space<hbm>> -> memref<128x128xf32, #tpu.memory_space<hbm>>
      tpu.wait_dma2 semaphore(%arg21 : memref<!tpu.dma_semaphore, #tpu.memory_space<semaphore_mem>>) src(%arg7 : memref<128x128xf32, #tpu.memory_space<vmem>>) dst(%dma_wait3A_2525 : memref<128x128xf32, #tpu.memory_space<hbm>>)
    } else {
    }
    %add3A_2430 = arith.constant 2688 : i32
    %add3A_2431 = arith.addi %mul3A_2, %add3A_2430 : i32
    %lt3A_2432 = arith.constant 100000 : i32
    %lt3A_2433 = arith.cmpi slt, %add3A_2431, %lt3A_2432 : i32
    %add3A_2434 = arith.constant 2688 : i32
    %add3A_2435 = arith.addi %mul3A_2, %add3A_2434 : i32
    %add3A_2436 = arith.constant 128 : i32
    %add3A_2437 = arith.addi %add3A_2435, %add3A_2436 : i32
    %le3A_2438 = arith.constant 100000 : i32
    %le3A_2439 = arith.cmpi sle, %add3A_2437, %le3A_2438 : i32
    %not3A_2440 = arith.constant true
    %not3A_2441 = arith.xori %le3A_2439, %not3A_2440 : i1
    %and3A_2442 = arith.andi %lt3A_2433, %not3A_2441 : i1
    %convert_element_type3A_2443 = arith.extui %and3A_2442 : i1 to i32
    %cond3A_2444 = arith.constant 0 : i32
    %cond3A_2445 = arith.cmpi ne, %convert_element_type3A_2443, %cond3A_2444 : i32
    scf.if %cond3A_2445 {
      %add3A_2521 = arith.constant 2688 : i32
      %add3A_2522 = arith.addi %mul3A_2, %add3A_2521 : i32
      %dma_wait3A = arith.constant 0 : i32
      %dma_wait3A_2523 = arith.constant 0 : i32
      %dma_wait3A_2524 = tpu.memref_slice %arg7[%dma_wait3A, %dma_wait3A_2523] : memref<128x128xf32, #tpu.memory_space<vmem>> -> memref<32x128xf32, #tpu.memory_space<vmem>>
      %dma_wait3A_2525 = arith.constant 0 : i32
      %dma_wait3A_2526 = tpu.memref_slice %arg4[%add3A_2522, %dma_wait3A_2525] : memref<100000x128xf32, #tpu.memory_space<hbm>> -> memref<32x128xf32, #tpu.memory_space<hbm>>
      %dma_wait3A_2527 = arith.constant 0 : i32
      %dma_wait3A_2528 = tpu.memref_slice %arg4[%add3A_2522, %dma_wait3A_2527] : memref<100000x128xf32, #tpu.memory_space<hbm>> -> memref<32x128xf32, #tpu.memory_space<hbm>>
      %dma_wait3A_2529 = arith.constant 0 : i32
      %dma_wait3A_2530 = arith.constant 0 : i32
      %dma_wait3A_2531 = tpu.memref_slice %arg7[%dma_wait3A_2529, %dma_wait3A_2530] : memref<128x128xf32, #tpu.memory_space<vmem>> -> memref<32x128xf32, #tpu.memory_space<vmem>>
      tpu.wait_dma2 semaphore(%arg21 : memref<!tpu.dma_semaphore, #tpu.memory_space<semaphore_mem>>) src(%dma_wait3A_2531 : memref<32x128xf32, #tpu.memory_space<vmem>>) dst(%dma_wait3A_2528 : memref<32x128xf32, #tpu.memory_space<hbm>>)
    } else {
    }
    %add3A_2446 = arith.constant 2816 : i32
    %add3A_2447 = arith.addi %mul3A_2, %add3A_2446 : i32
    %add3A_2448 = arith.constant 128 : i32
    %add3A_2449 = arith.addi %add3A_2447, %add3A_2448 : i32
    %le3A_2450 = arith.constant 100000 : i32
    %le3A_2451 = arith.cmpi sle, %add3A_2449, %le3A_2450 : i32
    %convert_element_type3A_2452 = arith.extui %le3A_2451 : i1 to i32
    %cond3A_2453 = arith.constant 0 : i32
    %cond3A_2454 = arith.cmpi ne, %convert_element_type3A_2452, %cond3A_2453 : i32
    scf.if %cond3A_2454 {
      %add3A_2521 = arith.constant 2816 : i32
      %add3A_2522 = arith.addi %mul3A_2, %add3A_2521 : i32
      %dma_wait3A = arith.constant 0 : i32
      %dma_wait3A_2523 = tpu.memref_slice %arg4[%add3A_2522, %dma_wait3A] : memref<100000x128xf32, #tpu.memory_space<hbm>> -> memref<128x128xf32, #tpu.memory_space<hbm>>
      %dma_wait3A_2524 = arith.constant 0 : i32
      %dma_wait3A_2525 = tpu.memref_slice %arg4[%add3A_2522, %dma_wait3A_2524] : memref<100000x128xf32, #tpu.memory_space<hbm>> -> memref<128x128xf32, #tpu.memory_space<hbm>>
      tpu.wait_dma2 semaphore(%arg22 : memref<!tpu.dma_semaphore, #tpu.memory_space<semaphore_mem>>) src(%arg8 : memref<128x128xf32, #tpu.memory_space<vmem>>) dst(%dma_wait3A_2525 : memref<128x128xf32, #tpu.memory_space<hbm>>)
    } else {
    }
    %add3A_2455 = arith.constant 2816 : i32
    %add3A_2456 = arith.addi %mul3A_2, %add3A_2455 : i32
    %lt3A_2457 = arith.constant 100000 : i32
    %lt3A_2458 = arith.cmpi slt, %add3A_2456, %lt3A_2457 : i32
    %add3A_2459 = arith.constant 2816 : i32
    %add3A_2460 = arith.addi %mul3A_2, %add3A_2459 : i32
    %add3A_2461 = arith.constant 128 : i32
    %add3A_2462 = arith.addi %add3A_2460, %add3A_2461 : i32
    %le3A_2463 = arith.constant 100000 : i32
    %le3A_2464 = arith.cmpi sle, %add3A_2462, %le3A_2463 : i32
    %not3A_2465 = arith.constant true
    %not3A_2466 = arith.xori %le3A_2464, %not3A_2465 : i1
    %and3A_2467 = arith.andi %lt3A_2458, %not3A_2466 : i1
    %convert_element_type3A_2468 = arith.extui %and3A_2467 : i1 to i32
    %cond3A_2469 = arith.constant 0 : i32
    %cond3A_2470 = arith.cmpi ne, %convert_element_type3A_2468, %cond3A_2469 : i32
    scf.if %cond3A_2470 {
      %add3A_2521 = arith.constant 2816 : i32
      %add3A_2522 = arith.addi %mul3A_2, %add3A_2521 : i32
      %dma_wait3A = arith.constant 0 : i32
      %dma_wait3A_2523 = arith.constant 0 : i32
      %dma_wait3A_2524 = tpu.memref_slice %arg8[%dma_wait3A, %dma_wait3A_2523] : memref<128x128xf32, #tpu.memory_space<vmem>> -> memref<32x128xf32, #tpu.memory_space<vmem>>
      %dma_wait3A_2525 = arith.constant 0 : i32
      %dma_wait3A_2526 = tpu.memref_slice %arg4[%add3A_2522, %dma_wait3A_2525] : memref<100000x128xf32, #tpu.memory_space<hbm>> -> memref<32x128xf32, #tpu.memory_space<hbm>>
      %dma_wait3A_2527 = arith.constant 0 : i32
      %dma_wait3A_2528 = tpu.memref_slice %arg4[%add3A_2522, %dma_wait3A_2527] : memref<100000x128xf32, #tpu.memory_space<hbm>> -> memref<32x128xf32, #tpu.memory_space<hbm>>
      %dma_wait3A_2529 = arith.constant 0 : i32
      %dma_wait3A_2530 = arith.constant 0 : i32
      %dma_wait3A_2531 = tpu.memref_slice %arg8[%dma_wait3A_2529, %dma_wait3A_2530] : memref<128x128xf32, #tpu.memory_space<vmem>> -> memref<32x128xf32, #tpu.memory_space<vmem>>
      tpu.wait_dma2 semaphore(%arg22 : memref<!tpu.dma_semaphore, #tpu.memory_space<semaphore_mem>>) src(%dma_wait3A_2531 : memref<32x128xf32, #tpu.memory_space<vmem>>) dst(%dma_wait3A_2528 : memref<32x128xf32, #tpu.memory_space<hbm>>)
    } else {
    }
    %add3A_2471 = arith.constant 2944 : i32
    %add3A_2472 = arith.addi %mul3A_2, %add3A_2471 : i32
    %add3A_2473 = arith.constant 128 : i32
    %add3A_2474 = arith.addi %add3A_2472, %add3A_2473 : i32
    %le3A_2475 = arith.constant 100000 : i32
    %le3A_2476 = arith.cmpi sle, %add3A_2474, %le3A_2475 : i32
    %convert_element_type3A_2477 = arith.extui %le3A_2476 : i1 to i32
    %cond3A_2478 = arith.constant 0 : i32
    %cond3A_2479 = arith.cmpi ne, %convert_element_type3A_2477, %cond3A_2478 : i32
    scf.if %cond3A_2479 {
      %add3A_2521 = arith.constant 2944 : i32
      %add3A_2522 = arith.addi %mul3A_2, %add3A_2521 : i32
      %dma_wait3A = arith.constant 0 : i32
      %dma_wait3A_2523 = tpu.memref_slice %arg4[%add3A_2522, %dma_wait3A] : memref<100000x128xf32, #tpu.memory_space<hbm>> -> memref<128x128xf32, #tpu.memory_space<hbm>>
      %dma_wait3A_2524 = arith.constant 0 : i32
      %dma_wait3A_2525 = tpu.memref_slice %arg4[%add3A_2522, %dma_wait3A_2524] : memref<100000x128xf32, #tpu.memory_space<hbm>> -> memref<128x128xf32, #tpu.memory_space<hbm>>
      tpu.wait_dma2 semaphore(%arg23 : memref<!tpu.dma_semaphore, #tpu.memory_space<semaphore_mem>>) src(%arg9 : memref<128x128xf32, #tpu.memory_space<vmem>>) dst(%dma_wait3A_2525 : memref<128x128xf32, #tpu.memory_space<hbm>>)
    } else {
    }
    %add3A_2480 = arith.constant 2944 : i32
    %add3A_2481 = arith.addi %mul3A_2, %add3A_2480 : i32
    %lt3A_2482 = arith.constant 100000 : i32
    %lt3A_2483 = arith.cmpi slt, %add3A_2481, %lt3A_2482 : i32
    %add3A_2484 = arith.constant 2944 : i32
    %add3A_2485 = arith.addi %mul3A_2, %add3A_2484 : i32
    %add3A_2486 = arith.constant 128 : i32
    %add3A_2487 = arith.addi %add3A_2485, %add3A_2486 : i32
    %le3A_2488 = arith.constant 100000 : i32
    %le3A_2489 = arith.cmpi sle, %add3A_2487, %le3A_2488 : i32
    %not3A_2490 = arith.constant true
    %not3A_2491 = arith.xori %le3A_2489, %not3A_2490 : i1
    %and3A_2492 = arith.andi %lt3A_2483, %not3A_2491 : i1
    %convert_element_type3A_2493 = arith.extui %and3A_2492 : i1 to i32
    %cond3A_2494 = arith.constant 0 : i32
    %cond3A_2495 = arith.cmpi ne, %convert_element_type3A_2493, %cond3A_2494 : i32
    scf.if %cond3A_2495 {
      %add3A_2521 = arith.constant 2944 : i32
      %add3A_2522 = arith.addi %mul3A_2, %add3A_2521 : i32
      %dma_wait3A = arith.constant 0 : i32
      %dma_wait3A_2523 = arith.constant 0 : i32
      %dma_wait3A_2524 = tpu.memref_slice %arg9[%dma_wait3A, %dma_wait3A_2523] : memref<128x128xf32, #tpu.memory_space<vmem>> -> memref<32x128xf32, #tpu.memory_space<vmem>>
      %dma_wait3A_2525 = arith.constant 0 : i32
      %dma_wait3A_2526 = tpu.memref_slice %arg4[%add3A_2522, %dma_wait3A_2525] : memref<100000x128xf32, #tpu.memory_space<hbm>> -> memref<32x128xf32, #tpu.memory_space<hbm>>
      %dma_wait3A_2527 = arith.constant 0 : i32
      %dma_wait3A_2528 = tpu.memref_slice %arg4[%add3A_2522, %dma_wait3A_2527] : memref<100000x128xf32, #tpu.memory_space<hbm>> -> memref<32x128xf32, #tpu.memory_space<hbm>>
      %dma_wait3A_2529 = arith.constant 0 : i32
      %dma_wait3A_2530 = arith.constant 0 : i32
      %dma_wait3A_2531 = tpu.memref_slice %arg9[%dma_wait3A_2529, %dma_wait3A_2530] : memref<128x128xf32, #tpu.memory_space<vmem>> -> memref<32x128xf32, #tpu.memory_space<vmem>>
      tpu.wait_dma2 semaphore(%arg23 : memref<!tpu.dma_semaphore, #tpu.memory_space<semaphore_mem>>) src(%dma_wait3A_2531 : memref<32x128xf32, #tpu.memory_space<vmem>>) dst(%dma_wait3A_2528 : memref<32x128xf32, #tpu.memory_space<hbm>>)
    } else {
    }
    %add3A_2496 = arith.constant 3072 : i32
    %add3A_2497 = arith.addi %mul3A_2, %add3A_2496 : i32
    %add3A_2498 = arith.constant 128 : i32
    %add3A_2499 = arith.addi %add3A_2497, %add3A_2498 : i32
    %le3A_2500 = arith.constant 100000 : i32
    %le3A_2501 = arith.cmpi sle, %add3A_2499, %le3A_2500 : i32
    %convert_element_type3A_2502 = arith.extui %le3A_2501 : i1 to i32
    %cond3A_2503 = arith.constant 0 : i32
    %cond3A_2504 = arith.cmpi ne, %convert_element_type3A_2502, %cond3A_2503 : i32
    scf.if %cond3A_2504 {
      %add3A_2521 = arith.constant 3072 : i32
      %add3A_2522 = arith.addi %mul3A_2, %add3A_2521 : i32
      %dma_wait3A = arith.constant 0 : i32
      %dma_wait3A_2523 = tpu.memref_slice %arg4[%add3A_2522, %dma_wait3A] : memref<100000x128xf32, #tpu.memory_space<hbm>> -> memref<128x128xf32, #tpu.memory_space<hbm>>
      %dma_wait3A_2524 = arith.constant 0 : i32
      %dma_wait3A_2525 = tpu.memref_slice %arg4[%add3A_2522, %dma_wait3A_2524] : memref<100000x128xf32, #tpu.memory_space<hbm>> -> memref<128x128xf32, #tpu.memory_space<hbm>>
      tpu.wait_dma2 semaphore(%arg24 : memref<!tpu.dma_semaphore, #tpu.memory_space<semaphore_mem>>) src(%arg10 : memref<128x128xf32, #tpu.memory_space<vmem>>) dst(%dma_wait3A_2525 : memref<128x128xf32, #tpu.memory_space<hbm>>)
    } else {
    }
    %add3A_2505 = arith.constant 3072 : i32
    %add3A_2506 = arith.addi %mul3A_2, %add3A_2505 : i32
    %lt3A_2507 = arith.constant 100000 : i32
    %lt3A_2508 = arith.cmpi slt, %add3A_2506, %lt3A_2507 : i32
    %add3A_2509 = arith.constant 3072 : i32
    %add3A_2510 = arith.addi %mul3A_2, %add3A_2509 : i32
    %add3A_2511 = arith.constant 128 : i32
    %add3A_2512 = arith.addi %add3A_2510, %add3A_2511 : i32
    %le3A_2513 = arith.constant 100000 : i32
    %le3A_2514 = arith.cmpi sle, %add3A_2512, %le3A_2513 : i32
    %not3A_2515 = arith.constant true
    %not3A_2516 = arith.xori %le3A_2514, %not3A_2515 : i1
    %and3A_2517 = arith.andi %lt3A_2508, %not3A_2516 : i1
    %convert_element_type3A_2518 = arith.extui %and3A_2517 : i1 to i32
    %cond3A_2519 = arith.constant 0 : i32
    %cond3A_2520 = arith.cmpi ne, %convert_element_type3A_2518, %cond3A_2519 : i32
    scf.if %cond3A_2520 {
      %add3A_2521 = arith.constant 3072 : i32
      %add3A_2522 = arith.addi %mul3A_2, %add3A_2521 : i32
      %dma_wait3A = arith.constant 0 : i32
      %dma_wait3A_2523 = arith.constant 0 : i32
      %dma_wait3A_2524 = tpu.memref_slice %arg10[%dma_wait3A, %dma_wait3A_2523] : memref<128x128xf32, #tpu.memory_space<vmem>> -> memref<32x128xf32, #tpu.memory_space<vmem>>
      %dma_wait3A_2525 = arith.constant 0 : i32
      %dma_wait3A_2526 = tpu.memref_slice %arg4[%add3A_2522, %dma_wait3A_2525] : memref<100000x128xf32, #tpu.memory_space<hbm>> -> memref<32x128xf32, #tpu.memory_space<hbm>>
      %dma_wait3A_2527 = arith.constant 0 : i32
      %dma_wait3A_2528 = tpu.memref_slice %arg4[%add3A_2522, %dma_wait3A_2527] : memref<100000x128xf32, #tpu.memory_space<hbm>> -> memref<32x128xf32, #tpu.memory_space<hbm>>
      %dma_wait3A_2529 = arith.constant 0 : i32
      %dma_wait3A_2530 = arith.constant 0 : i32
      %dma_wait3A_2531 = tpu.memref_slice %arg10[%dma_wait3A_2529, %dma_wait3A_2530] : memref<128x128xf32, #tpu.memory_space<vmem>> -> memref<32x128xf32, #tpu.memory_space<vmem>>
      tpu.wait_dma2 semaphore(%arg24 : memref<!tpu.dma_semaphore, #tpu.memory_space<semaphore_mem>>) src(%dma_wait3A_2531 : memref<32x128xf32, #tpu.memory_space<vmem>>) dst(%dma_wait3A_2528 : memref<32x128xf32, #tpu.memory_space<hbm>>)
    } else {
    }
    return
  }
}

</mosaic_0001>

<sc_bundles>
// kernel: kernel.3.cloned.1.call-start
scs
__scs_entry_jumppad:
0x0: {  	(pc) =	sbr.rel $0x88, $3  }
0x1: {  	(tag) =	ssettag $0x0;
	lr =	simm.s32 $0x1  }
0x2: {  	[smem:$0x3F9F] =	sst lr;
	_ =	strace $0xD0000000  }
0x3: {  	_ = 	snop  }
0x4: {  	_ = 	snop  }
0x5: {  	_ = 	snop  }
0x6: {  	_ = 	snop  }
0x7: {  	_ = 	snop  }
__scs_overlays_trampoline_lowered:
0x8: {  	[smem:$0x3FAE] =	sst s0  }
0x9: {  	[smem:$0x3FAF] =	sst s1  }
0xa: {  	[smem:$0x3FB0] =	sst s2  }
0xb: {  	[smem:$0x3FB1] =	sst s3  }
0xc: {  	[smem:$0x3FB2] =	sst s4  }
0xd: {  	[smem:$0x3FB3] =	sst s5  }
0xe: {  	[smem:$0x3FB4] =	sst s6  }
0xf: {  	[smem:$0x3FB5] =	sst s7  }
0x10: {  	[smem:$0x3FB6] =	sst s8  }
0x11: {  	[smem:$0x3FB7] =	sst s9;
	s0 =	simm.s32 @!p0 $0x0  }
0x12: {  	s1 =	sld [smem:$0x3F9D];
	s0 =	simm.s32 @p0 $0x1  }
0x13: {  	[smem:$0x3FB8] =	sst s0;
	s0 =	simm.s32 @!p1 $0x0  }
0x14: {  	s2 =	sld [smem:$0x3F9C];
	s0 =	simm.s32 @p1 $0x1  }
0x15: {  	[smem:$0x3FB9] =	sst s0;
	s0 =	simm.s32 @!p2 $0x0  }
0x16: {  	s3 =	sld [smem:$0x3FDB];
	s0 =	simm.s32 @p2 $0x1  }
0x17: {  	s4 =	simm.s32 $0x1BF5;
	[smem:$0x3FBB] =	sst s0  }
0x18: {  	s0 =	sld [smem:$0x3F9E];
	_ =	swait.ge [sflag:s4], $0x0  }
0x19: {  	s7 =	sld [smem:$0x3F9F]  }
0x1a: {  	s8 =	sadd.s32 $0xFFFFE003, lr  }
0x1b: {  	s9 =	sadd.s32 $0xFFFFFEF7, lr;
	s5 =	simm.s32 $0xFFFFFFFF;
	p2 =	slt.u32 s8, $0xFFFFF086  }
0x1c: {  	p1 =	slt.u32 s9, $0xF7A;
	s5 =	simm.s32 @!p2 $0x0  }
0x1d: {  	s5 =	simm.s32 @p1 $0x1;
	p0 =	seq.s32 s7, s2  }
0x1e: {  	s7 =	smul.u32 @!p0 $0xF7A, s2;
	p2 =	seq.s32 @!p0 s5, $0x0  }
0x1f: {  	s9 =	smul.u32 $0xF7A, s1;
	s8 =	simm.s32 @!p0 $0x1BF5;
	p2 =	por !p2, p0  }
0x20: {  	[sflag:s8] =	ssyncset.s32 @!p0 $0xFFFFF086;
	s6 =	sadd.s32 @!p0 s3, s7;
	s7 =	simm.s32 @!p0 $0x108  }
0x21: {  	s3 =	sadd.s32 s3, s9;
	s6 =	sadd.s32 @!p0 $0x88, s6;
	s7 =	simm.s32 @p2 $0x1082  }
0x22: {  	[simem:s7], [sflag:s8] =	dma.local @!p0 [hbm:s6], $0xF7A  }
0x23: {  	s9 =	sor.u32 $0xD0000000, s2;
	s6 =	simm.s32 $0x108;
	_ =	swait.ge @!p0 [sflag:s8], $0x0  }
0x24: {  	s3 =	sadd.s32 $0x88, s3;
	s6 =	simm.s32 @!p1 $0x1082;
	[sflag:s4] =	ssyncset.s32 $0xFFFFF086  }
0x25: {  	[simem:s6], [sflag:s4] =	dma.local [hbm:s3], $0xF7A  }
0x26: {  	[smem:$0x3F9F] =	sst s1;
	(tag) =	ssettag s2;
	_ =	strace s9  }
0x27: {  	s1 =	sld [smem:$0x3FAF]  }
0x28: {  	s2 =	sld [smem:$0x3FB0]  }
0x29: {  	s4 =	sld [smem:$0x3FB2]  }
0x2a: {  	p0 =	seq.s32 s5, $0x0;
	s5 =	sld [smem:$0x3FB3]  }
0x2b: {  	s6 =	sld [smem:$0x3FB4]  }
0x2c: {  	s7 =	sld [smem:$0x3FB5]  }
0x2d: {  	s3 =	simm.s32 $0x108;
	s8 =	sld [smem:$0x3FB6]  }
0x2e: {  	s3 =	simm.s32 @!p0 $0x1082;
	s9 =	sld [smem:$0x3FB7]  }
0x2f: {  	lr =	sadd.s32 s0, s3;
	s0 =	sld [smem:$0x3FAE]  }
0x30: {  	s3 =	sld [smem:$0x3FB1]  }
0x31: {  	[smem:$0x3FBA] =	sst s10  }
0x32: {  	s10 =	sld [smem:$0x3FB8];
	_ =	sdelay $0x3  }
0x33: {  	p0 =	seq.s32 s10, $0x1;
	s10 =	sld [smem:$0x3FBA];
	_ =	sdelay $0x3  }
0x34: {  	[smem:$0x3FBA] =	sst s10  }
0x35: {  	s10 =	sld [smem:$0x3FB9];
	_ =	sdelay $0x3  }
0x36: {  	p1 =	seq.s32 s10, $0x1;
	s10 =	sld [smem:$0x3FBA];
	_ =	sdelay $0x3  }
0x37: {  	[smem:$0x3FBA] =	sst s10  }
0x38: {  	s10 =	sld [smem:$0x3FBB]  }
0x39: {  	_ = 	snop;
	(pc) =	sbr.ind lr, $3  }
0x3a: {  	_ = 	snop  }
0x3b: {  	_ = 	snop  }
0x3c: {  	p2 =	seq.s32 s10, $0x1;
	s10 =	sld [smem:$0x3FBA]  }
0x3d: {  	_ =	shalt  }
0x3e: {  	_ =	shalt  }
0x3f: {  	_ =	shalt  }
0x40: {  	_ =	shalt  }
0x41: {  	_ =	shalt  }
0x42: {  	_ =	shalt  }
0x43: {  	_ =	shalt  }
0x44: {  	_ =	shalt  }
0x45: {  	_ =	shalt  }
0x46: {  	_ =	shalt  }
0x47: {  	_ =	shalt  }
0x48: {  	_ =	shalt  }
0x49: {  	_ =	shalt  }
0x4a: {  	_ =	shalt  }
0x4b: {  	_ =	shalt  }
0x4c: {  	_ =	shalt  }
0x4d: {  	_ =	shalt  }
0x4e: {  	_ =	shalt  }
0x4f: {  	_ =	shalt  }
0x50: {  	_ =	shalt  }
0x51: {  	_ =	shalt  }
0x52: {  	_ =	shalt  }
0x53: {  	_ =	shalt  }
0x54: {  	_ =	shalt  }
0x55: {  	_ =	shalt  }
0x56: {  	_ =	shalt  }
0x57: {  	_ =	shalt  }
0x58: {  	_ =	shalt  }
0x59: {  	_ =	shalt  }
0x5a: {  	_ =	shalt  }
0x5b: {  	_ =	shalt  }
0x5c: {  	_ =	shalt  }
0x5d: {  	_ =	shalt  }
0x5e: {  	_ =	shalt  }
0x5f: {  	_ =	shalt  }
0x60: {  	_ =	shalt  }
0x61: {  	_ =	shalt  }
0x62: {  	_ =	shalt  }
0x63: {  	_ =	shalt  }
0x64: {  	_ =	shalt  }
0x65: {  	_ =	shalt  }
0x66: {  	_ =	shalt  }
0x67: {  	_ =	shalt  }
0x68: {  	_ =	shalt  }
0x69: {  	_ =	shalt  }
0x6a: {  	_ =	shalt  }
0x6b: {  	_ =	shalt  }
0x6c: {  	_ =	shalt  }
0x6d: {  	_ =	shalt  }
0x6e: {  	_ =	shalt  }
0x6f: {  	_ =	shalt  }
0x70: {  	_ =	shalt  }
0x71: {  	_ =	shalt  }
0x72: {  	_ =	shalt  }
0x73: {  	_ =	shalt  }
0x74: {  	_ =	shalt  }
0x75: {  	_ =	shalt  }
0x76: {  	_ =	shalt  }
0x77: {  	_ =	shalt  }
0x78: {  	_ =	shalt  }
0x79: {  	_ =	shalt  }
0x7a: {  	_ =	shalt  }
0x7b: {  	_ =	shalt  }
0x7c: {  	_ =	shalt  }
0x7d: {  	_ =	shalt  }
0x7e: {  	_ =	shalt  }
0x7f: {  	_ =	shalt  }
0x80: {  	_ =	shalt  }
0x81: {  	_ =	shalt  }
0x82: {  	_ =	shalt  }
0x83: {  	_ =	shalt  }
0x84: {  	_ =	shalt  }
0x85: {  	_ =	shalt  }
0x86: {  	_ =	shalt  }
0x87: {  	_ =	shalt  }
.Lfunc_end0:
.L_simem_size_0:
called_computation_lowered:
.L_overlay_start_0:
0x88: {  	s2 =	sld [smem:$0x3FD9]  }
0x89: {  	s3 =	sld [smem:$0x3FFE];
	_ =	sdelay $0x1  }
0x8a: {  	s1 =	srdreg.scid  }
0x8b: {  	s0 =	sand.u32 $0x1, s1  }
0x8c: {  	s18 =	sshll.u32 s0, $0xA;
	s2 =	sadd.s32 s3, s2  }
0x8d: {  	s2 =	sadd.s32 s2, s18  }
0x8e: {  	[smem:$0x3FC6] =	sst s2  }
0x8f: {  	_ = 	snop  }
0x90: {  	s2 =	sld [smem:$0x3FC9]  }
0x91: {  	s19 =	sld [smem:$0x3FC8]  }
0x92: {  	s4 =	sld [smem:$0x3FD0];
	(tm) =	ssettm $0x1  }
0x93: {  	s5 =	sld [smem:$0x3FFB];
	_ =	sdelay $0x3  }
0x94: {  	_ =	strace s5  }
0x95: {  	s5 =	sld [smem:$0x3FFC];
	_ =	sdelay $0x3  }
0x96: {  	_ =	strace s5  }
0x97: {  	s5 =	sld [smem:$0x3FFD];
	_ =	sdelay $0x3  }
0x98: {  	_ =	strace s5  }
0x99: {  	_ =	strace $0x8FFFFFFF  }
0x9a: {  	s20 =	sld [smem:$0x3FDB];
	_ =	sdelay $0x1  }
0x9b: {  	s6 =	simm.s32 $_scs_section_size  }
0x9c: {  	s7 =	simm.s32 $_size__tile_overlayer_lowered;
	s8 =	simm.s32 $_tile_overlayer_lowered  }
0x9d: {  	s23 =	simm.s32 $0x1BFF;
	s22 =	sshll.u32 s8, $0x1;
	s5 =	sadd.s32 s6, s20  }
0x9e: {  	s9 =	simm.s32 $0x0;
	s21 =	sshll.u32 s7, $0x1;
	s7 =	sadd.s32 s22, s5  }
0x9f: {  	[timem:s9], [sflag:s23] =	dma.local [hbm:s7], s21  }
0xa0: {  	_ =	swait.ge [sflag:s23], s21  }
0xa1: {  	s6 =	ssub.s32 $0x0, s21;
	[sflag:s23] =	ssyncset.done $0x0  }
0xa2: {  	[sflag:s23] =	ssyncadd.s32 s6;
	_ =	sdelay $0x1  }
0xa3: {  	s24 =	simm.s32 $0x1B8B  }
0xa4: {  	_ =	swait.ge [sflag:s24], $0x1  }
0xa5: {  	[sflag:s24] =	ssyncset.done $0x0  }
0xa6: {  	s25 =	simm.s32 $0x1B8E;
	[sflag:s24] =	ssyncadd.s32 $0xFFFFFFFF  }
0xa7: {  	s26 =	simm.s32 $execute0_lowered;
	[smem:$0x3FD2] =	sst s25  }
0xa8: {  	s6 =	sshll.u32 s26, $0x1;
	_ =	strace $0x80000046;
	[dreg:$0x1] =	wrdreg $0xFFFFFFFF  }
0xa9: {  	s28 =	simm.s32 $_size_execute0_lowered;
	s5 =	sadd.s32 s5, s6;
	[dreg:$0x0] =	wrdreg $0x0  }
0xaa: {  	s6 =	sshll.u32 s28, $0x1;
	[dreg:$0x2] =	wrdreg s5  }
0xab: {  	[dreg:$0x3] =	wrdreg s6  }
0xac: {  	[dreg:$0x4] =	wrdreg $0xC0  }
0xad: {  	_ =	task [dreg:s9], $0x5FFFF  }
0xae: {  	[dreg:$0x1] =	wrdreg $0xFFFFFFFF  }
0xaf: {  	[dreg:$0x0] =	wrdreg $0x60  }
0xb0: {  	[dreg:$0x2] =	wrdreg s2  }
0xb1: {  	[dreg:$0x3] =	wrdreg s19  }
0xb2: {  	[dreg:$0x4] =	wrdreg s4  }
0xb3: {  	[dreg:$0x5] =	wrdreg $0xC800  }
0xb4: {  	[dreg:$0x6] =	wrdreg $0x9  }
0xb5: {  	_ =	task.clear_ibuf [dreg:s9], $0x7FFFF;
	_ =	strace $0x90000046  }
0xb6: {  	s29 =	simm.s32 $0x9;
	_ =	strace $0x80000048  }
0xb7: {  	_ =	swait.ge [sflag:s29], $0x1  }
0xb8: {  	[sflag:s29] =	ssyncadd.s32 $0xFFFFFFFF  }
0xb9: {  	_ =	strace $0x90000048  }
0xba: {  	_ =	sfence  }
0xbb: {  	s30 =	sld [smem:$0x0];
	_ =	sdelay $0x2  }
0xbc: {  	s31 =	sshll.u32 s1, $0xD;
	s1 =	sshrl.u32 s1, $0x2  }
0xbd: {  	s3 =	sand.u32 $0x4000, s31;
	s1 =	sadd.s32 s1, s30  }
0xbe: {  	s0 =	sor.u32 s3, s0;
	s1 =	sshll.u32 s1, $0x11  }
0xbf: {  	s0 =	sor.u32 s1, s0  }
0xc0: {  	s0 =	sadd.s32 $0x8F2B, s0  }
0xc1: {  	[sflag:s0] =	ssyncadd.remote.s32 $0x1  }
0xc2: {  	_ =	sfence.sel $0xFFFF  }
0xc3: {  	[dreg:$0x0] =	wrdreg $0xFFFFFFFF;
	(pc) =	sbr.abs _section_cstart, $3  }
0xc4: {  	[dreg:$0x1] =	wrdreg $0xFFFFFFFF  }
0xc5: {  	_ =	task.clear_ibuf [dreg:s9], $0x2FFFF;
	_ =	strace $0x9FFFFFFF  }
0xc6: {  	(tm) =	ssettm $0x7FFFFFFF  }
0xc7: {  	_ =	shalt  }
tec
execute0_lowered:
.L_overlay_start_1:
0x0: {  	(tag) =	ssettag $0x1  }
0x1: {  	s0 =	rddreg [dreg:$0x0]  }
0x2: {  	s12 =	rddreg [dreg:$0x2]  }
0x3: {  	s1 =	srdreg.scid;
	s2 =	stileid.u32  }
0x4: {  	s3 =	rddreg [dreg:$0x3];
	s1 =	sand.u32 $0x1, s1;
	s4 =	sshll.u32 s2, $0x1  }
0x5: {  	p5 =	por $0x0, $0x0;
	p6 =	por $0x0, $0x0;
	s5 =	sor.u32 s1, s4  }
0x6: {  	s4 =	simm.s32 $0x0;
	s1 =	ssub.s32 $0x2, s1;
	s6 =	smul.u32 $0xC80, s5  }
0x7: {  	[smem:$0x7FF] =	sst s4;
	s7 =	sshrl.u32 s1, $0x1;
	s8 =	smul.u32 $0xC800, s5  }
0x8: {  	p0 =	seq.s32 s5, $0x1F;
	_ =	strace $0x80000047;
	s20 =	sadd.s32 $0xFFFE7E5F, s6  }
0x9: {  	s13 =	sadd.s32 s12, s8;
	s8 =	sadd.s32 $0x7000, s8;
	[dreg:$0xd] =	wrdreg s20  }
0xa: {  	s1 =	ssub.s32 s1, s7;
	s14 =	sadd.s32 $0xFFFE7DDF, s6;
	[dreg:$0xf] =	wrdreg s8  }
0xb: {  	s15 =	sshrl.u32 s6, $0x3;
	s21 =	sadd.s32 $0xFFFE81DF, s6;
	[dreg:$0xc] =	wrdreg s14  }
0xc: {  	s9 =	sadd.s32 $0xFFFE7F5F, s6;
	s22 =	sadd.s32 $0xFFFE825F, s6;
	[dreg:$0x10] =	wrdreg s21  }
0xd: {  	s10 =	sadd.s32 $0xFFFE7FDF, s6;
	s23 =	sadd.s32 $0xFFFE82DF, s6;
	[dreg:$0x11] =	wrdreg s22  }
0xe: {  	s11 =	sadd.s32 $0xFFFE80DF, s6;
	s24 =	sadd.s32 $0xFFFE835F, s6;
	[dreg:$0x12] =	wrdreg s23  }
0xf: {  	s26 =	sadd.s32 $0xFFFE83DF, s6;
	s28 =	sadd.s32 $0xFFFE845F, s6;
	[dreg:$0x13] =	wrdreg s24  }
0x10: {  	s29 =	sadd.s32 $0xFFFE84DF, s6;
	s30 =	sadd.s32 $0xFFFE855F, s6;
	[dreg:$0x14] =	wrdreg s26  }
0x11: {  	s25 =	smax.u32 s1, $0x1;
	s12 =	sadd.s32 $0x186800, s12;
	[dreg:$0x15] =	wrdreg s28  }
0x12: {  	s7 =	sadd.s32 s0, s15;
	s0 =	sadd.s32 $0x3070, s0;
	[dreg:$0x16] =	wrdreg s29  }
0x13: {  	s16 =	sadd.s32 $0x800, s13;
	s17 =	sadd.s32 $0x1000, s13;
	[dreg:$0x17] =	wrdreg s30  }
0x14: {  	s18 =	sadd.s32 $0x1800, s13;
	s19 =	sadd.s32 $0x2000, s13;
	[dreg:$0x1b] =	wrdreg s12  }
0x15: {  	p2 =	slt.u32 s9, $0x7F;
	p3 =	slt.u32 s10, $0x7F;
	[dreg:$0x7] =	wrdreg s13  }
0x16: {  	s15 =	sadd.s32 $0xFFFE805F, s6;
	[dreg:$0x5] =	wrdreg s7;
	s7 =	sadd.s32 $0xFFFE7EDF, s6  }
0x17: {  	p4 =	slt.u32 s11, $0x7F;
	[dreg:$0x6] =	wrdreg s0;
	p1 =	slt.u32 s7, $0x7F  }
0x18: {  	s8 =	sadd.s32 $0xFFFE815F, s6;
	[dreg:$0x8] =	wrdreg s16;
	p5 =	por @!p0 p1, p1  }
0x19: {  	s20 =	sadd.s32 $0x6800, s13;
	[dreg:$0x9] =	wrdreg s17;
	s5 =	simm.s32 @!p5 $0x0  }
0x1a: {  	[dreg:$0xa] =	wrdreg s18;
	p6 =	por @!p0 p2, p2;
	s5 =	simm.s32 @p5 $0x1  }
0x1b: {  	p2 =	por $0x0, $0x0;
	[smem:$0x7D9] =	sst s5;
	s5 =	simm.s32 @!p6 $0x0  }
0x1c: {  	[dreg:$0xb] =	wrdreg s19;
	p2 =	por @!p0 p3, p3;
	s5 =	simm.s32 @p6 $0x1  }
0x1d: {  	s0 =	sadd.s32 $0xFFFE7D5F, s6;
	[smem:$0x7DA] =	sst s5;
	s5 =	simm.s32 @!p2 $0x0  }
0x1e: {  	[dreg:$0xe] =	wrdreg s15;
	s5 =	simm.s32 @p2 $0x1;
	p2 =	por $0x0, $0x0  }
0x1f: {  	s6 =	sadd.s32 $0xFFFE85DF, s6;
	[smem:$0x7F4] =	sst s20;
	p2 =	por @!p0 p4, p4  }
0x20: {  	s17 =	sadd.s32 $0x5000, s13;
	[dreg:$0x18] =	wrdreg s6;
	s16 =	simm.s32 @!p2 $0x0  }
0x21: {  	p1 =	slt.u32 s8, $0x7F;
	s16 =	simm.s32 @p2 $0x1;
	p2 =	por $0x0, $0x0  }
0x22: {  	s18 =	sadd.s32 $0x5800, s13;
	[dreg:$0x1f] =	wrdreg s17;
	p2 =	por @!p0 p1, p1  }
0x23: {  	s19 =	sadd.s32 $0x6000, s13;
	[smem:$0x7DC] =	sst s16;
	s16 =	simm.s32 @!p2 $0x0  }
0x24: {  	[smem:$0x7F2] =	sst s18;
	s16 =	simm.s32 @p2 $0x1;
	p2 =	sgt.u32 @!p0 s7, $0x7E  }
0x25: {  	[smem:$0x7F3] =	sst s19;
	p1 =	sne.s32 s2, $0x0;
	s7 =	simm.s32 @!p2 $0x0  }
0x26: {  	p5 =	sgt.u32 @!p0 s11, $0x7E;
	s2 =	simm.s32 @!p1 $0x0;
	s7 =	simm.s32 @p2 $0x1  }
0x27: {  	s2 =	simm.s32 @p1 $0x1;
	p1 =	sgt.u32 @!p0 s0, $0x7E;
	[smem:$0x7E1] =	sst s7  }
0x28: {  	s11 =	sadd.s32 $0x3000, s13;
	p2 =	por p1, p0;
	s31 =	sld [smem:$0x7E1]  }
0x29: {  	p3 =	sgt.u32 @!p0 s9, $0x7E;
	[dreg:$0x1a] =	wrdreg s11;
	s1 =	simm.s32 @!p2 $0x0  }
0x2a: {  	[smem:$0x7DB] =	sst s5;
	p1 =	por !p1, p0;
	s1 =	simm.s32 @p2 $0x1  }
0x2b: {  	[smem:$0x7DF] =	sst s1;
	s1 =	simm.s32 @!p1 $0x0;
	p2 =	seq.s32 s31, $0x1  }
0x2c: {  	p4 =	sgt.u32 @!p0 s10, $0x7E;
	s1 =	simm.s32 @p1 $0x1;
	p1 =	por p2, p0  }
0x2d: {  	s10 =	sadd.s32 $0x2800, s13;
	[smem:$0x7E0] =	sst s1;
	s1 =	simm.s32 @!p1 $0x0  }
0x2e: {  	[dreg:$0x19] =	wrdreg s10;
	s1 =	simm.s32 @p1 $0x1;
	p1 =	por p3, p0  }
0x2f: {  	[smem:$0x7E2] =	sst s1;
	s1 =	simm.s32 @!p1 $0x0  }
0x30: {  	[smem:$0x7DD] =	sst s16;
	s1 =	simm.s32 @p1 $0x1;
	p1 =	por p4, p0  }
0x31: {  	p6 =	sgt.u32 @!p0 s8, $0x7E;
	[smem:$0x7E3] =	sst s1;
	s1 =	simm.s32 @!p1 $0x0  }
0x32: {  	[smem:$0x7DE] =	sst s2;
	s1 =	simm.s32 @p1 $0x1;
	p1 =	por p5, p0  }
0x33: {  	s16 =	sadd.s32 $0x4800, s13;
	[smem:$0x7E4] =	sst s1;
	s1 =	simm.s32 @!p1 $0x0  }
0x34: {  	[dreg:$0x1e] =	wrdreg s16;
	s1 =	simm.s32 @p1 $0x1;
	p1 =	por p6, p0  }
0x35: {  	s31 =	sadd.s32 $0xB800, s13;
	[smem:$0x7E5] =	sst s1;
	s1 =	simm.s32 @!p1 $0x0  }
0x36: {  	[smem:$0x7FD] =	sst s31;
	s1 =	simm.s32 @p1 $0x1;
	p1 =	slt.u32 s14, $0x7F  }
0x37: {  	s14 =	sadd.s32 $0x3800, s13;
	[smem:$0x7E6] =	sst s1;
	s1 =	simm.s32 @!p1 $0x0  }
0x38: {  	[dreg:$0x1c] =	wrdreg s14;
	s1 =	simm.s32 @p1 $0x1;
	p1 =	slt.u32 s15, $0x7F  }
0x39: {  	s15 =	sadd.s32 $0x4000, s13;
	[smem:$0x7E7] =	sst s1;
	s1 =	simm.s32 @!p1 $0x0  }
0x3a: {  	[dreg:$0x1d] =	wrdreg s15;
	s1 =	simm.s32 @p1 $0x1;
	p1 =	slt.u32 s21, $0x7F  }
0x3b: {  	s21 =	sadd.s32 $0x7800, s13;
	[smem:$0x7E8] =	sst s1;
	s1 =	simm.s32 @!p1 $0x0  }
0x3c: {  	[smem:$0x7F5] =	sst s21;
	s1 =	simm.s32 @p1 $0x1;
	p1 =	slt.u32 s22, $0x7F  }
0x3d: {  	s22 =	sadd.s32 $0x8000, s13;
	[smem:$0x7E9] =	sst s1;
	s1 =	simm.s32 @!p1 $0x0  }
0x3e: {  	[smem:$0x7F6] =	sst s22;
	s1 =	simm.s32 @p1 $0x1;
	p1 =	slt.u32 s23, $0x7F  }
0x3f: {  	s23 =	sadd.s32 $0x8800, s13;
	[smem:$0x7EA] =	sst s1;
	s0 =	simm.s32 @!p1 $0x0  }
0x40: {  	[smem:$0x7F7] =	sst s23;
	s0 =	simm.s32 @p1 $0x1;
	p1 =	slt.u32 s24, $0x7F  }
0x41: {  	s24 =	sadd.s32 $0x9000, s13;
	[smem:$0x7EB] =	sst s0;
	s0 =	simm.s32 @!p1 $0x0  }
0x42: {  	[smem:$0x7F8] =	sst s24;
	s0 =	simm.s32 @p1 $0x1;
	p1 =	slt.u32 s26, $0x7F  }
0x43: {  	s26 =	sadd.s32 $0x9800, s13;
	[smem:$0x7EC] =	sst s0;
	s0 =	simm.s32 @!p1 $0x0  }
0x44: {  	[smem:$0x7F9] =	sst s26;
	s0 =	simm.s32 @p1 $0x1;
	p1 =	slt.u32 s28, $0x7F  }
0x45: {  	s28 =	sadd.s32 $0xA000, s13;
	[smem:$0x7ED] =	sst s0;
	s0 =	simm.s32 @!p1 $0x0  }
0x46: {  	[smem:$0x7FA] =	sst s28;
	s0 =	simm.s32 @p1 $0x1;
	p1 =	slt.u32 s29, $0x7F  }
0x47: {  	s11 =	sadd.s32 $0xC000, s13;
	[smem:$0x7EE] =	sst s0;
	s0 =	simm.s32 @!p1 $0x0  }
0x48: {  	s29 =	sadd.s32 $0xA800, s13;
	s0 =	simm.s32 @p1 $0x1;
	p1 =	slt.u32 s30, $0x7F  }
.Ltmp0:
0x49: {  	[smem:$0x7EF] =	sst s0;
	s0 =	simm.s32 @!p1 $0x0;
	(pc) =	sbr.rel .LBB2_1-.Ltmp0, $4  }
0x4a: {  	[smem:$0x7FB] =	sst s29;
	s0 =	simm.s32 @p1 $0x1;
	p1 =	slt.u32 s6, $0x7F  }
0x4b: {  	s30 =	sadd.s32 $0xB000, s13;
	[smem:$0x7F0] =	sst s0;
	s0 =	simm.s32 @!p1 $0x0  }
0x4c: {  	s5 =	simm.s32 $0x4D60;
	[smem:$0x7FC] =	sst s30;
	s0 =	simm.s32 @p1 $0x1  }
0x4d: {  	s16 =	simm.s32 $0x80;
	s21 =	simm.s32 $0x5;
	[smem:$0x7F1] =	sst s0  }
.LBB2_4:
0x4e: {  	s1 =	simm.s32 $0xE  }
0x4f: {  	_ =	swait.ge [sflag:s1], $0x4000  }
0x50: {  	s29 =	simm.s32 $0x18D60;
	[sflag:s1] =	ssyncset.done $0x0;
	s0 =	rddreg [dreg:$0xe]  }
0x51: {  	s30 =	simm.s32 $0x680;
	p4 =	sgt.u32 s0, $0x7E;
	[sflag:s1] =	ssyncadd.s32 $0xFFFFC000  }
0x52: {  	[tilespmem:s29], [sflag:$0x7] =	stream.indirect.gather [spmem:s3], $0x80, s30, s16, $0xb8;
	[tilespmem:$0x1CD60] =	vst v63  }
0x53: {  	s0 =	simm.s32 @!p4 $0x20;
	s1 =	simm.s32 @!p4 $0x680;
	s2 =	simm.s32 @!p4 $0x18D60  }
0x54: {  	[tilespmem:s2], [sflag:$0x7] =	stream.indirect.gather @!p4 [spmem:s3], $0x80, s1, s0, $0xb8;
	[tilespmem:$0x1CD60] =	vst v63  }
0x55: {  	_ =	swait.ge [sflag:s21], $0x4000  }
0x56: {  	s31 =	sld [smem:$0x7E8];
	_ =	sdelay $0x1  }
0x57: {  	[sflag:s21] =	ssyncset.done $0x0  }
0x58: {  	s1 =	rddreg [dreg:$0xf];
	[sflag:s21] =	ssyncadd.s32 $0xFFFFC000;
	p4 =	seq.s32 s31, $0x1  }
.LBB2_5:
0x59: {  	s22 =	sld [smem:$0x7DA];
	_ =	sdelay $0x1  }
0x5a: {  	s0 =	simm.s32 @!p4 $0x0  }
0x5b: {  	s0 =	simm.s32 @p4 $0x1;
	p6 =	seq.s32 s22, $0x1  }
0x5c: {  	[smem:$0x7D6] =	sst s0;
	s0 =	simm.s32 @p6 $0x5  }
0x5d: {  	_ =	swait.ge @p6 [sflag:s0], $0x1000  }
0x5e: {  	s5 =	sld [smem:$0x7F2]  }
0x5f: {  	[sflag:s0] =	ssyncset.done @p6 $0x0  }
0x60: {  	s24 =	simm.s32 @!p0 $0x0;
	s13 =	simm.s32 @!p0 $0x10D60;
	[sflag:s0] =	ssyncadd.s32 @p6 $0xFFFFF000  }
0x61: {  	[hbm4b:s5+s24] =	stream.linear.scatter @!p0 [tilespmem:s13], [sflag:$0xC], $0x4000, $0x38;
	[tilespmem:$0x1CD60] =	vst v63  }
0x62: {  	s26 =	simm.s32 @!p0 $0x8;
	s2 =	simm.s32 @p6 $0x10D60;
	s0 =	simm.s32 @p6 $0x0  }
0x63: {  	[hbm4b:s5+s0] =	stream.linear.scatter @p6 [tilespmem:s2], [sflag:$0xC], $0x1000, $0x38;
	[tilespmem:$0x1CD60] =	vst v63  }
0x64: {  	_ =	swait.ge @!p0 [sflag:s26], $0x4000  }
0x65: {  	[sflag:s26] =	ssyncset.done @!p0 $0x0  }
0x66: {  	s0 =	simm.s32 @p2 $0x8;
	[sflag:s26] =	ssyncadd.s32 @!p0 $0xFFFFC000  }
0x67: {  	_ =	swait.ge @p2 [sflag:s0], $0x1000  }
0x68: {  	s20 =	simm.s32 @!p0 $0x80;
	[sflag:s0] =	ssyncset.done @p2 $0x0;
	s23 =	sld [smem:$0x7E5]  }
0x69: {  	s22 =	simm.s32 @!p0 $0xD60;
	[sflag:s0] =	ssyncadd.s32 @p2 $0xFFFFF000;
	s0 =	simm.s32 @!p0 $0x700  }
0x6a: {  	[tilespmem:s22], [sflag:$0x1] =	stream.indirect.gather @!p0 [spmem:s3], $0x80, s0, s20, $0xb8;
	[tilespmem:$0x1CD60] =	vst v63  }
0x6b: {  	p2 =	seq.s32 s23, $0x1  }
0x6c: {  	s0 =	simm.s32 @!p2 $0x20;
	s2 =	simm.s32 @!p2 $0x700;
	s5 =	simm.s32 @!p2 $0xD60  }
0x6d: {  	[tilespmem:s5], [sflag:$0x1] =	stream.indirect.gather @!p2 [spmem:s3], $0x80, s2, s0, $0xb8;
	[tilespmem:$0x1CD60] =	vst v63  }
0x6e: {  	s2 =	simm.s32 @!p0 $0x6  }
0x6f: {  	_ =	swait.ge @!p0 [sflag:s2], $0x4000  }
0x70: {  	s28 =	sld [smem:$0x7DB];
	_ =	sdelay $0x2  }
0x71: {  	[sflag:s2] =	ssyncset.done @!p0 $0x0;
	p2 =	seq.s32 s28, $0x1  }
0x72: {  	[sflag:s2] =	ssyncadd.s32 @!p0 $0xFFFFC000;
	s0 =	simm.s32 @p2 $0x6  }
0x73: {  	_ =	swait.ge @p2 [sflag:s0], $0x1000  }
0x74: {  	s6 =	sld [smem:$0x7F3]  }
0x75: {  	[sflag:s0] =	ssyncset.done @p2 $0x0  }
0x76: {  	s12 =	simm.s32 @!p0 $0x14D60;
	[sflag:s0] =	ssyncadd.s32 @p2 $0xFFFFF000  }
0x77: {  	[hbm4b:s6+s24] =	stream.linear.scatter @!p0 [tilespmem:s12], [sflag:$0xD], $0x4000, $0x38;
	[tilespmem:$0x1CD60] =	vst v63  }
0x78: {  	s7 =	simm.s32 @!p0 $0x9;
	s5 =	simm.s32 @p2 $0x14D60;
	s0 =	simm.s32 @p2 $0x0  }
0x79: {  	[hbm4b:s6+s0] =	stream.linear.scatter @p2 [tilespmem:s5], [sflag:$0xD], $0x1000, $0x38;
	[tilespmem:$0x1CD60] =	vst v63  }
0x7a: {  	_ =	swait.ge @!p0 [sflag:s7], $0x4000  }
0x7b: {  	[sflag:s7] =	ssyncset.done @!p0 $0x0  }
0x7c: {  	s0 =	simm.s32 @p3 $0x9;
	[sflag:s7] =	ssyncadd.s32 @!p0 $0xFFFFC000  }
0x7d: {  	_ =	swait.ge @p3 [sflag:s0], $0x1000  }
0x7e: {  	[sflag:s0] =	ssyncset.done @p3 $0x0;
	s29 =	sld [smem:$0x7E6]  }
0x7f: {  	s23 =	simm.s32 @!p0 $0x4D60;
	[sflag:s0] =	ssyncadd.s32 @p3 $0xFFFFF000;
	s0 =	simm.s32 @!p0 $0x780  }
0x80: {  	[tilespmem:s23], [sflag:$0x2] =	stream.indirect.gather @!p0 [spmem:s3], $0x80, s0, s20, $0xb8;
	[tilespmem:$0x1CD60] =	vst v63  }
0x81: {  	p3 =	seq.s32 s29, $0x1  }
0x82: {  	s0 =	simm.s32 @!p3 $0x20;
	s5 =	simm.s32 @!p3 $0x780;
	s6 =	simm.s32 @!p3 $0x4D60  }
0x83: {  	[tilespmem:s6], [sflag:$0x2] =	stream.indirect.gather @!p3 [spmem:s3], $0x80, s5, s0, $0xb8;
	[tilespmem:$0x1CD60] =	vst v63  }
0x84: {  	s0 =	simm.s32 @!p0 $0x7  }
0x85: {  	_ =	swait.ge @!p0 [sflag:s0], $0x4000  }
0x86: {  	[sflag:s0] =	ssyncset.done @!p0 $0x0  }
0x87: {  	s5 =	simm.s32 @p4 $0x7;
	[sflag:s0] =	ssyncadd.s32 @!p0 $0xFFFFC000  }
0x88: {  	_ =	swait.ge @p4 [sflag:s5], $0x1000  }
0x89: {  	s8 =	sld [smem:$0x7F4]  }
0x8a: {  	[sflag:s5] =	ssyncset.done @p4 $0x0  }
0x8b: {  	s14 =	simm.s32 @!p0 $0x18D60;
	[sflag:s5] =	ssyncadd.s32 @p4 $0xFFFFF000  }
0x8c: {  	[hbm4b:s8+s24] =	stream.linear.scatter @!p0 [tilespmem:s14], [sflag:$0xE], $0x4000, $0x38;
	[tilespmem:$0x1CD60] =	vst v63  }
0x8d: {  	s18 =	simm.s32 @!p0 $0xA;
	s6 =	simm.s32 @p4 $0x18D60;
	s5 =	simm.s32 @p4 $0x0  }
0x8e: {  	[hbm4b:s8+s5] =	stream.linear.scatter @p4 [tilespmem:s6], [sflag:$0xE], $0x1000, $0x38;
	[tilespmem:$0x1CD60] =	vst v63  }
0x8f: {  	_ =	swait.ge @!p0 [sflag:s18], $0x4000  }
0x90: {  	[sflag:s18] =	ssyncset.done @!p0 $0x0  }
0x91: {  	s5 =	simm.s32 @p1 $0xA;
	[sflag:s18] =	ssyncadd.s32 @!p0 $0xFFFFC000  }
0x92: {  	_ =	swait.ge @p1 [sflag:s5], $0x1000  }
0x93: {  	[sflag:s5] =	ssyncset.done @p1 $0x0  }
0x94: {  	[sflag:s5] =	ssyncadd.s32 @p1 $0xFFFFF000;
	s5 =	rddreg [dreg:$0x10]  }
0x95: {  	s17 =	simm.s32 @!p0 $0x8D60;
	p1 =	sgt.u32 @!p0 s5, $0x7E;
	s5 =	simm.s32 @!p0 $0x800  }
0x96: {  	[tilespmem:s17], [sflag:$0x3] =	stream.indirect.gather @!p0 [spmem:s3], $0x80, s5, s20, $0xb8;
	[tilespmem:$0x1CD60] =	vst v63  }
0x97: {  	p1 =	por p1, p0  }
0x98: {  	s5 =	simm.s32 @!p1 $0x20;
	s6 =	simm.s32 @!p1 $0x800;
	s15 =	simm.s32 @!p1 $0x8D60  }
0x99: {  	[tilespmem:s15], [sflag:$0x3] =	stream.indirect.gather @!p1 [spmem:s3], $0x80, s6, s5, $0xb8;
	[tilespmem:$0x1CD60] =	vst v63  }
0x9a: {  	s15 =	simm.s32 @!p0 $0x1  }
0x9b: {  	_ =	swait.ge @!p0 [sflag:s15], $0x4000  }
0x9c: {  	s30 =	sld [smem:$0x7DC];
	_ =	sdelay $0x2  }
0x9d: {  	[sflag:s15] =	ssyncset.done @!p0 $0x0;
	p4 =	seq.s32 s30, $0x1  }
0x9e: {  	[sflag:s15] =	ssyncadd.s32 @!p0 $0xFFFFC000;
	s5 =	simm.s32 @p4 $0x1  }
0x9f: {  	_ =	swait.ge @p4 [sflag:s5], $0x1000  }
0xa0: {  	[sflag:s5] =	ssyncset.done @p4 $0x0  }
0xa1: {  	[sflag:s5] =	ssyncadd.s32 @p4 $0xFFFFF000  }
0xa2: {  	s6 =	rddreg [dreg:$0x2]  }
0xa3: {  	s19 =	simm.s32 @!p0 $0xB;
	s5 =	sadd.s32 @!p0 s6, s1  }
0xa4: {  	[hbm4b:s5+s24] =	stream.linear.scatter @!p0 [tilespmem:s22], [sflag:$0x8], $0x4000, $0x38;
	[tilespmem:$0x1CD60] =	vst v63  }
0xa5: {  	s1 =	sadd.s32 @p4 s6, s1;
	s6 =	simm.s32 @p4 $0xD60;
	s5 =	simm.s32 @p4 $0x0  }
0xa6: {  	[hbm4b:s1+s5] =	stream.linear.scatter @p4 [tilespmem:s6], [sflag:$0x8], $0x1000, $0x38;
	[tilespmem:$0x1CD60] =	vst v63  }
0xa7: {  	_ =	swait.ge @!p0 [sflag:s19], $0x4000  }
0xa8: {  	s31 =	sld [smem:$0x7D9];
	_ =	sdelay $0x2  }
0xa9: {  	[sflag:s19] =	ssyncset.done @!p0 $0x0;
	p1 =	seq.s32 s31, $0x1  }
0xaa: {  	[sflag:s19] =	ssyncadd.s32 @!p0 $0xFFFFC000;
	s1 =	simm.s32 @p1 $0xB  }
0xab: {  	_ =	swait.ge @p1 [sflag:s1], $0x1000  }
0xac: {  	[sflag:s1] =	ssyncset.done @p1 $0x0  }
0xad: {  	[sflag:s1] =	ssyncadd.s32 @p1 $0xFFFFF000;
	s1 =	rddreg [dreg:$0x11]  }
0xae: {  	s30 =	simm.s32 @!p0 $0xCD60;
	p1 =	sgt.u32 @!p0 s1, $0x7E;
	s1 =	simm.s32 @!p0 $0x880  }
0xaf: {  	[tilespmem:s30], [sflag:$0x4] =	stream.indirect.gather @!p0 [spmem:s3], $0x80, s1, s20, $0xb8;
	[tilespmem:$0x1CD60] =	vst v63  }
0xb0: {  	s29 =	simm.s32 @!p0 $0x2;
	p1 =	por p1, p0  }
0xb1: {  	s1 =	simm.s32 @!p1 $0x20;
	s5 =	simm.s32 @!p1 $0x880;
	s6 =	simm.s32 @!p1 $0xCD60  }
0xb2: {  	[tilespmem:s6], [sflag:$0x4] =	stream.indirect.gather @!p1 [spmem:s3], $0x80, s5, s1, $0xb8;
	[tilespmem:$0x1CD60] =	vst v63  }
0xb3: {  	_ =	swait.ge @!p0 [sflag:s29], $0x4000  }
0xb4: {  	s5 =	sld [smem:$0x7DD];
	_ =	sdelay $0x2  }
0xb5: {  	[sflag:s29] =	ssyncset.done @!p0 $0x0;
	p5 =	seq.s32 s5, $0x1  }
0xb6: {  	[sflag:s29] =	ssyncadd.s32 @!p0 $0xFFFFC000;
	s1 =	simm.s32 @p5 $0x2  }
0xb7: {  	_ =	swait.ge @p5 [sflag:s1], $0x1000  }
0xb8: {  	s6 =	sld [smem:$0x7F5]  }
0xb9: {  	[sflag:s1] =	ssyncset.done @p5 $0x0  }
0xba: {  	[sflag:s1] =	ssyncadd.s32 @p5 $0xFFFFF000  }
0xbb: {  	[hbm4b:s6+s24] =	stream.linear.scatter @!p0 [tilespmem:s23], [sflag:$0x9], $0x4000, $0x38;
	[tilespmem:$0x1CD60] =	vst v63  }
0xbc: {  	s31 =	simm.s32 @!p0 $0xC;
	s5 =	simm.s32 @p5 $0x4D60;
	s1 =	simm.s32 @p5 $0x0  }
0xbd: {  	[hbm4b:s6+s1] =	stream.linear.scatter @p5 [tilespmem:s5], [sflag:$0x9], $0x1000, $0x38;
	[tilespmem:$0x1CD60] =	vst v63  }
0xbe: {  	_ =	swait.ge @!p0 [sflag:s31], $0x4000  }
0xbf: {  	[sflag:s31] =	ssyncset.done @!p0 $0x0  }
0xc0: {  	s1 =	simm.s32 @p6 $0xC;
	[sflag:s31] =	ssyncadd.s32 @!p0 $0xFFFFC000  }
0xc1: {  	_ =	swait.ge @p6 [sflag:s1], $0x1000  }
0xc2: {  	[sflag:s1] =	ssyncset.done @p6 $0x0  }
0xc3: {  	[sflag:s1] =	ssyncadd.s32 @p6 $0xFFFFF000;
	s1 =	rddreg [dreg:$0x12]  }
0xc4: {  	p1 =	sgt.u32 @!p0 s1, $0x7E;
	s1 =	simm.s32 @!p0 $0x900  }
0xc5: {  	[tilespmem:s13], [sflag:$0x5] =	stream.indirect.gather @!p0 [spmem:s3], $0x80, s1, s20, $0xb8;
	[tilespmem:$0x1CD60] =	vst v63  }
0xc6: {  	p1 =	por p1, p0  }
0xc7: {  	s1 =	simm.s32 @!p1 $0x20;
	s5 =	simm.s32 @!p1 $0x900;
	s6 =	simm.s32 @!p1 $0x10D60  }
0xc8: {  	[tilespmem:s6], [sflag:$0x5] =	stream.indirect.gather @!p1 [spmem:s3], $0x80, s5, s1, $0xb8;
	[tilespmem:$0x1CD60] =	vst v63  }
0xc9: {  	s1 =	simm.s32 @!p0 $0x3  }
0xca: {  	_ =	swait.ge @!p0 [sflag:s1], $0x4000  }
0xcb: {  	s6 =	sld [smem:$0x7E9];
	_ =	sdelay $0x2  }
0xcc: {  	p3 =	por $0x0, $0x0;
	p1 =	seq.s32 s6, $0x1  }
0xcd: {  	[sflag:s1] =	ssyncset.done @!p0 $0x0;
	p3 =	por @!p0 p1, p1  }
0xce: {  	[sflag:s1] =	ssyncadd.s32 @!p0 $0xFFFFC000;
	s5 =	simm.s32 @p3 $0x3  }
0xcf: {  	_ =	swait.ge @p3 [sflag:s5], $0x1000  }
0xd0: {  	s8 =	sld [smem:$0x7F6]  }
0xd1: {  	[sflag:s5] =	ssyncset.done @p3 $0x0  }
0xd2: {  	[sflag:s5] =	ssyncadd.s32 @p3 $0xFFFFF000  }
0xd3: {  	[hbm4b:s8+s24] =	stream.linear.scatter @!p0 [tilespmem:s17], [sflag:$0xA], $0x4000, $0x38;
	[tilespmem:$0x1CD60] =	vst v63  }
0xd4: {  	s28 =	simm.s32 @!p0 $0xD;
	s6 =	simm.s32 @p3 $0x8D60;
	s5 =	simm.s32 @p3 $0x0  }
0xd5: {  	[hbm4b:s8+s5] =	stream.linear.scatter @p3 [tilespmem:s6], [sflag:$0xA], $0x1000, $0x38;
	[tilespmem:$0x1CD60] =	vst v63  }
0xd6: {  	_ =	swait.ge @!p0 [sflag:s28], $0x4000  }
0xd7: {  	[sflag:s28] =	ssyncset.done @!p0 $0x0  }
0xd8: {  	s5 =	simm.s32 @p2 $0xD;
	[sflag:s28] =	ssyncadd.s32 @!p0 $0xFFFFC000  }
0xd9: {  	_ =	swait.ge @p2 [sflag:s5], $0x1000  }
0xda: {  	[sflag:s5] =	ssyncset.done @p2 $0x0  }
0xdb: {  	[sflag:s5] =	ssyncadd.s32 @p2 $0xFFFFF000;
	s5 =	rddreg [dreg:$0x13]  }
0xdc: {  	p1 =	sgt.u32 @!p0 s5, $0x7E;
	s5 =	simm.s32 @!p0 $0x980  }
0xdd: {  	[tilespmem:s12], [sflag:$0x6] =	stream.indirect.gather @!p0 [spmem:s3], $0x80, s5, s20, $0xb8;
	[tilespmem:$0x1CD60] =	vst v63  }
0xde: {  	p1 =	por p1, p0  }
0xdf: {  	s5 =	simm.s32 @!p1 $0x20;
	s6 =	simm.s32 @!p1 $0x980;
	s8 =	simm.s32 @!p1 $0x14D60  }
0xe0: {  	[tilespmem:s8], [sflag:$0x6] =	stream.indirect.gather @!p1 [spmem:s3], $0x80, s6, s5, $0xb8;
	[tilespmem:$0x1CD60] =	vst v63  }
0xe1: {  	s6 =	simm.s32 @!p0 $0x4  }
0xe2: {  	_ =	swait.ge @!p0 [sflag:s6], $0x4000  }
0xe3: {  	s8 =	sld [smem:$0x7EA];
	_ =	sdelay $0x2  }
0xe4: {  	p6 =	por $0x0, $0x0;
	p1 =	seq.s32 s8, $0x1  }
0xe5: {  	[sflag:s6] =	ssyncset.done @!p0 $0x0;
	p6 =	por @!p0 p1, p1  }
0xe6: {  	[sflag:s6] =	ssyncadd.s32 @!p0 $0xFFFFC000;
	s5 =	simm.s32 @p6 $0x4  }
0xe7: {  	_ =	swait.ge @p6 [sflag:s5], $0x1000  }
0xe8: {  	s9 =	sld [smem:$0x7F7]  }
0xe9: {  	[sflag:s5] =	ssyncset.done @p6 $0x0  }
0xea: {  	[sflag:s5] =	ssyncadd.s32 @p6 $0xFFFFF000  }
0xeb: {  	[hbm4b:s9+s24] =	stream.linear.scatter @!p0 [tilespmem:s30], [sflag:$0xB], $0x4000, $0x38;
	[tilespmem:$0x1CD60] =	vst v63  }
0xec: {  	s8 =	simm.s32 @p6 $0xCD60;
	s5 =	simm.s32 @p6 $0x0  }
0xed: {  	[hbm4b:s9+s5] =	stream.linear.scatter @p6 [tilespmem:s8], [sflag:$0xB], $0x1000, $0x38;
	[tilespmem:$0x1CD60] =	vst v63  }
0xee: {  	s5 =	simm.s32 @!p0 $0xE  }
0xef: {  	_ =	swait.ge @!p0 [sflag:s5], $0x4000  }
0xf0: {  	s9 =	sld [smem:$0x7D6];
	_ =	sdelay $0x2  }
0xf1: {  	[sflag:s5] =	ssyncset.done @!p0 $0x0;
	p1 =	seq.s32 s9, $0x1  }
0xf2: {  	[sflag:s5] =	ssyncadd.s32 @!p0 $0xFFFFC000;
	s8 =	simm.s32 @p1 $0xE  }
0xf3: {  	_ =	swait.ge @p1 [sflag:s8], $0x1000  }
0xf4: {  	[sflag:s8] =	ssyncset.done @p1 $0x0  }
0xf5: {  	[sflag:s8] =	ssyncadd.s32 @p1 $0xFFFFF000;
	s8 =	rddreg [dreg:$0x14]  }
0xf6: {  	p1 =	sgt.u32 @!p0 s8, $0x7E;
	s8 =	simm.s32 @!p0 $0xA00  }
0xf7: {  	[tilespmem:s14], [sflag:$0x7] =	stream.indirect.gather @!p0 [spmem:s3], $0x80, s8, s20, $0xb8;
	[tilespmem:$0x1CD60] =	vst v63  }
0xf8: {  	p1 =	por p1, p0  }
0xf9: {  	s8 =	simm.s32 @!p1 $0x20;
	s9 =	simm.s32 @!p1 $0xA00;
	s10 =	simm.s32 @!p1 $0x18D60  }
0xfa: {  	[tilespmem:s10], [sflag:$0x7] =	stream.indirect.gather @!p1 [spmem:s3], $0x80, s9, s8, $0xb8;
	[tilespmem:$0x1CD60] =	vst v63  }
0xfb: {  	s8 =	simm.s32 @!p0 $0x5  }
0xfc: {  	_ =	swait.ge @!p0 [sflag:s8], $0x4000  }
0xfd: {  	s10 =	sld [smem:$0x7EB];
	_ =	sdelay $0x2  }
0xfe: {  	p2 =	por $0x0, $0x0;
	p1 =	seq.s32 s10, $0x1  }
0xff: {  	p2 =	por @!p0 p1, p1  }
0x100: {  	s9 =	simm.s32 @!p2 $0x0  }
0x101: {  	[sflag:s8] =	ssyncset.done @!p0 $0x0;
	s9 =	simm.s32 @p2 $0x1  }
0x102: {  	[sflag:s8] =	ssyncadd.s32 @!p0 $0xFFFFC000;
	s8 =	simm.s32 @p2 $0x5;
	[smem:$0x7D7] =	sst s9  }
0x103: {  	_ =	swait.ge @p2 [sflag:s8], $0x1000  }
0x104: {  	s10 =	sld [smem:$0x7F8]  }
0x105: {  	[sflag:s8] =	ssyncset.done @p2 $0x0  }
0x106: {  	[sflag:s8] =	ssyncadd.s32 @p2 $0xFFFFF000  }
0x107: {  	[hbm4b:s10+s24] =	stream.linear.scatter @!p0 [tilespmem:s13], [sflag:$0xC], $0x4000, $0x38;
	[tilespmem:$0x1CD60] =	vst v63  }
0x108: {  	s9 =	simm.s32 @p2 $0x10D60;
	s8 =	simm.s32 @p2 $0x0  }
0x109: {  	[hbm4b:s10+s8] =	stream.linear.scatter @p2 [tilespmem:s9], [sflag:$0xC], $0x1000, $0x38;
	[tilespmem:$0x1CD60] =	vst v63  }
0x10a: {  	_ =	swait.ge @!p0 [sflag:s26], $0x4000  }
0x10b: {  	[sflag:s26] =	ssyncset.done @!p0 $0x0  }
0x10c: {  	s8 =	simm.s32 @p4 $0x8;
	[sflag:s26] =	ssyncadd.s32 @!p0 $0xFFFFC000  }
0x10d: {  	_ =	swait.ge @p4 [sflag:s8], $0x1000  }
0x10e: {  	[sflag:s8] =	ssyncset.done @p4 $0x0  }
0x10f: {  	[sflag:s8] =	ssyncadd.s32 @p4 $0xFFFFF000;
	s8 =	rddreg [dreg:$0x15]  }
0x110: {  	p1 =	sgt.u32 @!p0 s8, $0x7E;
	s8 =	simm.s32 @!p0 $0xA80  }
0x111: {  	[tilespmem:s22], [sflag:$0x1] =	stream.indirect.gather @!p0 [spmem:s3], $0x80, s8, s20, $0xb8;
	[tilespmem:$0x1CD60] =	vst v63  }
0x112: {  	p1 =	por p1, p0  }
0x113: {  	s8 =	simm.s32 @!p1 $0x20;
	s9 =	simm.s32 @!p1 $0xA80;
	s10 =	simm.s32 @!p1 $0xD60  }
0x114: {  	[tilespmem:s10], [sflag:$0x1] =	stream.indirect.gather @!p1 [spmem:s3], $0x80, s9, s8, $0xb8;
	[tilespmem:$0x1CD60] =	vst v63  }
0x115: {  	_ =	swait.ge @!p0 [sflag:s2], $0x4000  }
0x116: {  	s10 =	sld [smem:$0x7EC];
	_ =	sdelay $0x2  }
0x117: {  	p2 =	por $0x0, $0x0;
	p1 =	seq.s32 s10, $0x1  }
0x118: {  	p2 =	por @!p0 p1, p1  }
0x119: {  	s8 =	simm.s32 @!p2 $0x0  }
0x11a: {  	[sflag:s2] =	ssyncset.done @!p0 $0x0;
	s8 =	simm.s32 @p2 $0x1  }
0x11b: {  	[sflag:s2] =	ssyncadd.s32 @!p0 $0xFFFFC000;
	s2 =	simm.s32 @p2 $0x6;
	[smem:$0x7D8] =	sst s8  }
0x11c: {  	_ =	swait.ge @p2 [sflag:s2], $0x1000  }
0x11d: {  	s9 =	sld [smem:$0x7F9]  }
0x11e: {  	[sflag:s2] =	ssyncset.done @p2 $0x0  }
0x11f: {  	[sflag:s2] =	ssyncadd.s32 @p2 $0xFFFFF000  }
0x120: {  	[hbm4b:s9+s24] =	stream.linear.scatter @!p0 [tilespmem:s12], [sflag:$0xD], $0x4000, $0x38;
	[tilespmem:$0x1CD60] =	vst v63  }
0x121: {  	s8 =	simm.s32 @p2 $0x14D60;
	s2 =	simm.s32 @p2 $0x0  }
0x122: {  	[hbm4b:s9+s2] =	stream.linear.scatter @p2 [tilespmem:s8], [sflag:$0xD], $0x1000, $0x38;
	[tilespmem:$0x1CD60] =	vst v63  }
0x123: {  	_ =	swait.ge @!p0 [sflag:s7], $0x4000  }
0x124: {  	[sflag:s7] =	ssyncset.done @!p0 $0x0  }
0x125: {  	s2 =	simm.s32 @p5 $0x9;
	[sflag:s7] =	ssyncadd.s32 @!p0 $0xFFFFC000  }
0x126: {  	_ =	swait.ge @p5 [sflag:s2], $0x1000  }
0x127: {  	[sflag:s2] =	ssyncset.done @p5 $0x0  }
0x128: {  	[sflag:s2] =	ssyncadd.s32 @p5 $0xFFFFF000;
	s2 =	rddreg [dreg:$0x16]  }
0x129: {  	p1 =	sgt.u32 @!p0 s2, $0x7E;
	s2 =	simm.s32 @!p0 $0xB00  }
0x12a: {  	[tilespmem:s23], [sflag:$0x2] =	stream.indirect.gather @!p0 [spmem:s3], $0x80, s2, s20, $0xb8;
	[tilespmem:$0x1CD60] =	vst v63  }
0x12b: {  	p1 =	por p1, p0  }
0x12c: {  	s2 =	simm.s32 @!p1 $0x20;
	s8 =	simm.s32 @!p1 $0xB00;
	s9 =	simm.s32 @!p1 $0x4D60  }
0x12d: {  	[tilespmem:s9], [sflag:$0x2] =	stream.indirect.gather @!p1 [spmem:s3], $0x80, s8, s2, $0xb8;
	[tilespmem:$0x1CD60] =	vst v63  }
0x12e: {  	_ =	swait.ge @!p0 [sflag:s0], $0x4000  }
0x12f: {  	s13 =	sld [smem:$0x7ED];
	_ =	sdelay $0x2  }
0x130: {  	p4 =	por $0x0, $0x0;
	p1 =	seq.s32 s13, $0x1  }
0x131: {  	[sflag:s0] =	ssyncset.done @!p0 $0x0;
	p4 =	por @!p0 p1, p1  }
0x132: {  	[sflag:s0] =	ssyncadd.s32 @!p0 $0xFFFFC000;
	s0 =	simm.s32 @p4 $0x7  }
0x133: {  	_ =	swait.ge @p4 [sflag:s0], $0x1000  }
0x134: {  	s8 =	sld [smem:$0x7FA]  }
0x135: {  	[sflag:s0] =	ssyncset.done @p4 $0x0  }
0x136: {  	[sflag:s0] =	ssyncadd.s32 @p4 $0xFFFFF000  }
0x137: {  	[hbm4b:s8+s24] =	stream.linear.scatter @!p0 [tilespmem:s14], [sflag:$0xE], $0x4000, $0x38;
	[tilespmem:$0x1CD60] =	vst v63  }
0x138: {  	s2 =	simm.s32 @p4 $0x18D60;
	s0 =	simm.s32 @p4 $0x0  }
0x139: {  	[hbm4b:s8+s0] =	stream.linear.scatter @p4 [tilespmem:s2], [sflag:$0xE], $0x1000, $0x38;
	[tilespmem:$0x1CD60] =	vst v63  }
0x13a: {  	_ =	swait.ge @!p0 [sflag:s18], $0x4000  }
0x13b: {  	[sflag:s18] =	ssyncset.done @!p0 $0x0  }
0x13c: {  	s0 =	simm.s32 @p3 $0xA;
	[sflag:s18] =	ssyncadd.s32 @!p0 $0xFFFFC000  }
0x13d: {  	_ =	swait.ge @p3 [sflag:s0], $0x1000  }
0x13e: {  	[sflag:s0] =	ssyncset.done @p3 $0x0  }
0x13f: {  	[sflag:s0] =	ssyncadd.s32 @p3 $0xFFFFF000;
	s0 =	rddreg [dreg:$0x17]  }
0x140: {  	p1 =	sgt.u32 @!p0 s0, $0x7E;
	s0 =	simm.s32 @!p0 $0xB80  }
0x141: {  	[tilespmem:s17], [sflag:$0x3] =	stream.indirect.gather @!p0 [spmem:s3], $0x80, s0, s20, $0xb8;
	[tilespmem:$0x1CD60] =	vst v63  }
0x142: {  	p1 =	por p1, p0  }
0x143: {  	s0 =	simm.s32 @!p1 $0x20;
	s2 =	simm.s32 @!p1 $0xB80;
	s8 =	simm.s32 @!p1 $0x8D60  }
0x144: {  	[tilespmem:s8], [sflag:$0x3] =	stream.indirect.gather @!p1 [spmem:s3], $0x80, s2, s0, $0xb8;
	[tilespmem:$0x1CD60] =	vst v63  }
0x145: {  	_ =	swait.ge @!p0 [sflag:s15], $0x4000  }
0x146: {  	s14 =	sld [smem:$0x7EE];
	_ =	sdelay $0x2  }
0x147: {  	p3 =	por $0x0, $0x0;
	p1 =	seq.s32 s14, $0x1  }
0x148: {  	[sflag:s15] =	ssyncset.done @!p0 $0x0;
	p3 =	por @!p0 p1, p1  }
0x149: {  	[sflag:s15] =	ssyncadd.s32 @!p0 $0xFFFFC000;
	s0 =	simm.s32 @p3 $0x1  }
0x14a: {  	_ =	swait.ge @p3 [sflag:s0], $0x1000  }
0x14b: {  	s8 =	sld [smem:$0x7FB]  }
0x14c: {  	[sflag:s0] =	ssyncset.done @p3 $0x0  }
0x14d: {  	[sflag:s0] =	ssyncadd.s32 @p3 $0xFFFFF000  }
0x14e: {  	[hbm4b:s8+s24] =	stream.linear.scatter @!p0 [tilespmem:s22], [sflag:$0x8], $0x4000, $0x38;
	[tilespmem:$0x1CD60] =	vst v63  }
0x14f: {  	s2 =	simm.s32 @p3 $0xD60;
	s0 =	simm.s32 @p3 $0x0  }
0x150: {  	[hbm4b:s8+s0] =	stream.linear.scatter @p3 [tilespmem:s2], [sflag:$0x8], $0x1000, $0x38;
	[tilespmem:$0x1CD60] =	vst v63  }
0x151: {  	_ =	swait.ge @!p0 [sflag:s19], $0x4000  }
0x152: {  	[sflag:s19] =	ssyncset.done @!p0 $0x0  }
0x153: {  	s0 =	simm.s32 @p6 $0xB;
	[sflag:s19] =	ssyncadd.s32 @!p0 $0xFFFFC000  }
0x154: {  	_ =	swait.ge @p6 [sflag:s0], $0x1000  }
0x155: {  	[sflag:s0] =	ssyncset.done @p6 $0x0  }
0x156: {  	[sflag:s0] =	ssyncadd.s32 @p6 $0xFFFFF000;
	s0 =	rddreg [dreg:$0x18]  }
0x157: {  	p1 =	sgt.u32 @!p0 s0, $0x7E;
	s0 =	simm.s32 @!p0 $0xC00  }
0x158: {  	[tilespmem:s30], [sflag:$0x4] =	stream.indirect.gather @!p0 [spmem:s3], $0x80, s0, s20, $0xb8;
	[tilespmem:$0x1CD60] =	vst v63  }
0x159: {  	p1 =	por p1, p0  }
0x15a: {  	s0 =	simm.s32 @!p1 $0x20;
	s2 =	simm.s32 @!p1 $0xC00;
	s8 =	simm.s32 @!p1 $0xCD60  }
0x15b: {  	[tilespmem:s8], [sflag:$0x4] =	stream.indirect.gather @!p1 [spmem:s3], $0x80, s2, s0, $0xb8;
	[tilespmem:$0x1CD60] =	vst v63  }
0x15c: {  	_ =	swait.ge @!p0 [sflag:s29], $0x4000  }
0x15d: {  	s22 =	sld [smem:$0x7EF];
	_ =	sdelay $0x2  }
0x15e: {  	p6 =	por $0x0, $0x0;
	p1 =	seq.s32 s22, $0x1  }
0x15f: {  	[sflag:s29] =	ssyncset.done @!p0 $0x0;
	p6 =	por @!p0 p1, p1  }
0x160: {  	[sflag:s29] =	ssyncadd.s32 @!p0 $0xFFFFC000;
	s0 =	simm.s32 @p6 $0x2  }
0x161: {  	_ =	swait.ge @p6 [sflag:s0], $0x1000  }
0x162: {  	s8 =	sld [smem:$0x7FC]  }
0x163: {  	[sflag:s0] =	ssyncset.done @p6 $0x0  }
0x164: {  	[sflag:s0] =	ssyncadd.s32 @p6 $0xFFFFF000  }
0x165: {  	[hbm4b:s8+s24] =	stream.linear.scatter @!p0 [tilespmem:s23], [sflag:$0x9], $0x4000, $0x38;
	[tilespmem:$0x1CD60] =	vst v63  }
0x166: {  	s2 =	simm.s32 @p6 $0x4D60;
	s0 =	simm.s32 @p6 $0x0  }
0x167: {  	[hbm4b:s8+s0] =	stream.linear.scatter @p6 [tilespmem:s2], [sflag:$0x9], $0x1000, $0x38;
	[tilespmem:$0x1CD60] =	vst v63  }
0x168: {  	_ =	swait.ge @!p0 [sflag:s1], $0x4000  }
0x169: {  	s23 =	sld [smem:$0x7F0];
	_ =	sdelay $0x2  }
0x16a: {  	p5 =	por $0x0, $0x0;
	p1 =	seq.s32 s23, $0x1  }
0x16b: {  	[sflag:s1] =	ssyncset.done @!p0 $0x0;
	p5 =	por @!p0 p1, p1  }
0x16c: {  	[sflag:s1] =	ssyncadd.s32 @!p0 $0xFFFFC000;
	s0 =	simm.s32 @p5 $0x3  }
0x16d: {  	_ =	swait.ge @p5 [sflag:s0], $0x1000  }
0x16e: {  	s2 =	sld [smem:$0x7FD]  }
0x16f: {  	[sflag:s0] =	ssyncset.done @p5 $0x0  }
0x170: {  	[sflag:s0] =	ssyncadd.s32 @p5 $0xFFFFF000  }
0x171: {  	[hbm4b:s2+s24] =	stream.linear.scatter @!p0 [tilespmem:s17], [sflag:$0xA], $0x4000, $0x38;
	[tilespmem:$0x1CD60] =	vst v63  }
0x172: {  	s1 =	simm.s32 @p5 $0x8D60;
	s0 =	simm.s32 @p5 $0x0  }
0x173: {  	[hbm4b:s2+s0] =	stream.linear.scatter @p5 [tilespmem:s1], [sflag:$0xA], $0x1000, $0x38;
	[tilespmem:$0x1CD60] =	vst v63  }
0x174: {  	_ =	swait.ge @!p0 [sflag:s6], $0x4000  }
0x175: {  	s29 =	sld [smem:$0x7F1];
	_ =	sdelay $0x2  }
0x176: {  	p1 =	por $0x0, $0x0;
	p2 =	seq.s32 s29, $0x1  }
0x177: {  	[sflag:s6] =	ssyncset.done @!p0 $0x0;
	p1 =	por @!p0 p2, p2  }
0x178: {  	[sflag:s6] =	ssyncadd.s32 @!p0 $0xFFFFC000;
	s0 =	simm.s32 @p1 $0x4  }
0x179: {  	_ =	swait.ge @p1 [sflag:s0], $0x1000  }
0x17a: {  	[sflag:s0] =	ssyncset.done @p1 $0x0  }
0x17b: {  	[sflag:s0] =	ssyncadd.s32 @p1 $0xFFFFF000  }
0x17c: {  	[hbm4b:s11+s24] =	stream.linear.scatter @!p0 [tilespmem:s30], [sflag:$0xB], $0x4000, $0x38;
	[tilespmem:$0x1CD60] =	vst v63  }
0x17d: {  	s1 =	simm.s32 @p1 $0xCD60;
	s0 =	simm.s32 @p1 $0x0  }
0x17e: {  	[hbm4b:s11+s0] =	stream.linear.scatter @p1 [tilespmem:s1], [sflag:$0xB], $0x1000, $0x38;
	[tilespmem:$0x1CD60] =	vst v63  }
0x17f: {  	_ =	swait.ge @!p0 [sflag:s31], $0x4000  }
0x180: {  	s30 =	sld [smem:$0x7D7];
	_ =	sdelay $0x2  }
0x181: {  	[sflag:s31] =	ssyncset.done @!p0 $0x0;
	p2 =	seq.s32 s30, $0x1  }
0x182: {  	[sflag:s31] =	ssyncadd.s32 @!p0 $0xFFFFC000;
	s0 =	simm.s32 @p2 $0xC  }
0x183: {  	_ =	swait.ge @p2 [sflag:s0], $0x1000  }
0x184: {  	[sflag:s0] =	ssyncset.done @p2 $0x0  }
0x185: {  	[sflag:s0] =	ssyncadd.s32 @p2 $0xFFFFF000  }
0x186: {  	_ =	swait.ge @!p0 [sflag:s28], $0x4000  }
0x187: {  	s31 =	sld [smem:$0x7D8];
	_ =	sdelay $0x2  }
0x188: {  	[sflag:s28] =	ssyncset.done @!p0 $0x0;
	p2 =	seq.s32 s31, $0x1  }
0x189: {  	[sflag:s28] =	ssyncadd.s32 @!p0 $0xFFFFC000;
	s0 =	simm.s32 @p2 $0xD  }
0x18a: {  	_ =	swait.ge @p2 [sflag:s0], $0x1000  }
0x18b: {  	[sflag:s0] =	ssyncset.done @p2 $0x0  }
0x18c: {  	[sflag:s0] =	ssyncadd.s32 @p2 $0xFFFFF000  }
0x18d: {  	_ =	swait.ge @!p0 [sflag:s5], $0x4000  }
0x18e: {  	[sflag:s5] =	ssyncset.done @!p0 $0x0  }
0x18f: {  	s0 =	simm.s32 @p4 $0xE;
	[sflag:s5] =	ssyncadd.s32 @!p0 $0xFFFFC000  }
0x190: {  	_ =	swait.ge @p4 [sflag:s0], $0x1000  }
0x191: {  	[sflag:s0] =	ssyncset.done @p4 $0x0  }
0x192: {  	[sflag:s0] =	ssyncadd.s32 @p4 $0xFFFFF000  }
0x193: {  	_ =	swait.ge @!p0 [sflag:s26], $0x4000  }
0x194: {  	[sflag:s26] =	ssyncset.done @!p0 $0x0  }
0x195: {  	s0 =	simm.s32 @p3 $0x8;
	[sflag:s26] =	ssyncadd.s32 @!p0 $0xFFFFC000  }
0x196: {  	_ =	swait.ge @p3 [sflag:s0], $0x1000  }
0x197: {  	[sflag:s0] =	ssyncset.done @p3 $0x0  }
0x198: {  	[sflag:s0] =	ssyncadd.s32 @p3 $0xFFFFF000  }
0x199: {  	_ =	swait.ge @!p0 [sflag:s7], $0x4000  }
0x19a: {  	[sflag:s7] =	ssyncset.done @!p0 $0x0  }
0x19b: {  	s0 =	simm.s32 @p6 $0x9;
	[sflag:s7] =	ssyncadd.s32 @!p0 $0xFFFFC000  }
0x19c: {  	_ =	swait.ge @p6 [sflag:s0], $0x1000  }
0x19d: {  	[sflag:s0] =	ssyncset.done @p6 $0x0  }
0x19e: {  	[sflag:s0] =	ssyncadd.s32 @p6 $0xFFFFF000  }
0x19f: {  	_ =	swait.ge @!p0 [sflag:s18], $0x4000  }
0x1a0: {  	[sflag:s18] =	ssyncset.done @!p0 $0x0  }
0x1a1: {  	s0 =	simm.s32 @p5 $0xA;
	[sflag:s18] =	ssyncadd.s32 @!p0 $0xFFFFC000  }
0x1a2: {  	_ =	swait.ge @p5 [sflag:s0], $0x1000  }
0x1a3: {  	[sflag:s0] =	ssyncset.done @p5 $0x0  }
0x1a4: {  	s25 =	sadd.s32 $0xFFFFFFFF, s25;
	[sflag:s0] =	ssyncadd.s32 @p5 $0xFFFFF000  }
0x1a5: {  	p2 =	sne.s32 s25, $0x0;
	_ =	swait.ge @!p0 [sflag:s19], $0x4000  }
.Ltmp1:
0x1a6: {  	[sflag:s19] =	ssyncset.done @!p0 $0x0;
	(pc) =	sbr.rel @!p2 .LBB2_6-.Ltmp1, $4  }
0x1a7: {  	s0 =	simm.s32 @p1 $0xB;
	[sflag:s19] =	ssyncadd.s32 @!p0 $0xFFFFC000  }
0x1a8: {  	_ =	swait.ge @p1 [sflag:s0], $0x1000  }
0x1a9: {  	[sflag:s0] =	ssyncset.done @p1 $0x0  }
0x1aa: {  	s5 =	simm.s32 $0x4D60;
	[sflag:s0] =	ssyncadd.s32 @p1 $0xFFFFF000  }
.LBB2_1:
0x1ab: {  	s1 =	rddreg [dreg:$0x6]  }
0x1ac: {  	s0 =	simm.s32 @p0 $0x0;
	s28 =	sld [smem:$0x7DE]  }
0x1ad: {  	[tilespmem:s0], [sflag:$0x1] =	stream.linear.gather @p0 [hbm4b:s1+s0], $0x320, $0x38;
	[tilespmem:$0x1CD60] =	vst v63  }
0x1ae: {  	s0 =	simm.s32 @!p0 $0x0;
	s1 =	rddreg [dreg:$0x5]  }
0x1af: {  	[tilespmem:s0], [sflag:$0x1] =	stream.linear.gather @!p0 [hbm4b:s1+s0], $0xC80, $0x38;
	[tilespmem:$0x1CD60] =	vst v63  }
0x1b0: {  	p1 =	seq.s32 s28, $0x1  }
0x1b1: {  	s2 =	rddreg [dreg:$0x1];
	s0 =	sshrl.u32 @!p1 s3, $0x3;
	s1 =	simm.s32 @!p1 $0x1C0F  }
0x1b2: {  	[spmem:s0], [sflag:s1] =	dma.local @!p1 [hbm:s2], $0x1C0  }
0x1b3: {  	s0 =	simm.s32 @!p1 $0xF  }
0x1b4: {  	_ =	swait.ge @!p1 [sflag:s0], $0x1C0  }
0x1b5: {  	[sflag:s0] =	ssyncset.done @!p1 $0x0  }
0x1b6: {  	[sflag:s0] =	ssyncadd.s32 @!p1 $0xFFFFFE40;
	s0 =	simm.s32 @p0 $0x1  }
0x1b7: {  	_ =	swait.ge @p0 [sflag:s0], $0x320  }
0x1b8: {  	[sflag:s0] =	ssyncset.done @p0 $0x0  }
0x1b9: {  	[sflag:s0] =	ssyncadd.s32 @p0 $0xFFFFFCE0;
	s0 =	simm.s32 @!p0 $0x1  }
0x1ba: {  	_ =	swait.ge @!p0 [sflag:s0], $0xC80  }
0x1bb: {  	[sflag:s0] =	ssyncset.done @!p0 $0x0  }
0x1bc: {  	[sflag:s0] =	ssyncadd.s32 @!p0 $0xFFFFF380  }
0x1bd: {  	s29 =	simm.s32 $0xD60;
	[bflag:$0x0] =	sbarrier.arrive $0xFFFF  }
0x1be: {  	[tilespmem:s29], [sflag:$0x1] =	stream.indirect.gather [spmem:s3], $0x80, s4, s16, $0xb8;
	[tilespmem:$0x1CD60] =	vst v63  }
0x1bf: {  	_ = 	snop  }
0x1c0: {  	[tilespmem:s5], [sflag:$0x2] =	stream.indirect.gather [spmem:s3], $0x80, s16, s16, $0xb8;
	[tilespmem:$0x1CD60] =	vst v63  }
0x1c1: {  	s30 =	simm.s32 $0x100;
	s31 =	simm.s32 $0x8D60;
	s8 =	simm.s32 $0x1  }
0x1c2: {  	[tilespmem:s31], [sflag:$0x3] =	stream.indirect.gather [spmem:s3], $0x80, s30, s16, $0xb8;
	[tilespmem:$0x1CD60] =	vst v63  }
0x1c3: {  	_ =	swait.ge [sflag:s8], $0x4000  }
0x1c4: {  	[sflag:s8] =	ssyncset.done $0x0  }
0x1c5: {  	s9 =	rddreg [dreg:$0x7];
	[sflag:s8] =	ssyncadd.s32 $0xFFFFC000  }
0x1c6: {  	[hbm4b:s9+s4] =	stream.linear.scatter [tilespmem:s29], [sflag:$0x8], $0x4000, $0x38;
	[tilespmem:$0x1CD60] =	vst v63  }
0x1c7: {  	s10 =	simm.s32 $0x180;
	s12 =	simm.s32 $0xCD60;
	s13 =	simm.s32 $0x2  }
0x1c8: {  	[tilespmem:s12], [sflag:$0x4] =	stream.indirect.gather [spmem:s3], $0x80, s10, s16, $0xb8;
	[tilespmem:$0x1CD60] =	vst v63  }
0x1c9: {  	_ =	swait.ge [sflag:s13], $0x4000  }
0x1ca: {  	[sflag:s13] =	ssyncset.done $0x0  }
0x1cb: {  	s14 =	rddreg [dreg:$0x8];
	[sflag:s13] =	ssyncadd.s32 $0xFFFFC000  }
0x1cc: {  	[hbm4b:s14+s4] =	stream.linear.scatter [tilespmem:s5], [sflag:$0x9], $0x4000, $0x38;
	[tilespmem:$0x1CD60] =	vst v63  }
0x1cd: {  	s15 =	simm.s32 $0x200;
	s7 =	simm.s32 $0x10D60;
	s17 =	simm.s32 $0x3  }
0x1ce: {  	[tilespmem:s7], [sflag:$0x5] =	stream.indirect.gather [spmem:s3], $0x80, s15, s16, $0xb8;
	[tilespmem:$0x1CD60] =	vst v63  }
0x1cf: {  	_ =	swait.ge [sflag:s17], $0x4000  }
0x1d0: {  	[sflag:s17] =	ssyncset.done $0x0  }
0x1d1: {  	s18 =	rddreg [dreg:$0x9];
	[sflag:s17] =	ssyncadd.s32 $0xFFFFC000  }
0x1d2: {  	[hbm4b:s18+s4] =	stream.linear.scatter [tilespmem:s31], [sflag:$0xA], $0x4000, $0x38;
	[tilespmem:$0x1CD60] =	vst v63  }
0x1d3: {  	s19 =	simm.s32 $0x280;
	s20 =	simm.s32 $0x4;
	s8 =	simm.s32 $0x14D60  }
0x1d4: {  	[tilespmem:s8], [sflag:$0x6] =	stream.indirect.gather [spmem:s3], $0x80, s19, s16, $0xb8;
	[tilespmem:$0x1CD60] =	vst v63  }
0x1d5: {  	_ =	swait.ge [sflag:s20], $0x4000  }
0x1d6: {  	[sflag:s20] =	ssyncset.done $0x0  }
0x1d7: {  	s22 =	rddreg [dreg:$0xa];
	[sflag:s20] =	ssyncadd.s32 $0xFFFFC000  }
0x1d8: {  	[hbm4b:s22+s4] =	stream.linear.scatter [tilespmem:s12], [sflag:$0xB], $0x4000, $0x38;
	[tilespmem:$0x1CD60] =	vst v63  }
0x1d9: {  	s1 =	simm.s32 @p0 $0x300;
	s2 =	simm.s32 @p0 $0x18D60;
	s0 =	simm.s32 @p0 $0x20  }
0x1da: {  	[tilespmem:s2], [sflag:$0x7] =	stream.indirect.gather @p0 [spmem:s3], $0x80, s1, s0, $0xb8;
	[tilespmem:$0x1CD60] =	vst v63  }
0x1db: {  	s0 =	simm.s32 @!p0 $0x80;
	s1 =	simm.s32 @!p0 $0x300;
	s2 =	simm.s32 @!p0 $0x18D60  }
0x1dc: {  	[tilespmem:s2], [sflag:$0x7] =	stream.indirect.gather @!p0 [spmem:s3], $0x80, s1, s0, $0xb8;
	[tilespmem:$0x1CD60] =	vst v63  }
0x1dd: {  	_ =	swait.ge [sflag:s21], $0x4000  }
0x1de: {  	[sflag:s21] =	ssyncset.done $0x0  }
0x1df: {  	s24 =	simm.s32 $0x8;
	s23 =	rddreg [dreg:$0xb];
	[sflag:s21] =	ssyncadd.s32 $0xFFFFC000  }
0x1e0: {  	[hbm4b:s23+s4] =	stream.linear.scatter [tilespmem:s7], [sflag:$0xC], $0x4000, $0x38;
	[tilespmem:$0x1CD60] =	vst v63  }
0x1e1: {  	_ =	swait.ge [sflag:s24], $0x4000  }
0x1e2: {  	[sflag:s24] =	ssyncset.done $0x0;
	s26 =	sld [smem:$0x7DF]  }
0x1e3: {  	s1 =	simm.s32 @!p0 $0x380;
	s2 =	simm.s32 @!p0 $0xD60;
	[sflag:s24] =	ssyncadd.s32 $0xFFFFC000  }
0x1e4: {  	[tilespmem:s2], [sflag:$0x1] =	stream.indirect.gather @!p0 [spmem:s3], $0x80, s1, s0, $0xb8;
	[tilespmem:$0x1CD60] =	vst v63  }
0x1e5: {  	s28 =	simm.s32 $0x6;
	p2 =	seq.s32 s26, $0x1  }
0x1e6: {  	s0 =	simm.s32 @!p2 $0x20;
	s1 =	simm.s32 @!p2 $0x380;
	s2 =	simm.s32 @!p2 $0xD60  }
0x1e7: {  	[tilespmem:s2], [sflag:$0x1] =	stream.indirect.gather @!p2 [spmem:s3], $0x80, s1, s0, $0xb8;
	[tilespmem:$0x1CD60] =	vst v63  }
0x1e8: {  	_ =	swait.ge [sflag:s28], $0x4000  }
0x1e9: {  	[sflag:s28] =	ssyncset.done $0x0  }
0x1ea: {  	s30 =	simm.s32 $0x9;
	s29 =	rddreg [dreg:$0x19];
	[sflag:s28] =	ssyncadd.s32 $0xFFFFC000  }
0x1eb: {  	[hbm4b:s29+s4] =	stream.linear.scatter [tilespmem:s8], [sflag:$0xD], $0x4000, $0x38;
	[tilespmem:$0x1CD60] =	vst v63  }
0x1ec: {  	_ =	swait.ge [sflag:s30], $0x4000  }
0x1ed: {  	s31 =	sld [smem:$0x7E0]  }
.Ltmp2:
0x1ee: {  	_ = 	snop;
	(pc) =	sbr.rel @!p0 .LBB2_2-.Ltmp2, $4  }
0x1ef: {  	_ = 	snop  }
0x1f0: {  	p1 =	por @!p0 $0x0, $0x0;
	p3 =	por @!p2 $0x1, $0x1;
	p2 =	seq.s32 s31, $0x1  }
0x1f1: {  	[sflag:s30] =	ssyncset.done $0x0;
	p3 =	por @!p2 p1, p1;
	p2 =	por $0x0, $0x0  }
0x1f2: {  	s6 =	simm.s32 $0x8D60;
	[sflag:s30] =	ssyncadd.s32 $0xFFFFC000;
	p2 =	por @!p0 p3, p3  }
.Ltmp3:
0x1f3: {  	s0 =	simm.s32 $0x7;
	(pc) =	sbr.rel .LBB2_3-.Ltmp3, $4  }
0x1f4: {  	s1 =	simm.s32 $0x18D60;
	_ =	swait.ge [sflag:s0], $0x1000  }
0x1f5: {  	p3 =	por $0x0, $0x0;
	p1 =	por $0x0, $0x0;
	[sflag:s0] =	ssyncset.done $0x0  }
0x1f6: {  	s31 =	rddreg [dreg:$0x1b];
	[sflag:s0] =	ssyncadd.s32 $0xFFFFF000;
	s0 =	simm.s32 $0xA  }
0x1f7: {  	[hbm4b:s31+s4] =	stream.linear.scatter [tilespmem:s1], [sflag:$0xE], $0x1000, $0x38;
	[tilespmem:$0x1CD60] =	vst v63  }
.LBB2_2:
0x1f8: {  	s0 =	rddreg [dreg:$0xc]  }
0x1f9: {  	s22 =	simm.s32 $0x400;
	s23 =	simm.s32 $0x7;
	p1 =	sgt.u32 s0, $0x7E  }
0x1fa: {  	[tilespmem:s5], [sflag:$0x2] =	stream.indirect.gather [spmem:s3], $0x80, s22, s16, $0xb8;
	[tilespmem:$0x1CD60] =	vst v63  }
0x1fb: {  	s0 =	simm.s32 @!p1 $0x20;
	s1 =	simm.s32 @!p1 $0x400;
	s2 =	simm.s32 @!p1 $0x4D60  }
0x1fc: {  	[tilespmem:s2], [sflag:$0x2] =	stream.indirect.gather @!p1 [spmem:s3], $0x80, s1, s0, $0xb8;
	[tilespmem:$0x1CD60] =	vst v63  }
0x1fd: {  	_ =	swait.ge [sflag:s23], $0x4000  }
0x1fe: {  	s26 =	simm.s32 $0x18D60;
	[sflag:s23] =	ssyncset.done $0x0  }
0x1ff: {  	s28 =	simm.s32 $0xA;
	s24 =	rddreg [dreg:$0x1a];
	[sflag:s23] =	ssyncadd.s32 $0xFFFFC000  }
0x200: {  	[hbm4b:s24+s4] =	stream.linear.scatter [tilespmem:s26], [sflag:$0xE], $0x4000, $0x38;
	[tilespmem:$0x1CD60] =	vst v63  }
0x201: {  	_ =	swait.ge [sflag:s28], $0x4000  }
0x202: {  	s30 =	simm.s32 $0x480;
	[sflag:s28] =	ssyncset.done $0x0;
	s29 =	rddreg [dreg:$0xd]  }
0x203: {  	s31 =	sld [smem:$0x7E7];
	p3 =	sgt.u32 s29, $0x7E;
	[sflag:s28] =	ssyncadd.s32 $0xFFFFC000  }
0x204: {  	[tilespmem:s6], [sflag:$0x3] =	stream.indirect.gather [spmem:s3], $0x80, s30, s16, $0xb8;
	[tilespmem:$0x1CD60] =	vst v63  }
0x205: {  	s0 =	simm.s32 @!p3 $0x20;
	s1 =	simm.s32 @!p3 $0x480;
	s2 =	simm.s32 @!p3 $0x8D60  }
0x206: {  	[tilespmem:s2], [sflag:$0x3] =	stream.indirect.gather @!p3 [spmem:s3], $0x80, s1, s0, $0xb8;
	[tilespmem:$0x1CD60] =	vst v63  }
0x207: {  	p1 =	por $0x0, $0x0;
	p4 =	por @!p3 $0x1, $0x1;
	s0 =	simm.s32 @!p3 $0x1  }
0x208: {  	p1 =	por @!p3 p4, p4;
	s0 =	simm.s32 @p3 $0x1;
	p3 =	seq.s32 s31, $0x1  }
.LBB2_3:
0x209: {  	_ =	swait.ge [sflag:s0], $0x4000  }
0x20a: {  	[sflag:s0] =	ssyncset.done $0x0  }
0x20b: {  	[sflag:s0] =	ssyncadd.s32 $0xFFFFC000;
	s0 =	simm.s32 @p2 $0x1  }
0x20c: {  	_ =	swait.ge @p2 [sflag:s0], $0x1000  }
0x20d: {  	s1 =	simm.s32 @!p0 $0xD60;
	[sflag:s0] =	ssyncset.done @p2 $0x0  }
0x20e: {  	s5 =	rddreg [dreg:$0x1c];
	[sflag:s0] =	ssyncadd.s32 @p2 $0xFFFFF000;
	s0 =	simm.s32 @!p0 $0x0  }
0x20f: {  	[hbm4b:s5+s0] =	stream.linear.scatter @!p0 [tilespmem:s1], [sflag:$0x8], $0x4000, $0x38;
	[tilespmem:$0x1CD60] =	vst v63  }
0x210: {  	s2 =	simm.s32 @p2 $0xD60;
	s23 =	simm.s32 $0xB;
	s1 =	simm.s32 @p2 $0x0  }
0x211: {  	[hbm4b:s5+s1] =	stream.linear.scatter @p2 [tilespmem:s2], [sflag:$0x8], $0x1000, $0x38;
	[tilespmem:$0x1CD60] =	vst v63  }
0x212: {  	_ =	swait.ge [sflag:s23], $0x4000  }
0x213: {  	s1 =	simm.s32 @!p0 $0x80;
	[sflag:s23] =	ssyncset.done $0x0;
	s24 =	sld [smem:$0x7E2]  }
0x214: {  	s2 =	simm.s32 @!p0 $0x500;
	s5 =	simm.s32 @!p0 $0xCD60;
	[sflag:s23] =	ssyncadd.s32 $0xFFFFC000  }
0x215: {  	[tilespmem:s5], [sflag:$0x4] =	stream.indirect.gather @!p0 [spmem:s3], $0x80, s2, s1, $0xb8;
	[tilespmem:$0x1CD60] =	vst v63  }
0x216: {  	p4 =	seq.s32 s24, $0x1  }
0x217: {  	s2 =	simm.s32 @!p4 $0x20;
	s6 =	simm.s32 @!p4 $0x500;
	s7 =	simm.s32 @!p4 $0xCD60  }
0x218: {  	[tilespmem:s7], [sflag:$0x4] =	stream.indirect.gather @!p4 [spmem:s3], $0x80, s6, s2, $0xb8;
	[tilespmem:$0x1CD60] =	vst v63  }
0x219: {  	s2 =	simm.s32 @!p0 $0x2  }
0x21a: {  	_ =	swait.ge @!p0 [sflag:s2], $0x4000  }
0x21b: {  	[sflag:s2] =	ssyncset.done @!p0 $0x0  }
0x21c: {  	[sflag:s2] =	ssyncadd.s32 @!p0 $0xFFFFC000;
	s2 =	simm.s32 @p3 $0x2  }
0x21d: {  	_ =	swait.ge @p3 [sflag:s2], $0x1000  }
0x21e: {  	[sflag:s2] =	ssyncset.done @p3 $0x0  }
0x21f: {  	s7 =	rddreg [dreg:$0x1d];
	[sflag:s2] =	ssyncadd.s32 @p3 $0xFFFFF000;
	s2 =	simm.s32 @!p0 $0x4D60  }
0x220: {  	[hbm4b:s7+s0] =	stream.linear.scatter @!p0 [tilespmem:s2], [sflag:$0x9], $0x4000, $0x38;
	[tilespmem:$0x1CD60] =	vst v63  }
0x221: {  	s26 =	simm.s32 $0xC;
	s6 =	simm.s32 @p3 $0x4D60;
	s2 =	simm.s32 @p3 $0x0  }
0x222: {  	[hbm4b:s7+s2] =	stream.linear.scatter @p3 [tilespmem:s6], [sflag:$0x9], $0x1000, $0x38;
	[tilespmem:$0x1CD60] =	vst v63  }
0x223: {  	_ =	swait.ge [sflag:s26], $0x4000  }
0x224: {  	[sflag:s26] =	ssyncset.done $0x0;
	s28 =	sld [smem:$0x7E3]  }
0x225: {  	s2 =	simm.s32 @!p0 $0x580;
	s6 =	simm.s32 @!p0 $0x10D60;
	[sflag:s26] =	ssyncadd.s32 $0xFFFFC000  }
0x226: {  	[tilespmem:s6], [sflag:$0x5] =	stream.indirect.gather @!p0 [spmem:s3], $0x80, s2, s1, $0xb8;
	[tilespmem:$0x1CD60] =	vst v63  }
0x227: {  	p4 =	seq.s32 s28, $0x1  }
0x228: {  	s2 =	simm.s32 @!p4 $0x20;
	s6 =	simm.s32 @!p4 $0x580;
	s7 =	simm.s32 @!p4 $0x10D60  }
0x229: {  	[tilespmem:s7], [sflag:$0x5] =	stream.indirect.gather @!p4 [spmem:s3], $0x80, s6, s2, $0xb8;
	[tilespmem:$0x1CD60] =	vst v63  }
0x22a: {  	s2 =	simm.s32 @!p0 $0x3  }
0x22b: {  	_ =	swait.ge @!p0 [sflag:s2], $0x4000  }
0x22c: {  	[sflag:s2] =	ssyncset.done @!p0 $0x0  }
0x22d: {  	[sflag:s2] =	ssyncadd.s32 @!p0 $0xFFFFC000;
	s2 =	simm.s32 @p1 $0x3  }
0x22e: {  	_ =	swait.ge @p1 [sflag:s2], $0x1000  }
0x22f: {  	[sflag:s2] =	ssyncset.done @p1 $0x0  }
0x230: {  	s7 =	rddreg [dreg:$0x1e];
	[sflag:s2] =	ssyncadd.s32 @p1 $0xFFFFF000;
	s2 =	simm.s32 @!p0 $0x8D60  }
0x231: {  	[hbm4b:s7+s0] =	stream.linear.scatter @!p0 [tilespmem:s2], [sflag:$0xA], $0x4000, $0x38;
	[tilespmem:$0x1CD60] =	vst v63  }
0x232: {  	s29 =	simm.s32 $0xD;
	s6 =	simm.s32 @p1 $0x8D60;
	s2 =	simm.s32 @p1 $0x0  }
0x233: {  	[hbm4b:s7+s2] =	stream.linear.scatter @p1 [tilespmem:s6], [sflag:$0xA], $0x1000, $0x38;
	[tilespmem:$0x1CD60] =	vst v63  }
0x234: {  	_ =	swait.ge [sflag:s29], $0x4000  }
0x235: {  	[sflag:s29] =	ssyncset.done $0x0;
	s30 =	sld [smem:$0x7E4]  }
0x236: {  	s2 =	simm.s32 @!p0 $0x600;
	s6 =	simm.s32 @!p0 $0x14D60;
	[sflag:s29] =	ssyncadd.s32 $0xFFFFC000  }
0x237: {  	[tilespmem:s6], [sflag:$0x6] =	stream.indirect.gather @!p0 [spmem:s3], $0x80, s2, s1, $0xb8;
	[tilespmem:$0x1CD60] =	vst v63  }
0x238: {  	p4 =	seq.s32 s30, $0x1  }
0x239: {  	s1 =	simm.s32 @!p4 $0x20;
	s2 =	simm.s32 @!p4 $0x600;
	s6 =	simm.s32 @!p4 $0x14D60  }
0x23a: {  	[tilespmem:s6], [sflag:$0x6] =	stream.indirect.gather @!p4 [spmem:s3], $0x80, s2, s1, $0xb8;
	[tilespmem:$0x1CD60] =	vst v63  }
0x23b: {  	s1 =	simm.s32 @!p0 $0x4  }
0x23c: {  	_ =	swait.ge @!p0 [sflag:s1], $0x4000  }
0x23d: {  	s31 =	sld [smem:$0x7D9];
	_ =	sdelay $0x2  }
0x23e: {  	[sflag:s1] =	ssyncset.done @!p0 $0x0;
	p4 =	seq.s32 s31, $0x1  }
0x23f: {  	[sflag:s1] =	ssyncadd.s32 @!p0 $0xFFFFC000;
	s1 =	simm.s32 @p4 $0x4  }
0x240: {  	_ =	swait.ge @p4 [sflag:s1], $0x1000  }
.Ltmp4:
0x241: {  	[sflag:s1] =	ssyncset.done @p4 $0x0;
	(pc) =	sbr.rel @!p0 .LBB2_4-.Ltmp4, $4  }
0x242: {  	s2 =	rddreg [dreg:$0x1f];
	[sflag:s1] =	ssyncadd.s32 @p4 $0xFFFFF000  }
0x243: {  	[hbm4b:s2+s0] =	stream.linear.scatter @!p0 [tilespmem:s5], [sflag:$0xB], $0x4000, $0x38;
	[tilespmem:$0x1CD60] =	vst v63  }
0x244: {  	s1 =	simm.s32 @p4 $0xCD60;
	s0 =	simm.s32 @p4 $0x0  }
0x245: {  	[hbm4b:s2+s0] =	stream.linear.scatter @p4 [tilespmem:s1], [sflag:$0xB], $0x1000, $0x38;
	[tilespmem:$0x1CD60] =	vst v63  }
.Ltmp5:
0x246: {  	(pc) =	sbr.rel .LBB2_5-.Ltmp5, $4  }
0x247: {  	s0 =	simm.s32 $0xE  }
0x248: {  	_ =	swait.ge [sflag:s0], $0x1000  }
0x249: {  	[sflag:s0] =	ssyncset.done $0x0  }
0x24a: {  	p4 =	por $0x0, $0x0;
	s1 =	simm.s32 $0x18A800;
	[sflag:s0] =	ssyncadd.s32 $0xFFFFF000  }
.LBB2_6:
0x24b: {  	_ =	sfence.sel $0x180000  }
0x24c: {  	[bflag:$0x0] =	sbarrier.arrive $0xFFFF  }
0x24d: {  	_ =	strace $0x90000047  }
0x24e: {  	[bflag:$0x2] =	sbarrier.arrive $0xFFFF  }
0x24f: {  	s1 =	sld [smem:$0x7DE];
	_ =	sdelay $0x2  }
0x250: {  	s0 =	rddreg [dreg:$0x4];
	p0 =	seq.s32 s1, $0x1  }
0x251: {  	s0 =	sadd.s32 @!p0 $0x100000, s0  }
0x252: {  	[sflag:s0] =	ssyncadd.tile.s32 @!p0 $0x1;
	_ =	shalt  }
.Lfunc_end2:
_tile_overlayer_lowered:
.L_overlay_start_2:
0x253: {  	(tag) =	ssettag $0x2  }
0x254: {  	s0 =	rddreg [dreg:$0x0];
	s2 =	stileid.u32  }
0x255: {  	s1 =	rddreg [dreg:$0x1];
	p0 =	sne.s32 s2, $0x0  }
0x256: {  	s3 =	rddreg [dreg:$0x2];
	[bflag:$0x3] =	sbarrier.arrive $0xFFFF;
	s2 =	simm.s32 @!p0 $0x1C0F  }
0x257: {  	[timem:s3], [sflag:s2] =	dma.local @!p0 [hbm:s0], s1  }
0x258: {  	s0 =	simm.s32 @!p0 $0xF  }
0x259: {  	_ =	swait.ge @!p0 [sflag:s0], s1  }
0x25a: {  	s1 =	ssub.s32 @!p0 $0x0, s1;
	[sflag:s0] =	ssyncset.done @!p0 $0x0  }
0x25b: {  	[sflag:s0] =	ssyncadd.s32 @!p0 s1  }
0x25c: {  	[bflag:$0x3] =	sbarrier.arrive $0xFFFF  }
0x25d: {  	_ =	shalt  }

</sc_bundles>
